<compile_context>
chip_gen: v7x
topology: tpu7x:2x2x1
jax: 0.10.2.dev20260603
libtpu: 0.0.44.dev20260713+nightly
codegen_flags: <defaults>
</compile_context>

<pallas_src>
import functools

import jax
import jax.numpy as jnp
from jax import lax
from jax.experimental import pallas as pl
from jax.experimental.pallas import tpu as pltpu
from jax.experimental.pallas import tpu_sc as plsc

_NC = 2
_NS = 16
_NW = _NC * _NS


def _mm_kernel(x_ref, w_ref, o_ref):
    o_ref[...] = jnp.dot(x_ref[...], w_ref[...], preferred_element_type=jnp.float32)


def _mm(x, w, block_rows=1000):
    n, d = x.shape
    k = w.shape[1]
    grid = n // block_rows
    return pl.pallas_call(
        _mm_kernel,
        grid=(grid,),
        in_specs=[
            pl.BlockSpec((block_rows, d), lambda i: (i, 0)),
            pl.BlockSpec((d, k), lambda i: (0, 0)),
        ],
        out_specs=pl.BlockSpec((block_rows, k), lambda i: (i, 0)),
        out_shape=jax.ShapeDtypeStruct((n, k), jnp.float32),
    )(x, w)


def _head_kernel(g_ref, w_ref, b_ref, ec_ref, en_ref,
                 muc_ref, mun_ref, lvc_ref, lvn_ref, zcat_ref):
    big = jnp.dot(g_ref[...], w_ref[...], preferred_element_type=jnp.float32)
    big = big + b_ref[...]
    h2 = muc_ref.shape[1]
    mu_c = big[:, 0 * h2:1 * h2]
    mu_n = big[:, 1 * h2:2 * h2]
    lv_c = big[:, 2 * h2:3 * h2]
    lv_n = big[:, 3 * h2:4 * h2]
    muc_ref[...] = mu_c
    mun_ref[...] = mu_n
    lvc_ref[...] = lv_c
    lvn_ref[...] = lv_n
    zcat_ref[:, 0:h2] = mu_c + ec_ref[...] * jnp.exp(0.5 * lv_c)
    zcat_ref[:, h2:2 * h2] = mu_n + en_ref[...] * jnp.exp(0.5 * lv_n)


def _heads(g, wcat, bcat, eps_c, eps_n, block_rows=1000):
    n, h1 = g.shape
    h2 = eps_c.shape[1]
    grid = n // block_rows
    outs = [jax.ShapeDtypeStruct((n, h2), jnp.float32)] * 4 + [
        jax.ShapeDtypeStruct((n, 2 * h2), jnp.float32)]
    return pl.pallas_call(
        _head_kernel,
        grid=(grid,),
        in_specs=[
            pl.BlockSpec((block_rows, h1), lambda i: (i, 0)),
            pl.BlockSpec((h1, 4 * h2), lambda i: (0, 0)),
            pl.BlockSpec((1, 4 * h2), lambda i: (0, 0)),
            pl.BlockSpec((block_rows, h2), lambda i: (i, 0)),
            pl.BlockSpec((block_rows, h2), lambda i: (i, 0)),
        ],
        out_specs=[pl.BlockSpec((block_rows, h2), lambda i: (i, 0))] * 4 + [
            pl.BlockSpec((block_rows, 2 * h2), lambda i: (i, 0))],
        out_shape=outs,
    )(g, wcat, bcat, eps_c, eps_n)


def _decoder(zcat, srcp, dstp, ep):
    n, h2x2 = zcat.shape
    h2 = h2x2 // 2
    epw = ep // _NW
    C = 16
    nch = epw // C
    mesh = plsc.VectorSubcoreMesh(core_axis_name="c", subcore_axis_name="s")

    @functools.partial(
        pl.kernel,
        mesh=mesh,
        out_type=[jax.ShapeDtypeStruct((ep,), jnp.float32)] * 2,
        scratch_types=[
            pltpu.VMEM((epw,), jnp.int32),
            pltpu.VMEM((epw,), jnp.int32),
            pltpu.VMEM((C, h2x2), jnp.float32),
            pltpu.VMEM((C, h2x2), jnp.float32),
            pltpu.VMEM((C, h2x2), jnp.float32),
            pltpu.VMEM((C, h2x2), jnp.float32),
            pltpu.VMEM((epw,), jnp.float32),
            pltpu.VMEM((epw,), jnp.float32),
            pltpu.SemaphoreType.DMA,
            pltpu.SemaphoreType.DMA,
        ],
    )
    def dec(zcat_hbm, srcp_hbm, dstp_hbm, ewc_hbm, ewn_hbm,
            sbuf, dbuf, zs0, zd0, zs1, zd1, oc, on, sem0, sem1):
        wid = lax.axis_index("s") * _NC + lax.axis_index("c")
        wbase = wid * epw
        pltpu.sync_copy(srcp_hbm.at[pl.ds(wbase, epw)], sbuf)
        pltpu.sync_copy(dstp_hbm.at[pl.ds(wbase, epw)], dbuf)
        lane = lax.iota(jnp.int32, 16)

        def issue(ci, zsb, zdb, sem):
            ci = jnp.minimum(ci, nch - 1)
            pltpu.async_copy(zcat_hbm.at[sbuf.at[pl.ds(ci * C, C)]], zsb, sem)
            pltpu.async_copy(zcat_hbm.at[dbuf.at[pl.ds(ci * C, C)]], zdb, sem)

        def drain(zsb, zdb, sem):
            pltpu.make_async_copy(zcat_hbm.at[sbuf.at[pl.ds(0, C)]], zsb, sem).wait()
            pltpu.make_async_copy(zcat_hbm.at[dbuf.at[pl.ds(0, C)]], zdb, sem).wait()

        perms = [jnp.bitwise_xor(lane, sh) for sh in (8, 4, 2, 1)]

        def lanesum(v):
            for p in perms:
                v = v + v[p]
            return v

        def compute(ci, zsb, zdb):
            def ebody(e, carry):
                vc, vn = carry
                accc = zsb[e, 0:16] * zdb[e, 0:16]
                accn = zsb[e, h2:h2 + 16] * zdb[e, h2:h2 + 16]
                for k in range(1, h2 // 16):
                    accc = accc + zsb[e, 16 * k:16 * k + 16] * zdb[e, 16 * k:16 * k + 16]
                    kk = h2 + 16 * k
                    accn = accn + zsb[e, kk:kk + 16] * zdb[e, kk:kk + 16]
                vc = jnp.where(lane == e, lanesum(accc), vc)
                vn = jnp.where(lane == e, lanesum(accn), vn)
                return (vc, vn)
            z16 = jnp.zeros((16,), jnp.float32)
            vc, vn = lax.fori_loop(0, C, ebody, (z16, z16))
            oc[pl.ds(ci * C, C)] = jnp.maximum(vc, 0.0)
            on[pl.ds(ci * C, C)] = jnp.maximum(vn, 0.0)

        issue(0, zs0, zd0, sem0)

        def body(i0, carry):
            ci = i0 * 2
            issue(ci + 1, zs1, zd1, sem1)
            drain(zs0, zd0, sem0)
            compute(ci, zs0, zd0)
            issue(ci + 2, zs0, zd0, sem0)
            drain(zs1, zd1, sem1)
            compute(ci + 1, zs1, zd1)
            return carry

        lax.fori_loop(0, nch // 2, body, 0)
        drain(zs0, zd0, sem0)
        pltpu.sync_copy(oc, ewc_hbm.at[pl.ds(wbase, epw)])
        pltpu.sync_copy(on, ewn_hbm.at[pl.ds(wbase, epw)])

    return dec(zcat, srcp, dstp)


def kernel(x, edge_index, W0, b0, Wmc, bmc, Wmn, bmn, Wlc, blc, Wln, bln, eps_c, eps_n):
    n, d = x.shape
    src, dst = edge_index[0], edge_index[1]
    deg = jnp.ones((n,), jnp.float32).at[dst].add(1.0)
    dinv = 1.0 / jnp.sqrt(deg)
    norm = dinv[src] * dinv[dst]
    dinv2 = (dinv * dinv)[:, None]

    xw = _mm(x, W0)
    s1 = jnp.zeros_like(xw).at[dst].add(xw[src] * norm[:, None])
    h = jax.nn.relu(s1 + dinv2 * xw + b0)
    s2 = jnp.zeros_like(h).at[dst].add(h[src] * norm[:, None])
    g = s2 + dinv2 * h

    wcat = jnp.concatenate([Wmc, Wmn, Wlc, Wln], axis=1)
    bcat = jnp.concatenate([bmc, bmn, blc, bln])[None, :]
    mu_c, mu_n, lv_c, lv_n, zcat = _heads(g, wcat, bcat, eps_c, eps_n)

    e = src.shape[0]
    ep = ((e + 32 * _NW - 1) // (32 * _NW)) * (32 * _NW)
    srcp = jnp.pad(src, (0, ep - e))
    dstp = jnp.pad(dst, (0, ep - e))
    ewc_p, ewn_p = _decoder(zcat, srcp, dstp, ep)
    return (ewc_p[:e], ewn_p[:e], mu_c, mu_n, lv_c, lv_n)

# --- scband reference (transcript-rebuilt; emitter-appended) ---
"""Pipeline reference for scband-cider-15616501088678 (READ-ONLY COPY).

The authoritative reference and input builder live on the scoring server;
editing this copy changes nothing except your own understanding.
"""

import jax, jax.numpy as jnp
import numpy as np

N = 10000
E = 160000
D = 256
H1 = 256
H2 = 512

def _glorot(key, shape):
    fan_in, fan_out = shape
    limit = np.sqrt(6.0 / (fan_in + fan_out))
    return jax.random.uniform(key, shape, minval=-limit, maxval=limit, dtype=jnp.float32)

def setup_inputs(seed: int = 0):
    key = jax.random.key(seed)
    ks = jax.random.split(key, 14)
    x = jax.random.normal(ks[0], (N, D), dtype=jnp.float32)
    edge_index = jax.random.randint(ks[1], (2, E), 0, N, dtype=jnp.int32)
    W0 = _glorot(ks[2], (D, H1)); b0 = jnp.zeros((H1,), jnp.float32)
    Wmc = _glorot(ks[3], (H1, H2)); bmc = jnp.zeros((H2,), jnp.float32)
    Wmn = _glorot(ks[4], (H1, H2)); bmn = jnp.zeros((H2,), jnp.float32)
    Wlc = _glorot(ks[5], (H1, H2)); blc = jnp.zeros((H2,), jnp.float32)
    Wln = _glorot(ks[6], (H1, H2)); bln = jnp.zeros((H2,), jnp.float32)
    eps_c = jax.random.normal(ks[7], (N, H2), dtype=jnp.float32)
    eps_n = jax.random.normal(ks[8], (N, H2), dtype=jnp.float32)
    return {"x": x, "edge_index": edge_index, "W0": W0, "b0": b0,
            "Wmc": Wmc, "bmc": bmc, "Wmn": Wmn, "bmn": bmn,
            "Wlc": Wlc, "blc": blc, "Wln": Wln, "bln": bln,
            "eps_c": eps_c, "eps_n": eps_n}

def _gcn_conv(x, W, b, src, dst, n):
    # GCNConv: add self-loops, symmetric normalization, aggregate at dst
    h = x @ W
    loop = jnp.arange(n, dtype=src.dtype)
    s = jnp.concatenate([src, loop])
    d = jnp.concatenate([dst, loop])
    deg = jnp.zeros((n,), jnp.float32).at[d].add(1.0)
    dinv = jnp.where(deg > 0, 1.0 / jnp.sqrt(deg), 0.0)
    norm = dinv[s] * dinv[d]
    out = jnp.zeros((n, W.shape[1]), jnp.float32).at[d].add(h[s] * norm[:, None])
    return out + b

def reference(x, edge_index, W0, b0, Wmc, bmc, Wmn, bmn, Wlc, blc, Wln, bln, eps_c, eps_n):
    src, dst = edge_index[0], edge_index[1]
    n = x.shape[0]
    h = jax.nn.relu(_gcn_conv(x, W0, b0, src, dst, n))
    mu_c = _gcn_conv(h, Wmc, bmc, src, dst, n)
    mu_n = _gcn_conv(h, Wmn, bmn, src, dst, n)
    lv_c = _gcn_conv(h, Wlc, blc, src, dst, n)
    lv_n = _gcn_conv(h, Wln, bln, src, dst, n)
    # reparameterize (standard VGAE): z = mu + eps * exp(0.5 * logvar)
    z_c = mu_c + eps_c * jnp.exp(0.5 * lv_c)
    z_n = mu_n + eps_n * jnp.exp(0.5 * lv_n)
    # InnerProductDecoderMLP with hidden_dims=None: act((z[src]*z[dst]).sum(-1)), act=relu
    ew_c = jax.nn.relu(jnp.sum(z_c[src] * z_c[dst], axis=1))
    ew_n = jax.nn.relu(jnp.sum(z_n[src] * z_n[dst], axis=1))
    return (ew_c, ew_n, mu_c, mu_n, lv_c, lv_n)

if __name__ == "__main__":
    import jax
    _d = setup_inputs()
    print(jax.jit(kernel)(*tuple(_d.values())))

</pallas_src>

<mosaic_0001>
#map = affine_map<(d0, d1) -> (0, 0)>
#map1 = affine_map<(d0, d1) -> (0)>
module attributes {stable_mosaic.version = 14 : i64} {
  func.func @dec(%arg0: i32, %arg1: i32, %arg2: memref<10000x1024xf32, #tpu.memory_space<hbm>>, %arg3: memref<160768xi32, #tpu.memory_space<hbm>>, %arg4: memref<160768xi32, #tpu.memory_space<hbm>>, %arg5: memref<160768xf32, #tpu.memory_space<hbm>>, %arg6: memref<160768xf32, #tpu.memory_space<hbm>>, %arg7: memref<5024xi32, #tpu.memory_space<vmem>>, %arg8: memref<5024xi32, #tpu.memory_space<vmem>>, %arg9: memref<16x1024xf32, #tpu.memory_space<vmem>>, %arg10: memref<16x1024xf32, #tpu.memory_space<vmem>>, %arg11: memref<16x1024xf32, #tpu.memory_space<vmem>>, %arg12: memref<16x1024xf32, #tpu.memory_space<vmem>>, %arg13: memref<5024xf32, #tpu.memory_space<vmem>>, %arg14: memref<5024xf32, #tpu.memory_space<vmem>>, %arg15: memref<!tpu.dma_semaphore, #tpu.memory_space<semaphore_mem>>, %arg16: memref<!tpu.dma_semaphore, #tpu.memory_space<semaphore_mem>>) attributes {dimension_semantics = [#tpu.dimension_semantics<core_parallel>, #tpu.dimension_semantics<subcore_parallel>], iteration_bounds = array<i64: 2, 16>, scalar_prefetch = 0 : i64, scratch_operands = 10 : i64, tpu.core_type = #tpu.core_type<sc_vector_subcore>, window_params = [{transform_indices = #map}, {transform_indices = #map1}, {transform_indices = #map1}, {transform_indices = #map1}, {transform_indices = #map1}]} {
    %mul3A = arith.constant 2 : i32
    %mul3A_0 = arith.muli %arg1, %mul3A : i32
    %add3A = arith.addi %mul3A_0, %arg0 : i32
    %mul3A_1 = arith.constant 5024 : i32
    %mul3A_2 = arith.muli %add3A, %mul3A_1 : i32
    "tpu.region"() ({
      %run_scoped3A = tpu.sem_alloc : memref<!tpu.dma_semaphore, #tpu.memory_space<semaphore_mem>>
      %dma_start3A_41 = tpu.memref_slice %arg3[%mul3A_2] : memref<160768xi32, #tpu.memory_space<hbm>> -> memref<5024xi32, #tpu.memory_space<hbm>>
      %dma_start3A_42 = tpu.memref_slice %arg3[%mul3A_2] : memref<160768xi32, #tpu.memory_space<hbm>> -> memref<5024xi32, #tpu.memory_space<hbm>>
      tpu.enqueue_dma source(%dma_start3A_42 : memref<5024xi32, #tpu.memory_space<hbm>>) target(%arg7 : memref<5024xi32, #tpu.memory_space<vmem>>) target_semaphore(%run_scoped3A : memref<!tpu.dma_semaphore, #tpu.memory_space<semaphore_mem>>)
      %dma_wait3A_43 = tpu.memref_slice %arg3[%mul3A_2] : memref<160768xi32, #tpu.memory_space<hbm>> -> memref<5024xi32, #tpu.memory_space<hbm>>
      %dma_wait3A_44 = tpu.memref_slice %arg3[%mul3A_2] : memref<160768xi32, #tpu.memory_space<hbm>> -> memref<5024xi32, #tpu.memory_space<hbm>>
      tpu.wait_dma2 semaphore(%run_scoped3A : memref<!tpu.dma_semaphore, #tpu.memory_space<semaphore_mem>>) src(%dma_wait3A_44 : memref<5024xi32, #tpu.memory_space<hbm>>) dst(%arg7 : memref<5024xi32, #tpu.memory_space<vmem>>)
      tpu.yield
    }) : () -> ()
    "tpu.region"() ({
      %run_scoped3A = tpu.sem_alloc : memref<!tpu.dma_semaphore, #tpu.memory_space<semaphore_mem>>
      %dma_start3A_41 = tpu.memref_slice %arg4[%mul3A_2] : memref<160768xi32, #tpu.memory_space<hbm>> -> memref<5024xi32, #tpu.memory_space<hbm>>
      %dma_start3A_42 = tpu.memref_slice %arg4[%mul3A_2] : memref<160768xi32, #tpu.memory_space<hbm>> -> memref<5024xi32, #tpu.memory_space<hbm>>
      tpu.enqueue_dma source(%dma_start3A_42 : memref<5024xi32, #tpu.memory_space<hbm>>) target(%arg8 : memref<5024xi32, #tpu.memory_space<vmem>>) target_semaphore(%run_scoped3A : memref<!tpu.dma_semaphore, #tpu.memory_space<semaphore_mem>>)
      %dma_wait3A_43 = tpu.memref_slice %arg4[%mul3A_2] : memref<160768xi32, #tpu.memory_space<hbm>> -> memref<5024xi32, #tpu.memory_space<hbm>>
      %dma_wait3A_44 = tpu.memref_slice %arg4[%mul3A_2] : memref<160768xi32, #tpu.memory_space<hbm>> -> memref<5024xi32, #tpu.memory_space<hbm>>
      tpu.wait_dma2 semaphore(%run_scoped3A : memref<!tpu.dma_semaphore, #tpu.memory_space<semaphore_mem>>) src(%dma_wait3A_44 : memref<5024xi32, #tpu.memory_space<hbm>>) dst(%arg8 : memref<5024xi32, #tpu.memory_space<vmem>>)
      tpu.yield
    }) : () -> ()
    %iota3A = tpu.iota {dimensions = array<i32: 0>} : vector<16xi32>
    %xor3A = arith.constant 8 : i32
    %xor3A_3 = vector.broadcast %xor3A : i32 to vector<16xi32>
    %xor3A_4 = arith.xori %iota3A, %xor3A_3 : vector<16xi32>
    %xor3A_5 = arith.constant 4 : i32
    %xor3A_6 = vector.broadcast %xor3A_5 : i32 to vector<16xi32>
    %xor3A_7 = arith.xori %iota3A, %xor3A_6 : vector<16xi32>
    %xor3A_8 = arith.constant 2 : i32
    %xor3A_9 = vector.broadcast %xor3A_8 : i32 to vector<16xi32>
    %xor3A_10 = arith.xori %iota3A, %xor3A_9 : vector<16xi32>
    %xor3A_11 = arith.constant 1 : i32
    %xor3A_12 = vector.broadcast %xor3A_11 : i32 to vector<16xi32>
    %xor3A_13 = arith.xori %iota3A, %xor3A_12 : vector<16xi32>
    %min3A = arith.constant 0 : i32
    %min3A_14 = arith.constant 313 : i32
    %min3A_15 = arith.minsi %min3A, %min3A_14 : i32
    %mul3A_16 = arith.constant 16 : i32
    %mul3A_17 = arith.muli %min3A_15, %mul3A_16 : i32
    %dma_start3A = tpu.memref_slice %arg7[%mul3A_17] : memref<5024xi32, #tpu.memory_space<vmem>> -> memref<16xi32, #tpu.memory_space<vmem>>
    %dma_start3A_18 = arith.constant 0 : i32
    %dma_start3A_19 = arith.constant 0 : i32
    %dma_start3A_20 = tpu.memref_slice %arg2[%dma_start3A_18, %dma_start3A_19] : memref<10000x1024xf32, #tpu.memory_space<hbm>> -> memref<10000x1024xf32, #tpu.memory_space<hbm>>
    tpu.enqueue_indirect_dma source(%dma_start3A_20 : memref<10000x1024xf32, #tpu.memory_space<hbm>>) target(%arg9 : memref<16x1024xf32, #tpu.memory_space<vmem>>) offsets(%dma_start3A : memref<16xi32, #tpu.memory_space<vmem>>) semaphore(%arg15 : memref<!tpu.dma_semaphore, #tpu.memory_space<semaphore_mem>>)
    %mul3A_21 = arith.constant 16 : i32
    %mul3A_22 = arith.muli %min3A_15, %mul3A_21 : i32
    %dma_start3A_23 = tpu.memref_slice %arg8[%mul3A_22] : memref<5024xi32, #tpu.memory_space<vmem>> -> memref<16xi32, #tpu.memory_space<vmem>>
    %dma_start3A_24 = arith.constant 0 : i32
    %dma_start3A_25 = arith.constant 0 : i32
    %dma_start3A_26 = tpu.memref_slice %arg2[%dma_start3A_24, %dma_start3A_25] : memref<10000x1024xf32, #tpu.memory_space<hbm>> -> memref<10000x1024xf32, #tpu.memory_space<hbm>>
    tpu.enqueue_indirect_dma source(%dma_start3A_26 : memref<10000x1024xf32, #tpu.memory_space<hbm>>) target(%arg10 : memref<16x1024xf32, #tpu.memory_space<vmem>>) offsets(%dma_start3A_23 : memref<16xi32, #tpu.memory_space<vmem>>) semaphore(%arg15 : memref<!tpu.dma_semaphore, #tpu.memory_space<semaphore_mem>>)
    %scan3A = arith.constant 0 : i32
    %scan3A_27 = arith.constant 0 : i32
    %scan3A_28 = arith.constant 157 : i32
    %scan3A_29 = arith.addi %scan3A_27, %scan3A_28 : i32
    %scan3A_30 = arith.constant 1 : i32
    scf.for %scan3A_41 = %scan3A_27 to %scan3A_29 step %scan3A_30  : i32 {
      %mul3A_42 = arith.constant 2 : i32
      %mul3A_43 = arith.muli %scan3A_41, %mul3A_42 : i32
      %add3A_44 = arith.constant 1 : i32
      %add3A_45 = arith.addi %mul3A_43, %add3A_44 : i32
      %min3A_46 = arith.constant 313 : i32
      %min3A_47 = arith.minsi %add3A_45, %min3A_46 : i32
      %mul3A_48 = arith.constant 16 : i32
      %mul3A_49 = arith.muli %min3A_47, %mul3A_48 : i32
      %dma_start3A_50 = tpu.memref_slice %arg7[%mul3A_49] : memref<5024xi32, #tpu.memory_space<vmem>> -> memref<16xi32, #tpu.memory_space<vmem>>
      %dma_start3A_51 = arith.constant 0 : i32
      %dma_start3A_52 = arith.constant 0 : i32
      %dma_start3A_53 = tpu.memref_slice %arg2[%dma_start3A_51, %dma_start3A_52] : memref<10000x1024xf32, #tpu.memory_space<hbm>> -> memref<10000x1024xf32, #tpu.memory_space<hbm>>
      tpu.enqueue_indirect_dma source(%dma_start3A_53 : memref<10000x1024xf32, #tpu.memory_space<hbm>>) target(%arg11 : memref<16x1024xf32, #tpu.memory_space<vmem>>) offsets(%dma_start3A_50 : memref<16xi32, #tpu.memory_space<vmem>>) semaphore(%arg16 : memref<!tpu.dma_semaphore, #tpu.memory_space<semaphore_mem>>)
      %mul3A_54 = arith.constant 16 : i32
      %mul3A_55 = arith.muli %min3A_47, %mul3A_54 : i32
      %dma_start3A_56 = tpu.memref_slice %arg8[%mul3A_55] : memref<5024xi32, #tpu.memory_space<vmem>> -> memref<16xi32, #tpu.memory_space<vmem>>
      %dma_start3A_57 = arith.constant 0 : i32
      %dma_start3A_58 = arith.constant 0 : i32
      %dma_start3A_59 = tpu.memref_slice %arg2[%dma_start3A_57, %dma_start3A_58] : memref<10000x1024xf32, #tpu.memory_space<hbm>> -> memref<10000x1024xf32, #tpu.memory_space<hbm>>
      tpu.enqueue_indirect_dma source(%dma_start3A_59 : memref<10000x1024xf32, #tpu.memory_space<hbm>>) target(%arg12 : memref<16x1024xf32, #tpu.memory_space<vmem>>) offsets(%dma_start3A_56 : memref<16xi32, #tpu.memory_space<vmem>>) semaphore(%arg16 : memref<!tpu.dma_semaphore, #tpu.memory_space<semaphore_mem>>)
      %dma_wait3A_60 = arith.constant 0 : i32
      %dma_wait3A_61 = tpu.memref_slice %arg7[%dma_wait3A_60] : memref<5024xi32, #tpu.memory_space<vmem>> -> memref<16xi32, #tpu.memory_space<vmem>>
      %dma_wait3A_62 = arith.constant 0 : i32
      %dma_wait3A_63 = arith.constant 0 : i32
      %dma_wait3A_64 = tpu.memref_slice %arg2[%dma_wait3A_62, %dma_wait3A_63] : memref<10000x1024xf32, #tpu.memory_space<hbm>> -> memref<10000x1024xf32, #tpu.memory_space<hbm>>
      tpu.wait_indirect_dma semaphore(%arg15 : memref<!tpu.dma_semaphore, #tpu.memory_space<semaphore_mem>>) src(%dma_wait3A_64 : memref<10000x1024xf32, #tpu.memory_space<hbm>>) dst(%arg9 : memref<16x1024xf32, #tpu.memory_space<vmem>>)
      %dma_wait3A_65 = arith.constant 0 : i32
      %dma_wait3A_66 = tpu.memref_slice %arg8[%dma_wait3A_65] : memref<5024xi32, #tpu.memory_space<vmem>> -> memref<16xi32, #tpu.memory_space<vmem>>
      %dma_wait3A_67 = arith.constant 0 : i32
      %dma_wait3A_68 = arith.constant 0 : i32
      %dma_wait3A_69 = tpu.memref_slice %arg2[%dma_wait3A_67, %dma_wait3A_68] : memref<10000x1024xf32, #tpu.memory_space<hbm>> -> memref<10000x1024xf32, #tpu.memory_space<hbm>>
      tpu.wait_indirect_dma semaphore(%arg15 : memref<!tpu.dma_semaphore, #tpu.memory_space<semaphore_mem>>) src(%dma_wait3A_69 : memref<10000x1024xf32, #tpu.memory_space<hbm>>) dst(%arg10 : memref<16x1024xf32, #tpu.memory_space<vmem>>)
      %broadcast_in_dim3A = arith.constant 0.000000e+00 : f32
      %broadcast_in_dim3A_70 = vector.broadcast %broadcast_in_dim3A : f32 to vector<16xf32>
      %scan3A_71 = arith.constant 0 : i32
      %scan3A_72 = arith.constant 16 : i32
      %scan3A_73 = arith.addi %scan3A_71, %scan3A_72 : i32
      %scan3A_74 = arith.constant 1 : i32
      %scan3A_75:2 = scf.for %scan3A_147 = %scan3A_71 to %scan3A_73 step %scan3A_74 iter_args(%scan3A_148 = %broadcast_in_dim3A_70, %scan3A_149 = %broadcast_in_dim3A_70) -> (vector<16xf32>, vector<16xf32>)  : i32 {
        %get3A = arith.index_cast %scan3A_147 : i32 to index
        %get3A_150 = arith.constant 0 : index
        %get3A_151 = tpu.vector_load %arg9[%get3A, %get3A_150] {strides = array<i32>} : memref<16x1024xf32, #tpu.memory_space<vmem>>, vector<1x16xf32>,
        %get3A_152 = vector.shape_cast %get3A_151 : vector<1x16xf32> to vector<16xf32>
        %get3A_153 = arith.index_cast %scan3A_147 : i32 to index
        %get3A_154 = arith.constant 0 : index
        %get3A_155 = tpu.vector_load %arg10[%get3A_153, %get3A_154] {strides = array<i32>} : memref<16x1024xf32, #tpu.memory_space<vmem>>, vector<1x16xf32>,
        %get3A_156 = vector.shape_cast %get3A_155 : vector<1x16xf32> to vector<16xf32>
        %mul3A_157 = arith.mulf %get3A_152, %get3A_156 : vector<16xf32>
        %get3A_158 = arith.index_cast %scan3A_147 : i32 to index
        %get3A_159 = arith.constant 512 : index
        %get3A_160 = tpu.vector_load %arg9[%get3A_158, %get3A_159] {strides = array<i32>} : memref<16x1024xf32, #tpu.memory_space<vmem>>, vector<1x16xf32>,
        %get3A_161 = vector.shape_cast %get3A_160 : vector<1x16xf32> to vector<16xf32>
        %get3A_162 = arith.index_cast %scan3A_147 : i32 to index
        %get3A_163 = arith.constant 512 : index
        %get3A_164 = tpu.vector_load %arg10[%get3A_162, %get3A_163] {strides = array<i32>} : memref<16x1024xf32, #tpu.memory_space<vmem>>, vector<1x16xf32>,
        %get3A_165 = vector.shape_cast %get3A_164 : vector<1x16xf32> to vector<16xf32>
        %mul3A_166 = arith.mulf %get3A_161, %get3A_165 : vector<16xf32>
        %get3A_167 = arith.index_cast %scan3A_147 : i32 to index
        %get3A_168 = arith.constant 16 : index
        %get3A_169 = tpu.vector_load %arg9[%get3A_167, %get3A_168] {strides = array<i32>} : memref<16x1024xf32, #tpu.memory_space<vmem>>, vector<1x16xf32>,
        %get3A_170 = vector.shape_cast %get3A_169 : vector<1x16xf32> to vector<16xf32>
        %get3A_171 = arith.index_cast %scan3A_147 : i32 to index
        %get3A_172 = arith.constant 16 : index
        %get3A_173 = tpu.vector_load %arg10[%get3A_171, %get3A_172] {strides = array<i32>} : memref<16x1024xf32, #tpu.memory_space<vmem>>, vector<1x16xf32>,
        %get3A_174 = vector.shape_cast %get3A_173 : vector<1x16xf32> to vector<16xf32>
        %mul3A_175 = arith.mulf %get3A_170, %get3A_174 : vector<16xf32>
        %add3A_176 = arith.addf %mul3A_157, %mul3A_175 : vector<16xf32>
        %get3A_177 = arith.index_cast %scan3A_147 : i32 to index
        %get3A_178 = arith.constant 528 : index
        %get3A_179 = tpu.vector_load %arg9[%get3A_177, %get3A_178] {strides = array<i32>} : memref<16x1024xf32, #tpu.memory_space<vmem>>, vector<1x16xf32>,
        %get3A_180 = vector.shape_cast %get3A_179 : vector<1x16xf32> to vector<16xf32>
        %get3A_181 = arith.index_cast %scan3A_147 : i32 to index
        %get3A_182 = arith.constant 528 : index
        %get3A_183 = tpu.vector_load %arg10[%get3A_181, %get3A_182] {strides = array<i32>} : memref<16x1024xf32, #tpu.memory_space<vmem>>, vector<1x16xf32>,
        %get3A_184 = vector.shape_cast %get3A_183 : vector<1x16xf32> to vector<16xf32>
        %mul3A_185 = arith.mulf %get3A_180, %get3A_184 : vector<16xf32>
        %add3A_186 = arith.addf %mul3A_166, %mul3A_185 : vector<16xf32>
        %get3A_187 = arith.index_cast %scan3A_147 : i32 to index
        %get3A_188 = arith.constant 32 : index
        %get3A_189 = tpu.vector_load %arg9[%get3A_187, %get3A_188] {strides = array<i32>} : memref<16x1024xf32, #tpu.memory_space<vmem>>, vector<1x16xf32>,
        %get3A_190 = vector.shape_cast %get3A_189 : vector<1x16xf32> to vector<16xf32>
        %get3A_191 = arith.index_cast %scan3A_147 : i32 to index
        %get3A_192 = arith.constant 32 : index
        %get3A_193 = tpu.vector_load %arg10[%get3A_191, %get3A_192] {strides = array<i32>} : memref<16x1024xf32, #tpu.memory_space<vmem>>, vector<1x16xf32>,
        %get3A_194 = vector.shape_cast %get3A_193 : vector<1x16xf32> to vector<16xf32>
        %mul3A_195 = arith.mulf %get3A_190, %get3A_194 : vector<16xf32>
        %add3A_196 = arith.addf %add3A_176, %mul3A_195 : vector<16xf32>
        %get3A_197 = arith.index_cast %scan3A_147 : i32 to index
        %get3A_198 = arith.constant 544 : index
        %get3A_199 = tpu.vector_load %arg9[%get3A_197, %get3A_198] {strides = array<i32>} : memref<16x1024xf32, #tpu.memory_space<vmem>>, vector<1x16xf32>,
        %get3A_200 = vector.shape_cast %get3A_199 : vector<1x16xf32> to vector<16xf32>
        %get3A_201 = arith.index_cast %scan3A_147 : i32 to index
        %get3A_202 = arith.constant 544 : index
        %get3A_203 = tpu.vector_load %arg10[%get3A_201, %get3A_202] {strides = array<i32>} : memref<16x1024xf32, #tpu.memory_space<vmem>>, vector<1x16xf32>,
        %get3A_204 = vector.shape_cast %get3A_203 : vector<1x16xf32> to vector<16xf32>
        %mul3A_205 = arith.mulf %get3A_200, %get3A_204 : vector<16xf32>
        %add3A_206 = arith.addf %add3A_186, %mul3A_205 : vector<16xf32>
        %get3A_207 = arith.index_cast %scan3A_147 : i32 to index
        %get3A_208 = arith.constant 48 : index
        %get3A_209 = tpu.vector_load %arg9[%get3A_207, %get3A_208] {strides = array<i32>} : memref<16x1024xf32, #tpu.memory_space<vmem>>, vector<1x16xf32>,
        %get3A_210 = vector.shape_cast %get3A_209 : vector<1x16xf32> to vector<16xf32>
        %get3A_211 = arith.index_cast %scan3A_147 : i32 to index
        %get3A_212 = arith.constant 48 : index
        %get3A_213 = tpu.vector_load %arg10[%get3A_211, %get3A_212] {strides = array<i32>} : memref<16x1024xf32, #tpu.memory_space<vmem>>, vector<1x16xf32>,
        %get3A_214 = vector.shape_cast %get3A_213 : vector<1x16xf32> to vector<16xf32>
        %mul3A_215 = arith.mulf %get3A_210, %get3A_214 : vector<16xf32>
        %add3A_216 = arith.addf %add3A_196, %mul3A_215 : vector<16xf32>
        %get3A_217 = arith.index_cast %scan3A_147 : i32 to index
        %get3A_218 = arith.constant 560 : index
        %get3A_219 = tpu.vector_load %arg9[%get3A_217, %get3A_218] {strides = array<i32>} : memref<16x1024xf32, #tpu.memory_space<vmem>>, vector<1x16xf32>,
        %get3A_220 = vector.shape_cast %get3A_219 : vector<1x16xf32> to vector<16xf32>
        %get3A_221 = arith.index_cast %scan3A_147 : i32 to index
        %get3A_222 = arith.constant 560 : index
        %get3A_223 = tpu.vector_load %arg10[%get3A_221, %get3A_222] {strides = array<i32>} : memref<16x1024xf32, #tpu.memory_space<vmem>>, vector<1x16xf32>,
        %get3A_224 = vector.shape_cast %get3A_223 : vector<1x16xf32> to vector<16xf32>
        %mul3A_225 = arith.mulf %get3A_220, %get3A_224 : vector<16xf32>
        %add3A_226 = arith.addf %add3A_206, %mul3A_225 : vector<16xf32>
        %get3A_227 = arith.index_cast %scan3A_147 : i32 to index
        %get3A_228 = arith.constant 64 : index
        %get3A_229 = tpu.vector_load %arg9[%get3A_227, %get3A_228] {strides = array<i32>} : memref<16x1024xf32, #tpu.memory_space<vmem>>, vector<1x16xf32>,
        %get3A_230 = vector.shape_cast %get3A_229 : vector<1x16xf32> to vector<16xf32>
        %get3A_231 = arith.index_cast %scan3A_147 : i32 to index
        %get3A_232 = arith.constant 64 : index
        %get3A_233 = tpu.vector_load %arg10[%get3A_231, %get3A_232] {strides = array<i32>} : memref<16x1024xf32, #tpu.memory_space<vmem>>, vector<1x16xf32>,
        %get3A_234 = vector.shape_cast %get3A_233 : vector<1x16xf32> to vector<16xf32>
        %mul3A_235 = arith.mulf %get3A_230, %get3A_234 : vector<16xf32>
        %add3A_236 = arith.addf %add3A_216, %mul3A_235 : vector<16xf32>
        %get3A_237 = arith.index_cast %scan3A_147 : i32 to index
        %get3A_238 = arith.constant 576 : index
        %get3A_239 = tpu.vector_load %arg9[%get3A_237, %get3A_238] {strides = array<i32>} : memref<16x1024xf32, #tpu.memory_space<vmem>>, vector<1x16xf32>,
        %get3A_240 = vector.shape_cast %get3A_239 : vector<1x16xf32> to vector<16xf32>
        %get3A_241 = arith.index_cast %scan3A_147 : i32 to index
        %get3A_242 = arith.constant 576 : index
        %get3A_243 = tpu.vector_load %arg10[%get3A_241, %get3A_242] {strides = array<i32>} : memref<16x1024xf32, #tpu.memory_space<vmem>>, vector<1x16xf32>,
        %get3A_244 = vector.shape_cast %get3A_243 : vector<1x16xf32> to vector<16xf32>
        %mul3A_245 = arith.mulf %get3A_240, %get3A_244 : vector<16xf32>
        %add3A_246 = arith.addf %add3A_226, %mul3A_245 : vector<16xf32>
        %get3A_247 = arith.index_cast %scan3A_147 : i32 to index
        %get3A_248 = arith.constant 80 : index
        %get3A_249 = tpu.vector_load %arg9[%get3A_247, %get3A_248] {strides = array<i32>} : memref<16x1024xf32, #tpu.memory_space<vmem>>, vector<1x16xf32>,
        %get3A_250 = vector.shape_cast %get3A_249 : vector<1x16xf32> to vector<16xf32>
        %get3A_251 = arith.index_cast %scan3A_147 : i32 to index
        %get3A_252 = arith.constant 80 : index
        %get3A_253 = tpu.vector_load %arg10[%get3A_251, %get3A_252] {strides = array<i32>} : memref<16x1024xf32, #tpu.memory_space<vmem>>, vector<1x16xf32>,
        %get3A_254 = vector.shape_cast %get3A_253 : vector<1x16xf32> to vector<16xf32>
        %mul3A_255 = arith.mulf %get3A_250, %get3A_254 : vector<16xf32>
        %add3A_256 = arith.addf %add3A_236, %mul3A_255 : vector<16xf32>
        %get3A_257 = arith.index_cast %scan3A_147 : i32 to index
        %get3A_258 = arith.constant 592 : index
        %get3A_259 = tpu.vector_load %arg9[%get3A_257, %get3A_258] {strides = array<i32>} : memref<16x1024xf32, #tpu.memory_space<vmem>>, vector<1x16xf32>,
        %get3A_260 = vector.shape_cast %get3A_259 : vector<1x16xf32> to vector<16xf32>
        %get3A_261 = arith.index_cast %scan3A_147 : i32 to index
        %get3A_262 = arith.constant 592 : index
        %get3A_263 = tpu.vector_load %arg10[%get3A_261, %get3A_262] {strides = array<i32>} : memref<16x1024xf32, #tpu.memory_space<vmem>>, vector<1x16xf32>,
        %get3A_264 = vector.shape_cast %get3A_263 : vector<1x16xf32> to vector<16xf32>
        %mul3A_265 = arith.mulf %get3A_260, %get3A_264 : vector<16xf32>
        %add3A_266 = arith.addf %add3A_246, %mul3A_265 : vector<16xf32>
        %get3A_267 = arith.index_cast %scan3A_147 : i32 to index
        %get3A_268 = arith.constant 96 : index
        %get3A_269 = tpu.vector_load %arg9[%get3A_267, %get3A_268] {strides = array<i32>} : memref<16x1024xf32, #tpu.memory_space<vmem>>, vector<1x16xf32>,
        %get3A_270 = vector.shape_cast %get3A_269 : vector<1x16xf32> to vector<16xf32>
        %get3A_271 = arith.index_cast %scan3A_147 : i32 to index
        %get3A_272 = arith.constant 96 : index
        %get3A_273 = tpu.vector_load %arg10[%get3A_271, %get3A_272] {strides = array<i32>} : memref<16x1024xf32, #tpu.memory_space<vmem>>, vector<1x16xf32>,
        %get3A_274 = vector.shape_cast %get3A_273 : vector<1x16xf32> to vector<16xf32>
        %mul3A_275 = arith.mulf %get3A_270, %get3A_274 : vector<16xf32>
        %add3A_276 = arith.addf %add3A_256, %mul3A_275 : vector<16xf32>
        %get3A_277 = arith.index_cast %scan3A_147 : i32 to index
        %get3A_278 = arith.constant 608 : index
        %get3A_279 = tpu.vector_load %arg9[%get3A_277, %get3A_278] {strides = array<i32>} : memref<16x1024xf32, #tpu.memory_space<vmem>>, vector<1x16xf32>,
        %get3A_280 = vector.shape_cast %get3A_279 : vector<1x16xf32> to vector<16xf32>
        %get3A_281 = arith.index_cast %scan3A_147 : i32 to index
        %get3A_282 = arith.constant 608 : index
        %get3A_283 = tpu.vector_load %arg10[%get3A_281, %get3A_282] {strides = array<i32>} : memref<16x1024xf32, #tpu.memory_space<vmem>>, vector<1x16xf32>,
        %get3A_284 = vector.shape_cast %get3A_283 : vector<1x16xf32> to vector<16xf32>
        %mul3A_285 = arith.mulf %get3A_280, %get3A_284 : vector<16xf32>
        %add3A_286 = arith.addf %add3A_266, %mul3A_285 : vector<16xf32>
        %get3A_287 = arith.index_cast %scan3A_147 : i32 to index
        %get3A_288 = arith.constant 112 : index
        %get3A_289 = tpu.vector_load %arg9[%get3A_287, %get3A_288] {strides = array<i32>} : memref<16x1024xf32, #tpu.memory_space<vmem>>, vector<1x16xf32>,
        %get3A_290 = vector.shape_cast %get3A_289 : vector<1x16xf32> to vector<16xf32>
        %get3A_291 = arith.index_cast %scan3A_147 : i32 to index
        %get3A_292 = arith.constant 112 : index
        %get3A_293 = tpu.vector_load %arg10[%get3A_291, %get3A_292] {strides = array<i32>} : memref<16x1024xf32, #tpu.memory_space<vmem>>, vector<1x16xf32>,
        %get3A_294 = vector.shape_cast %get3A_293 : vector<1x16xf32> to vector<16xf32>
        %mul3A_295 = arith.mulf %get3A_290, %get3A_294 : vector<16xf32>
        %add3A_296 = arith.addf %add3A_276, %mul3A_295 : vector<16xf32>
        %get3A_297 = arith.index_cast %scan3A_147 : i32 to index
        %get3A_298 = arith.constant 624 : index
        %get3A_299 = tpu.vector_load %arg9[%get3A_297, %get3A_298] {strides = array<i32>} : memref<16x1024xf32, #tpu.memory_space<vmem>>, vector<1x16xf32>,
        %get3A_300 = vector.shape_cast %get3A_299 : vector<1x16xf32> to vector<16xf32>
        %get3A_301 = arith.index_cast %scan3A_147 : i32 to index
        %get3A_302 = arith.constant 624 : index
        %get3A_303 = tpu.vector_load %arg10[%get3A_301, %get3A_302] {strides = array<i32>} : memref<16x1024xf32, #tpu.memory_space<vmem>>, vector<1x16xf32>,
        %get3A_304 = vector.shape_cast %get3A_303 : vector<1x16xf32> to vector<16xf32>
        %mul3A_305 = arith.mulf %get3A_300, %get3A_304 : vector<16xf32>
        %add3A_306 = arith.addf %add3A_286, %mul3A_305 : vector<16xf32>
        %get3A_307 = arith.index_cast %scan3A_147 : i32 to index
        %get3A_308 = arith.constant 128 : index
        %get3A_309 = tpu.vector_load %arg9[%get3A_307, %get3A_308] {strides = array<i32>} : memref<16x1024xf32, #tpu.memory_space<vmem>>, vector<1x16xf32>,
        %get3A_310 = vector.shape_cast %get3A_309 : vector<1x16xf32> to vector<16xf32>
        %get3A_311 = arith.index_cast %scan3A_147 : i32 to index
        %get3A_312 = arith.constant 128 : index
        %get3A_313 = tpu.vector_load %arg10[%get3A_311, %get3A_312] {strides = array<i32>} : memref<16x1024xf32, #tpu.memory_space<vmem>>, vector<1x16xf32>,
        %get3A_314 = vector.shape_cast %get3A_313 : vector<1x16xf32> to vector<16xf32>
        %mul3A_315 = arith.mulf %get3A_310, %get3A_314 : vector<16xf32>
        %add3A_316 = arith.addf %add3A_296, %mul3A_315 : vector<16xf32>
        %get3A_317 = arith.index_cast %scan3A_147 : i32 to index
        %get3A_318 = arith.constant 640 : index
        %get3A_319 = tpu.vector_load %arg9[%get3A_317, %get3A_318] {strides = array<i32>} : memref<16x1024xf32, #tpu.memory_space<vmem>>, vector<1x16xf32>,
        %get3A_320 = vector.shape_cast %get3A_319 : vector<1x16xf32> to vector<16xf32>
        %get3A_321 = arith.index_cast %scan3A_147 : i32 to index
        %get3A_322 = arith.constant 640 : index
        %get3A_323 = tpu.vector_load %arg10[%get3A_321, %get3A_322] {strides = array<i32>} : memref<16x1024xf32, #tpu.memory_space<vmem>>, vector<1x16xf32>,
        %get3A_324 = vector.shape_cast %get3A_323 : vector<1x16xf32> to vector<16xf32>
        %mul3A_325 = arith.mulf %get3A_320, %get3A_324 : vector<16xf32>
        %add3A_326 = arith.addf %add3A_306, %mul3A_325 : vector<16xf32>
        %get3A_327 = arith.index_cast %scan3A_147 : i32 to index
        %get3A_328 = arith.constant 144 : index
        %get3A_329 = tpu.vector_load %arg9[%get3A_327, %get3A_328] {strides = array<i32>} : memref<16x1024xf32, #tpu.memory_space<vmem>>, vector<1x16xf32>,
        %get3A_330 = vector.shape_cast %get3A_329 : vector<1x16xf32> to vector<16xf32>
        %get3A_331 = arith.index_cast %scan3A_147 : i32 to index
        %get3A_332 = arith.constant 144 : index
        %get3A_333 = tpu.vector_load %arg10[%get3A_331, %get3A_332] {strides = array<i32>} : memref<16x1024xf32, #tpu.memory_space<vmem>>, vector<1x16xf32>,
        %get3A_334 = vector.shape_cast %get3A_333 : vector<1x16xf32> to vector<16xf32>
        %mul3A_335 = arith.mulf %get3A_330, %get3A_334 : vector<16xf32>
        %add3A_336 = arith.addf %add3A_316, %mul3A_335 : vector<16xf32>
        %get3A_337 = arith.index_cast %scan3A_147 : i32 to index
        %get3A_338 = arith.constant 656 : index
        %get3A_339 = tpu.vector_load %arg9[%get3A_337, %get3A_338] {strides = array<i32>} : memref<16x1024xf32, #tpu.memory_space<vmem>>, vector<1x16xf32>,
        %get3A_340 = vector.shape_cast %get3A_339 : vector<1x16xf32> to vector<16xf32>
        %get3A_341 = arith.index_cast %scan3A_147 : i32 to index
        %get3A_342 = arith.constant 656 : index
        %get3A_343 = tpu.vector_load %arg10[%get3A_341, %get3A_342] {strides = array<i32>} : memref<16x1024xf32, #tpu.memory_space<vmem>>, vector<1x16xf32>,
        %get3A_344 = vector.shape_cast %get3A_343 : vector<1x16xf32> to vector<16xf32>
        %mul3A_345 = arith.mulf %get3A_340, %get3A_344 : vector<16xf32>
        %add3A_346 = arith.addf %add3A_326, %mul3A_345 : vector<16xf32>
        %get3A_347 = arith.index_cast %scan3A_147 : i32 to index
        %get3A_348 = arith.constant 160 : index
        %get3A_349 = tpu.vector_load %arg9[%get3A_347, %get3A_348] {strides = array<i32>} : memref<16x1024xf32, #tpu.memory_space<vmem>>, vector<1x16xf32>,
        %get3A_350 = vector.shape_cast %get3A_349 : vector<1x16xf32> to vector<16xf32>
        %get3A_351 = arith.index_cast %scan3A_147 : i32 to index
        %get3A_352 = arith.constant 160 : index
        %get3A_353 = tpu.vector_load %arg10[%get3A_351, %get3A_352] {strides = array<i32>} : memref<16x1024xf32, #tpu.memory_space<vmem>>, vector<1x16xf32>,
        %get3A_354 = vector.shape_cast %get3A_353 : vector<1x16xf32> to vector<16xf32>
        %mul3A_355 = arith.mulf %get3A_350, %get3A_354 : vector<16xf32>
        %add3A_356 = arith.addf %add3A_336, %mul3A_355 : vector<16xf32>
        %get3A_357 = arith.index_cast %scan3A_147 : i32 to index
        %get3A_358 = arith.constant 672 : index
        %get3A_359 = tpu.vector_load %arg9[%get3A_357, %get3A_358] {strides = array<i32>} : memref<16x1024xf32, #tpu.memory_space<vmem>>, vector<1x16xf32>,
        %get3A_360 = vector.shape_cast %get3A_359 : vector<1x16xf32> to vector<16xf32>
        %get3A_361 = arith.index_cast %scan3A_147 : i32 to index
        %get3A_362 = arith.constant 672 : index
        %get3A_363 = tpu.vector_load %arg10[%get3A_361, %get3A_362] {strides = array<i32>} : memref<16x1024xf32, #tpu.memory_space<vmem>>, vector<1x16xf32>,
        %get3A_364 = vector.shape_cast %get3A_363 : vector<1x16xf32> to vector<16xf32>
        %mul3A_365 = arith.mulf %get3A_360, %get3A_364 : vector<16xf32>
        %add3A_366 = arith.addf %add3A_346, %mul3A_365 : vector<16xf32>
        %get3A_367 = arith.index_cast %scan3A_147 : i32 to index
        %get3A_368 = arith.constant 176 : index
        %get3A_369 = tpu.vector_load %arg9[%get3A_367, %get3A_368] {strides = array<i32>} : memref<16x1024xf32, #tpu.memory_space<vmem>>, vector<1x16xf32>,
        %get3A_370 = vector.shape_cast %get3A_369 : vector<1x16xf32> to vector<16xf32>
        %get3A_371 = arith.index_cast %scan3A_147 : i32 to index
        %get3A_372 = arith.constant 176 : index
        %get3A_373 = tpu.vector_load %arg10[%get3A_371, %get3A_372] {strides = array<i32>} : memref<16x1024xf32, #tpu.memory_space<vmem>>, vector<1x16xf32>,
        %get3A_374 = vector.shape_cast %get3A_373 : vector<1x16xf32> to vector<16xf32>
        %mul3A_375 = arith.mulf %get3A_370, %get3A_374 : vector<16xf32>
        %add3A_376 = arith.addf %add3A_356, %mul3A_375 : vector<16xf32>
        %get3A_377 = arith.index_cast %scan3A_147 : i32 to index
        %get3A_378 = arith.constant 688 : index
        %get3A_379 = tpu.vector_load %arg9[%get3A_377, %get3A_378] {strides = array<i32>} : memref<16x1024xf32, #tpu.memory_space<vmem>>, vector<1x16xf32>,
        %get3A_380 = vector.shape_cast %get3A_379 : vector<1x16xf32> to vector<16xf32>
        %get3A_381 = arith.index_cast %scan3A_147 : i32 to index
        %get3A_382 = arith.constant 688 : index
        %get3A_383 = tpu.vector_load %arg10[%get3A_381, %get3A_382] {strides = array<i32>} : memref<16x1024xf32, #tpu.memory_space<vmem>>, vector<1x16xf32>,
        %get3A_384 = vector.shape_cast %get3A_383 : vector<1x16xf32> to vector<16xf32>
        %mul3A_385 = arith.mulf %get3A_380, %get3A_384 : vector<16xf32>
        %add3A_386 = arith.addf %add3A_366, %mul3A_385 : vector<16xf32>
        %get3A_387 = arith.index_cast %scan3A_147 : i32 to index
        %get3A_388 = arith.constant 192 : index
        %get3A_389 = tpu.vector_load %arg9[%get3A_387, %get3A_388] {strides = array<i32>} : memref<16x1024xf32, #tpu.memory_space<vmem>>, vector<1x16xf32>,
        %get3A_390 = vector.shape_cast %get3A_389 : vector<1x16xf32> to vector<16xf32>
        %get3A_391 = arith.index_cast %scan3A_147 : i32 to index
        %get3A_392 = arith.constant 192 : index
        %get3A_393 = tpu.vector_load %arg10[%get3A_391, %get3A_392] {strides = array<i32>} : memref<16x1024xf32, #tpu.memory_space<vmem>>, vector<1x16xf32>,
        %get3A_394 = vector.shape_cast %get3A_393 : vector<1x16xf32> to vector<16xf32>
        %mul3A_395 = arith.mulf %get3A_390, %get3A_394 : vector<16xf32>
        %add3A_396 = arith.addf %add3A_376, %mul3A_395 : vector<16xf32>
        %get3A_397 = arith.index_cast %scan3A_147 : i32 to index
        %get3A_398 = arith.constant 704 : index
        %get3A_399 = tpu.vector_load %arg9[%get3A_397, %get3A_398] {strides = array<i32>} : memref<16x1024xf32, #tpu.memory_space<vmem>>, vector<1x16xf32>,
        %get3A_400 = vector.shape_cast %get3A_399 : vector<1x16xf32> to vector<16xf32>
        %get3A_401 = arith.index_cast %scan3A_147 : i32 to index
        %get3A_402 = arith.constant 704 : index
        %get3A_403 = tpu.vector_load %arg10[%get3A_401, %get3A_402] {strides = array<i32>} : memref<16x1024xf32, #tpu.memory_space<vmem>>, vector<1x16xf32>,
        %get3A_404 = vector.shape_cast %get3A_403 : vector<1x16xf32> to vector<16xf32>
        %mul3A_405 = arith.mulf %get3A_400, %get3A_404 : vector<16xf32>
        %add3A_406 = arith.addf %add3A_386, %mul3A_405 : vector<16xf32>
        %get3A_407 = arith.index_cast %scan3A_147 : i32 to index
        %get3A_408 = arith.constant 208 : index
        %get3A_409 = tpu.vector_load %arg9[%get3A_407, %get3A_408] {strides = array<i32>} : memref<16x1024xf32, #tpu.memory_space<vmem>>, vector<1x16xf32>,
        %get3A_410 = vector.shape_cast %get3A_409 : vector<1x16xf32> to vector<16xf32>
        %get3A_411 = arith.index_cast %scan3A_147 : i32 to index
        %get3A_412 = arith.constant 208 : index
        %get3A_413 = tpu.vector_load %arg10[%get3A_411, %get3A_412] {strides = array<i32>} : memref<16x1024xf32, #tpu.memory_space<vmem>>, vector<1x16xf32>,
        %get3A_414 = vector.shape_cast %get3A_413 : vector<1x16xf32> to vector<16xf32>
        %mul3A_415 = arith.mulf %get3A_410, %get3A_414 : vector<16xf32>
        %add3A_416 = arith.addf %add3A_396, %mul3A_415 : vector<16xf32>
        %get3A_417 = arith.index_cast %scan3A_147 : i32 to index
        %get3A_418 = arith.constant 720 : index
        %get3A_419 = tpu.vector_load %arg9[%get3A_417, %get3A_418] {strides = array<i32>} : memref<16x1024xf32, #tpu.memory_space<vmem>>, vector<1x16xf32>,
        %get3A_420 = vector.shape_cast %get3A_419 : vector<1x16xf32> to vector<16xf32>
        %get3A_421 = arith.index_cast %scan3A_147 : i32 to index
        %get3A_422 = arith.constant 720 : index
        %get3A_423 = tpu.vector_load %arg10[%get3A_421, %get3A_422] {strides = array<i32>} : memref<16x1024xf32, #tpu.memory_space<vmem>>, vector<1x16xf32>,
        %get3A_424 = vector.shape_cast %get3A_423 : vector<1x16xf32> to vector<16xf32>
        %mul3A_425 = arith.mulf %get3A_420, %get3A_424 : vector<16xf32>
        %add3A_426 = arith.addf %add3A_406, %mul3A_425 : vector<16xf32>
        %get3A_427 = arith.index_cast %scan3A_147 : i32 to index
        %get3A_428 = arith.constant 224 : index
        %get3A_429 = tpu.vector_load %arg9[%get3A_427, %get3A_428] {strides = array<i32>} : memref<16x1024xf32, #tpu.memory_space<vmem>>, vector<1x16xf32>,
        %get3A_430 = vector.shape_cast %get3A_429 : vector<1x16xf32> to vector<16xf32>
        %get3A_431 = arith.index_cast %scan3A_147 : i32 to index
        %get3A_432 = arith.constant 224 : index
        %get3A_433 = tpu.vector_load %arg10[%get3A_431, %get3A_432] {strides = array<i32>} : memref<16x1024xf32, #tpu.memory_space<vmem>>, vector<1x16xf32>,
        %get3A_434 = vector.shape_cast %get3A_433 : vector<1x16xf32> to vector<16xf32>
        %mul3A_435 = arith.mulf %get3A_430, %get3A_434 : vector<16xf32>
        %add3A_436 = arith.addf %add3A_416, %mul3A_435 : vector<16xf32>
        %get3A_437 = arith.index_cast %scan3A_147 : i32 to index
        %get3A_438 = arith.constant 736 : index
        %get3A_439 = tpu.vector_load %arg9[%get3A_437, %get3A_438] {strides = array<i32>} : memref<16x1024xf32, #tpu.memory_space<vmem>>, vector<1x16xf32>,
        %get3A_440 = vector.shape_cast %get3A_439 : vector<1x16xf32> to vector<16xf32>
        %get3A_441 = arith.index_cast %scan3A_147 : i32 to index
        %get3A_442 = arith.constant 736 : index
        %get3A_443 = tpu.vector_load %arg10[%get3A_441, %get3A_442] {strides = array<i32>} : memref<16x1024xf32, #tpu.memory_space<vmem>>, vector<1x16xf32>,
        %get3A_444 = vector.shape_cast %get3A_443 : vector<1x16xf32> to vector<16xf32>
        %mul3A_445 = arith.mulf %get3A_440, %get3A_444 : vector<16xf32>
        %add3A_446 = arith.addf %add3A_426, %mul3A_445 : vector<16xf32>
        %get3A_447 = arith.index_cast %scan3A_147 : i32 to index
        %get3A_448 = arith.constant 240 : index
        %get3A_449 = tpu.vector_load %arg9[%get3A_447, %get3A_448] {strides = array<i32>} : memref<16x1024xf32, #tpu.memory_space<vmem>>, vector<1x16xf32>,
        %get3A_450 = vector.shape_cast %get3A_449 : vector<1x16xf32> to vector<16xf32>
        %get3A_451 = arith.index_cast %scan3A_147 : i32 to index
        %get3A_452 = arith.constant 240 : index
        %get3A_453 = tpu.vector_load %arg10[%get3A_451, %get3A_452] {strides = array<i32>} : memref<16x1024xf32, #tpu.memory_space<vmem>>, vector<1x16xf32>,
        %get3A_454 = vector.shape_cast %get3A_453 : vector<1x16xf32> to vector<16xf32>
        %mul3A_455 = arith.mulf %get3A_450, %get3A_454 : vector<16xf32>
        %add3A_456 = arith.addf %add3A_436, %mul3A_455 : vector<16xf32>
        %get3A_457 = arith.index_cast %scan3A_147 : i32 to index
        %get3A_458 = arith.constant 752 : index
        %get3A_459 = tpu.vector_load %arg9[%get3A_457, %get3A_458] {strides = array<i32>} : memref<16x1024xf32, #tpu.memory_space<vmem>>, vector<1x16xf32>,
        %get3A_460 = vector.shape_cast %get3A_459 : vector<1x16xf32> to vector<16xf32>
        %get3A_461 = arith.index_cast %scan3A_147 : i32 to index
        %get3A_462 = arith.constant 752 : index
        %get3A_463 = tpu.vector_load %arg10[%get3A_461, %get3A_462] {strides = array<i32>} : memref<16x1024xf32, #tpu.memory_space<vmem>>, vector<1x16xf32>,
        %get3A_464 = vector.shape_cast %get3A_463 : vector<1x16xf32> to vector<16xf32>
        %mul3A_465 = arith.mulf %get3A_460, %get3A_464 : vector<16xf32>
        %add3A_466 = arith.addf %add3A_446, %mul3A_465 : vector<16xf32>
        %get3A_467 = arith.index_cast %scan3A_147 : i32 to index
        %get3A_468 = arith.constant 256 : index
        %get3A_469 = tpu.vector_load %arg9[%get3A_467, %get3A_468] {strides = array<i32>} : memref<16x1024xf32, #tpu.memory_space<vmem>>, vector<1x16xf32>,
        %get3A_470 = vector.shape_cast %get3A_469 : vector<1x16xf32> to vector<16xf32>
        %get3A_471 = arith.index_cast %scan3A_147 : i32 to index
        %get3A_472 = arith.constant 256 : index
        %get3A_473 = tpu.vector_load %arg10[%get3A_471, %get3A_472] {strides = array<i32>} : memref<16x1024xf32, #tpu.memory_space<vmem>>, vector<1x16xf32>,
        %get3A_474 = vector.shape_cast %get3A_473 : vector<1x16xf32> to vector<16xf32>
        %mul3A_475 = arith.mulf %get3A_470, %get3A_474 : vector<16xf32>
        %add3A_476 = arith.addf %add3A_456, %mul3A_475 : vector<16xf32>
        %get3A_477 = arith.index_cast %scan3A_147 : i32 to index
        %get3A_478 = arith.constant 768 : index
        %get3A_479 = tpu.vector_load %arg9[%get3A_477, %get3A_478] {strides = array<i32>} : memref<16x1024xf32, #tpu.memory_space<vmem>>, vector<1x16xf32>,
        %get3A_480 = vector.shape_cast %get3A_479 : vector<1x16xf32> to vector<16xf32>
        %get3A_481 = arith.index_cast %scan3A_147 : i32 to index
        %get3A_482 = arith.constant 768 : index
        %get3A_483 = tpu.vector_load %arg10[%get3A_481, %get3A_482] {strides = array<i32>} : memref<16x1024xf32, #tpu.memory_space<vmem>>, vector<1x16xf32>,
        %get3A_484 = vector.shape_cast %get3A_483 : vector<1x16xf32> to vector<16xf32>
        %mul3A_485 = arith.mulf %get3A_480, %get3A_484 : vector<16xf32>
        %add3A_486 = arith.addf %add3A_466, %mul3A_485 : vector<16xf32>
        %get3A_487 = arith.index_cast %scan3A_147 : i32 to index
        %get3A_488 = arith.constant 272 : index
        %get3A_489 = tpu.vector_load %arg9[%get3A_487, %get3A_488] {strides = array<i32>} : memref<16x1024xf32, #tpu.memory_space<vmem>>, vector<1x16xf32>,
        %get3A_490 = vector.shape_cast %get3A_489 : vector<1x16xf32> to vector<16xf32>
        %get3A_491 = arith.index_cast %scan3A_147 : i32 to index
        %get3A_492 = arith.constant 272 : index
        %get3A_493 = tpu.vector_load %arg10[%get3A_491, %get3A_492] {strides = array<i32>} : memref<16x1024xf32, #tpu.memory_space<vmem>>, vector<1x16xf32>,
        %get3A_494 = vector.shape_cast %get3A_493 : vector<1x16xf32> to vector<16xf32>
        %mul3A_495 = arith.mulf %get3A_490, %get3A_494 : vector<16xf32>
        %add3A_496 = arith.addf %add3A_476, %mul3A_495 : vector<16xf32>
        %get3A_497 = arith.index_cast %scan3A_147 : i32 to index
        %get3A_498 = arith.constant 784 : index
        %get3A_499 = tpu.vector_load %arg9[%get3A_497, %get3A_498] {strides = array<i32>} : memref<16x1024xf32, #tpu.memory_space<vmem>>, vector<1x16xf32>,
        %get3A_500 = vector.shape_cast %get3A_499 : vector<1x16xf32> to vector<16xf32>
        %get3A_501 = arith.index_cast %scan3A_147 : i32 to index
        %get3A_502 = arith.constant 784 : index
        %get3A_503 = tpu.vector_load %arg10[%get3A_501, %get3A_502] {strides = array<i32>} : memref<16x1024xf32, #tpu.memory_space<vmem>>, vector<1x16xf32>,
        %get3A_504 = vector.shape_cast %get3A_503 : vector<1x16xf32> to vector<16xf32>
        %mul3A_505 = arith.mulf %get3A_500, %get3A_504 : vector<16xf32>
        %add3A_506 = arith.addf %add3A_486, %mul3A_505 : vector<16xf32>
        %get3A_507 = arith.index_cast %scan3A_147 : i32 to index
        %get3A_508 = arith.constant 288 : index
        %get3A_509 = tpu.vector_load %arg9[%get3A_507, %get3A_508] {strides = array<i32>} : memref<16x1024xf32, #tpu.memory_space<vmem>>, vector<1x16xf32>,
        %get3A_510 = vector.shape_cast %get3A_509 : vector<1x16xf32> to vector<16xf32>
        %get3A_511 = arith.index_cast %scan3A_147 : i32 to index
        %get3A_512 = arith.constant 288 : index
        %get3A_513 = tpu.vector_load %arg10[%get3A_511, %get3A_512] {strides = array<i32>} : memref<16x1024xf32, #tpu.memory_space<vmem>>, vector<1x16xf32>,
        %get3A_514 = vector.shape_cast %get3A_513 : vector<1x16xf32> to vector<16xf32>
        %mul3A_515 = arith.mulf %get3A_510, %get3A_514 : vector<16xf32>
        %add3A_516 = arith.addf %add3A_496, %mul3A_515 : vector<16xf32>
        %get3A_517 = arith.index_cast %scan3A_147 : i32 to index
        %get3A_518 = arith.constant 800 : index
        %get3A_519 = tpu.vector_load %arg9[%get3A_517, %get3A_518] {strides = array<i32>} : memref<16x1024xf32, #tpu.memory_space<vmem>>, vector<1x16xf32>,
        %get3A_520 = vector.shape_cast %get3A_519 : vector<1x16xf32> to vector<16xf32>
        %get3A_521 = arith.index_cast %scan3A_147 : i32 to index
        %get3A_522 = arith.constant 800 : index
        %get3A_523 = tpu.vector_load %arg10[%get3A_521, %get3A_522] {strides = array<i32>} : memref<16x1024xf32, #tpu.memory_space<vmem>>, vector<1x16xf32>,
        %get3A_524 = vector.shape_cast %get3A_523 : vector<1x16xf32> to vector<16xf32>
        %mul3A_525 = arith.mulf %get3A_520, %get3A_524 : vector<16xf32>
        %add3A_526 = arith.addf %add3A_506, %mul3A_525 : vector<16xf32>
        %get3A_527 = arith.index_cast %scan3A_147 : i32 to index
        %get3A_528 = arith.constant 304 : index
        %get3A_529 = tpu.vector_load %arg9[%get3A_527, %get3A_528] {strides = array<i32>} : memref<16x1024xf32, #tpu.memory_space<vmem>>, vector<1x16xf32>,
        %get3A_530 = vector.shape_cast %get3A_529 : vector<1x16xf32> to vector<16xf32>
        %get3A_531 = arith.index_cast %scan3A_147 : i32 to index
        %get3A_532 = arith.constant 304 : index
        %get3A_533 = tpu.vector_load %arg10[%get3A_531, %get3A_532] {strides = array<i32>} : memref<16x1024xf32, #tpu.memory_space<vmem>>, vector<1x16xf32>,
        %get3A_534 = vector.shape_cast %get3A_533 : vector<1x16xf32> to vector<16xf32>
        %mul3A_535 = arith.mulf %get3A_530, %get3A_534 : vector<16xf32>
        %add3A_536 = arith.addf %add3A_516, %mul3A_535 : vector<16xf32>
        %get3A_537 = arith.index_cast %scan3A_147 : i32 to index
        %get3A_538 = arith.constant 816 : index
        %get3A_539 = tpu.vector_load %arg9[%get3A_537, %get3A_538] {strides = array<i32>} : memref<16x1024xf32, #tpu.memory_space<vmem>>, vector<1x16xf32>,
        %get3A_540 = vector.shape_cast %get3A_539 : vector<1x16xf32> to vector<16xf32>
        %get3A_541 = arith.index_cast %scan3A_147 : i32 to index
        %get3A_542 = arith.constant 816 : index
        %get3A_543 = tpu.vector_load %arg10[%get3A_541, %get3A_542] {strides = array<i32>} : memref<16x1024xf32, #tpu.memory_space<vmem>>, vector<1x16xf32>,
        %get3A_544 = vector.shape_cast %get3A_543 : vector<1x16xf32> to vector<16xf32>
        %mul3A_545 = arith.mulf %get3A_540, %get3A_544 : vector<16xf32>
        %add3A_546 = arith.addf %add3A_526, %mul3A_545 : vector<16xf32>
        %get3A_547 = arith.index_cast %scan3A_147 : i32 to index
        %get3A_548 = arith.constant 320 : index
        %get3A_549 = tpu.vector_load %arg9[%get3A_547, %get3A_548] {strides = array<i32>} : memref<16x1024xf32, #tpu.memory_space<vmem>>, vector<1x16xf32>,
        %get3A_550 = vector.shape_cast %get3A_549 : vector<1x16xf32> to vector<16xf32>
        %get3A_551 = arith.index_cast %scan3A_147 : i32 to index
        %get3A_552 = arith.constant 320 : index
        %get3A_553 = tpu.vector_load %arg10[%get3A_551, %get3A_552] {strides = array<i32>} : memref<16x1024xf32, #tpu.memory_space<vmem>>, vector<1x16xf32>,
        %get3A_554 = vector.shape_cast %get3A_553 : vector<1x16xf32> to vector<16xf32>
        %mul3A_555 = arith.mulf %get3A_550, %get3A_554 : vector<16xf32>
        %add3A_556 = arith.addf %add3A_536, %mul3A_555 : vector<16xf32>
        %get3A_557 = arith.index_cast %scan3A_147 : i32 to index
        %get3A_558 = arith.constant 832 : index
        %get3A_559 = tpu.vector_load %arg9[%get3A_557, %get3A_558] {strides = array<i32>} : memref<16x1024xf32, #tpu.memory_space<vmem>>, vector<1x16xf32>,
        %get3A_560 = vector.shape_cast %get3A_559 : vector<1x16xf32> to vector<16xf32>
        %get3A_561 = arith.index_cast %scan3A_147 : i32 to index
        %get3A_562 = arith.constant 832 : index
        %get3A_563 = tpu.vector_load %arg10[%get3A_561, %get3A_562] {strides = array<i32>} : memref<16x1024xf32, #tpu.memory_space<vmem>>, vector<1x16xf32>,
        %get3A_564 = vector.shape_cast %get3A_563 : vector<1x16xf32> to vector<16xf32>
        %mul3A_565 = arith.mulf %get3A_560, %get3A_564 : vector<16xf32>
        %add3A_566 = arith.addf %add3A_546, %mul3A_565 : vector<16xf32>
        %get3A_567 = arith.index_cast %scan3A_147 : i32 to index
        %get3A_568 = arith.constant 336 : index
        %get3A_569 = tpu.vector_load %arg9[%get3A_567, %get3A_568] {strides = array<i32>} : memref<16x1024xf32, #tpu.memory_space<vmem>>, vector<1x16xf32>,
        %get3A_570 = vector.shape_cast %get3A_569 : vector<1x16xf32> to vector<16xf32>
        %get3A_571 = arith.index_cast %scan3A_147 : i32 to index
        %get3A_572 = arith.constant 336 : index
        %get3A_573 = tpu.vector_load %arg10[%get3A_571, %get3A_572] {strides = array<i32>} : memref<16x1024xf32, #tpu.memory_space<vmem>>, vector<1x16xf32>,
        %get3A_574 = vector.shape_cast %get3A_573 : vector<1x16xf32> to vector<16xf32>
        %mul3A_575 = arith.mulf %get3A_570, %get3A_574 : vector<16xf32>
        %add3A_576 = arith.addf %add3A_556, %mul3A_575 : vector<16xf32>
        %get3A_577 = arith.index_cast %scan3A_147 : i32 to index
        %get3A_578 = arith.constant 848 : index
        %get3A_579 = tpu.vector_load %arg9[%get3A_577, %get3A_578] {strides = array<i32>} : memref<16x1024xf32, #tpu.memory_space<vmem>>, vector<1x16xf32>,
        %get3A_580 = vector.shape_cast %get3A_579 : vector<1x16xf32> to vector<16xf32>
        %get3A_581 = arith.index_cast %scan3A_147 : i32 to index
        %get3A_582 = arith.constant 848 : index
        %get3A_583 = tpu.vector_load %arg10[%get3A_581, %get3A_582] {strides = array<i32>} : memref<16x1024xf32, #tpu.memory_space<vmem>>, vector<1x16xf32>,
        %get3A_584 = vector.shape_cast %get3A_583 : vector<1x16xf32> to vector<16xf32>
        %mul3A_585 = arith.mulf %get3A_580, %get3A_584 : vector<16xf32>
        %add3A_586 = arith.addf %add3A_566, %mul3A_585 : vector<16xf32>
        %get3A_587 = arith.index_cast %scan3A_147 : i32 to index
        %get3A_588 = arith.constant 352 : index
        %get3A_589 = tpu.vector_load %arg9[%get3A_587, %get3A_588] {strides = array<i32>} : memref<16x1024xf32, #tpu.memory_space<vmem>>, vector<1x16xf32>,
        %get3A_590 = vector.shape_cast %get3A_589 : vector<1x16xf32> to vector<16xf32>
        %get3A_591 = arith.index_cast %scan3A_147 : i32 to index
        %get3A_592 = arith.constant 352 : index
        %get3A_593 = tpu.vector_load %arg10[%get3A_591, %get3A_592] {strides = array<i32>} : memref<16x1024xf32, #tpu.memory_space<vmem>>, vector<1x16xf32>,
        %get3A_594 = vector.shape_cast %get3A_593 : vector<1x16xf32> to vector<16xf32>
        %mul3A_595 = arith.mulf %get3A_590, %get3A_594 : vector<16xf32>
        %add3A_596 = arith.addf %add3A_576, %mul3A_595 : vector<16xf32>
        %get3A_597 = arith.index_cast %scan3A_147 : i32 to index
        %get3A_598 = arith.constant 864 : index
        %get3A_599 = tpu.vector_load %arg9[%get3A_597, %get3A_598] {strides = array<i32>} : memref<16x1024xf32, #tpu.memory_space<vmem>>, vector<1x16xf32>,
        %get3A_600 = vector.shape_cast %get3A_599 : vector<1x16xf32> to vector<16xf32>
        %get3A_601 = arith.index_cast %scan3A_147 : i32 to index
        %get3A_602 = arith.constant 864 : index
        %get3A_603 = tpu.vector_load %arg10[%get3A_601, %get3A_602] {strides = array<i32>} : memref<16x1024xf32, #tpu.memory_space<vmem>>, vector<1x16xf32>,
        %get3A_604 = vector.shape_cast %get3A_603 : vector<1x16xf32> to vector<16xf32>
        %mul3A_605 = arith.mulf %get3A_600, %get3A_604 : vector<16xf32>
        %add3A_606 = arith.addf %add3A_586, %mul3A_605 : vector<16xf32>
        %get3A_607 = arith.index_cast %scan3A_147 : i32 to index
        %get3A_608 = arith.constant 368 : index
        %get3A_609 = tpu.vector_load %arg9[%get3A_607, %get3A_608] {strides = array<i32>} : memref<16x1024xf32, #tpu.memory_space<vmem>>, vector<1x16xf32>,
        %get3A_610 = vector.shape_cast %get3A_609 : vector<1x16xf32> to vector<16xf32>
        %get3A_611 = arith.index_cast %scan3A_147 : i32 to index
        %get3A_612 = arith.constant 368 : index
        %get3A_613 = tpu.vector_load %arg10[%get3A_611, %get3A_612] {strides = array<i32>} : memref<16x1024xf32, #tpu.memory_space<vmem>>, vector<1x16xf32>,
        %get3A_614 = vector.shape_cast %get3A_613 : vector<1x16xf32> to vector<16xf32>
        %mul3A_615 = arith.mulf %get3A_610, %get3A_614 : vector<16xf32>
        %add3A_616 = arith.addf %add3A_596, %mul3A_615 : vector<16xf32>
        %get3A_617 = arith.index_cast %scan3A_147 : i32 to index
        %get3A_618 = arith.constant 880 : index
        %get3A_619 = tpu.vector_load %arg9[%get3A_617, %get3A_618] {strides = array<i32>} : memref<16x1024xf32, #tpu.memory_space<vmem>>, vector<1x16xf32>,
        %get3A_620 = vector.shape_cast %get3A_619 : vector<1x16xf32> to vector<16xf32>
        %get3A_621 = arith.index_cast %scan3A_147 : i32 to index
        %get3A_622 = arith.constant 880 : index
        %get3A_623 = tpu.vector_load %arg10[%get3A_621, %get3A_622] {strides = array<i32>} : memref<16x1024xf32, #tpu.memory_space<vmem>>, vector<1x16xf32>,
        %get3A_624 = vector.shape_cast %get3A_623 : vector<1x16xf32> to vector<16xf32>
        %mul3A_625 = arith.mulf %get3A_620, %get3A_624 : vector<16xf32>
        %add3A_626 = arith.addf %add3A_606, %mul3A_625 : vector<16xf32>
        %get3A_627 = arith.index_cast %scan3A_147 : i32 to index
        %get3A_628 = arith.constant 384 : index
        %get3A_629 = tpu.vector_load %arg9[%get3A_627, %get3A_628] {strides = array<i32>} : memref<16x1024xf32, #tpu.memory_space<vmem>>, vector<1x16xf32>,
        %get3A_630 = vector.shape_cast %get3A_629 : vector<1x16xf32> to vector<16xf32>
        %get3A_631 = arith.index_cast %scan3A_147 : i32 to index
        %get3A_632 = arith.constant 384 : index
        %get3A_633 = tpu.vector_load %arg10[%get3A_631, %get3A_632] {strides = array<i32>} : memref<16x1024xf32, #tpu.memory_space<vmem>>, vector<1x16xf32>,
        %get3A_634 = vector.shape_cast %get3A_633 : vector<1x16xf32> to vector<16xf32>
        %mul3A_635 = arith.mulf %get3A_630, %get3A_634 : vector<16xf32>
        %add3A_636 = arith.addf %add3A_616, %mul3A_635 : vector<16xf32>
        %get3A_637 = arith.index_cast %scan3A_147 : i32 to index
        %get3A_638 = arith.constant 896 : index
        %get3A_639 = tpu.vector_load %arg9[%get3A_637, %get3A_638] {strides = array<i32>} : memref<16x1024xf32, #tpu.memory_space<vmem>>, vector<1x16xf32>,
        %get3A_640 = vector.shape_cast %get3A_639 : vector<1x16xf32> to vector<16xf32>
        %get3A_641 = arith.index_cast %scan3A_147 : i32 to index
        %get3A_642 = arith.constant 896 : index
        %get3A_643 = tpu.vector_load %arg10[%get3A_641, %get3A_642] {strides = array<i32>} : memref<16x1024xf32, #tpu.memory_space<vmem>>, vector<1x16xf32>,
        %get3A_644 = vector.shape_cast %get3A_643 : vector<1x16xf32> to vector<16xf32>
        %mul3A_645 = arith.mulf %get3A_640, %get3A_644 : vector<16xf32>
        %add3A_646 = arith.addf %add3A_626, %mul3A_645 : vector<16xf32>
        %get3A_647 = arith.index_cast %scan3A_147 : i32 to index
        %get3A_648 = arith.constant 400 : index
        %get3A_649 = tpu.vector_load %arg9[%get3A_647, %get3A_648] {strides = array<i32>} : memref<16x1024xf32, #tpu.memory_space<vmem>>, vector<1x16xf32>,
        %get3A_650 = vector.shape_cast %get3A_649 : vector<1x16xf32> to vector<16xf32>
        %get3A_651 = arith.index_cast %scan3A_147 : i32 to index
        %get3A_652 = arith.constant 400 : index
        %get3A_653 = tpu.vector_load %arg10[%get3A_651, %get3A_652] {strides = array<i32>} : memref<16x1024xf32, #tpu.memory_space<vmem>>, vector<1x16xf32>,
        %get3A_654 = vector.shape_cast %get3A_653 : vector<1x16xf32> to vector<16xf32>
        %mul3A_655 = arith.mulf %get3A_650, %get3A_654 : vector<16xf32>
        %add3A_656 = arith.addf %add3A_636, %mul3A_655 : vector<16xf32>
        %get3A_657 = arith.index_cast %scan3A_147 : i32 to index
        %get3A_658 = arith.constant 912 : index
        %get3A_659 = tpu.vector_load %arg9[%get3A_657, %get3A_658] {strides = array<i32>} : memref<16x1024xf32, #tpu.memory_space<vmem>>, vector<1x16xf32>,
        %get3A_660 = vector.shape_cast %get3A_659 : vector<1x16xf32> to vector<16xf32>
        %get3A_661 = arith.index_cast %scan3A_147 : i32 to index
        %get3A_662 = arith.constant 912 : index
        %get3A_663 = tpu.vector_load %arg10[%get3A_661, %get3A_662] {strides = array<i32>} : memref<16x1024xf32, #tpu.memory_space<vmem>>, vector<1x16xf32>,
        %get3A_664 = vector.shape_cast %get3A_663 : vector<1x16xf32> to vector<16xf32>
        %mul3A_665 = arith.mulf %get3A_660, %get3A_664 : vector<16xf32>
        %add3A_666 = arith.addf %add3A_646, %mul3A_665 : vector<16xf32>
        %get3A_667 = arith.index_cast %scan3A_147 : i32 to index
        %get3A_668 = arith.constant 416 : index
        %get3A_669 = tpu.vector_load %arg9[%get3A_667, %get3A_668] {strides = array<i32>} : memref<16x1024xf32, #tpu.memory_space<vmem>>, vector<1x16xf32>,
        %get3A_670 = vector.shape_cast %get3A_669 : vector<1x16xf32> to vector<16xf32>
        %get3A_671 = arith.index_cast %scan3A_147 : i32 to index
        %get3A_672 = arith.constant 416 : index
        %get3A_673 = tpu.vector_load %arg10[%get3A_671, %get3A_672] {strides = array<i32>} : memref<16x1024xf32, #tpu.memory_space<vmem>>, vector<1x16xf32>,
        %get3A_674 = vector.shape_cast %get3A_673 : vector<1x16xf32> to vector<16xf32>
        %mul3A_675 = arith.mulf %get3A_670, %get3A_674 : vector<16xf32>
        %add3A_676 = arith.addf %add3A_656, %mul3A_675 : vector<16xf32>
        %get3A_677 = arith.index_cast %scan3A_147 : i32 to index
        %get3A_678 = arith.constant 928 : index
        %get3A_679 = tpu.vector_load %arg9[%get3A_677, %get3A_678] {strides = array<i32>} : memref<16x1024xf32, #tpu.memory_space<vmem>>, vector<1x16xf32>,
        %get3A_680 = vector.shape_cast %get3A_679 : vector<1x16xf32> to vector<16xf32>
        %get3A_681 = arith.index_cast %scan3A_147 : i32 to index
        %get3A_682 = arith.constant 928 : index
        %get3A_683 = tpu.vector_load %arg10[%get3A_681, %get3A_682] {strides = array<i32>} : memref<16x1024xf32, #tpu.memory_space<vmem>>, vector<1x16xf32>,
        %get3A_684 = vector.shape_cast %get3A_683 : vector<1x16xf32> to vector<16xf32>
        %mul3A_685 = arith.mulf %get3A_680, %get3A_684 : vector<16xf32>
        %add3A_686 = arith.addf %add3A_666, %mul3A_685 : vector<16xf32>
        %get3A_687 = arith.index_cast %scan3A_147 : i32 to index
        %get3A_688 = arith.constant 432 : index
        %get3A_689 = tpu.vector_load %arg9[%get3A_687, %get3A_688] {strides = array<i32>} : memref<16x1024xf32, #tpu.memory_space<vmem>>, vector<1x16xf32>,
        %get3A_690 = vector.shape_cast %get3A_689 : vector<1x16xf32> to vector<16xf32>
        %get3A_691 = arith.index_cast %scan3A_147 : i32 to index
        %get3A_692 = arith.constant 432 : index
        %get3A_693 = tpu.vector_load %arg10[%get3A_691, %get3A_692] {strides = array<i32>} : memref<16x1024xf32, #tpu.memory_space<vmem>>, vector<1x16xf32>,
        %get3A_694 = vector.shape_cast %get3A_693 : vector<1x16xf32> to vector<16xf32>
        %mul3A_695 = arith.mulf %get3A_690, %get3A_694 : vector<16xf32>
        %add3A_696 = arith.addf %add3A_676, %mul3A_695 : vector<16xf32>
        %get3A_697 = arith.index_cast %scan3A_147 : i32 to index
        %get3A_698 = arith.constant 944 : index
        %get3A_699 = tpu.vector_load %arg9[%get3A_697, %get3A_698] {strides = array<i32>} : memref<16x1024xf32, #tpu.memory_space<vmem>>, vector<1x16xf32>,
        %get3A_700 = vector.shape_cast %get3A_699 : vector<1x16xf32> to vector<16xf32>
        %get3A_701 = arith.index_cast %scan3A_147 : i32 to index
        %get3A_702 = arith.constant 944 : index
        %get3A_703 = tpu.vector_load %arg10[%get3A_701, %get3A_702] {strides = array<i32>} : memref<16x1024xf32, #tpu.memory_space<vmem>>, vector<1x16xf32>,
        %get3A_704 = vector.shape_cast %get3A_703 : vector<1x16xf32> to vector<16xf32>
        %mul3A_705 = arith.mulf %get3A_700, %get3A_704 : vector<16xf32>
        %add3A_706 = arith.addf %add3A_686, %mul3A_705 : vector<16xf32>
        %get3A_707 = arith.index_cast %scan3A_147 : i32 to index
        %get3A_708 = arith.constant 448 : index
        %get3A_709 = tpu.vector_load %arg9[%get3A_707, %get3A_708] {strides = array<i32>} : memref<16x1024xf32, #tpu.memory_space<vmem>>, vector<1x16xf32>,
        %get3A_710 = vector.shape_cast %get3A_709 : vector<1x16xf32> to vector<16xf32>
        %get3A_711 = arith.index_cast %scan3A_147 : i32 to index
        %get3A_712 = arith.constant 448 : index
        %get3A_713 = tpu.vector_load %arg10[%get3A_711, %get3A_712] {strides = array<i32>} : memref<16x1024xf32, #tpu.memory_space<vmem>>, vector<1x16xf32>,
        %get3A_714 = vector.shape_cast %get3A_713 : vector<1x16xf32> to vector<16xf32>
        %mul3A_715 = arith.mulf %get3A_710, %get3A_714 : vector<16xf32>
        %add3A_716 = arith.addf %add3A_696, %mul3A_715 : vector<16xf32>
        %get3A_717 = arith.index_cast %scan3A_147 : i32 to index
        %get3A_718 = arith.constant 960 : index
        %get3A_719 = tpu.vector_load %arg9[%get3A_717, %get3A_718] {strides = array<i32>} : memref<16x1024xf32, #tpu.memory_space<vmem>>, vector<1x16xf32>,
        %get3A_720 = vector.shape_cast %get3A_719 : vector<1x16xf32> to vector<16xf32>
        %get3A_721 = arith.index_cast %scan3A_147 : i32 to index
        %get3A_722 = arith.constant 960 : index
        %get3A_723 = tpu.vector_load %arg10[%get3A_721, %get3A_722] {strides = array<i32>} : memref<16x1024xf32, #tpu.memory_space<vmem>>, vector<1x16xf32>,
        %get3A_724 = vector.shape_cast %get3A_723 : vector<1x16xf32> to vector<16xf32>
        %mul3A_725 = arith.mulf %get3A_720, %get3A_724 : vector<16xf32>
        %add3A_726 = arith.addf %add3A_706, %mul3A_725 : vector<16xf32>
        %get3A_727 = arith.index_cast %scan3A_147 : i32 to index
        %get3A_728 = arith.constant 464 : index
        %get3A_729 = tpu.vector_load %arg9[%get3A_727, %get3A_728] {strides = array<i32>} : memref<16x1024xf32, #tpu.memory_space<vmem>>, vector<1x16xf32>,
        %get3A_730 = vector.shape_cast %get3A_729 : vector<1x16xf32> to vector<16xf32>
        %get3A_731 = arith.index_cast %scan3A_147 : i32 to index
        %get3A_732 = arith.constant 464 : index
        %get3A_733 = tpu.vector_load %arg10[%get3A_731, %get3A_732] {strides = array<i32>} : memref<16x1024xf32, #tpu.memory_space<vmem>>, vector<1x16xf32>,
        %get3A_734 = vector.shape_cast %get3A_733 : vector<1x16xf32> to vector<16xf32>
        %mul3A_735 = arith.mulf %get3A_730, %get3A_734 : vector<16xf32>
        %add3A_736 = arith.addf %add3A_716, %mul3A_735 : vector<16xf32>
        %get3A_737 = arith.index_cast %scan3A_147 : i32 to index
        %get3A_738 = arith.constant 976 : index
        %get3A_739 = tpu.vector_load %arg9[%get3A_737, %get3A_738] {strides = array<i32>} : memref<16x1024xf32, #tpu.memory_space<vmem>>, vector<1x16xf32>,
        %get3A_740 = vector.shape_cast %get3A_739 : vector<1x16xf32> to vector<16xf32>
        %get3A_741 = arith.index_cast %scan3A_147 : i32 to index
        %get3A_742 = arith.constant 976 : index
        %get3A_743 = tpu.vector_load %arg10[%get3A_741, %get3A_742] {strides = array<i32>} : memref<16x1024xf32, #tpu.memory_space<vmem>>, vector<1x16xf32>,
        %get3A_744 = vector.shape_cast %get3A_743 : vector<1x16xf32> to vector<16xf32>
        %mul3A_745 = arith.mulf %get3A_740, %get3A_744 : vector<16xf32>
        %add3A_746 = arith.addf %add3A_726, %mul3A_745 : vector<16xf32>
        %get3A_747 = arith.index_cast %scan3A_147 : i32 to index
        %get3A_748 = arith.constant 480 : index
        %get3A_749 = tpu.vector_load %arg9[%get3A_747, %get3A_748] {strides = array<i32>} : memref<16x1024xf32, #tpu.memory_space<vmem>>, vector<1x16xf32>,
        %get3A_750 = vector.shape_cast %get3A_749 : vector<1x16xf32> to vector<16xf32>
        %get3A_751 = arith.index_cast %scan3A_147 : i32 to index
        %get3A_752 = arith.constant 480 : index
        %get3A_753 = tpu.vector_load %arg10[%get3A_751, %get3A_752] {strides = array<i32>} : memref<16x1024xf32, #tpu.memory_space<vmem>>, vector<1x16xf32>,
        %get3A_754 = vector.shape_cast %get3A_753 : vector<1x16xf32> to vector<16xf32>
        %mul3A_755 = arith.mulf %get3A_750, %get3A_754 : vector<16xf32>
        %add3A_756 = arith.addf %add3A_736, %mul3A_755 : vector<16xf32>
        %get3A_757 = arith.index_cast %scan3A_147 : i32 to index
        %get3A_758 = arith.constant 992 : index
        %get3A_759 = tpu.vector_load %arg9[%get3A_757, %get3A_758] {strides = array<i32>} : memref<16x1024xf32, #tpu.memory_space<vmem>>, vector<1x16xf32>,
        %get3A_760 = vector.shape_cast %get3A_759 : vector<1x16xf32> to vector<16xf32>
        %get3A_761 = arith.index_cast %scan3A_147 : i32 to index
        %get3A_762 = arith.constant 992 : index
        %get3A_763 = tpu.vector_load %arg10[%get3A_761, %get3A_762] {strides = array<i32>} : memref<16x1024xf32, #tpu.memory_space<vmem>>, vector<1x16xf32>,
        %get3A_764 = vector.shape_cast %get3A_763 : vector<1x16xf32> to vector<16xf32>
        %mul3A_765 = arith.mulf %get3A_760, %get3A_764 : vector<16xf32>
        %add3A_766 = arith.addf %add3A_746, %mul3A_765 : vector<16xf32>
        %get3A_767 = arith.index_cast %scan3A_147 : i32 to index
        %get3A_768 = arith.constant 496 : index
        %get3A_769 = tpu.vector_load %arg9[%get3A_767, %get3A_768] {strides = array<i32>} : memref<16x1024xf32, #tpu.memory_space<vmem>>, vector<1x16xf32>,
        %get3A_770 = vector.shape_cast %get3A_769 : vector<1x16xf32> to vector<16xf32>
        %get3A_771 = arith.index_cast %scan3A_147 : i32 to index
        %get3A_772 = arith.constant 496 : index
        %get3A_773 = tpu.vector_load %arg10[%get3A_771, %get3A_772] {strides = array<i32>} : memref<16x1024xf32, #tpu.memory_space<vmem>>, vector<1x16xf32>,
        %get3A_774 = vector.shape_cast %get3A_773 : vector<1x16xf32> to vector<16xf32>
        %mul3A_775 = arith.mulf %get3A_770, %get3A_774 : vector<16xf32>
        %add3A_776 = arith.addf %add3A_756, %mul3A_775 : vector<16xf32>
        %get3A_777 = arith.index_cast %scan3A_147 : i32 to index
        %get3A_778 = arith.constant 1008 : index
        %get3A_779 = tpu.vector_load %arg9[%get3A_777, %get3A_778] {strides = array<i32>} : memref<16x1024xf32, #tpu.memory_space<vmem>>, vector<1x16xf32>,
        %get3A_780 = vector.shape_cast %get3A_779 : vector<1x16xf32> to vector<16xf32>
        %get3A_781 = arith.index_cast %scan3A_147 : i32 to index
        %get3A_782 = arith.constant 1008 : index
        %get3A_783 = tpu.vector_load %arg10[%get3A_781, %get3A_782] {strides = array<i32>} : memref<16x1024xf32, #tpu.memory_space<vmem>>, vector<1x16xf32>,
        %get3A_784 = vector.shape_cast %get3A_783 : vector<1x16xf32> to vector<16xf32>
        %mul3A_785 = arith.mulf %get3A_780, %get3A_784 : vector<16xf32>
        %add3A_786 = arith.addf %add3A_766, %mul3A_785 : vector<16xf32>
        %eq3A = vector.broadcast %scan3A_147 : i32 to vector<16xi32>
        %eq3A_787 = arith.cmpi eq, %iota3A, %eq3A : vector<16xi32>
        %lt3A = arith.constant 0 : i32
        %lt3A_788 = vector.broadcast %lt3A : i32 to vector<16xi32>
        %lt3A_789 = arith.cmpi slt, %xor3A_4, %lt3A_788 : vector<16xi32>
        %add3A_790 = arith.constant 16 : i32
        %add3A_791 = vector.broadcast %add3A_790 : i32 to vector<16xi32>
        %add3A_792 = arith.addi %xor3A_4, %add3A_791 : vector<16xi32>
        %select_n3A = arith.select %lt3A_789, %add3A_792, %xor3A_4 : vector<16xi1>, vector<16xi32>
        %broadcast_in_dim3A_793 = vector.shape_cast %select_n3A : vector<16xi32> to vector<16x1xi32>
        %gather3A = vector.shape_cast %broadcast_in_dim3A_793 : vector<16x1xi32> to vector<16xi32>
        %gather3A_794 = tpu.dynamic_gather %add3A_776[%gather3A] in [0] : vector<16xf32>, vector<16xi32> -> vector<16xf32>
        %add3A_795 = arith.addf %add3A_776, %gather3A_794 : vector<16xf32>
        %lt3A_796 = arith.constant 0 : i32
        %lt3A_797 = vector.broadcast %lt3A_796 : i32 to vector<16xi32>
        %lt3A_798 = arith.cmpi slt, %xor3A_7, %lt3A_797 : vector<16xi32>
        %add3A_799 = arith.constant 16 : i32
        %add3A_800 = vector.broadcast %add3A_799 : i32 to vector<16xi32>
        %add3A_801 = arith.addi %xor3A_7, %add3A_800 : vector<16xi32>
        %select_n3A_802 = arith.select %lt3A_798, %add3A_801, %xor3A_7 : vector<16xi1>, vector<16xi32>
        %broadcast_in_dim3A_803 = vector.shape_cast %select_n3A_802 : vector<16xi32> to vector<16x1xi32>
        %gather3A_804 = vector.shape_cast %broadcast_in_dim3A_803 : vector<16x1xi32> to vector<16xi32>
        %gather3A_805 = tpu.dynamic_gather %add3A_795[%gather3A_804] in [0] : vector<16xf32>, vector<16xi32> -> vector<16xf32>
        %add3A_806 = arith.addf %add3A_795, %gather3A_805 : vector<16xf32>
        %lt3A_807 = arith.constant 0 : i32
        %lt3A_808 = vector.broadcast %lt3A_807 : i32 to vector<16xi32>
        %lt3A_809 = arith.cmpi slt, %xor3A_10, %lt3A_808 : vector<16xi32>
        %add3A_810 = arith.constant 16 : i32
        %add3A_811 = vector.broadcast %add3A_810 : i32 to vector<16xi32>
        %add3A_812 = arith.addi %xor3A_10, %add3A_811 : vector<16xi32>
        %select_n3A_813 = arith.select %lt3A_809, %add3A_812, %xor3A_10 : vector<16xi1>, vector<16xi32>
        %broadcast_in_dim3A_814 = vector.shape_cast %select_n3A_813 : vector<16xi32> to vector<16x1xi32>
        %gather3A_815 = vector.shape_cast %broadcast_in_dim3A_814 : vector<16x1xi32> to vector<16xi32>
        %gather3A_816 = tpu.dynamic_gather %add3A_806[%gather3A_815] in [0] : vector<16xf32>, vector<16xi32> -> vector<16xf32>
        %add3A_817 = arith.addf %add3A_806, %gather3A_816 : vector<16xf32>
        %lt3A_818 = arith.constant 0 : i32
        %lt3A_819 = vector.broadcast %lt3A_818 : i32 to vector<16xi32>
        %lt3A_820 = arith.cmpi slt, %xor3A_13, %lt3A_819 : vector<16xi32>
        %add3A_821 = arith.constant 16 : i32
        %add3A_822 = vector.broadcast %add3A_821 : i32 to vector<16xi32>
        %add3A_823 = arith.addi %xor3A_13, %add3A_822 : vector<16xi32>
        %select_n3A_824 = arith.select %lt3A_820, %add3A_823, %xor3A_13 : vector<16xi1>, vector<16xi32>
        %broadcast_in_dim3A_825 = vector.shape_cast %select_n3A_824 : vector<16xi32> to vector<16x1xi32>
        %gather3A_826 = vector.shape_cast %broadcast_in_dim3A_825 : vector<16x1xi32> to vector<16xi32>
        %gather3A_827 = tpu.dynamic_gather %add3A_817[%gather3A_826] in [0] : vector<16xf32>, vector<16xi32> -> vector<16xf32>
        %add3A_828 = arith.addf %add3A_817, %gather3A_827 : vector<16xf32>
        %select_n3A_829 = arith.select %eq3A_787, %add3A_828, %scan3A_148 : vector<16xi1>, vector<16xf32>
        %eq3A_830 = vector.broadcast %scan3A_147 : i32 to vector<16xi32>
        %eq3A_831 = arith.cmpi eq, %iota3A, %eq3A_830 : vector<16xi32>
        %lt3A_832 = arith.constant 0 : i32
        %lt3A_833 = vector.broadcast %lt3A_832 : i32 to vector<16xi32>
        %lt3A_834 = arith.cmpi slt, %xor3A_4, %lt3A_833 : vector<16xi32>
        %add3A_835 = arith.constant 16 : i32
        %add3A_836 = vector.broadcast %add3A_835 : i32 to vector<16xi32>
        %add3A_837 = arith.addi %xor3A_4, %add3A_836 : vector<16xi32>
        %select_n3A_838 = arith.select %lt3A_834, %add3A_837, %xor3A_4 : vector<16xi1>, vector<16xi32>
        %broadcast_in_dim3A_839 = vector.shape_cast %select_n3A_838 : vector<16xi32> to vector<16x1xi32>
        %gather3A_840 = vector.shape_cast %broadcast_in_dim3A_839 : vector<16x1xi32> to vector<16xi32>
        %gather3A_841 = tpu.dynamic_gather %add3A_786[%gather3A_840] in [0] : vector<16xf32>, vector<16xi32> -> vector<16xf32>
        %add3A_842 = arith.addf %add3A_786, %gather3A_841 : vector<16xf32>
        %lt3A_843 = arith.constant 0 : i32
        %lt3A_844 = vector.broadcast %lt3A_843 : i32 to vector<16xi32>
        %lt3A_845 = arith.cmpi slt, %xor3A_7, %lt3A_844 : vector<16xi32>
        %add3A_846 = arith.constant 16 : i32
        %add3A_847 = vector.broadcast %add3A_846 : i32 to vector<16xi32>
        %add3A_848 = arith.addi %xor3A_7, %add3A_847 : vector<16xi32>
        %select_n3A_849 = arith.select %lt3A_845, %add3A_848, %xor3A_7 : vector<16xi1>, vector<16xi32>
        %broadcast_in_dim3A_850 = vector.shape_cast %select_n3A_849 : vector<16xi32> to vector<16x1xi32>
        %gather3A_851 = vector.shape_cast %broadcast_in_dim3A_850 : vector<16x1xi32> to vector<16xi32>
        %gather3A_852 = tpu.dynamic_gather %add3A_842[%gather3A_851] in [0] : vector<16xf32>, vector<16xi32> -> vector<16xf32>
        %add3A_853 = arith.addf %add3A_842, %gather3A_852 : vector<16xf32>
        %lt3A_854 = arith.constant 0 : i32
        %lt3A_855 = vector.broadcast %lt3A_854 : i32 to vector<16xi32>
        %lt3A_856 = arith.cmpi slt, %xor3A_10, %lt3A_855 : vector<16xi32>
        %add3A_857 = arith.constant 16 : i32
        %add3A_858 = vector.broadcast %add3A_857 : i32 to vector<16xi32>
        %add3A_859 = arith.addi %xor3A_10, %add3A_858 : vector<16xi32>
        %select_n3A_860 = arith.select %lt3A_856, %add3A_859, %xor3A_10 : vector<16xi1>, vector<16xi32>
        %broadcast_in_dim3A_861 = vector.shape_cast %select_n3A_860 : vector<16xi32> to vector<16x1xi32>
        %gather3A_862 = vector.shape_cast %broadcast_in_dim3A_861 : vector<16x1xi32> to vector<16xi32>
        %gather3A_863 = tpu.dynamic_gather %add3A_853[%gather3A_862] in [0] : vector<16xf32>, vector<16xi32> -> vector<16xf32>
        %add3A_864 = arith.addf %add3A_853, %gather3A_863 : vector<16xf32>
        %lt3A_865 = arith.constant 0 : i32
        %lt3A_866 = vector.broadcast %lt3A_865 : i32 to vector<16xi32>
        %lt3A_867 = arith.cmpi slt, %xor3A_13, %lt3A_866 : vector<16xi32>
        %add3A_868 = arith.constant 16 : i32
        %add3A_869 = vector.broadcast %add3A_868 : i32 to vector<16xi32>
        %add3A_870 = arith.addi %xor3A_13, %add3A_869 : vector<16xi32>
        %select_n3A_871 = arith.select %lt3A_867, %add3A_870, %xor3A_13 : vector<16xi1>, vector<16xi32>
        %broadcast_in_dim3A_872 = vector.shape_cast %select_n3A_871 : vector<16xi32> to vector<16x1xi32>
        %gather3A_873 = vector.shape_cast %broadcast_in_dim3A_872 : vector<16x1xi32> to vector<16xi32>
        %gather3A_874 = tpu.dynamic_gather %add3A_864[%gather3A_873] in [0] : vector<16xf32>, vector<16xi32> -> vector<16xf32>
        %add3A_875 = arith.addf %add3A_864, %gather3A_874 : vector<16xf32>
        %select_n3A_876 = arith.select %eq3A_831, %add3A_875, %scan3A_149 : vector<16xi1>, vector<16xf32>
        scf.yield %select_n3A_829, %select_n3A_876 : vector<16xf32>, vector<16xf32>
      }
      %scan3A_76 = arith.constant 16 : i32
      %max3A = arith.constant 0.000000e+00 : f32
      %max3A_77 = vector.broadcast %max3A : f32 to vector<16xf32>
      %max3A_78 = arith.maximumf %scan3A_75#0, %max3A_77 : vector<16xf32>
      %mul3A_79 = arith.constant 16 : i32
      %mul3A_80 = arith.muli %mul3A_43, %mul3A_79 : i32
      %swap3A = arith.index_cast %mul3A_80 : i32 to index
      %swap3A_81 = tpu.vector_load %arg13[%swap3A] {strides = array<i32>} : memref<5024xf32, #tpu.memory_space<vmem>>, vector<16xf32>,
      %swap3A_82 = vector.shape_cast %swap3A_81 : vector<16xf32> to vector<16xf32>
      %swap3A_83 = vector.shape_cast %max3A_78 : vector<16xf32> to vector<16xf32>
      tpu.vector_store %arg13[%swap3A], %swap3A_83 {strides = array<i32>} : memref<5024xf32, #tpu.memory_space<vmem>>, vector<16xf32>,
      %max3A_84 = arith.constant 0.000000e+00 : f32
      %max3A_85 = vector.broadcast %max3A_84 : f32 to vector<16xf32>
      %max3A_86 = arith.maximumf %scan3A_75#1, %max3A_85 : vector<16xf32>
      %mul3A_87 = arith.constant 16 : i32
      %mul3A_88 = arith.muli %mul3A_43, %mul3A_87 : i32
      %swap3A_89 = arith.index_cast %mul3A_88 : i32 to index
      %swap3A_90 = tpu.vector_load %arg14[%swap3A_89] {strides = array<i32>} : memref<5024xf32, #tpu.memory_space<vmem>>, vector<16xf32>,
      %swap3A_91 = vector.shape_cast %swap3A_90 : vector<16xf32> to vector<16xf32>
      %swap3A_92 = vector.shape_cast %max3A_86 : vector<16xf32> to vector<16xf32>
      tpu.vector_store %arg14[%swap3A_89], %swap3A_92 {strides = array<i32>} : memref<5024xf32, #tpu.memory_space<vmem>>, vector<16xf32>,
      %add3A_93 = arith.constant 2 : i32
      %add3A_94 = arith.addi %mul3A_43, %add3A_93 : i32
      %min3A_95 = arith.constant 313 : i32
      %min3A_96 = arith.minsi %add3A_94, %min3A_95 : i32
      %mul3A_97 = arith.constant 16 : i32
      %mul3A_98 = arith.muli %min3A_96, %mul3A_97 : i32
      %dma_start3A_99 = tpu.memref_slice %arg7[%mul3A_98] : memref<5024xi32, #tpu.memory_space<vmem>> -> memref<16xi32, #tpu.memory_space<vmem>>
      %dma_start3A_100 = arith.constant 0 : i32
      %dma_start3A_101 = arith.constant 0 : i32
      %dma_start3A_102 = tpu.memref_slice %arg2[%dma_start3A_100, %dma_start3A_101] : memref<10000x1024xf32, #tpu.memory_space<hbm>> -> memref<10000x1024xf32, #tpu.memory_space<hbm>>
      tpu.enqueue_indirect_dma source(%dma_start3A_102 : memref<10000x1024xf32, #tpu.memory_space<hbm>>) target(%arg9 : memref<16x1024xf32, #tpu.memory_space<vmem>>) offsets(%dma_start3A_99 : memref<16xi32, #tpu.memory_space<vmem>>) semaphore(%arg15 : memref<!tpu.dma_semaphore, #tpu.memory_space<semaphore_mem>>)
      %mul3A_103 = arith.constant 16 : i32
      %mul3A_104 = arith.muli %min3A_96, %mul3A_103 : i32
      %dma_start3A_105 = tpu.memref_slice %arg8[%mul3A_104] : memref<5024xi32, #tpu.memory_space<vmem>> -> memref<16xi32, #tpu.memory_space<vmem>>
      %dma_start3A_106 = arith.constant 0 : i32
      %dma_start3A_107 = arith.constant 0 : i32
      %dma_start3A_108 = tpu.memref_slice %arg2[%dma_start3A_106, %dma_start3A_107] : memref<10000x1024xf32, #tpu.memory_space<hbm>> -> memref<10000x1024xf32, #tpu.memory_space<hbm>>
      tpu.enqueue_indirect_dma source(%dma_start3A_108 : memref<10000x1024xf32, #tpu.memory_space<hbm>>) target(%arg10 : memref<16x1024xf32, #tpu.memory_space<vmem>>) offsets(%dma_start3A_105 : memref<16xi32, #tpu.memory_space<vmem>>) semaphore(%arg15 : memref<!tpu.dma_semaphore, #tpu.memory_space<semaphore_mem>>)
      %dma_wait3A_109 = arith.constant 0 : i32
      %dma_wait3A_110 = tpu.memref_slice %arg7[%dma_wait3A_109] : memref<5024xi32, #tpu.memory_space<vmem>> -> memref<16xi32, #tpu.memory_space<vmem>>
      %dma_wait3A_111 = arith.constant 0 : i32
      %dma_wait3A_112 = arith.constant 0 : i32
      %dma_wait3A_113 = tpu.memref_slice %arg2[%dma_wait3A_111, %dma_wait3A_112] : memref<10000x1024xf32, #tpu.memory_space<hbm>> -> memref<10000x1024xf32, #tpu.memory_space<hbm>>
      tpu.wait_indirect_dma semaphore(%arg16 : memref<!tpu.dma_semaphore, #tpu.memory_space<semaphore_mem>>) src(%dma_wait3A_113 : memref<10000x1024xf32, #tpu.memory_space<hbm>>) dst(%arg11 : memref<16x1024xf32, #tpu.memory_space<vmem>>)
      %dma_wait3A_114 = arith.constant 0 : i32
      %dma_wait3A_115 = tpu.memref_slice %arg8[%dma_wait3A_114] : memref<5024xi32, #tpu.memory_space<vmem>> -> memref<16xi32, #tpu.memory_space<vmem>>
      %dma_wait3A_116 = arith.constant 0 : i32
      %dma_wait3A_117 = arith.constant 0 : i32
      %dma_wait3A_118 = tpu.memref_slice %arg2[%dma_wait3A_116, %dma_wait3A_117] : memref<10000x1024xf32, #tpu.memory_space<hbm>> -> memref<10000x1024xf32, #tpu.memory_space<hbm>>
      tpu.wait_indirect_dma semaphore(%arg16 : memref<!tpu.dma_semaphore, #tpu.memory_space<semaphore_mem>>) src(%dma_wait3A_118 : memref<10000x1024xf32, #tpu.memory_space<hbm>>) dst(%arg12 : memref<16x1024xf32, #tpu.memory_space<vmem>>)
      %add3A_119 = arith.constant 1 : i32
      %add3A_120 = arith.addi %mul3A_43, %add3A_119 : i32
      %broadcast_in_dim3A_121 = arith.constant 0.000000e+00 : f32
      %broadcast_in_dim3A_122 = vector.broadcast %broadcast_in_dim3A_121 : f32 to vector<16xf32>
      %scan3A_123 = arith.constant 0 : i32
      %scan3A_124 = arith.constant 16 : i32
      %scan3A_125 = arith.addi %scan3A_123, %scan3A_124 : i32
      %scan3A_126 = arith.constant 1 : i32
      %scan3A_127:2 = scf.for %scan3A_147 = %scan3A_123 to %scan3A_125 step %scan3A_126 iter_args(%scan3A_148 = %broadcast_in_dim3A_122, %scan3A_149 = %broadcast_in_dim3A_122) -> (vector<16xf32>, vector<16xf32>)  : i32 {
        %get3A = arith.index_cast %scan3A_147 : i32 to index
        %get3A_150 = arith.constant 0 : index
        %get3A_151 = tpu.vector_load %arg11[%get3A, %get3A_150] {strides = array<i32>} : memref<16x1024xf32, #tpu.memory_space<vmem>>, vector<1x16xf32>,
        %get3A_152 = vector.shape_cast %get3A_151 : vector<1x16xf32> to vector<16xf32>
        %get3A_153 = arith.index_cast %scan3A_147 : i32 to index
        %get3A_154 = arith.constant 0 : index
        %get3A_155 = tpu.vector_load %arg12[%get3A_153, %get3A_154] {strides = array<i32>} : memref<16x1024xf32, #tpu.memory_space<vmem>>, vector<1x16xf32>,
        %get3A_156 = vector.shape_cast %get3A_155 : vector<1x16xf32> to vector<16xf32>
        %mul3A_157 = arith.mulf %get3A_152, %get3A_156 : vector<16xf32>
        %get3A_158 = arith.index_cast %scan3A_147 : i32 to index
        %get3A_159 = arith.constant 512 : index
        %get3A_160 = tpu.vector_load %arg11[%get3A_158, %get3A_159] {strides = array<i32>} : memref<16x1024xf32, #tpu.memory_space<vmem>>, vector<1x16xf32>,
        %get3A_161 = vector.shape_cast %get3A_160 : vector<1x16xf32> to vector<16xf32>
        %get3A_162 = arith.index_cast %scan3A_147 : i32 to index
        %get3A_163 = arith.constant 512 : index
        %get3A_164 = tpu.vector_load %arg12[%get3A_162, %get3A_163] {strides = array<i32>} : memref<16x1024xf32, #tpu.memory_space<vmem>>, vector<1x16xf32>,
        %get3A_165 = vector.shape_cast %get3A_164 : vector<1x16xf32> to vector<16xf32>
        %mul3A_166 = arith.mulf %get3A_161, %get3A_165 : vector<16xf32>
        %get3A_167 = arith.index_cast %scan3A_147 : i32 to index
        %get3A_168 = arith.constant 16 : index
        %get3A_169 = tpu.vector_load %arg11[%get3A_167, %get3A_168] {strides = array<i32>} : memref<16x1024xf32, #tpu.memory_space<vmem>>, vector<1x16xf32>,
        %get3A_170 = vector.shape_cast %get3A_169 : vector<1x16xf32> to vector<16xf32>
        %get3A_171 = arith.index_cast %scan3A_147 : i32 to index
        %get3A_172 = arith.constant 16 : index
        %get3A_173 = tpu.vector_load %arg12[%get3A_171, %get3A_172] {strides = array<i32>} : memref<16x1024xf32, #tpu.memory_space<vmem>>, vector<1x16xf32>,
        %get3A_174 = vector.shape_cast %get3A_173 : vector<1x16xf32> to vector<16xf32>
        %mul3A_175 = arith.mulf %get3A_170, %get3A_174 : vector<16xf32>
        %add3A_176 = arith.addf %mul3A_157, %mul3A_175 : vector<16xf32>
        %get3A_177 = arith.index_cast %scan3A_147 : i32 to index
        %get3A_178 = arith.constant 528 : index
        %get3A_179 = tpu.vector_load %arg11[%get3A_177, %get3A_178] {strides = array<i32>} : memref<16x1024xf32, #tpu.memory_space<vmem>>, vector<1x16xf32>,
        %get3A_180 = vector.shape_cast %get3A_179 : vector<1x16xf32> to vector<16xf32>
        %get3A_181 = arith.index_cast %scan3A_147 : i32 to index
        %get3A_182 = arith.constant 528 : index
        %get3A_183 = tpu.vector_load %arg12[%get3A_181, %get3A_182] {strides = array<i32>} : memref<16x1024xf32, #tpu.memory_space<vmem>>, vector<1x16xf32>,
        %get3A_184 = vector.shape_cast %get3A_183 : vector<1x16xf32> to vector<16xf32>
        %mul3A_185 = arith.mulf %get3A_180, %get3A_184 : vector<16xf32>
        %add3A_186 = arith.addf %mul3A_166, %mul3A_185 : vector<16xf32>
        %get3A_187 = arith.index_cast %scan3A_147 : i32 to index
        %get3A_188 = arith.constant 32 : index
        %get3A_189 = tpu.vector_load %arg11[%get3A_187, %get3A_188] {strides = array<i32>} : memref<16x1024xf32, #tpu.memory_space<vmem>>, vector<1x16xf32>,
        %get3A_190 = vector.shape_cast %get3A_189 : vector<1x16xf32> to vector<16xf32>
        %get3A_191 = arith.index_cast %scan3A_147 : i32 to index
        %get3A_192 = arith.constant 32 : index
        %get3A_193 = tpu.vector_load %arg12[%get3A_191, %get3A_192] {strides = array<i32>} : memref<16x1024xf32, #tpu.memory_space<vmem>>, vector<1x16xf32>,
        %get3A_194 = vector.shape_cast %get3A_193 : vector<1x16xf32> to vector<16xf32>
        %mul3A_195 = arith.mulf %get3A_190, %get3A_194 : vector<16xf32>
        %add3A_196 = arith.addf %add3A_176, %mul3A_195 : vector<16xf32>
        %get3A_197 = arith.index_cast %scan3A_147 : i32 to index
        %get3A_198 = arith.constant 544 : index
        %get3A_199 = tpu.vector_load %arg11[%get3A_197, %get3A_198] {strides = array<i32>} : memref<16x1024xf32, #tpu.memory_space<vmem>>, vector<1x16xf32>,
        %get3A_200 = vector.shape_cast %get3A_199 : vector<1x16xf32> to vector<16xf32>
        %get3A_201 = arith.index_cast %scan3A_147 : i32 to index
        %get3A_202 = arith.constant 544 : index
        %get3A_203 = tpu.vector_load %arg12[%get3A_201, %get3A_202] {strides = array<i32>} : memref<16x1024xf32, #tpu.memory_space<vmem>>, vector<1x16xf32>,
        %get3A_204 = vector.shape_cast %get3A_203 : vector<1x16xf32> to vector<16xf32>
        %mul3A_205 = arith.mulf %get3A_200, %get3A_204 : vector<16xf32>
        %add3A_206 = arith.addf %add3A_186, %mul3A_205 : vector<16xf32>
        %get3A_207 = arith.index_cast %scan3A_147 : i32 to index
        %get3A_208 = arith.constant 48 : index
        %get3A_209 = tpu.vector_load %arg11[%get3A_207, %get3A_208] {strides = array<i32>} : memref<16x1024xf32, #tpu.memory_space<vmem>>, vector<1x16xf32>,
        %get3A_210 = vector.shape_cast %get3A_209 : vector<1x16xf32> to vector<16xf32>
        %get3A_211 = arith.index_cast %scan3A_147 : i32 to index
        %get3A_212 = arith.constant 48 : index
        %get3A_213 = tpu.vector_load %arg12[%get3A_211, %get3A_212] {strides = array<i32>} : memref<16x1024xf32, #tpu.memory_space<vmem>>, vector<1x16xf32>,
        %get3A_214 = vector.shape_cast %get3A_213 : vector<1x16xf32> to vector<16xf32>
        %mul3A_215 = arith.mulf %get3A_210, %get3A_214 : vector<16xf32>
        %add3A_216 = arith.addf %add3A_196, %mul3A_215 : vector<16xf32>
        %get3A_217 = arith.index_cast %scan3A_147 : i32 to index
        %get3A_218 = arith.constant 560 : index
        %get3A_219 = tpu.vector_load %arg11[%get3A_217, %get3A_218] {strides = array<i32>} : memref<16x1024xf32, #tpu.memory_space<vmem>>, vector<1x16xf32>,
        %get3A_220 = vector.shape_cast %get3A_219 : vector<1x16xf32> to vector<16xf32>
        %get3A_221 = arith.index_cast %scan3A_147 : i32 to index
        %get3A_222 = arith.constant 560 : index
        %get3A_223 = tpu.vector_load %arg12[%get3A_221, %get3A_222] {strides = array<i32>} : memref<16x1024xf32, #tpu.memory_space<vmem>>, vector<1x16xf32>,
        %get3A_224 = vector.shape_cast %get3A_223 : vector<1x16xf32> to vector<16xf32>
        %mul3A_225 = arith.mulf %get3A_220, %get3A_224 : vector<16xf32>
        %add3A_226 = arith.addf %add3A_206, %mul3A_225 : vector<16xf32>
        %get3A_227 = arith.index_cast %scan3A_147 : i32 to index
        %get3A_228 = arith.constant 64 : index
        %get3A_229 = tpu.vector_load %arg11[%get3A_227, %get3A_228] {strides = array<i32>} : memref<16x1024xf32, #tpu.memory_space<vmem>>, vector<1x16xf32>,
        %get3A_230 = vector.shape_cast %get3A_229 : vector<1x16xf32> to vector<16xf32>
        %get3A_231 = arith.index_cast %scan3A_147 : i32 to index
        %get3A_232 = arith.constant 64 : index
        %get3A_233 = tpu.vector_load %arg12[%get3A_231, %get3A_232] {strides = array<i32>} : memref<16x1024xf32, #tpu.memory_space<vmem>>, vector<1x16xf32>,
        %get3A_234 = vector.shape_cast %get3A_233 : vector<1x16xf32> to vector<16xf32>
        %mul3A_235 = arith.mulf %get3A_230, %get3A_234 : vector<16xf32>
        %add3A_236 = arith.addf %add3A_216, %mul3A_235 : vector<16xf32>
        %get3A_237 = arith.index_cast %scan3A_147 : i32 to index
        %get3A_238 = arith.constant 576 : index
        %get3A_239 = tpu.vector_load %arg11[%get3A_237, %get3A_238] {strides = array<i32>} : memref<16x1024xf32, #tpu.memory_space<vmem>>, vector<1x16xf32>,
        %get3A_240 = vector.shape_cast %get3A_239 : vector<1x16xf32> to vector<16xf32>
        %get3A_241 = arith.index_cast %scan3A_147 : i32 to index
        %get3A_242 = arith.constant 576 : index
        %get3A_243 = tpu.vector_load %arg12[%get3A_241, %get3A_242] {strides = array<i32>} : memref<16x1024xf32, #tpu.memory_space<vmem>>, vector<1x16xf32>,
        %get3A_244 = vector.shape_cast %get3A_243 : vector<1x16xf32> to vector<16xf32>
        %mul3A_245 = arith.mulf %get3A_240, %get3A_244 : vector<16xf32>
        %add3A_246 = arith.addf %add3A_226, %mul3A_245 : vector<16xf32>
        %get3A_247 = arith.index_cast %scan3A_147 : i32 to index
        %get3A_248 = arith.constant 80 : index
        %get3A_249 = tpu.vector_load %arg11[%get3A_247, %get3A_248] {strides = array<i32>} : memref<16x1024xf32, #tpu.memory_space<vmem>>, vector<1x16xf32>,
        %get3A_250 = vector.shape_cast %get3A_249 : vector<1x16xf32> to vector<16xf32>
        %get3A_251 = arith.index_cast %scan3A_147 : i32 to index
        %get3A_252 = arith.constant 80 : index
        %get3A_253 = tpu.vector_load %arg12[%get3A_251, %get3A_252] {strides = array<i32>} : memref<16x1024xf32, #tpu.memory_space<vmem>>, vector<1x16xf32>,
        %get3A_254 = vector.shape_cast %get3A_253 : vector<1x16xf32> to vector<16xf32>
        %mul3A_255 = arith.mulf %get3A_250, %get3A_254 : vector<16xf32>
        %add3A_256 = arith.addf %add3A_236, %mul3A_255 : vector<16xf32>
        %get3A_257 = arith.index_cast %scan3A_147 : i32 to index
        %get3A_258 = arith.constant 592 : index
        %get3A_259 = tpu.vector_load %arg11[%get3A_257, %get3A_258] {strides = array<i32>} : memref<16x1024xf32, #tpu.memory_space<vmem>>, vector<1x16xf32>,
        %get3A_260 = vector.shape_cast %get3A_259 : vector<1x16xf32> to vector<16xf32>
        %get3A_261 = arith.index_cast %scan3A_147 : i32 to index
        %get3A_262 = arith.constant 592 : index
        %get3A_263 = tpu.vector_load %arg12[%get3A_261, %get3A_262] {strides = array<i32>} : memref<16x1024xf32, #tpu.memory_space<vmem>>, vector<1x16xf32>,
        %get3A_264 = vector.shape_cast %get3A_263 : vector<1x16xf32> to vector<16xf32>
        %mul3A_265 = arith.mulf %get3A_260, %get3A_264 : vector<16xf32>
        %add3A_266 = arith.addf %add3A_246, %mul3A_265 : vector<16xf32>
        %get3A_267 = arith.index_cast %scan3A_147 : i32 to index
        %get3A_268 = arith.constant 96 : index
        %get3A_269 = tpu.vector_load %arg11[%get3A_267, %get3A_268] {strides = array<i32>} : memref<16x1024xf32, #tpu.memory_space<vmem>>, vector<1x16xf32>,
        %get3A_270 = vector.shape_cast %get3A_269 : vector<1x16xf32> to vector<16xf32>
        %get3A_271 = arith.index_cast %scan3A_147 : i32 to index
        %get3A_272 = arith.constant 96 : index
        %get3A_273 = tpu.vector_load %arg12[%get3A_271, %get3A_272] {strides = array<i32>} : memref<16x1024xf32, #tpu.memory_space<vmem>>, vector<1x16xf32>,
        %get3A_274 = vector.shape_cast %get3A_273 : vector<1x16xf32> to vector<16xf32>
        %mul3A_275 = arith.mulf %get3A_270, %get3A_274 : vector<16xf32>
        %add3A_276 = arith.addf %add3A_256, %mul3A_275 : vector<16xf32>
        %get3A_277 = arith.index_cast %scan3A_147 : i32 to index
        %get3A_278 = arith.constant 608 : index
        %get3A_279 = tpu.vector_load %arg11[%get3A_277, %get3A_278] {strides = array<i32>} : memref<16x1024xf32, #tpu.memory_space<vmem>>, vector<1x16xf32>,
        %get3A_280 = vector.shape_cast %get3A_279 : vector<1x16xf32> to vector<16xf32>
        %get3A_281 = arith.index_cast %scan3A_147 : i32 to index
        %get3A_282 = arith.constant 608 : index
        %get3A_283 = tpu.vector_load %arg12[%get3A_281, %get3A_282] {strides = array<i32>} : memref<16x1024xf32, #tpu.memory_space<vmem>>, vector<1x16xf32>,
        %get3A_284 = vector.shape_cast %get3A_283 : vector<1x16xf32> to vector<16xf32>
        %mul3A_285 = arith.mulf %get3A_280, %get3A_284 : vector<16xf32>
        %add3A_286 = arith.addf %add3A_266, %mul3A_285 : vector<16xf32>
        %get3A_287 = arith.index_cast %scan3A_147 : i32 to index
        %get3A_288 = arith.constant 112 : index
        %get3A_289 = tpu.vector_load %arg11[%get3A_287, %get3A_288] {strides = array<i32>} : memref<16x1024xf32, #tpu.memory_space<vmem>>, vector<1x16xf32>,
        %get3A_290 = vector.shape_cast %get3A_289 : vector<1x16xf32> to vector<16xf32>
        %get3A_291 = arith.index_cast %scan3A_147 : i32 to index
        %get3A_292 = arith.constant 112 : index
        %get3A_293 = tpu.vector_load %arg12[%get3A_291, %get3A_292] {strides = array<i32>} : memref<16x1024xf32, #tpu.memory_space<vmem>>, vector<1x16xf32>,
        %get3A_294 = vector.shape_cast %get3A_293 : vector<1x16xf32> to vector<16xf32>
        %mul3A_295 = arith.mulf %get3A_290, %get3A_294 : vector<16xf32>
        %add3A_296 = arith.addf %add3A_276, %mul3A_295 : vector<16xf32>
        %get3A_297 = arith.index_cast %scan3A_147 : i32 to index
        %get3A_298 = arith.constant 624 : index
        %get3A_299 = tpu.vector_load %arg11[%get3A_297, %get3A_298] {strides = array<i32>} : memref<16x1024xf32, #tpu.memory_space<vmem>>, vector<1x16xf32>,
        %get3A_300 = vector.shape_cast %get3A_299 : vector<1x16xf32> to vector<16xf32>
        %get3A_301 = arith.index_cast %scan3A_147 : i32 to index
        %get3A_302 = arith.constant 624 : index
        %get3A_303 = tpu.vector_load %arg12[%get3A_301, %get3A_302] {strides = array<i32>} : memref<16x1024xf32, #tpu.memory_space<vmem>>, vector<1x16xf32>,
        %get3A_304 = vector.shape_cast %get3A_303 : vector<1x16xf32> to vector<16xf32>
        %mul3A_305 = arith.mulf %get3A_300, %get3A_304 : vector<16xf32>
        %add3A_306 = arith.addf %add3A_286, %mul3A_305 : vector<16xf32>
        %get3A_307 = arith.index_cast %scan3A_147 : i32 to index
        %get3A_308 = arith.constant 128 : index
        %get3A_309 = tpu.vector_load %arg11[%get3A_307, %get3A_308] {strides = array<i32>} : memref<16x1024xf32, #tpu.memory_space<vmem>>, vector<1x16xf32>,
        %get3A_310 = vector.shape_cast %get3A_309 : vector<1x16xf32> to vector<16xf32>
        %get3A_311 = arith.index_cast %scan3A_147 : i32 to index
        %get3A_312 = arith.constant 128 : index
        %get3A_313 = tpu.vector_load %arg12[%get3A_311, %get3A_312] {strides = array<i32>} : memref<16x1024xf32, #tpu.memory_space<vmem>>, vector<1x16xf32>,
        %get3A_314 = vector.shape_cast %get3A_313 : vector<1x16xf32> to vector<16xf32>
        %mul3A_315 = arith.mulf %get3A_310, %get3A_314 : vector<16xf32>
        %add3A_316 = arith.addf %add3A_296, %mul3A_315 : vector<16xf32>
        %get3A_317 = arith.index_cast %scan3A_147 : i32 to index
        %get3A_318 = arith.constant 640 : index
        %get3A_319 = tpu.vector_load %arg11[%get3A_317, %get3A_318] {strides = array<i32>} : memref<16x1024xf32, #tpu.memory_space<vmem>>, vector<1x16xf32>,
        %get3A_320 = vector.shape_cast %get3A_319 : vector<1x16xf32> to vector<16xf32>
        %get3A_321 = arith.index_cast %scan3A_147 : i32 to index
        %get3A_322 = arith.constant 640 : index
        %get3A_323 = tpu.vector_load %arg12[%get3A_321, %get3A_322] {strides = array<i32>} : memref<16x1024xf32, #tpu.memory_space<vmem>>, vector<1x16xf32>,
        %get3A_324 = vector.shape_cast %get3A_323 : vector<1x16xf32> to vector<16xf32>
        %mul3A_325 = arith.mulf %get3A_320, %get3A_324 : vector<16xf32>
        %add3A_326 = arith.addf %add3A_306, %mul3A_325 : vector<16xf32>
        %get3A_327 = arith.index_cast %scan3A_147 : i32 to index
        %get3A_328 = arith.constant 144 : index
        %get3A_329 = tpu.vector_load %arg11[%get3A_327, %get3A_328] {strides = array<i32>} : memref<16x1024xf32, #tpu.memory_space<vmem>>, vector<1x16xf32>,
        %get3A_330 = vector.shape_cast %get3A_329 : vector<1x16xf32> to vector<16xf32>
        %get3A_331 = arith.index_cast %scan3A_147 : i32 to index
        %get3A_332 = arith.constant 144 : index
        %get3A_333 = tpu.vector_load %arg12[%get3A_331, %get3A_332] {strides = array<i32>} : memref<16x1024xf32, #tpu.memory_space<vmem>>, vector<1x16xf32>,
        %get3A_334 = vector.shape_cast %get3A_333 : vector<1x16xf32> to vector<16xf32>
        %mul3A_335 = arith.mulf %get3A_330, %get3A_334 : vector<16xf32>
        %add3A_336 = arith.addf %add3A_316, %mul3A_335 : vector<16xf32>
        %get3A_337 = arith.index_cast %scan3A_147 : i32 to index
        %get3A_338 = arith.constant 656 : index
        %get3A_339 = tpu.vector_load %arg11[%get3A_337, %get3A_338] {strides = array<i32>} : memref<16x1024xf32, #tpu.memory_space<vmem>>, vector<1x16xf32>,
        %get3A_340 = vector.shape_cast %get3A_339 : vector<1x16xf32> to vector<16xf32>
        %get3A_341 = arith.index_cast %scan3A_147 : i32 to index
        %get3A_342 = arith.constant 656 : index
        %get3A_343 = tpu.vector_load %arg12[%get3A_341, %get3A_342] {strides = array<i32>} : memref<16x1024xf32, #tpu.memory_space<vmem>>, vector<1x16xf32>,
        %get3A_344 = vector.shape_cast %get3A_343 : vector<1x16xf32> to vector<16xf32>
        %mul3A_345 = arith.mulf %get3A_340, %get3A_344 : vector<16xf32>
        %add3A_346 = arith.addf %add3A_326, %mul3A_345 : vector<16xf32>
        %get3A_347 = arith.index_cast %scan3A_147 : i32 to index
        %get3A_348 = arith.constant 160 : index
        %get3A_349 = tpu.vector_load %arg11[%get3A_347, %get3A_348] {strides = array<i32>} : memref<16x1024xf32, #tpu.memory_space<vmem>>, vector<1x16xf32>,
        %get3A_350 = vector.shape_cast %get3A_349 : vector<1x16xf32> to vector<16xf32>
        %get3A_351 = arith.index_cast %scan3A_147 : i32 to index
        %get3A_352 = arith.constant 160 : index
        %get3A_353 = tpu.vector_load %arg12[%get3A_351, %get3A_352] {strides = array<i32>} : memref<16x1024xf32, #tpu.memory_space<vmem>>, vector<1x16xf32>,
        %get3A_354 = vector.shape_cast %get3A_353 : vector<1x16xf32> to vector<16xf32>
        %mul3A_355 = arith.mulf %get3A_350, %get3A_354 : vector<16xf32>
        %add3A_356 = arith.addf %add3A_336, %mul3A_355 : vector<16xf32>
        %get3A_357 = arith.index_cast %scan3A_147 : i32 to index
        %get3A_358 = arith.constant 672 : index
        %get3A_359 = tpu.vector_load %arg11[%get3A_357, %get3A_358] {strides = array<i32>} : memref<16x1024xf32, #tpu.memory_space<vmem>>, vector<1x16xf32>,
        %get3A_360 = vector.shape_cast %get3A_359 : vector<1x16xf32> to vector<16xf32>
        %get3A_361 = arith.index_cast %scan3A_147 : i32 to index
        %get3A_362 = arith.constant 672 : index
        %get3A_363 = tpu.vector_load %arg12[%get3A_361, %get3A_362] {strides = array<i32>} : memref<16x1024xf32, #tpu.memory_space<vmem>>, vector<1x16xf32>,
        %get3A_364 = vector.shape_cast %get3A_363 : vector<1x16xf32> to vector<16xf32>
        %mul3A_365 = arith.mulf %get3A_360, %get3A_364 : vector<16xf32>
        %add3A_366 = arith.addf %add3A_346, %mul3A_365 : vector<16xf32>
        %get3A_367 = arith.index_cast %scan3A_147 : i32 to index
        %get3A_368 = arith.constant 176 : index
        %get3A_369 = tpu.vector_load %arg11[%get3A_367, %get3A_368] {strides = array<i32>} : memref<16x1024xf32, #tpu.memory_space<vmem>>, vector<1x16xf32>,
        %get3A_370 = vector.shape_cast %get3A_369 : vector<1x16xf32> to vector<16xf32>
        %get3A_371 = arith.index_cast %scan3A_147 : i32 to index
        %get3A_372 = arith.constant 176 : index
        %get3A_373 = tpu.vector_load %arg12[%get3A_371, %get3A_372] {strides = array<i32>} : memref<16x1024xf32, #tpu.memory_space<vmem>>, vector<1x16xf32>,
        %get3A_374 = vector.shape_cast %get3A_373 : vector<1x16xf32> to vector<16xf32>
        %mul3A_375 = arith.mulf %get3A_370, %get3A_374 : vector<16xf32>
        %add3A_376 = arith.addf %add3A_356, %mul3A_375 : vector<16xf32>
        %get3A_377 = arith.index_cast %scan3A_147 : i32 to index
        %get3A_378 = arith.constant 688 : index
        %get3A_379 = tpu.vector_load %arg11[%get3A_377, %get3A_378] {strides = array<i32>} : memref<16x1024xf32, #tpu.memory_space<vmem>>, vector<1x16xf32>,
        %get3A_380 = vector.shape_cast %get3A_379 : vector<1x16xf32> to vector<16xf32>
        %get3A_381 = arith.index_cast %scan3A_147 : i32 to index
        %get3A_382 = arith.constant 688 : index
        %get3A_383 = tpu.vector_load %arg12[%get3A_381, %get3A_382] {strides = array<i32>} : memref<16x1024xf32, #tpu.memory_space<vmem>>, vector<1x16xf32>,
        %get3A_384 = vector.shape_cast %get3A_383 : vector<1x16xf32> to vector<16xf32>
        %mul3A_385 = arith.mulf %get3A_380, %get3A_384 : vector<16xf32>
        %add3A_386 = arith.addf %add3A_366, %mul3A_385 : vector<16xf32>
        %get3A_387 = arith.index_cast %scan3A_147 : i32 to index
        %get3A_388 = arith.constant 192 : index
        %get3A_389 = tpu.vector_load %arg11[%get3A_387, %get3A_388] {strides = array<i32>} : memref<16x1024xf32, #tpu.memory_space<vmem>>, vector<1x16xf32>,
        %get3A_390 = vector.shape_cast %get3A_389 : vector<1x16xf32> to vector<16xf32>
        %get3A_391 = arith.index_cast %scan3A_147 : i32 to index
        %get3A_392 = arith.constant 192 : index
        %get3A_393 = tpu.vector_load %arg12[%get3A_391, %get3A_392] {strides = array<i32>} : memref<16x1024xf32, #tpu.memory_space<vmem>>, vector<1x16xf32>,
        %get3A_394 = vector.shape_cast %get3A_393 : vector<1x16xf32> to vector<16xf32>
        %mul3A_395 = arith.mulf %get3A_390, %get3A_394 : vector<16xf32>
        %add3A_396 = arith.addf %add3A_376, %mul3A_395 : vector<16xf32>
        %get3A_397 = arith.index_cast %scan3A_147 : i32 to index
        %get3A_398 = arith.constant 704 : index
        %get3A_399 = tpu.vector_load %arg11[%get3A_397, %get3A_398] {strides = array<i32>} : memref<16x1024xf32, #tpu.memory_space<vmem>>, vector<1x16xf32>,
        %get3A_400 = vector.shape_cast %get3A_399 : vector<1x16xf32> to vector<16xf32>
        %get3A_401 = arith.index_cast %scan3A_147 : i32 to index
        %get3A_402 = arith.constant 704 : index
        %get3A_403 = tpu.vector_load %arg12[%get3A_401, %get3A_402] {strides = array<i32>} : memref<16x1024xf32, #tpu.memory_space<vmem>>, vector<1x16xf32>,
        %get3A_404 = vector.shape_cast %get3A_403 : vector<1x16xf32> to vector<16xf32>
        %mul3A_405 = arith.mulf %get3A_400, %get3A_404 : vector<16xf32>
        %add3A_406 = arith.addf %add3A_386, %mul3A_405 : vector<16xf32>
        %get3A_407 = arith.index_cast %scan3A_147 : i32 to index
        %get3A_408 = arith.constant 208 : index
        %get3A_409 = tpu.vector_load %arg11[%get3A_407, %get3A_408] {strides = array<i32>} : memref<16x1024xf32, #tpu.memory_space<vmem>>, vector<1x16xf32>,
        %get3A_410 = vector.shape_cast %get3A_409 : vector<1x16xf32> to vector<16xf32>
        %get3A_411 = arith.index_cast %scan3A_147 : i32 to index
        %get3A_412 = arith.constant 208 : index
        %get3A_413 = tpu.vector_load %arg12[%get3A_411, %get3A_412] {strides = array<i32>} : memref<16x1024xf32, #tpu.memory_space<vmem>>, vector<1x16xf32>,
        %get3A_414 = vector.shape_cast %get3A_413 : vector<1x16xf32> to vector<16xf32>
        %mul3A_415 = arith.mulf %get3A_410, %get3A_414 : vector<16xf32>
        %add3A_416 = arith.addf %add3A_396, %mul3A_415 : vector<16xf32>
        %get3A_417 = arith.index_cast %scan3A_147 : i32 to index
        %get3A_418 = arith.constant 720 : index
        %get3A_419 = tpu.vector_load %arg11[%get3A_417, %get3A_418] {strides = array<i32>} : memref<16x1024xf32, #tpu.memory_space<vmem>>, vector<1x16xf32>,
        %get3A_420 = vector.shape_cast %get3A_419 : vector<1x16xf32> to vector<16xf32>
        %get3A_421 = arith.index_cast %scan3A_147 : i32 to index
        %get3A_422 = arith.constant 720 : index
        %get3A_423 = tpu.vector_load %arg12[%get3A_421, %get3A_422] {strides = array<i32>} : memref<16x1024xf32, #tpu.memory_space<vmem>>, vector<1x16xf32>,
        %get3A_424 = vector.shape_cast %get3A_423 : vector<1x16xf32> to vector<16xf32>
        %mul3A_425 = arith.mulf %get3A_420, %get3A_424 : vector<16xf32>
        %add3A_426 = arith.addf %add3A_406, %mul3A_425 : vector<16xf32>
        %get3A_427 = arith.index_cast %scan3A_147 : i32 to index
        %get3A_428 = arith.constant 224 : index
        %get3A_429 = tpu.vector_load %arg11[%get3A_427, %get3A_428] {strides = array<i32>} : memref<16x1024xf32, #tpu.memory_space<vmem>>, vector<1x16xf32>,
        %get3A_430 = vector.shape_cast %get3A_429 : vector<1x16xf32> to vector<16xf32>
        %get3A_431 = arith.index_cast %scan3A_147 : i32 to index
        %get3A_432 = arith.constant 224 : index
        %get3A_433 = tpu.vector_load %arg12[%get3A_431, %get3A_432] {strides = array<i32>} : memref<16x1024xf32, #tpu.memory_space<vmem>>, vector<1x16xf32>,
        %get3A_434 = vector.shape_cast %get3A_433 : vector<1x16xf32> to vector<16xf32>
        %mul3A_435 = arith.mulf %get3A_430, %get3A_434 : vector<16xf32>
        %add3A_436 = arith.addf %add3A_416, %mul3A_435 : vector<16xf32>
        %get3A_437 = arith.index_cast %scan3A_147 : i32 to index
        %get3A_438 = arith.constant 736 : index
        %get3A_439 = tpu.vector_load %arg11[%get3A_437, %get3A_438] {strides = array<i32>} : memref<16x1024xf32, #tpu.memory_space<vmem>>, vector<1x16xf32>,
        %get3A_440 = vector.shape_cast %get3A_439 : vector<1x16xf32> to vector<16xf32>
        %get3A_441 = arith.index_cast %scan3A_147 : i32 to index
        %get3A_442 = arith.constant 736 : index
        %get3A_443 = tpu.vector_load %arg12[%get3A_441, %get3A_442] {strides = array<i32>} : memref<16x1024xf32, #tpu.memory_space<vmem>>, vector<1x16xf32>,
        %get3A_444 = vector.shape_cast %get3A_443 : vector<1x16xf32> to vector<16xf32>
        %mul3A_445 = arith.mulf %get3A_440, %get3A_444 : vector<16xf32>
        %add3A_446 = arith.addf %add3A_426, %mul3A_445 : vector<16xf32>
        %get3A_447 = arith.index_cast %scan3A_147 : i32 to index
        %get3A_448 = arith.constant 240 : index
        %get3A_449 = tpu.vector_load %arg11[%get3A_447, %get3A_448] {strides = array<i32>} : memref<16x1024xf32, #tpu.memory_space<vmem>>, vector<1x16xf32>,
        %get3A_450 = vector.shape_cast %get3A_449 : vector<1x16xf32> to vector<16xf32>
        %get3A_451 = arith.index_cast %scan3A_147 : i32 to index
        %get3A_452 = arith.constant 240 : index
        %get3A_453 = tpu.vector_load %arg12[%get3A_451, %get3A_452] {strides = array<i32>} : memref<16x1024xf32, #tpu.memory_space<vmem>>, vector<1x16xf32>,
        %get3A_454 = vector.shape_cast %get3A_453 : vector<1x16xf32> to vector<16xf32>
        %mul3A_455 = arith.mulf %get3A_450, %get3A_454 : vector<16xf32>
        %add3A_456 = arith.addf %add3A_436, %mul3A_455 : vector<16xf32>
        %get3A_457 = arith.index_cast %scan3A_147 : i32 to index
        %get3A_458 = arith.constant 752 : index
        %get3A_459 = tpu.vector_load %arg11[%get3A_457, %get3A_458] {strides = array<i32>} : memref<16x1024xf32, #tpu.memory_space<vmem>>, vector<1x16xf32>,
        %get3A_460 = vector.shape_cast %get3A_459 : vector<1x16xf32> to vector<16xf32>
        %get3A_461 = arith.index_cast %scan3A_147 : i32 to index
        %get3A_462 = arith.constant 752 : index
        %get3A_463 = tpu.vector_load %arg12[%get3A_461, %get3A_462] {strides = array<i32>} : memref<16x1024xf32, #tpu.memory_space<vmem>>, vector<1x16xf32>,
        %get3A_464 = vector.shape_cast %get3A_463 : vector<1x16xf32> to vector<16xf32>
        %mul3A_465 = arith.mulf %get3A_460, %get3A_464 : vector<16xf32>
        %add3A_466 = arith.addf %add3A_446, %mul3A_465 : vector<16xf32>
        %get3A_467 = arith.index_cast %scan3A_147 : i32 to index
        %get3A_468 = arith.constant 256 : index
        %get3A_469 = tpu.vector_load %arg11[%get3A_467, %get3A_468] {strides = array<i32>} : memref<16x1024xf32, #tpu.memory_space<vmem>>, vector<1x16xf32>,
        %get3A_470 = vector.shape_cast %get3A_469 : vector<1x16xf32> to vector<16xf32>
        %get3A_471 = arith.index_cast %scan3A_147 : i32 to index
        %get3A_472 = arith.constant 256 : index
        %get3A_473 = tpu.vector_load %arg12[%get3A_471, %get3A_472] {strides = array<i32>} : memref<16x1024xf32, #tpu.memory_space<vmem>>, vector<1x16xf32>,
        %get3A_474 = vector.shape_cast %get3A_473 : vector<1x16xf32> to vector<16xf32>
        %mul3A_475 = arith.mulf %get3A_470, %get3A_474 : vector<16xf32>
        %add3A_476 = arith.addf %add3A_456, %mul3A_475 : vector<16xf32>
        %get3A_477 = arith.index_cast %scan3A_147 : i32 to index
        %get3A_478 = arith.constant 768 : index
        %get3A_479 = tpu.vector_load %arg11[%get3A_477, %get3A_478] {strides = array<i32>} : memref<16x1024xf32, #tpu.memory_space<vmem>>, vector<1x16xf32>,
        %get3A_480 = vector.shape_cast %get3A_479 : vector<1x16xf32> to vector<16xf32>
        %get3A_481 = arith.index_cast %scan3A_147 : i32 to index
        %get3A_482 = arith.constant 768 : index
        %get3A_483 = tpu.vector_load %arg12[%get3A_481, %get3A_482] {strides = array<i32>} : memref<16x1024xf32, #tpu.memory_space<vmem>>, vector<1x16xf32>,
        %get3A_484 = vector.shape_cast %get3A_483 : vector<1x16xf32> to vector<16xf32>
        %mul3A_485 = arith.mulf %get3A_480, %get3A_484 : vector<16xf32>
        %add3A_486 = arith.addf %add3A_466, %mul3A_485 : vector<16xf32>
        %get3A_487 = arith.index_cast %scan3A_147 : i32 to index
        %get3A_488 = arith.constant 272 : index
        %get3A_489 = tpu.vector_load %arg11[%get3A_487, %get3A_488] {strides = array<i32>} : memref<16x1024xf32, #tpu.memory_space<vmem>>, vector<1x16xf32>,
        %get3A_490 = vector.shape_cast %get3A_489 : vector<1x16xf32> to vector<16xf32>
        %get3A_491 = arith.index_cast %scan3A_147 : i32 to index
        %get3A_492 = arith.constant 272 : index
        %get3A_493 = tpu.vector_load %arg12[%get3A_491, %get3A_492] {strides = array<i32>} : memref<16x1024xf32, #tpu.memory_space<vmem>>, vector<1x16xf32>,
        %get3A_494 = vector.shape_cast %get3A_493 : vector<1x16xf32> to vector<16xf32>
        %mul3A_495 = arith.mulf %get3A_490, %get3A_494 : vector<16xf32>
        %add3A_496 = arith.addf %add3A_476, %mul3A_495 : vector<16xf32>
        %get3A_497 = arith.index_cast %scan3A_147 : i32 to index
        %get3A_498 = arith.constant 784 : index
        %get3A_499 = tpu.vector_load %arg11[%get3A_497, %get3A_498] {strides = array<i32>} : memref<16x1024xf32, #tpu.memory_space<vmem>>, vector<1x16xf32>,
        %get3A_500 = vector.shape_cast %get3A_499 : vector<1x16xf32> to vector<16xf32>
        %get3A_501 = arith.index_cast %scan3A_147 : i32 to index
        %get3A_502 = arith.constant 784 : index
        %get3A_503 = tpu.vector_load %arg12[%get3A_501, %get3A_502] {strides = array<i32>} : memref<16x1024xf32, #tpu.memory_space<vmem>>, vector<1x16xf32>,
        %get3A_504 = vector.shape_cast %get3A_503 : vector<1x16xf32> to vector<16xf32>
        %mul3A_505 = arith.mulf %get3A_500, %get3A_504 : vector<16xf32>
        %add3A_506 = arith.addf %add3A_486, %mul3A_505 : vector<16xf32>
        %get3A_507 = arith.index_cast %scan3A_147 : i32 to index
        %get3A_508 = arith.constant 288 : index
        %get3A_509 = tpu.vector_load %arg11[%get3A_507, %get3A_508] {strides = array<i32>} : memref<16x1024xf32, #tpu.memory_space<vmem>>, vector<1x16xf32>,
        %get3A_510 = vector.shape_cast %get3A_509 : vector<1x16xf32> to vector<16xf32>
        %get3A_511 = arith.index_cast %scan3A_147 : i32 to index
        %get3A_512 = arith.constant 288 : index
        %get3A_513 = tpu.vector_load %arg12[%get3A_511, %get3A_512] {strides = array<i32>} : memref<16x1024xf32, #tpu.memory_space<vmem>>, vector<1x16xf32>,
        %get3A_514 = vector.shape_cast %get3A_513 : vector<1x16xf32> to vector<16xf32>
        %mul3A_515 = arith.mulf %get3A_510, %get3A_514 : vector<16xf32>
        %add3A_516 = arith.addf %add3A_496, %mul3A_515 : vector<16xf32>
        %get3A_517 = arith.index_cast %scan3A_147 : i32 to index
        %get3A_518 = arith.constant 800 : index
        %get3A_519 = tpu.vector_load %arg11[%get3A_517, %get3A_518] {strides = array<i32>} : memref<16x1024xf32, #tpu.memory_space<vmem>>, vector<1x16xf32>,
        %get3A_520 = vector.shape_cast %get3A_519 : vector<1x16xf32> to vector<16xf32>
        %get3A_521 = arith.index_cast %scan3A_147 : i32 to index
        %get3A_522 = arith.constant 800 : index
        %get3A_523 = tpu.vector_load %arg12[%get3A_521, %get3A_522] {strides = array<i32>} : memref<16x1024xf32, #tpu.memory_space<vmem>>, vector<1x16xf32>,
        %get3A_524 = vector.shape_cast %get3A_523 : vector<1x16xf32> to vector<16xf32>
        %mul3A_525 = arith.mulf %get3A_520, %get3A_524 : vector<16xf32>
        %add3A_526 = arith.addf %add3A_506, %mul3A_525 : vector<16xf32>
        %get3A_527 = arith.index_cast %scan3A_147 : i32 to index
        %get3A_528 = arith.constant 304 : index
        %get3A_529 = tpu.vector_load %arg11[%get3A_527, %get3A_528] {strides = array<i32>} : memref<16x1024xf32, #tpu.memory_space<vmem>>, vector<1x16xf32>,
        %get3A_530 = vector.shape_cast %get3A_529 : vector<1x16xf32> to vector<16xf32>
        %get3A_531 = arith.index_cast %scan3A_147 : i32 to index
        %get3A_532 = arith.constant 304 : index
        %get3A_533 = tpu.vector_load %arg12[%get3A_531, %get3A_532] {strides = array<i32>} : memref<16x1024xf32, #tpu.memory_space<vmem>>, vector<1x16xf32>,
        %get3A_534 = vector.shape_cast %get3A_533 : vector<1x16xf32> to vector<16xf32>
        %mul3A_535 = arith.mulf %get3A_530, %get3A_534 : vector<16xf32>
        %add3A_536 = arith.addf %add3A_516, %mul3A_535 : vector<16xf32>
        %get3A_537 = arith.index_cast %scan3A_147 : i32 to index
        %get3A_538 = arith.constant 816 : index
        %get3A_539 = tpu.vector_load %arg11[%get3A_537, %get3A_538] {strides = array<i32>} : memref<16x1024xf32, #tpu.memory_space<vmem>>, vector<1x16xf32>,
        %get3A_540 = vector.shape_cast %get3A_539 : vector<1x16xf32> to vector<16xf32>
        %get3A_541 = arith.index_cast %scan3A_147 : i32 to index
        %get3A_542 = arith.constant 816 : index
        %get3A_543 = tpu.vector_load %arg12[%get3A_541, %get3A_542] {strides = array<i32>} : memref<16x1024xf32, #tpu.memory_space<vmem>>, vector<1x16xf32>,
        %get3A_544 = vector.shape_cast %get3A_543 : vector<1x16xf32> to vector<16xf32>
        %mul3A_545 = arith.mulf %get3A_540, %get3A_544 : vector<16xf32>
        %add3A_546 = arith.addf %add3A_526, %mul3A_545 : vector<16xf32>
        %get3A_547 = arith.index_cast %scan3A_147 : i32 to index
        %get3A_548 = arith.constant 320 : index
        %get3A_549 = tpu.vector_load %arg11[%get3A_547, %get3A_548] {strides = array<i32>} : memref<16x1024xf32, #tpu.memory_space<vmem>>, vector<1x16xf32>,
        %get3A_550 = vector.shape_cast %get3A_549 : vector<1x16xf32> to vector<16xf32>
        %get3A_551 = arith.index_cast %scan3A_147 : i32 to index
        %get3A_552 = arith.constant 320 : index
        %get3A_553 = tpu.vector_load %arg12[%get3A_551, %get3A_552] {strides = array<i32>} : memref<16x1024xf32, #tpu.memory_space<vmem>>, vector<1x16xf32>,
        %get3A_554 = vector.shape_cast %get3A_553 : vector<1x16xf32> to vector<16xf32>
        %mul3A_555 = arith.mulf %get3A_550, %get3A_554 : vector<16xf32>
        %add3A_556 = arith.addf %add3A_536, %mul3A_555 : vector<16xf32>
        %get3A_557 = arith.index_cast %scan3A_147 : i32 to index
        %get3A_558 = arith.constant 832 : index
        %get3A_559 = tpu.vector_load %arg11[%get3A_557, %get3A_558] {strides = array<i32>} : memref<16x1024xf32, #tpu.memory_space<vmem>>, vector<1x16xf32>,
        %get3A_560 = vector.shape_cast %get3A_559 : vector<1x16xf32> to vector<16xf32>
        %get3A_561 = arith.index_cast %scan3A_147 : i32 to index
        %get3A_562 = arith.constant 832 : index
        %get3A_563 = tpu.vector_load %arg12[%get3A_561, %get3A_562] {strides = array<i32>} : memref<16x1024xf32, #tpu.memory_space<vmem>>, vector<1x16xf32>,
        %get3A_564 = vector.shape_cast %get3A_563 : vector<1x16xf32> to vector<16xf32>
        %mul3A_565 = arith.mulf %get3A_560, %get3A_564 : vector<16xf32>
        %add3A_566 = arith.addf %add3A_546, %mul3A_565 : vector<16xf32>
        %get3A_567 = arith.index_cast %scan3A_147 : i32 to index
        %get3A_568 = arith.constant 336 : index
        %get3A_569 = tpu.vector_load %arg11[%get3A_567, %get3A_568] {strides = array<i32>} : memref<16x1024xf32, #tpu.memory_space<vmem>>, vector<1x16xf32>,
        %get3A_570 = vector.shape_cast %get3A_569 : vector<1x16xf32> to vector<16xf32>
        %get3A_571 = arith.index_cast %scan3A_147 : i32 to index
        %get3A_572 = arith.constant 336 : index
        %get3A_573 = tpu.vector_load %arg12[%get3A_571, %get3A_572] {strides = array<i32>} : memref<16x1024xf32, #tpu.memory_space<vmem>>, vector<1x16xf32>,
        %get3A_574 = vector.shape_cast %get3A_573 : vector<1x16xf32> to vector<16xf32>
        %mul3A_575 = arith.mulf %get3A_570, %get3A_574 : vector<16xf32>
        %add3A_576 = arith.addf %add3A_556, %mul3A_575 : vector<16xf32>
        %get3A_577 = arith.index_cast %scan3A_147 : i32 to index
        %get3A_578 = arith.constant 848 : index
        %get3A_579 = tpu.vector_load %arg11[%get3A_577, %get3A_578] {strides = array<i32>} : memref<16x1024xf32, #tpu.memory_space<vmem>>, vector<1x16xf32>,
        %get3A_580 = vector.shape_cast %get3A_579 : vector<1x16xf32> to vector<16xf32>
        %get3A_581 = arith.index_cast %scan3A_147 : i32 to index
        %get3A_582 = arith.constant 848 : index
        %get3A_583 = tpu.vector_load %arg12[%get3A_581, %get3A_582] {strides = array<i32>} : memref<16x1024xf32, #tpu.memory_space<vmem>>, vector<1x16xf32>,
        %get3A_584 = vector.shape_cast %get3A_583 : vector<1x16xf32> to vector<16xf32>
        %mul3A_585 = arith.mulf %get3A_580, %get3A_584 : vector<16xf32>
        %add3A_586 = arith.addf %add3A_566, %mul3A_585 : vector<16xf32>
        %get3A_587 = arith.index_cast %scan3A_147 : i32 to index
        %get3A_588 = arith.constant 352 : index
        %get3A_589 = tpu.vector_load %arg11[%get3A_587, %get3A_588] {strides = array<i32>} : memref<16x1024xf32, #tpu.memory_space<vmem>>, vector<1x16xf32>,
        %get3A_590 = vector.shape_cast %get3A_589 : vector<1x16xf32> to vector<16xf32>
        %get3A_591 = arith.index_cast %scan3A_147 : i32 to index
        %get3A_592 = arith.constant 352 : index
        %get3A_593 = tpu.vector_load %arg12[%get3A_591, %get3A_592] {strides = array<i32>} : memref<16x1024xf32, #tpu.memory_space<vmem>>, vector<1x16xf32>,
        %get3A_594 = vector.shape_cast %get3A_593 : vector<1x16xf32> to vector<16xf32>
        %mul3A_595 = arith.mulf %get3A_590, %get3A_594 : vector<16xf32>
        %add3A_596 = arith.addf %add3A_576, %mul3A_595 : vector<16xf32>
        %get3A_597 = arith.index_cast %scan3A_147 : i32 to index
        %get3A_598 = arith.constant 864 : index
        %get3A_599 = tpu.vector_load %arg11[%get3A_597, %get3A_598] {strides = array<i32>} : memref<16x1024xf32, #tpu.memory_space<vmem>>, vector<1x16xf32>,
        %get3A_600 = vector.shape_cast %get3A_599 : vector<1x16xf32> to vector<16xf32>
        %get3A_601 = arith.index_cast %scan3A_147 : i32 to index
        %get3A_602 = arith.constant 864 : index
        %get3A_603 = tpu.vector_load %arg12[%get3A_601, %get3A_602] {strides = array<i32>} : memref<16x1024xf32, #tpu.memory_space<vmem>>, vector<1x16xf32>,
        %get3A_604 = vector.shape_cast %get3A_603 : vector<1x16xf32> to vector<16xf32>
        %mul3A_605 = arith.mulf %get3A_600, %get3A_604 : vector<16xf32>
        %add3A_606 = arith.addf %add3A_586, %mul3A_605 : vector<16xf32>
        %get3A_607 = arith.index_cast %scan3A_147 : i32 to index
        %get3A_608 = arith.constant 368 : index
        %get3A_609 = tpu.vector_load %arg11[%get3A_607, %get3A_608] {strides = array<i32>} : memref<16x1024xf32, #tpu.memory_space<vmem>>, vector<1x16xf32>,
        %get3A_610 = vector.shape_cast %get3A_609 : vector<1x16xf32> to vector<16xf32>
        %get3A_611 = arith.index_cast %scan3A_147 : i32 to index
        %get3A_612 = arith.constant 368 : index
        %get3A_613 = tpu.vector_load %arg12[%get3A_611, %get3A_612] {strides = array<i32>} : memref<16x1024xf32, #tpu.memory_space<vmem>>, vector<1x16xf32>,
        %get3A_614 = vector.shape_cast %get3A_613 : vector<1x16xf32> to vector<16xf32>
        %mul3A_615 = arith.mulf %get3A_610, %get3A_614 : vector<16xf32>
        %add3A_616 = arith.addf %add3A_596, %mul3A_615 : vector<16xf32>
        %get3A_617 = arith.index_cast %scan3A_147 : i32 to index
        %get3A_618 = arith.constant 880 : index
        %get3A_619 = tpu.vector_load %arg11[%get3A_617, %get3A_618] {strides = array<i32>} : memref<16x1024xf32, #tpu.memory_space<vmem>>, vector<1x16xf32>,
        %get3A_620 = vector.shape_cast %get3A_619 : vector<1x16xf32> to vector<16xf32>
        %get3A_621 = arith.index_cast %scan3A_147 : i32 to index
        %get3A_622 = arith.constant 880 : index
        %get3A_623 = tpu.vector_load %arg12[%get3A_621, %get3A_622] {strides = array<i32>} : memref<16x1024xf32, #tpu.memory_space<vmem>>, vector<1x16xf32>,
        %get3A_624 = vector.shape_cast %get3A_623 : vector<1x16xf32> to vector<16xf32>
        %mul3A_625 = arith.mulf %get3A_620, %get3A_624 : vector<16xf32>
        %add3A_626 = arith.addf %add3A_606, %mul3A_625 : vector<16xf32>
        %get3A_627 = arith.index_cast %scan3A_147 : i32 to index
        %get3A_628 = arith.constant 384 : index
        %get3A_629 = tpu.vector_load %arg11[%get3A_627, %get3A_628] {strides = array<i32>} : memref<16x1024xf32, #tpu.memory_space<vmem>>, vector<1x16xf32>,
        %get3A_630 = vector.shape_cast %get3A_629 : vector<1x16xf32> to vector<16xf32>
        %get3A_631 = arith.index_cast %scan3A_147 : i32 to index
        %get3A_632 = arith.constant 384 : index
        %get3A_633 = tpu.vector_load %arg12[%get3A_631, %get3A_632] {strides = array<i32>} : memref<16x1024xf32, #tpu.memory_space<vmem>>, vector<1x16xf32>,
        %get3A_634 = vector.shape_cast %get3A_633 : vector<1x16xf32> to vector<16xf32>
        %mul3A_635 = arith.mulf %get3A_630, %get3A_634 : vector<16xf32>
        %add3A_636 = arith.addf %add3A_616, %mul3A_635 : vector<16xf32>
        %get3A_637 = arith.index_cast %scan3A_147 : i32 to index
        %get3A_638 = arith.constant 896 : index
        %get3A_639 = tpu.vector_load %arg11[%get3A_637, %get3A_638] {strides = array<i32>} : memref<16x1024xf32, #tpu.memory_space<vmem>>, vector<1x16xf32>,
        %get3A_640 = vector.shape_cast %get3A_639 : vector<1x16xf32> to vector<16xf32>
        %get3A_641 = arith.index_cast %scan3A_147 : i32 to index
        %get3A_642 = arith.constant 896 : index
        %get3A_643 = tpu.vector_load %arg12[%get3A_641, %get3A_642] {strides = array<i32>} : memref<16x1024xf32, #tpu.memory_space<vmem>>, vector<1x16xf32>,
        %get3A_644 = vector.shape_cast %get3A_643 : vector<1x16xf32> to vector<16xf32>
        %mul3A_645 = arith.mulf %get3A_640, %get3A_644 : vector<16xf32>
        %add3A_646 = arith.addf %add3A_626, %mul3A_645 : vector<16xf32>
        %get3A_647 = arith.index_cast %scan3A_147 : i32 to index
        %get3A_648 = arith.constant 400 : index
        %get3A_649 = tpu.vector_load %arg11[%get3A_647, %get3A_648] {strides = array<i32>} : memref<16x1024xf32, #tpu.memory_space<vmem>>, vector<1x16xf32>,
        %get3A_650 = vector.shape_cast %get3A_649 : vector<1x16xf32> to vector<16xf32>
        %get3A_651 = arith.index_cast %scan3A_147 : i32 to index
        %get3A_652 = arith.constant 400 : index
        %get3A_653 = tpu.vector_load %arg12[%get3A_651, %get3A_652] {strides = array<i32>} : memref<16x1024xf32, #tpu.memory_space<vmem>>, vector<1x16xf32>,
        %get3A_654 = vector.shape_cast %get3A_653 : vector<1x16xf32> to vector<16xf32>
        %mul3A_655 = arith.mulf %get3A_650, %get3A_654 : vector<16xf32>
        %add3A_656 = arith.addf %add3A_636, %mul3A_655 : vector<16xf32>
        %get3A_657 = arith.index_cast %scan3A_147 : i32 to index
        %get3A_658 = arith.constant 912 : index
        %get3A_659 = tpu.vector_load %arg11[%get3A_657, %get3A_658] {strides = array<i32>} : memref<16x1024xf32, #tpu.memory_space<vmem>>, vector<1x16xf32>,
        %get3A_660 = vector.shape_cast %get3A_659 : vector<1x16xf32> to vector<16xf32>
        %get3A_661 = arith.index_cast %scan3A_147 : i32 to index
        %get3A_662 = arith.constant 912 : index
        %get3A_663 = tpu.vector_load %arg12[%get3A_661, %get3A_662] {strides = array<i32>} : memref<16x1024xf32, #tpu.memory_space<vmem>>, vector<1x16xf32>,
        %get3A_664 = vector.shape_cast %get3A_663 : vector<1x16xf32> to vector<16xf32>
        %mul3A_665 = arith.mulf %get3A_660, %get3A_664 : vector<16xf32>
        %add3A_666 = arith.addf %add3A_646, %mul3A_665 : vector<16xf32>
        %get3A_667 = arith.index_cast %scan3A_147 : i32 to index
        %get3A_668 = arith.constant 416 : index
        %get3A_669 = tpu.vector_load %arg11[%get3A_667, %get3A_668] {strides = array<i32>} : memref<16x1024xf32, #tpu.memory_space<vmem>>, vector<1x16xf32>,
        %get3A_670 = vector.shape_cast %get3A_669 : vector<1x16xf32> to vector<16xf32>
        %get3A_671 = arith.index_cast %scan3A_147 : i32 to index
        %get3A_672 = arith.constant 416 : index
        %get3A_673 = tpu.vector_load %arg12[%get3A_671, %get3A_672] {strides = array<i32>} : memref<16x1024xf32, #tpu.memory_space<vmem>>, vector<1x16xf32>,
        %get3A_674 = vector.shape_cast %get3A_673 : vector<1x16xf32> to vector<16xf32>
        %mul3A_675 = arith.mulf %get3A_670, %get3A_674 : vector<16xf32>
        %add3A_676 = arith.addf %add3A_656, %mul3A_675 : vector<16xf32>
        %get3A_677 = arith.index_cast %scan3A_147 : i32 to index
        %get3A_678 = arith.constant 928 : index
        %get3A_679 = tpu.vector_load %arg11[%get3A_677, %get3A_678] {strides = array<i32>} : memref<16x1024xf32, #tpu.memory_space<vmem>>, vector<1x16xf32>,
        %get3A_680 = vector.shape_cast %get3A_679 : vector<1x16xf32> to vector<16xf32>
        %get3A_681 = arith.index_cast %scan3A_147 : i32 to index
        %get3A_682 = arith.constant 928 : index
        %get3A_683 = tpu.vector_load %arg12[%get3A_681, %get3A_682] {strides = array<i32>} : memref<16x1024xf32, #tpu.memory_space<vmem>>, vector<1x16xf32>,
        %get3A_684 = vector.shape_cast %get3A_683 : vector<1x16xf32> to vector<16xf32>
        %mul3A_685 = arith.mulf %get3A_680, %get3A_684 : vector<16xf32>
        %add3A_686 = arith.addf %add3A_666, %mul3A_685 : vector<16xf32>
        %get3A_687 = arith.index_cast %scan3A_147 : i32 to index
        %get3A_688 = arith.constant 432 : index
        %get3A_689 = tpu.vector_load %arg11[%get3A_687, %get3A_688] {strides = array<i32>} : memref<16x1024xf32, #tpu.memory_space<vmem>>, vector<1x16xf32>,
        %get3A_690 = vector.shape_cast %get3A_689 : vector<1x16xf32> to vector<16xf32>
        %get3A_691 = arith.index_cast %scan3A_147 : i32 to index
        %get3A_692 = arith.constant 432 : index
        %get3A_693 = tpu.vector_load %arg12[%get3A_691, %get3A_692] {strides = array<i32>} : memref<16x1024xf32, #tpu.memory_space<vmem>>, vector<1x16xf32>,
        %get3A_694 = vector.shape_cast %get3A_693 : vector<1x16xf32> to vector<16xf32>
        %mul3A_695 = arith.mulf %get3A_690, %get3A_694 : vector<16xf32>
        %add3A_696 = arith.addf %add3A_676, %mul3A_695 : vector<16xf32>
        %get3A_697 = arith.index_cast %scan3A_147 : i32 to index
        %get3A_698 = arith.constant 944 : index
        %get3A_699 = tpu.vector_load %arg11[%get3A_697, %get3A_698] {strides = array<i32>} : memref<16x1024xf32, #tpu.memory_space<vmem>>, vector<1x16xf32>,
        %get3A_700 = vector.shape_cast %get3A_699 : vector<1x16xf32> to vector<16xf32>
        %get3A_701 = arith.index_cast %scan3A_147 : i32 to index
        %get3A_702 = arith.constant 944 : index
        %get3A_703 = tpu.vector_load %arg12[%get3A_701, %get3A_702] {strides = array<i32>} : memref<16x1024xf32, #tpu.memory_space<vmem>>, vector<1x16xf32>,
        %get3A_704 = vector.shape_cast %get3A_703 : vector<1x16xf32> to vector<16xf32>
        %mul3A_705 = arith.mulf %get3A_700, %get3A_704 : vector<16xf32>
        %add3A_706 = arith.addf %add3A_686, %mul3A_705 : vector<16xf32>
        %get3A_707 = arith.index_cast %scan3A_147 : i32 to index
        %get3A_708 = arith.constant 448 : index
        %get3A_709 = tpu.vector_load %arg11[%get3A_707, %get3A_708] {strides = array<i32>} : memref<16x1024xf32, #tpu.memory_space<vmem>>, vector<1x16xf32>,
        %get3A_710 = vector.shape_cast %get3A_709 : vector<1x16xf32> to vector<16xf32>
        %get3A_711 = arith.index_cast %scan3A_147 : i32 to index
        %get3A_712 = arith.constant 448 : index
        %get3A_713 = tpu.vector_load %arg12[%get3A_711, %get3A_712] {strides = array<i32>} : memref<16x1024xf32, #tpu.memory_space<vmem>>, vector<1x16xf32>,
        %get3A_714 = vector.shape_cast %get3A_713 : vector<1x16xf32> to vector<16xf32>
        %mul3A_715 = arith.mulf %get3A_710, %get3A_714 : vector<16xf32>
        %add3A_716 = arith.addf %add3A_696, %mul3A_715 : vector<16xf32>
        %get3A_717 = arith.index_cast %scan3A_147 : i32 to index
        %get3A_718 = arith.constant 960 : index
        %get3A_719 = tpu.vector_load %arg11[%get3A_717, %get3A_718] {strides = array<i32>} : memref<16x1024xf32, #tpu.memory_space<vmem>>, vector<1x16xf32>,
        %get3A_720 = vector.shape_cast %get3A_719 : vector<1x16xf32> to vector<16xf32>
        %get3A_721 = arith.index_cast %scan3A_147 : i32 to index
        %get3A_722 = arith.constant 960 : index
        %get3A_723 = tpu.vector_load %arg12[%get3A_721, %get3A_722] {strides = array<i32>} : memref<16x1024xf32, #tpu.memory_space<vmem>>, vector<1x16xf32>,
        %get3A_724 = vector.shape_cast %get3A_723 : vector<1x16xf32> to vector<16xf32>
        %mul3A_725 = arith.mulf %get3A_720, %get3A_724 : vector<16xf32>
        %add3A_726 = arith.addf %add3A_706, %mul3A_725 : vector<16xf32>
        %get3A_727 = arith.index_cast %scan3A_147 : i32 to index
        %get3A_728 = arith.constant 464 : index
        %get3A_729 = tpu.vector_load %arg11[%get3A_727, %get3A_728] {strides = array<i32>} : memref<16x1024xf32, #tpu.memory_space<vmem>>, vector<1x16xf32>,
        %get3A_730 = vector.shape_cast %get3A_729 : vector<1x16xf32> to vector<16xf32>
        %get3A_731 = arith.index_cast %scan3A_147 : i32 to index
        %get3A_732 = arith.constant 464 : index
        %get3A_733 = tpu.vector_load %arg12[%get3A_731, %get3A_732] {strides = array<i32>} : memref<16x1024xf32, #tpu.memory_space<vmem>>, vector<1x16xf32>,
        %get3A_734 = vector.shape_cast %get3A_733 : vector<1x16xf32> to vector<16xf32>
        %mul3A_735 = arith.mulf %get3A_730, %get3A_734 : vector<16xf32>
        %add3A_736 = arith.addf %add3A_716, %mul3A_735 : vector<16xf32>
        %get3A_737 = arith.index_cast %scan3A_147 : i32 to index
        %get3A_738 = arith.constant 976 : index
        %get3A_739 = tpu.vector_load %arg11[%get3A_737, %get3A_738] {strides = array<i32>} : memref<16x1024xf32, #tpu.memory_space<vmem>>, vector<1x16xf32>,
        %get3A_740 = vector.shape_cast %get3A_739 : vector<1x16xf32> to vector<16xf32>
        %get3A_741 = arith.index_cast %scan3A_147 : i32 to index
        %get3A_742 = arith.constant 976 : index
        %get3A_743 = tpu.vector_load %arg12[%get3A_741, %get3A_742] {strides = array<i32>} : memref<16x1024xf32, #tpu.memory_space<vmem>>, vector<1x16xf32>,
        %get3A_744 = vector.shape_cast %get3A_743 : vector<1x16xf32> to vector<16xf32>
        %mul3A_745 = arith.mulf %get3A_740, %get3A_744 : vector<16xf32>
        %add3A_746 = arith.addf %add3A_726, %mul3A_745 : vector<16xf32>
        %get3A_747 = arith.index_cast %scan3A_147 : i32 to index
        %get3A_748 = arith.constant 480 : index
        %get3A_749 = tpu.vector_load %arg11[%get3A_747, %get3A_748] {strides = array<i32>} : memref<16x1024xf32, #tpu.memory_space<vmem>>, vector<1x16xf32>,
        %get3A_750 = vector.shape_cast %get3A_749 : vector<1x16xf32> to vector<16xf32>
        %get3A_751 = arith.index_cast %scan3A_147 : i32 to index
        %get3A_752 = arith.constant 480 : index
        %get3A_753 = tpu.vector_load %arg12[%get3A_751, %get3A_752] {strides = array<i32>} : memref<16x1024xf32, #tpu.memory_space<vmem>>, vector<1x16xf32>,
        %get3A_754 = vector.shape_cast %get3A_753 : vector<1x16xf32> to vector<16xf32>
        %mul3A_755 = arith.mulf %get3A_750, %get3A_754 : vector<16xf32>
        %add3A_756 = arith.addf %add3A_736, %mul3A_755 : vector<16xf32>
        %get3A_757 = arith.index_cast %scan3A_147 : i32 to index
        %get3A_758 = arith.constant 992 : index
        %get3A_759 = tpu.vector_load %arg11[%get3A_757, %get3A_758] {strides = array<i32>} : memref<16x1024xf32, #tpu.memory_space<vmem>>, vector<1x16xf32>,
        %get3A_760 = vector.shape_cast %get3A_759 : vector<1x16xf32> to vector<16xf32>
        %get3A_761 = arith.index_cast %scan3A_147 : i32 to index
        %get3A_762 = arith.constant 992 : index
        %get3A_763 = tpu.vector_load %arg12[%get3A_761, %get3A_762] {strides = array<i32>} : memref<16x1024xf32, #tpu.memory_space<vmem>>, vector<1x16xf32>,
        %get3A_764 = vector.shape_cast %get3A_763 : vector<1x16xf32> to vector<16xf32>
        %mul3A_765 = arith.mulf %get3A_760, %get3A_764 : vector<16xf32>
        %add3A_766 = arith.addf %add3A_746, %mul3A_765 : vector<16xf32>
        %get3A_767 = arith.index_cast %scan3A_147 : i32 to index
        %get3A_768 = arith.constant 496 : index
        %get3A_769 = tpu.vector_load %arg11[%get3A_767, %get3A_768] {strides = array<i32>} : memref<16x1024xf32, #tpu.memory_space<vmem>>, vector<1x16xf32>,
        %get3A_770 = vector.shape_cast %get3A_769 : vector<1x16xf32> to vector<16xf32>
        %get3A_771 = arith.index_cast %scan3A_147 : i32 to index
        %get3A_772 = arith.constant 496 : index
        %get3A_773 = tpu.vector_load %arg12[%get3A_771, %get3A_772] {strides = array<i32>} : memref<16x1024xf32, #tpu.memory_space<vmem>>, vector<1x16xf32>,
        %get3A_774 = vector.shape_cast %get3A_773 : vector<1x16xf32> to vector<16xf32>
        %mul3A_775 = arith.mulf %get3A_770, %get3A_774 : vector<16xf32>
        %add3A_776 = arith.addf %add3A_756, %mul3A_775 : vector<16xf32>
        %get3A_777 = arith.index_cast %scan3A_147 : i32 to index
        %get3A_778 = arith.constant 1008 : index
        %get3A_779 = tpu.vector_load %arg11[%get3A_777, %get3A_778] {strides = array<i32>} : memref<16x1024xf32, #tpu.memory_space<vmem>>, vector<1x16xf32>,
        %get3A_780 = vector.shape_cast %get3A_779 : vector<1x16xf32> to vector<16xf32>
        %get3A_781 = arith.index_cast %scan3A_147 : i32 to index
        %get3A_782 = arith.constant 1008 : index
        %get3A_783 = tpu.vector_load %arg12[%get3A_781, %get3A_782] {strides = array<i32>} : memref<16x1024xf32, #tpu.memory_space<vmem>>, vector<1x16xf32>,
        %get3A_784 = vector.shape_cast %get3A_783 : vector<1x16xf32> to vector<16xf32>
        %mul3A_785 = arith.mulf %get3A_780, %get3A_784 : vector<16xf32>
        %add3A_786 = arith.addf %add3A_766, %mul3A_785 : vector<16xf32>
        %eq3A = vector.broadcast %scan3A_147 : i32 to vector<16xi32>
        %eq3A_787 = arith.cmpi eq, %iota3A, %eq3A : vector<16xi32>
        %lt3A = arith.constant 0 : i32
        %lt3A_788 = vector.broadcast %lt3A : i32 to vector<16xi32>
        %lt3A_789 = arith.cmpi slt, %xor3A_4, %lt3A_788 : vector<16xi32>
        %add3A_790 = arith.constant 16 : i32
        %add3A_791 = vector.broadcast %add3A_790 : i32 to vector<16xi32>
        %add3A_792 = arith.addi %xor3A_4, %add3A_791 : vector<16xi32>
        %select_n3A = arith.select %lt3A_789, %add3A_792, %xor3A_4 : vector<16xi1>, vector<16xi32>
        %broadcast_in_dim3A_793 = vector.shape_cast %select_n3A : vector<16xi32> to vector<16x1xi32>
        %gather3A = vector.shape_cast %broadcast_in_dim3A_793 : vector<16x1xi32> to vector<16xi32>
        %gather3A_794 = tpu.dynamic_gather %add3A_776[%gather3A] in [0] : vector<16xf32>, vector<16xi32> -> vector<16xf32>
        %add3A_795 = arith.addf %add3A_776, %gather3A_794 : vector<16xf32>
        %lt3A_796 = arith.constant 0 : i32
        %lt3A_797 = vector.broadcast %lt3A_796 : i32 to vector<16xi32>
        %lt3A_798 = arith.cmpi slt, %xor3A_7, %lt3A_797 : vector<16xi32>
        %add3A_799 = arith.constant 16 : i32
        %add3A_800 = vector.broadcast %add3A_799 : i32 to vector<16xi32>
        %add3A_801 = arith.addi %xor3A_7, %add3A_800 : vector<16xi32>
        %select_n3A_802 = arith.select %lt3A_798, %add3A_801, %xor3A_7 : vector<16xi1>, vector<16xi32>
        %broadcast_in_dim3A_803 = vector.shape_cast %select_n3A_802 : vector<16xi32> to vector<16x1xi32>
        %gather3A_804 = vector.shape_cast %broadcast_in_dim3A_803 : vector<16x1xi32> to vector<16xi32>
        %gather3A_805 = tpu.dynamic_gather %add3A_795[%gather3A_804] in [0] : vector<16xf32>, vector<16xi32> -> vector<16xf32>
        %add3A_806 = arith.addf %add3A_795, %gather3A_805 : vector<16xf32>
        %lt3A_807 = arith.constant 0 : i32
        %lt3A_808 = vector.broadcast %lt3A_807 : i32 to vector<16xi32>
        %lt3A_809 = arith.cmpi slt, %xor3A_10, %lt3A_808 : vector<16xi32>
        %add3A_810 = arith.constant 16 : i32
        %add3A_811 = vector.broadcast %add3A_810 : i32 to vector<16xi32>
        %add3A_812 = arith.addi %xor3A_10, %add3A_811 : vector<16xi32>
        %select_n3A_813 = arith.select %lt3A_809, %add3A_812, %xor3A_10 : vector<16xi1>, vector<16xi32>
        %broadcast_in_dim3A_814 = vector.shape_cast %select_n3A_813 : vector<16xi32> to vector<16x1xi32>
        %gather3A_815 = vector.shape_cast %broadcast_in_dim3A_814 : vector<16x1xi32> to vector<16xi32>
        %gather3A_816 = tpu.dynamic_gather %add3A_806[%gather3A_815] in [0] : vector<16xf32>, vector<16xi32> -> vector<16xf32>
        %add3A_817 = arith.addf %add3A_806, %gather3A_816 : vector<16xf32>
        %lt3A_818 = arith.constant 0 : i32
        %lt3A_819 = vector.broadcast %lt3A_818 : i32 to vector<16xi32>
        %lt3A_820 = arith.cmpi slt, %xor3A_13, %lt3A_819 : vector<16xi32>
        %add3A_821 = arith.constant 16 : i32
        %add3A_822 = vector.broadcast %add3A_821 : i32 to vector<16xi32>
        %add3A_823 = arith.addi %xor3A_13, %add3A_822 : vector<16xi32>
        %select_n3A_824 = arith.select %lt3A_820, %add3A_823, %xor3A_13 : vector<16xi1>, vector<16xi32>
        %broadcast_in_dim3A_825 = vector.shape_cast %select_n3A_824 : vector<16xi32> to vector<16x1xi32>
        %gather3A_826 = vector.shape_cast %broadcast_in_dim3A_825 : vector<16x1xi32> to vector<16xi32>
        %gather3A_827 = tpu.dynamic_gather %add3A_817[%gather3A_826] in [0] : vector<16xf32>, vector<16xi32> -> vector<16xf32>
        %add3A_828 = arith.addf %add3A_817, %gather3A_827 : vector<16xf32>
        %select_n3A_829 = arith.select %eq3A_787, %add3A_828, %scan3A_148 : vector<16xi1>, vector<16xf32>
        %eq3A_830 = vector.broadcast %scan3A_147 : i32 to vector<16xi32>
        %eq3A_831 = arith.cmpi eq, %iota3A, %eq3A_830 : vector<16xi32>
        %lt3A_832 = arith.constant 0 : i32
        %lt3A_833 = vector.broadcast %lt3A_832 : i32 to vector<16xi32>
        %lt3A_834 = arith.cmpi slt, %xor3A_4, %lt3A_833 : vector<16xi32>
        %add3A_835 = arith.constant 16 : i32
        %add3A_836 = vector.broadcast %add3A_835 : i32 to vector<16xi32>
        %add3A_837 = arith.addi %xor3A_4, %add3A_836 : vector<16xi32>
        %select_n3A_838 = arith.select %lt3A_834, %add3A_837, %xor3A_4 : vector<16xi1>, vector<16xi32>
        %broadcast_in_dim3A_839 = vector.shape_cast %select_n3A_838 : vector<16xi32> to vector<16x1xi32>
        %gather3A_840 = vector.shape_cast %broadcast_in_dim3A_839 : vector<16x1xi32> to vector<16xi32>
        %gather3A_841 = tpu.dynamic_gather %add3A_786[%gather3A_840] in [0] : vector<16xf32>, vector<16xi32> -> vector<16xf32>
        %add3A_842 = arith.addf %add3A_786, %gather3A_841 : vector<16xf32>
        %lt3A_843 = arith.constant 0 : i32
        %lt3A_844 = vector.broadcast %lt3A_843 : i32 to vector<16xi32>
        %lt3A_845 = arith.cmpi slt, %xor3A_7, %lt3A_844 : vector<16xi32>
        %add3A_846 = arith.constant 16 : i32
        %add3A_847 = vector.broadcast %add3A_846 : i32 to vector<16xi32>
        %add3A_848 = arith.addi %xor3A_7, %add3A_847 : vector<16xi32>
        %select_n3A_849 = arith.select %lt3A_845, %add3A_848, %xor3A_7 : vector<16xi1>, vector<16xi32>
        %broadcast_in_dim3A_850 = vector.shape_cast %select_n3A_849 : vector<16xi32> to vector<16x1xi32>
        %gather3A_851 = vector.shape_cast %broadcast_in_dim3A_850 : vector<16x1xi32> to vector<16xi32>
        %gather3A_852 = tpu.dynamic_gather %add3A_842[%gather3A_851] in [0] : vector<16xf32>, vector<16xi32> -> vector<16xf32>
        %add3A_853 = arith.addf %add3A_842, %gather3A_852 : vector<16xf32>
        %lt3A_854 = arith.constant 0 : i32
        %lt3A_855 = vector.broadcast %lt3A_854 : i32 to vector<16xi32>
        %lt3A_856 = arith.cmpi slt, %xor3A_10, %lt3A_855 : vector<16xi32>
        %add3A_857 = arith.constant 16 : i32
        %add3A_858 = vector.broadcast %add3A_857 : i32 to vector<16xi32>
        %add3A_859 = arith.addi %xor3A_10, %add3A_858 : vector<16xi32>
        %select_n3A_860 = arith.select %lt3A_856, %add3A_859, %xor3A_10 : vector<16xi1>, vector<16xi32>
        %broadcast_in_dim3A_861 = vector.shape_cast %select_n3A_860 : vector<16xi32> to vector<16x1xi32>
        %gather3A_862 = vector.shape_cast %broadcast_in_dim3A_861 : vector<16x1xi32> to vector<16xi32>
        %gather3A_863 = tpu.dynamic_gather %add3A_853[%gather3A_862] in [0] : vector<16xf32>, vector<16xi32> -> vector<16xf32>
        %add3A_864 = arith.addf %add3A_853, %gather3A_863 : vector<16xf32>
        %lt3A_865 = arith.constant 0 : i32
        %lt3A_866 = vector.broadcast %lt3A_865 : i32 to vector<16xi32>
        %lt3A_867 = arith.cmpi slt, %xor3A_13, %lt3A_866 : vector<16xi32>
        %add3A_868 = arith.constant 16 : i32
        %add3A_869 = vector.broadcast %add3A_868 : i32 to vector<16xi32>
        %add3A_870 = arith.addi %xor3A_13, %add3A_869 : vector<16xi32>
        %select_n3A_871 = arith.select %lt3A_867, %add3A_870, %xor3A_13 : vector<16xi1>, vector<16xi32>
        %broadcast_in_dim3A_872 = vector.shape_cast %select_n3A_871 : vector<16xi32> to vector<16x1xi32>
        %gather3A_873 = vector.shape_cast %broadcast_in_dim3A_872 : vector<16x1xi32> to vector<16xi32>
        %gather3A_874 = tpu.dynamic_gather %add3A_864[%gather3A_873] in [0] : vector<16xf32>, vector<16xi32> -> vector<16xf32>
        %add3A_875 = arith.addf %add3A_864, %gather3A_874 : vector<16xf32>
        %select_n3A_876 = arith.select %eq3A_831, %add3A_875, %scan3A_149 : vector<16xi1>, vector<16xf32>
        scf.yield %select_n3A_829, %select_n3A_876 : vector<16xf32>, vector<16xf32>
      }
      %scan3A_128 = arith.constant 16 : i32
      %max3A_129 = arith.constant 0.000000e+00 : f32
      %max3A_130 = vector.broadcast %max3A_129 : f32 to vector<16xf32>
      %max3A_131 = arith.maximumf %scan3A_127#0, %max3A_130 : vector<16xf32>
      %mul3A_132 = arith.constant 16 : i32
      %mul3A_133 = arith.muli %add3A_120, %mul3A_132 : i32
      %swap3A_134 = arith.index_cast %mul3A_133 : i32 to index
      %swap3A_135 = tpu.vector_load %arg13[%swap3A_134] {strides = array<i32>} : memref<5024xf32, #tpu.memory_space<vmem>>, vector<16xf32>,
      %swap3A_136 = vector.shape_cast %swap3A_135 : vector<16xf32> to vector<16xf32>
      %swap3A_137 = vector.shape_cast %max3A_131 : vector<16xf32> to vector<16xf32>
      tpu.vector_store %arg13[%swap3A_134], %swap3A_137 {strides = array<i32>} : memref<5024xf32, #tpu.memory_space<vmem>>, vector<16xf32>,
      %max3A_138 = arith.constant 0.000000e+00 : f32
      %max3A_139 = vector.broadcast %max3A_138 : f32 to vector<16xf32>
      %max3A_140 = arith.maximumf %scan3A_127#1, %max3A_139 : vector<16xf32>
      %mul3A_141 = arith.constant 16 : i32
      %mul3A_142 = arith.muli %add3A_120, %mul3A_141 : i32
      %swap3A_143 = arith.index_cast %mul3A_142 : i32 to index
      %swap3A_144 = tpu.vector_load %arg14[%swap3A_143] {strides = array<i32>} : memref<5024xf32, #tpu.memory_space<vmem>>, vector<16xf32>,
      %swap3A_145 = vector.shape_cast %swap3A_144 : vector<16xf32> to vector<16xf32>
      %swap3A_146 = vector.shape_cast %max3A_140 : vector<16xf32> to vector<16xf32>
      tpu.vector_store %arg14[%swap3A_143], %swap3A_146 {strides = array<i32>} : memref<5024xf32, #tpu.memory_space<vmem>>, vector<16xf32>,
    }
    %scan3A_31 = arith.constant 157 : i32
    %dma_wait3A = arith.constant 0 : i32
    %dma_wait3A_32 = tpu.memref_slice %arg7[%dma_wait3A] : memref<5024xi32, #tpu.memory_space<vmem>> -> memref<16xi32, #tpu.memory_space<vmem>>
    %dma_wait3A_33 = arith.constant 0 : i32
    %dma_wait3A_34 = arith.constant 0 : i32
    %dma_wait3A_35 = tpu.memref_slice %arg2[%dma_wait3A_33, %dma_wait3A_34] : memref<10000x1024xf32, #tpu.memory_space<hbm>> -> memref<10000x1024xf32, #tpu.memory_space<hbm>>
    tpu.wait_indirect_dma semaphore(%arg15 : memref<!tpu.dma_semaphore, #tpu.memory_space<semaphore_mem>>) src(%dma_wait3A_35 : memref<10000x1024xf32, #tpu.memory_space<hbm>>) dst(%arg9 : memref<16x1024xf32, #tpu.memory_space<vmem>>)
    %dma_wait3A_36 = arith.constant 0 : i32
    %dma_wait3A_37 = tpu.memref_slice %arg8[%dma_wait3A_36] : memref<5024xi32, #tpu.memory_space<vmem>> -> memref<16xi32, #tpu.memory_space<vmem>>
    %dma_wait3A_38 = arith.constant 0 : i32
    %dma_wait3A_39 = arith.constant 0 : i32
    %dma_wait3A_40 = tpu.memref_slice %arg2[%dma_wait3A_38, %dma_wait3A_39] : memref<10000x1024xf32, #tpu.memory_space<hbm>> -> memref<10000x1024xf32, #tpu.memory_space<hbm>>
    tpu.wait_indirect_dma semaphore(%arg15 : memref<!tpu.dma_semaphore, #tpu.memory_space<semaphore_mem>>) src(%dma_wait3A_40 : memref<10000x1024xf32, #tpu.memory_space<hbm>>) dst(%arg10 : memref<16x1024xf32, #tpu.memory_space<vmem>>)
    "tpu.region"() ({
      %run_scoped3A = tpu.sem_alloc : memref<!tpu.dma_semaphore, #tpu.memory_space<semaphore_mem>>
      %dma_start3A_41 = tpu.memref_slice %arg5[%mul3A_2] : memref<160768xf32, #tpu.memory_space<hbm>> -> memref<5024xf32, #tpu.memory_space<hbm>>
      %dma_start3A_42 = tpu.memref_slice %arg5[%mul3A_2] : memref<160768xf32, #tpu.memory_space<hbm>> -> memref<5024xf32, #tpu.memory_space<hbm>>
      tpu.enqueue_dma source(%arg13 : memref<5024xf32, #tpu.memory_space<vmem>>) target(%dma_start3A_42 : memref<5024xf32, #tpu.memory_space<hbm>>) target_semaphore(%run_scoped3A : memref<!tpu.dma_semaphore, #tpu.memory_space<semaphore_mem>>)
      %dma_wait3A_43 = tpu.memref_slice %arg5[%mul3A_2] : memref<160768xf32, #tpu.memory_space<hbm>> -> memref<5024xf32, #tpu.memory_space<hbm>>
      %dma_wait3A_44 = tpu.memref_slice %arg5[%mul3A_2] : memref<160768xf32, #tpu.memory_space<hbm>> -> memref<5024xf32, #tpu.memory_space<hbm>>
      tpu.wait_dma2 semaphore(%run_scoped3A : memref<!tpu.dma_semaphore, #tpu.memory_space<semaphore_mem>>) src(%arg13 : memref<5024xf32, #tpu.memory_space<vmem>>) dst(%dma_wait3A_44 : memref<5024xf32, #tpu.memory_space<hbm>>)
      tpu.yield
    }) : () -> ()
    "tpu.region"() ({
      %run_scoped3A = tpu.sem_alloc : memref<!tpu.dma_semaphore, #tpu.memory_space<semaphore_mem>>
      %dma_start3A_41 = tpu.memref_slice %arg6[%mul3A_2] : memref<160768xf32, #tpu.memory_space<hbm>> -> memref<5024xf32, #tpu.memory_space<hbm>>
      %dma_start3A_42 = tpu.memref_slice %arg6[%mul3A_2] : memref<160768xf32, #tpu.memory_space<hbm>> -> memref<5024xf32, #tpu.memory_space<hbm>>
      tpu.enqueue_dma source(%arg14 : memref<5024xf32, #tpu.memory_space<vmem>>) target(%dma_start3A_42 : memref<5024xf32, #tpu.memory_space<hbm>>) target_semaphore(%run_scoped3A : memref<!tpu.dma_semaphore, #tpu.memory_space<semaphore_mem>>)
      %dma_wait3A_43 = tpu.memref_slice %arg6[%mul3A_2] : memref<160768xf32, #tpu.memory_space<hbm>> -> memref<5024xf32, #tpu.memory_space<hbm>>
      %dma_wait3A_44 = tpu.memref_slice %arg6[%mul3A_2] : memref<160768xf32, #tpu.memory_space<hbm>> -> memref<5024xf32, #tpu.memory_space<hbm>>
      tpu.wait_dma2 semaphore(%run_scoped3A : memref<!tpu.dma_semaphore, #tpu.memory_space<semaphore_mem>>) src(%arg14 : memref<5024xf32, #tpu.memory_space<vmem>>) dst(%dma_wait3A_44 : memref<5024xf32, #tpu.memory_space<hbm>>)
      tpu.yield
    }) : () -> ()
    return
  }
}

module attributes {stable_mosaic.version = 14 : i64} {
  func.func @_mm_kernel(%arg0: i32, %arg1: memref<1000x256xf32, #tpu.memory_space<vmem>>, %arg2: memref<256x256xf32, #tpu.memory_space<vmem>>, %arg3: memref<1000x256xf32, #tpu.memory_space<vmem>>) attributes {dimension_semantics = [#tpu.dimension_semantics<arbitrary>], iteration_bounds = array<i64: 10>, scalar_prefetch = 0 : i64, scratch_operands = 0 : i64, tpu.core_type = #tpu.core_type<tc>, window_params = [{transform_indices = @transform_0, window_bounds = array<i64: 1000, 256>}, {pipeline_mode = #tpu.pipeline_mode<synchronous>, transform_indices = @transform_1, window_bounds = array<i64: 256, 256>}, {transform_indices = @transform_2, window_bounds = array<i64: 1000, 256>}]} {
    %get3A = arith.constant 0 : index
    %get3A_0 = arith.constant 0 : index
    %get3A_1 = vector.load %arg1[%get3A, %get3A_0] : memref<1000x256xf32, #tpu.memory_space<vmem>>, vector<1000x256xf32>
    %get3A_2 = arith.constant 0 : index
    %get3A_3 = arith.constant 0 : index
    %get3A_4 = vector.load %arg2[%get3A_2, %get3A_3] : memref<256x256xf32, #tpu.memory_space<vmem>>, vector<256x256xf32>
    %dot_general3A = arith.constant dense<0.000000e+00> : vector<1000x256xf32>
    %dot_general3A_5 = tpu.matmul %get3A_1, %get3A_4, %dot_general3A {dimension_numbers = #tpu.dot_dimension_numbers<[1], [0], [0], [1], [0, 0, 1, 1], [], []>, transpose_lhs_hint = false} : vector<1000x256xf32>, vector<256x256xf32>, vector<1000x256xf32> -> vector<1000x256xf32>
    %swap3A = arith.constant 0 : index
    %swap3A_6 = arith.constant 0 : index
    %swap3A_7 = vector.load %arg3[%swap3A, %swap3A_6] : memref<1000x256xf32, #tpu.memory_space<vmem>>, vector<1000x256xf32>
    tpu.vector_store %arg3[%swap3A, %swap3A_6], %dot_general3A_5 {strides = array<i32>} : memref<1000x256xf32, #tpu.memory_space<vmem>>, vector<1000x256xf32>,
    return
  }
  func.func @transform_0(%arg0: i32) -> (i32, i32) {
    %c0_i32 = arith.constant 0 : i32
    %c0_i32_0 = arith.constant 0 : i32
    return %arg0, %c0_i32 : i32, i32
  }
  func.func @transform_1(%arg0: i32) -> (i32, i32) {
    %c0_i32 = arith.constant 0 : i32
    %c0_i32_0 = arith.constant 0 : i32
    %c0_i32_1 = arith.constant 0 : i32
    return %c0_i32, %c0_i32_0 : i32, i32
  }
  func.func @transform_2(%arg0: i32) -> (i32, i32) {
    %c0_i32 = arith.constant 0 : i32
    %c0_i32_0 = arith.constant 0 : i32
    return %arg0, %c0_i32 : i32, i32
  }
}

module attributes {stable_mosaic.version = 14 : i64} {
  func.func @_head_kernel(%arg0: i32, %arg1: memref<1000x256xf32, #tpu.memory_space<vmem>>, %arg2: memref<256x2048xf32, #tpu.memory_space<vmem>>, %arg3: memref<1x2048xf32, #tpu.memory_space<vmem>>, %arg4: memref<1000x512xf32, #tpu.memory_space<vmem>>, %arg5: memref<1000x512xf32, #tpu.memory_space<vmem>>, %arg6: memref<1000x512xf32, #tpu.memory_space<vmem>>, %arg7: memref<1000x512xf32, #tpu.memory_space<vmem>>, %arg8: memref<1000x512xf32, #tpu.memory_space<vmem>>, %arg9: memref<1000x512xf32, #tpu.memory_space<vmem>>, %arg10: memref<1000x1024xf32, #tpu.memory_space<vmem>>) attributes {dimension_semantics = [#tpu.dimension_semantics<arbitrary>], iteration_bounds = array<i64: 10>, scalar_prefetch = 0 : i64, scratch_operands = 0 : i64, tpu.core_type = #tpu.core_type<tc>, window_params = [{transform_indices = @transform_0, window_bounds = array<i64: 1000, 256>}, {pipeline_mode = #tpu.pipeline_mode<synchronous>, transform_indices = @transform_1, window_bounds = array<i64: 256, 2048>}, {pipeline_mode = #tpu.pipeline_mode<synchronous>, transform_indices = @transform_2, window_bounds = array<i64: 1, 2048>}, {transform_indices = @transform_3, window_bounds = array<i64: 1000, 512>}, {transform_indices = @transform_4, window_bounds = array<i64: 1000, 512>}, {transform_indices = @transform_5, window_bounds = array<i64: 1000, 512>}, {transform_indices = @transform_6, window_bounds = array<i64: 1000, 512>}, {transform_indices = @transform_7, window_bounds = array<i64: 1000, 512>}, {transform_indices = @transform_8, window_bounds = array<i64: 1000, 512>}, {transform_indices = @transform_9, window_bounds = array<i64: 1000, 1024>}]} {
    %get3A = arith.constant 0 : index
    %get3A_0 = arith.constant 0 : index
    %get3A_1 = vector.load %arg1[%get3A, %get3A_0] : memref<1000x256xf32, #tpu.memory_space<vmem>>, vector<1000x256xf32>
    %get3A_2 = arith.constant 0 : index
    %get3A_3 = arith.constant 0 : index
    %get3A_4 = vector.load %arg2[%get3A_2, %get3A_3] : memref<256x2048xf32, #tpu.memory_space<vmem>>, vector<256x2048xf32>
    %dot_general3A = arith.constant dense<0.000000e+00> : vector<1000x2048xf32>
    %dot_general3A_5 = tpu.matmul %get3A_1, %get3A_4, %dot_general3A {dimension_numbers = #tpu.dot_dimension_numbers<[1], [0], [0], [1], [0, 0, 1, 1], [], []>, transpose_lhs_hint = false} : vector<1000x256xf32>, vector<256x2048xf32>, vector<1000x2048xf32> -> vector<1000x2048xf32>
    %get3A_6 = arith.constant 0 : index
    %get3A_7 = arith.constant 0 : index
    %get3A_8 = vector.load %arg3[%get3A_6, %get3A_7] : memref<1x2048xf32, #tpu.memory_space<vmem>>, vector<1x2048xf32>
    %add3A = vector.broadcast %get3A_8 : vector<1x2048xf32> to vector<1000x2048xf32>
    %add3A_9 = arith.addf %dot_general3A_5, %add3A : vector<1000x2048xf32>
    %slice3A = vector.extract_strided_slice %add3A_9 {offsets = [0, 0], sizes = [1000, 512], strides = [1, 1]} : vector<1000x2048xf32> to vector<1000x512xf32>
    %slice3A_10 = vector.extract_strided_slice %add3A_9 {offsets = [0, 512], sizes = [1000, 512], strides = [1, 1]} : vector<1000x2048xf32> to vector<1000x512xf32>
    %slice3A_11 = vector.extract_strided_slice %add3A_9 {offsets = [0, 1024], sizes = [1000, 512], strides = [1, 1]} : vector<1000x2048xf32> to vector<1000x512xf32>
    %slice3A_12 = vector.extract_strided_slice %add3A_9 {offsets = [0, 1536], sizes = [1000, 512], strides = [1, 1]} : vector<1000x2048xf32> to vector<1000x512xf32>
    %swap3A = arith.constant 0 : index
    %swap3A_13 = arith.constant 0 : index
    %swap3A_14 = vector.load %arg6[%swap3A, %swap3A_13] : memref<1000x512xf32, #tpu.memory_space<vmem>>, vector<1000x512xf32>
    tpu.vector_store %arg6[%swap3A, %swap3A_13], %slice3A {strides = array<i32>} : memref<1000x512xf32, #tpu.memory_space<vmem>>, vector<1000x512xf32>,
    %swap3A_15 = arith.constant 0 : index
    %swap3A_16 = arith.constant 0 : index
    %swap3A_17 = vector.load %arg7[%swap3A_15, %swap3A_16] : memref<1000x512xf32, #tpu.memory_space<vmem>>, vector<1000x512xf32>
    tpu.vector_store %arg7[%swap3A_15, %swap3A_16], %slice3A_10 {strides = array<i32>} : memref<1000x512xf32, #tpu.memory_space<vmem>>, vector<1000x512xf32>,
    %swap3A_18 = arith.constant 0 : index
    %swap3A_19 = arith.constant 0 : index
    %swap3A_20 = vector.load %arg8[%swap3A_18, %swap3A_19] : memref<1000x512xf32, #tpu.memory_space<vmem>>, vector<1000x512xf32>
    tpu.vector_store %arg8[%swap3A_18, %swap3A_19], %slice3A_11 {strides = array<i32>} : memref<1000x512xf32, #tpu.memory_space<vmem>>, vector<1000x512xf32>,
    %swap3A_21 = arith.constant 0 : index
    %swap3A_22 = arith.constant 0 : index
    %swap3A_23 = vector.load %arg9[%swap3A_21, %swap3A_22] : memref<1000x512xf32, #tpu.memory_space<vmem>>, vector<1000x512xf32>
    tpu.vector_store %arg9[%swap3A_21, %swap3A_22], %slice3A_12 {strides = array<i32>} : memref<1000x512xf32, #tpu.memory_space<vmem>>, vector<1000x512xf32>,
    %get3A_24 = arith.constant 0 : index
    %get3A_25 = arith.constant 0 : index
    %get3A_26 = vector.load %arg4[%get3A_24, %get3A_25] : memref<1000x512xf32, #tpu.memory_space<vmem>>, vector<1000x512xf32>
    %mul3A = arith.constant 5.000000e-01 : f32
    %mul3A_27 = vector.broadcast %mul3A : f32 to vector<1000x512xf32>
    %mul3A_28 = arith.mulf %mul3A_27, %slice3A_11 : vector<1000x512xf32>
    %exp3A = math.exp %mul3A_28 : vector<1000x512xf32>
    %mul3A_29 = arith.mulf %get3A_26, %exp3A : vector<1000x512xf32>
    %add3A_30 = arith.addf %slice3A, %mul3A_29 : vector<1000x512xf32>
    %swap3A_31 = arith.constant 0 : index
    %swap3A_32 = arith.constant 0 : index
    %swap3A_33 = vector.load %arg10[%swap3A_31, %swap3A_32] : memref<1000x1024xf32, #tpu.memory_space<vmem>>, vector<1000x512xf32>
    tpu.vector_store %arg10[%swap3A_31, %swap3A_32], %add3A_30 {strides = array<i32>} : memref<1000x1024xf32, #tpu.memory_space<vmem>>, vector<1000x512xf32>,
    %get3A_34 = arith.constant 0 : index
    %get3A_35 = arith.constant 0 : index
    %get3A_36 = vector.load %arg5[%get3A_34, %get3A_35] : memref<1000x512xf32, #tpu.memory_space<vmem>>, vector<1000x512xf32>
    %mul3A_37 = arith.constant 5.000000e-01 : f32
    %mul3A_38 = vector.broadcast %mul3A_37 : f32 to vector<1000x512xf32>
    %mul3A_39 = arith.mulf %mul3A_38, %slice3A_12 : vector<1000x512xf32>
    %exp3A_40 = math.exp %mul3A_39 : vector<1000x512xf32>
    %mul3A_41 = arith.mulf %get3A_36, %exp3A_40 : vector<1000x512xf32>
    %add3A_42 = arith.addf %slice3A_10, %mul3A_41 : vector<1000x512xf32>
    %swap3A_43 = arith.constant 0 : index
    %swap3A_44 = arith.constant 512 : index
    %swap3A_45 = vector.load %arg10[%swap3A_43, %swap3A_44] : memref<1000x1024xf32, #tpu.memory_space<vmem>>, vector<1000x512xf32>
    tpu.vector_store %arg10[%swap3A_43, %swap3A_44], %add3A_42 {strides = array<i32>} : memref<1000x1024xf32, #tpu.memory_space<vmem>>, vector<1000x512xf32>,
    return
  }
  func.func @transform_0(%arg0: i32) -> (i32, i32) {
    %c0_i32 = arith.constant 0 : i32
    %c0_i32_0 = arith.constant 0 : i32
    return %arg0, %c0_i32 : i32, i32
  }
  func.func @transform_1(%arg0: i32) -> (i32, i32) {
    %c0_i32 = arith.constant 0 : i32
    %c0_i32_0 = arith.constant 0 : i32
    %c0_i32_1 = arith.constant 0 : i32
    return %c0_i32, %c0_i32_0 : i32, i32
  }
  func.func @transform_2(%arg0: i32) -> (i32, i32) {
    %c0_i32 = arith.constant 0 : i32
    %c0_i32_0 = arith.constant 0 : i32
    %c0_i32_1 = arith.constant 0 : i32
    return %c0_i32, %c0_i32_0 : i32, i32
  }
  func.func @transform_3(%arg0: i32) -> (i32, i32) {
    %c0_i32 = arith.constant 0 : i32
    %c0_i32_0 = arith.constant 0 : i32
    return %arg0, %c0_i32 : i32, i32
  }
  func.func @transform_4(%arg0: i32) -> (i32, i32) {
    %c0_i32 = arith.constant 0 : i32
    %c0_i32_0 = arith.constant 0 : i32
    return %arg0, %c0_i32 : i32, i32
  }
  func.func @transform_5(%arg0: i32) -> (i32, i32) {
    %c0_i32 = arith.constant 0 : i32
    %c0_i32_0 = arith.constant 0 : i32
    return %arg0, %c0_i32 : i32, i32
  }
  func.func @transform_6(%arg0: i32) -> (i32, i32) {
    %c0_i32 = arith.constant 0 : i32
    %c0_i32_0 = arith.constant 0 : i32
    return %arg0, %c0_i32 : i32, i32
  }
  func.func @transform_7(%arg0: i32) -> (i32, i32) {
    %c0_i32 = arith.constant 0 : i32
    %c0_i32_0 = arith.constant 0 : i32
    return %arg0, %c0_i32 : i32, i32
  }
  func.func @transform_8(%arg0: i32) -> (i32, i32) {
    %c0_i32 = arith.constant 0 : i32
    %c0_i32_0 = arith.constant 0 : i32
    return %arg0, %c0_i32 : i32, i32
  }
  func.func @transform_9(%arg0: i32) -> (i32, i32) {
    %c0_i32 = arith.constant 0 : i32
    %c0_i32_0 = arith.constant 0 : i32
    return %arg0, %c0_i32 : i32, i32
  }
}

</mosaic_0001>

<sc_bundles>
// kernel: kernel.5.cloned.1.call-start
scs
__scs_entry_jumppad:
0x0: {  	(pc) =	sbr.rel $0x88, $3  }
0x1: {  	(tag) =	ssettag $0x0;
	lr =	simm.s32 $0x1  }
0x2: {  	[smem:$0x3F93] =	sst lr;
	_ =	strace $0xD0000000  }
0x3: {  	_ = 	snop  }
0x4: {  	_ = 	snop  }
0x5: {  	_ = 	snop  }
0x6: {  	_ = 	snop  }
0x7: {  	_ = 	snop  }
__scs_overlays_trampoline_lowered:
0x8: {  	[smem:$0x3FA2] =	sst s0  }
0x9: {  	[smem:$0x3FA3] =	sst s1  }
0xa: {  	[smem:$0x3FA4] =	sst s2  }
0xb: {  	[smem:$0x3FA5] =	sst s3  }
0xc: {  	[smem:$0x3FA6] =	sst s4  }
0xd: {  	[smem:$0x3FA7] =	sst s5  }
0xe: {  	[smem:$0x3FA8] =	sst s6  }
0xf: {  	[smem:$0x3FA9] =	sst s7  }
0x10: {  	[smem:$0x3FAA] =	sst s8  }
0x11: {  	[smem:$0x3FAB] =	sst s9;
	s0 =	simm.s32 @!p0 $0x0  }
0x12: {  	s1 =	sld [smem:$0x3F91];
	s0 =	simm.s32 @p0 $0x1  }
0x13: {  	[smem:$0x3FAC] =	sst s0;
	s0 =	simm.s32 @!p1 $0x0  }
0x14: {  	s2 =	sld [smem:$0x3F90];
	s0 =	simm.s32 @p1 $0x1  }
0x15: {  	[smem:$0x3FAD] =	sst s0;
	s0 =	simm.s32 @!p2 $0x0  }
0x16: {  	s3 =	sld [smem:$0x3FDB];
	s0 =	simm.s32 @p2 $0x1  }
0x17: {  	s4 =	simm.s32 $0x1BF5;
	[smem:$0x3FAF] =	sst s0  }
0x18: {  	s0 =	sld [smem:$0x3F92];
	_ =	swait.ge [sflag:s4], $0x0  }
0x19: {  	s7 =	sld [smem:$0x3F93]  }
0x1a: {  	s8 =	sadd.s32 $0xFFFFE003, lr  }
0x1b: {  	s9 =	sadd.s32 $0xFFFFFEF7, lr;
	s5 =	simm.s32 $0xFFFFFFFF;
	p2 =	slt.u32 s8, $0xFFFFF086  }
0x1c: {  	p1 =	slt.u32 s9, $0xF7A;
	s5 =	simm.s32 @!p2 $0x0  }
0x1d: {  	s5 =	simm.s32 @p1 $0x1;
	p0 =	seq.s32 s7, s2  }
0x1e: {  	s7 =	smul.u32 @!p0 $0xF7A, s2;
	p2 =	seq.s32 @!p0 s5, $0x0  }
0x1f: {  	s9 =	smul.u32 $0xF7A, s1;
	s8 =	simm.s32 @!p0 $0x1BF5;
	p2 =	por !p2, p0  }
0x20: {  	[sflag:s8] =	ssyncset.s32 @!p0 $0xFFFFF086;
	s6 =	sadd.s32 @!p0 s3, s7;
	s7 =	simm.s32 @!p0 $0x108  }
0x21: {  	s3 =	sadd.s32 s3, s9;
	s6 =	sadd.s32 @!p0 $0x88, s6;
	s7 =	simm.s32 @p2 $0x1082  }
0x22: {  	[simem:s7], [sflag:s8] =	dma.local @!p0 [hbm:s6], $0xF7A  }
0x23: {  	s9 =	sor.u32 $0xD0000000, s2;
	s6 =	simm.s32 $0x108;
	_ =	swait.ge @!p0 [sflag:s8], $0x0  }
0x24: {  	s3 =	sadd.s32 $0x88, s3;
	s6 =	simm.s32 @!p1 $0x1082;
	[sflag:s4] =	ssyncset.s32 $0xFFFFF086  }
0x25: {  	[simem:s6], [sflag:s4] =	dma.local [hbm:s3], $0xF7A  }
0x26: {  	[smem:$0x3F93] =	sst s1;
	(tag) =	ssettag s2;
	_ =	strace s9  }
0x27: {  	s1 =	sld [smem:$0x3FA3]  }
0x28: {  	s2 =	sld [smem:$0x3FA4]  }
0x29: {  	s4 =	sld [smem:$0x3FA6]  }
0x2a: {  	p0 =	seq.s32 s5, $0x0;
	s5 =	sld [smem:$0x3FA7]  }
0x2b: {  	s6 =	sld [smem:$0x3FA8]  }
0x2c: {  	s7 =	sld [smem:$0x3FA9]  }
0x2d: {  	s3 =	simm.s32 $0x108;
	s8 =	sld [smem:$0x3FAA]  }
0x2e: {  	s3 =	simm.s32 @!p0 $0x1082;
	s9 =	sld [smem:$0x3FAB]  }
0x2f: {  	lr =	sadd.s32 s0, s3;
	s0 =	sld [smem:$0x3FA2]  }
0x30: {  	s3 =	sld [smem:$0x3FA5]  }
0x31: {  	[smem:$0x3FAE] =	sst s10  }
0x32: {  	s10 =	sld [smem:$0x3FAC];
	_ =	sdelay $0x3  }
0x33: {  	p0 =	seq.s32 s10, $0x1;
	s10 =	sld [smem:$0x3FAE];
	_ =	sdelay $0x3  }
0x34: {  	[smem:$0x3FAE] =	sst s10  }
0x35: {  	s10 =	sld [smem:$0x3FAD];
	_ =	sdelay $0x3  }
0x36: {  	p1 =	seq.s32 s10, $0x1;
	s10 =	sld [smem:$0x3FAE];
	_ =	sdelay $0x3  }
0x37: {  	[smem:$0x3FAE] =	sst s10  }
0x38: {  	s10 =	sld [smem:$0x3FAF]  }
0x39: {  	_ = 	snop;
	(pc) =	sbr.ind lr, $3  }
0x3a: {  	_ = 	snop  }
0x3b: {  	_ = 	snop  }
0x3c: {  	p2 =	seq.s32 s10, $0x1;
	s10 =	sld [smem:$0x3FAE]  }
0x3d: {  	_ =	shalt  }
0x3e: {  	_ =	shalt  }
0x3f: {  	_ =	shalt  }
0x40: {  	_ =	shalt  }
0x41: {  	_ =	shalt  }
0x42: {  	_ =	shalt  }
0x43: {  	_ =	shalt  }
0x44: {  	_ =	shalt  }
0x45: {  	_ =	shalt  }
0x46: {  	_ =	shalt  }
0x47: {  	_ =	shalt  }
0x48: {  	_ =	shalt  }
0x49: {  	_ =	shalt  }
0x4a: {  	_ =	shalt  }
0x4b: {  	_ =	shalt  }
0x4c: {  	_ =	shalt  }
0x4d: {  	_ =	shalt  }
0x4e: {  	_ =	shalt  }
0x4f: {  	_ =	shalt  }
0x50: {  	_ =	shalt  }
0x51: {  	_ =	shalt  }
0x52: {  	_ =	shalt  }
0x53: {  	_ =	shalt  }
0x54: {  	_ =	shalt  }
0x55: {  	_ =	shalt  }
0x56: {  	_ =	shalt  }
0x57: {  	_ =	shalt  }
0x58: {  	_ =	shalt  }
0x59: {  	_ =	shalt  }
0x5a: {  	_ =	shalt  }
0x5b: {  	_ =	shalt  }
0x5c: {  	_ =	shalt  }
0x5d: {  	_ =	shalt  }
0x5e: {  	_ =	shalt  }
0x5f: {  	_ =	shalt  }
0x60: {  	_ =	shalt  }
0x61: {  	_ =	shalt  }
0x62: {  	_ =	shalt  }
0x63: {  	_ =	shalt  }
0x64: {  	_ =	shalt  }
0x65: {  	_ =	shalt  }
0x66: {  	_ =	shalt  }
0x67: {  	_ =	shalt  }
0x68: {  	_ =	shalt  }
0x69: {  	_ =	shalt  }
0x6a: {  	_ =	shalt  }
0x6b: {  	_ =	shalt  }
0x6c: {  	_ =	shalt  }
0x6d: {  	_ =	shalt  }
0x6e: {  	_ =	shalt  }
0x6f: {  	_ =	shalt  }
0x70: {  	_ =	shalt  }
0x71: {  	_ =	shalt  }
0x72: {  	_ =	shalt  }
0x73: {  	_ =	shalt  }
0x74: {  	_ =	shalt  }
0x75: {  	_ =	shalt  }
0x76: {  	_ =	shalt  }
0x77: {  	_ =	shalt  }
0x78: {  	_ =	shalt  }
0x79: {  	_ =	shalt  }
0x7a: {  	_ =	shalt  }
0x7b: {  	_ =	shalt  }
0x7c: {  	_ =	shalt  }
0x7d: {  	_ =	shalt  }
0x7e: {  	_ =	shalt  }
0x7f: {  	_ =	shalt  }
0x80: {  	_ =	shalt  }
0x81: {  	_ =	shalt  }
0x82: {  	_ =	shalt  }
0x83: {  	_ =	shalt  }
0x84: {  	_ =	shalt  }
0x85: {  	_ =	shalt  }
0x86: {  	_ =	shalt  }
0x87: {  	_ =	shalt  }
.Lfunc_end0:
.L_simem_size_0:
called_computation.3_lowered:
.L_overlay_start_0:
0x88: {  	s2 =	sld [smem:$0x3FD9]  }
0x89: {  	s3 =	sld [smem:$0x3FFE];
	_ =	sdelay $0x1  }
0x8a: {  	s1 =	srdreg.scid  }
0x8b: {  	s0 =	sand.u32 $0x1, s1  }
0x8c: {  	s14 =	sshll.u32 s0, $0xA;
	s2 =	sadd.s32 s3, s2  }
0x8d: {  	s2 =	sadd.s32 s2, s14  }
0x8e: {  	[smem:$0x3FBA] =	sst s2  }
0x8f: {  	_ = 	snop  }
0x90: {  	s2 =	sld [smem:$0x3FD0];
	_ =	sdelay $0x2  }
0x91: {  	s15 =	simm.s32 $0xA;
	s4 =	simm.s32 $0x10  }
0x92: {  	[smem:s4], [sflag:s15] =	dma.local [hbm:s2], $0x1  }
0x93: {  	_ =	swait.eq [sflag:s15], $0x1  }
0x94: {  	[sflag:s15] =	ssyncset.done $0x0  }
0x95: {  	s16 =	sld [smem:$0x10];
	[sflag:s15] =	ssyncadd.s32 $0xFFFFFFFF  }
0x96: {  	s17 =	sld [smem:$0x11];
	(tm) =	ssettm $0x1  }
0x97: {  	s18 =	sld [smem:$0x3FFB];
	_ =	sdelay $0x3  }
0x98: {  	_ =	strace s18  }
0x99: {  	s4 =	sld [smem:$0x3FFC];
	_ =	sdelay $0x3  }
0x9a: {  	_ =	strace s4  }
0x9b: {  	s4 =	sld [smem:$0x3FFD];
	_ =	sdelay $0x3  }
0x9c: {  	_ =	strace s4  }
0x9d: {  	_ =	strace $0x8FFFFFFF  }
0x9e: {  	s19 =	sld [smem:$0x3FDB];
	_ =	sdelay $0x1  }
0x9f: {  	s5 =	simm.s32 $_scs_section_size  }
0xa0: {  	s6 =	simm.s32 $_size__tile_overlayer_lowered;
	s7 =	simm.s32 $_tile_overlayer_lowered  }
0xa1: {  	s22 =	simm.s32 $0x1BFF;
	s21 =	sshll.u32 s7, $0x1;
	s4 =	sadd.s32 s5, s19  }
0xa2: {  	s8 =	simm.s32 $0x0;
	s20 =	sshll.u32 s6, $0x1;
	s6 =	sadd.s32 s21, s4  }
0xa3: {  	[timem:s8], [sflag:s22] =	dma.local [hbm:s6], s20  }
0xa4: {  	_ =	swait.ge [sflag:s22], s20  }
0xa5: {  	s5 =	ssub.s32 $0x0, s20;
	[sflag:s22] =	ssyncset.done $0x0  }
0xa6: {  	[sflag:s22] =	ssyncadd.s32 s5;
	_ =	sdelay $0x1  }
0xa7: {  	s23 =	simm.s32 $0x1B8B  }
0xa8: {  	_ =	swait.ge [sflag:s23], $0x1  }
0xa9: {  	[sflag:s23] =	ssyncset.done $0x0  }
0xaa: {  	s25 =	simm.s32 $0x1B8E;
	s24 =	sld [smem:$0x3FFE];
	[sflag:s23] =	ssyncadd.s32 $0xFFFFFFFF  }
0xab: {  	s26 =	simm.s32 $execute0_lowered;
	[smem:$0x3FD2] =	sst s25  }
0xac: {  	s6 =	sshll.u32 s26, $0x1;
	_ =	strace $0x8000004F;
	[dreg:$0x1] =	wrdreg $0xFFFFFFFF  }
0xad: {  	s28 =	simm.s32 $_size_execute0_lowered;
	s4 =	sadd.s32 s4, s6;
	[dreg:$0x0] =	wrdreg $0x0  }
0xae: {  	s6 =	sshll.u32 s28, $0x1;
	[dreg:$0x2] =	wrdreg s4  }
0xaf: {  	[dreg:$0x3] =	wrdreg s6  }
0xb0: {  	[dreg:$0x4] =	wrdreg $0xC0  }
0xb1: {  	_ =	task [dreg:s8], $0x5FFFF  }
0xb2: {  	[dreg:$0x1] =	wrdreg $0xFFFFFFFF  }
0xb3: {  	[dreg:$0x0] =	wrdreg $0x60  }
0xb4: {  	[dreg:$0x2] =	wrdreg s24  }
0xb5: {  	[dreg:$0x3] =	wrdreg s16  }
0xb6: {  	[dreg:$0x4] =	wrdreg s17  }
0xb7: {  	[dreg:$0x5] =	wrdreg $0x9  }
0xb8: {  	_ =	task.clear_ibuf [dreg:s8], $0x6FFFF;
	_ =	strace $0x9000004F  }
0xb9: {  	s29 =	simm.s32 $0x9;
	_ =	strace $0x80000051  }
0xba: {  	_ =	swait.ge [sflag:s29], $0x1  }
0xbb: {  	[sflag:s29] =	ssyncadd.s32 $0xFFFFFFFF  }
0xbc: {  	_ =	strace $0x90000051  }
0xbd: {  	_ =	sfence  }
0xbe: {  	s30 =	sld [smem:$0x0];
	_ =	sdelay $0x2  }
0xbf: {  	s31 =	sshll.u32 s1, $0xD;
	s1 =	sshrl.u32 s1, $0x2  }
0xc0: {  	s3 =	sand.u32 $0x4000, s31;
	s1 =	sadd.s32 s1, s30  }
0xc1: {  	s0 =	sor.u32 s3, s0;
	s1 =	sshll.u32 s1, $0x11  }
0xc2: {  	s0 =	sor.u32 s1, s0  }
0xc3: {  	s0 =	sadd.s32 $0x8F2B, s0  }
0xc4: {  	[sflag:s0] =	ssyncadd.remote.s32 $0x1  }
0xc5: {  	_ =	sfence.sel $0xFFFF  }
0xc6: {  	[dreg:$0x0] =	wrdreg $0xFFFFFFFF;
	(pc) =	sbr.abs _section_cstart, $3  }
0xc7: {  	[dreg:$0x1] =	wrdreg $0xFFFFFFFF  }
0xc8: {  	_ =	task.clear_ibuf [dreg:s8], $0x2FFFF;
	_ =	strace $0x9FFFFFFF  }
0xc9: {  	(tm) =	ssettm $0x7FFFFFFF  }
tec
execute0_lowered:
.L_overlay_start_1:
0x0: {  	(tag) =	ssettag $0x1  }
0x1: {  	s0 =	rddreg [dreg:$0x0]  }
0x2: {  	s1 =	rddreg [dreg:$0x1];
	s2 =	srdreg.scid  }
0x3: {  	s3 =	stileid.u32;
	s4 =	rddreg [dreg:$0x2];
	v0 =	vimm.s32 $0xBA98FEDC;
	v1 =	vimm.s32 $0x32107654  }
0x4: {  	s10 =	simm.s32 $0x0;
	s13 =	simm.s32 $0x4000;
	s14 =	simm.s32 $0x4800;
	v2 =	vunpack.c.l.s4.s8 v0;
	v3 =	vunpack.c.l.s4.s8 v1  }
0x5: {  	s15 =	simm.s32 $0x5000;
	s16 =	simm.s32 $0x5800;
	s17 =	simm.s32 $0x6000;
	v4 =	vimm.s32 $0x76543210  }
0x6: {  	s18 =	simm.s32 $0x6800;
	s19 =	simm.s32 $0x7000;
	s20 =	simm.s32 $0x7800;
	v5 =	vimm.s32 $0xFEDCBA98;
	v2 =	vunpack.c.0.s8.s32 v2;
	v3 =	vunpack.c.0.s8.s32 v3  }
0x7: {  	v6 =	vimm.s32 $0xDCFE98BA;
	s25 =	simm.s32 $0x8000;
	v8 =	vimm.s32 $0x67452301;
	s2 =	sand.u32 $0x1, s2;
	s3 =	sshll.u32 s3, $0x1  }
0x8: {  	s28 =	simm.s32 $0x9000;
	s29 =	simm.s32 $0x9800;
	v0 =	vlaneseq.u32;
	s3 =	sor.u32 s2, s3;
	v7 =	vcombine.low v3, v2;
	v2 =	vimm.s32 $0x54761032  }
0x9: {  	s30 =	simm.s32 $0xA000;
	[smem:$0x7FF] =	sst s10;
	v6 =	vunpack.c.l.s4.s8 v6;
	v5 =	vunpack.c.l.s4.s8 v5;
	s5 =	smul.u32 $0x274, s3;
	v2 =	vunpack.c.l.s4.s8 v2  }
0xa: {  	s21 =	simm.s32 $0x2;
	s8 =	sadd.s32 $0x1300, s0;
	v8 =	vunpack.c.l.s4.s8 v8;
	v4 =	vunpack.c.l.s4.s8 v4;
	_ =	strace $0x80000050;
	v3 =	vimm.s32 $0xEFCDAB89  }
0xb: {  	s2 =	ssub.s32 $0x2, s2;
	s3 =	sadd.s32 $0x1000, s0;
	v6 =	vunpack.c.0.s8.s32 v6;
	s1 =	sadd.s32 s1, s5;
	v3 =	vunpack.c.l.s4.s8 v3;
	v2 =	vunpack.c.0.s8.s32 v2  }
0xc: {  	v1 =	vand.u32 $0x7, v0;
	v5 =	vunpack.c.0.s8.s32 v5;
	v8 =	vunpack.c.0.s8.s32 v8;
	s6 =	sadd.s32 s5, s0;
	s31 =	sadd.s32 s4, s5;
	[dreg:$0x6] =	wrdreg s1  }
0xd: {  	s9 =	sshrl.u32 s2, $0x1;
	s7 =	sadd.s32 $0x4E3000, s6;
	[dreg:$0x7] =	wrdreg s31;
	v3 =	vunpack.c.0.s8.s32 v3;
	v6 =	vcombine.low v2, v6;
	v2 =	vshrl.u32 v0, $0x3  }
0xe: {  	[tilespmem:$0x1FFD0] =	vst v1;
	v4 =	vunpack.c.0.s8.s32 v4;
	s26 =	ssub.s32 s2, s9;
	s6 =	sadd.s32 $0x4E8000, s6;
	[dreg:$0x4] =	wrdreg s7;
	v1 =	vmul.u32 $0x8, v2  }
0xf: {  	s2 =	simm.s32 $0x3;
	v5 =	vand.u32 $0xF, v5;
	s5 =	simm.s32 $0x1;
	[dreg:$0x5] =	wrdreg s6;
	v8 =	vcombine.low v8, v3  }
0x10: {  	vm0 =	vmmov $0xffff;
	v4 =	vcombine.low v5, v4;
	s6 =	sadd.s32 $0x1100, s0;
	s7 =	sadd.s32 $0x1200, s0;
	s0 =	smax.u32 s26, $0x1;
	[tilespmem:$0x1FFE0] =	vst v1;
	v1 =	vor.u32 $0x8, v0  }
0x11: {  	s1 =	simm.s32 $0x0;
	s26 =	simm.s32 $0x8800;
	v5 =	vand.u32 $0xF, v7;
	[dreg:$0x8] =	wrdreg s0;
	v6 =	vand.u32 $0xF, v6;
	v7 =	vand.u32 $0xF, v8;
	[tilespmem:$0x1FFF0] =	vst v1  }
.LBB2_1:
0x12: {  	[dreg:$0x9] =	wrdreg s1  }
0x13: {  	s0 =	rddreg [dreg:$0x4]  }
0x14: {  	[tilespmem:s10], [sflag:$0x3] =	stream.linear.gather [hbm4b:s0+s10], $0x13A0, $0x38;
	[tilespmem:$0x15000] =	vst v63  }
0x15: {  	_ =	swait.ge [sflag:s2], $0x13A0  }
0x16: {  	[sflag:s2] =	ssyncset.done $0x0  }
0x17: {  	s22 =	simm.s32 $0x1400;
	s12 =	rddreg [dreg:$0x5];
	[sflag:s2] =	ssyncadd.s32 $0xFFFFEC60  }
0x18: {  	[tilespmem:s22], [sflag:$0x3] =	stream.linear.gather [hbm4b:s12+s10], $0x13A0, $0x38;
	[tilespmem:$0x15000] =	vst v63  }
0x19: {  	_ =	swait.ge [sflag:s2], $0x13A0  }
0x1a: {  	[sflag:s2] =	ssyncset.done $0x0  }
0x1b: {  	[sflag:s2] =	ssyncadd.s32 $0xFFFFEC60  }
0x1c: {  	v8 =	vld [tilespmem:$0x0];
	_ =	sdelay $0x2  }
0x1d: {  	v1 =	vld [tilespmem:$0x1FFD0];
	_ =	sdelay $0x1  }
0x1e: {  	v2 =	vld [tilespmem:$0x1FFE0];
	v9 =	vshll.u32 v8, $0x3  }
0x1f: {  	v8 =	vand.u32 $0x7, v8;
	v9 =	vand.u32 $0xFFFFFFC0, v9  }
0x20: {  	v8 =	vor.u32 v8, v9  }
0x21: {  	v9 =	vperm.xlane v8, v1;
	_ =	sdelay $0x1  }
0x22: {  	v9 =	vadd.s32 v2, v9  }
0x23: {  	v3 =	vld [tilespmem:$0x1FFF0];
	_ =	sdelay $0x2  }
0x24: {  	s23 =	simm.s32 $0x2800  }
0x25: {  	[tilespmem:s23], [sflag:$0x1] =	stream.indirect_vreg.gather [hbm4b:s3+s10], $0x80, v9, vm0, $0xb8;
	[tilespmem:$0x15000] =	vst v63  }
0x26: {  	s24 =	simm.s32 $0x3000;
	v8 =	vperm.xlane v8, v3  }
0x27: {  	[tilespmem:s24], [sflag:$0x1] =	stream.indirect_vreg.gather [hbm4b:s6+s10], $0x80, v9, vm0, $0xb8;
	[tilespmem:$0x15000] =	vst v63  }
0x28: {  	s31 =	simm.s32 $0x3800;
	v8 =	vadd.s32 v2, v8  }
0x29: {  	[tilespmem:s31], [sflag:$0x1] =	stream.indirect_vreg.gather [hbm4b:s7+s10], $0x80, v9, vm0, $0xb8;
	[tilespmem:$0x15000] =	vst v63  }
0x2a: {  	_ = 	snop  }
0x2b: {  	[tilespmem:s13], [sflag:$0x1] =	stream.indirect_vreg.gather [hbm4b:s8+s10], $0x80, v9, vm0, $0xb8;
	[tilespmem:$0x15000] =	vst v63  }
0x2c: {  	_ = 	snop  }
0x2d: {  	[tilespmem:s14], [sflag:$0x1] =	stream.indirect_vreg.gather [hbm4b:s3+s10], $0x80, v8, vm0, $0xb8;
	[tilespmem:$0x15000] =	vst v63  }
0x2e: {  	_ = 	snop  }
0x2f: {  	[tilespmem:s15], [sflag:$0x1] =	stream.indirect_vreg.gather [hbm4b:s6+s10], $0x80, v8, vm0, $0xb8;
	[tilespmem:$0x15000] =	vst v63  }
0x30: {  	_ = 	snop  }
0x31: {  	[tilespmem:s16], [sflag:$0x1] =	stream.indirect_vreg.gather [hbm4b:s7+s10], $0x80, v8, vm0, $0xb8;
	[tilespmem:$0x15000] =	vst v63  }
0x32: {  	_ = 	snop  }
0x33: {  	[tilespmem:s17], [sflag:$0x1] =	stream.indirect_vreg.gather [hbm4b:s8+s10], $0x80, v8, vm0, $0xb8;
	[tilespmem:$0x15000] =	vst v63  }
0x34: {  	v8 =	vld [tilespmem:$0x1400];
	_ =	sdelay $0x4  }
0x35: {  	v63 =	vshll.u32 v8, $0x3  }
0x36: {  	v8 =	vand.u32 $0x7, v8;
	v9 =	vand.u32 $0xFFFFFFC0, v63  }
0x37: {  	v8 =	vor.u32 v8, v9  }
0x38: {  	v9 =	vperm.xlane v8, v1;
	_ =	sdelay $0x1  }
0x39: {  	v9 =	vadd.s32 v2, v9;
	_ =	sdelay $0x4  }
0x3a: {  	[tilespmem:s18], [sflag:$0x1] =	stream.indirect_vreg.gather [hbm4b:s3+s10], $0x80, v9, vm0, $0xb8;
	[tilespmem:$0x15000] =	vst v63  }
0x3b: {  	v8 =	vperm.xlane v8, v3  }
0x3c: {  	[tilespmem:s19], [sflag:$0x1] =	stream.indirect_vreg.gather [hbm4b:s6+s10], $0x80, v9, vm0, $0xb8;
	[tilespmem:$0x15000] =	vst v63  }
0x3d: {  	v8 =	vadd.s32 v2, v8  }
0x3e: {  	[tilespmem:s20], [sflag:$0x1] =	stream.indirect_vreg.gather [hbm4b:s7+s10], $0x80, v9, vm0, $0xb8;
	[tilespmem:$0x15000] =	vst v63  }
0x3f: {  	_ = 	snop  }
0x40: {  	[tilespmem:s25], [sflag:$0x1] =	stream.indirect_vreg.gather [hbm4b:s8+s10], $0x80, v9, vm0, $0xb8;
	[tilespmem:$0x15000] =	vst v63  }
0x41: {  	_ = 	snop  }
0x42: {  	[tilespmem:s26], [sflag:$0x1] =	stream.indirect_vreg.gather [hbm4b:s3+s10], $0x80, v8, vm0, $0xb8;
	[tilespmem:$0x15000] =	vst v63  }
0x43: {  	_ = 	snop  }
0x44: {  	[tilespmem:s28], [sflag:$0x1] =	stream.indirect_vreg.gather [hbm4b:s6+s10], $0x80, v8, vm0, $0xb8;
	[tilespmem:$0x15000] =	vst v63  }
0x45: {  	_ = 	snop  }
0x46: {  	[tilespmem:s29], [sflag:$0x1] =	stream.indirect_vreg.gather [hbm4b:s7+s10], $0x80, v8, vm0, $0xb8;
	[tilespmem:$0x15000] =	vst v63  }
0x47: {  	s22 =	simm.s32 $0x0  }
0x48: {  	[tilespmem:s30], [sflag:$0x1] =	stream.indirect_vreg.gather [hbm4b:s8+s10], $0x80, v8, vm0, $0xb8;
	[tilespmem:$0x15000] =	vst v63  }
.LBB2_2:
0x49: {  	s24 =	sshll.u32 s22, $0x5  }
0x4a: {  	v8 =	vld [tilespmem:s24+$0x10];
	_ =	sdelay $0x2  }
0x4b: {  	v1 =	vld [tilespmem:$0x1FFD0];
	_ =	sdelay $0x1  }
0x4c: {  	v2 =	vld [tilespmem:$0x1FFE0];
	v9 =	vshll.u32 v8, $0x3  }
0x4d: {  	v8 =	vand.u32 $0x7, v8;
	v9 =	vand.u32 $0xFFFFFFC0, v9  }
0x4e: {  	v8 =	vor.u32 v8, v9  }
0x4f: {  	v9 =	vperm.xlane v8, v1;
	_ =	sdelay $0x1  }
0x50: {  	v9 =	vadd.s32 v2, v9  }
0x51: {  	v3 =	vld [tilespmem:$0x1FFF0];
	_ =	sdelay $0x2  }
0x52: {  	s2 =	simm.s32 $0x0;
	s0 =	simm.s32 $0xA800  }
0x53: {  	[tilespmem:s0], [sflag:$0x2] =	stream.indirect_vreg.gather [hbm4b:s3+s2], $0x80, v9, vm0, $0xb8;
	[tilespmem:$0x15000] =	vst v63  }
0x54: {  	s4 =	simm.s32 $0xB000;
	v8 =	vperm.xlane v8, v3  }
0x55: {  	[tilespmem:s4], [sflag:$0x2] =	stream.indirect_vreg.gather [hbm4b:s6+s2], $0x80, v9, vm0, $0xb8;
	[tilespmem:$0x15000] =	vst v63  }
0x56: {  	s9 =	simm.s32 $0xB800;
	v8 =	vadd.s32 v2, v8  }
0x57: {  	[tilespmem:s9], [sflag:$0x2] =	stream.indirect_vreg.gather [hbm4b:s7+s2], $0x80, v9, vm0, $0xb8;
	[tilespmem:$0x15000] =	vst v63  }
0x58: {  	s10 =	simm.s32 $0xC000  }
0x59: {  	[tilespmem:s10], [sflag:$0x2] =	stream.indirect_vreg.gather [hbm4b:s8+s2], $0x80, v9, vm0, $0xb8;
	[tilespmem:$0x15000] =	vst v63  }
0x5a: {  	s11 =	simm.s32 $0xC800  }
0x5b: {  	[tilespmem:s11], [sflag:$0x2] =	stream.indirect_vreg.gather [hbm4b:s3+s2], $0x80, v8, vm0, $0xb8;
	[tilespmem:$0x15000] =	vst v63  }
0x5c: {  	s12 =	simm.s32 $0xD000  }
0x5d: {  	[tilespmem:s12], [sflag:$0x2] =	stream.indirect_vreg.gather [hbm4b:s6+s2], $0x80, v8, vm0, $0xb8;
	[tilespmem:$0x15000] =	vst v63  }
0x5e: {  	s23 =	simm.s32 $0xD800  }
0x5f: {  	[tilespmem:s23], [sflag:$0x2] =	stream.indirect_vreg.gather [hbm4b:s7+s2], $0x80, v8, vm0, $0xb8;
	[tilespmem:$0x15000] =	vst v63  }
0x60: {  	s1 =	simm.s32 $0xE000  }
0x61: {  	[tilespmem:s1], [sflag:$0x2] =	stream.indirect_vreg.gather [hbm4b:s8+s2], $0x80, v8, vm0, $0xb8;
	[tilespmem:$0x15000] =	vst v63  }
0x62: {  	v8 =	vld [tilespmem:s24+$0x1410];
	_ =	sdelay $0x4  }
0x63: {  	v9 =	vshll.u32 v8, $0x3  }
0x64: {  	v8 =	vand.u32 $0x7, v8;
	v9 =	vand.u32 $0xFFFFFFC0, v9  }
0x65: {  	v8 =	vor.u32 v8, v9  }
0x66: {  	v9 =	vperm.xlane v8, v1;
	_ =	sdelay $0x1  }
0x67: {  	v9 =	vadd.s32 v2, v9;
	_ =	sdelay $0x3  }
0x68: {  	s4 =	simm.s32 $0xE800  }
0x69: {  	[tilespmem:s4], [sflag:$0x2] =	stream.indirect_vreg.gather [hbm4b:s3+s2], $0x80, v9, vm0, $0xb8;
	[tilespmem:$0x15000] =	vst v63  }
0x6a: {  	s9 =	simm.s32 $0xF000;
	v8 =	vperm.xlane v8, v3  }
0x6b: {  	[tilespmem:s9], [sflag:$0x2] =	stream.indirect_vreg.gather [hbm4b:s6+s2], $0x80, v9, vm0, $0xb8;
	[tilespmem:$0x15000] =	vst v63  }
0x6c: {  	s10 =	simm.s32 $0xF800;
	v8 =	vadd.s32 v2, v8  }
0x6d: {  	[tilespmem:s10], [sflag:$0x2] =	stream.indirect_vreg.gather [hbm4b:s7+s2], $0x80, v9, vm0, $0xb8;
	[tilespmem:$0x15000] =	vst v63  }
0x6e: {  	s11 =	simm.s32 $0x10000  }
0x6f: {  	[tilespmem:s11], [sflag:$0x2] =	stream.indirect_vreg.gather [hbm4b:s8+s2], $0x80, v9, vm0, $0xb8;
	[tilespmem:$0x15000] =	vst v63  }
0x70: {  	s12 =	simm.s32 $0x10800  }
0x71: {  	[tilespmem:s12], [sflag:$0x2] =	stream.indirect_vreg.gather [hbm4b:s3+s2], $0x80, v8, vm0, $0xb8;
	[tilespmem:$0x15000] =	vst v63  }
0x72: {  	s23 =	simm.s32 $0x11000  }
0x73: {  	[tilespmem:s23], [sflag:$0x2] =	stream.indirect_vreg.gather [hbm4b:s6+s2], $0x80, v8, vm0, $0xb8;
	[tilespmem:$0x15000] =	vst v63  }
0x74: {  	s1 =	simm.s32 $0x11800  }
0x75: {  	[tilespmem:s1], [sflag:$0x2] =	stream.indirect_vreg.gather [hbm4b:s7+s2], $0x80, v8, vm0, $0xb8;
	[tilespmem:$0x15000] =	vst v63  }
0x76: {  	s4 =	simm.s32 $0x12000  }
0x77: {  	[tilespmem:s4], [sflag:$0x2] =	stream.indirect_vreg.gather [hbm4b:s8+s2], $0x80, v8, vm0, $0xb8;
	[tilespmem:$0x15000] =	vst v63  }
0x78: {  	_ =	swait.ge [sflag:s5], $0x4000  }
0x79: {  	[sflag:s5] =	ssyncset.done $0x0  }
0x7a: {  	[sflag:s5] =	ssyncadd.s32 $0xFFFFC000  }
0x7b: {  	_ =	swait.ge [sflag:s5], $0x4000  }
0x7c: {  	s9 =	sand.u32 $0x2000, s2;
	s1 =	sand.u32 $0x380, s2;
	[sflag:s5] =	ssyncset.done $0x0  }
0x7d: {  	s1 =	sor.u32 s1, s9;
	[sflag:s5] =	ssyncadd.s32 $0xFFFFC000  }
0x7e: {  	v8 =	vld [tilespmem:s1+$0x3800]  }
0x7f: {  	v9 =	vld [tilespmem:s1+$0x7800]  }
0x80: {  	v10 =	vld [tilespmem:s1+$0x3810]  }
0x81: {  	v11 =	vld [tilespmem:s1+$0x7810]  }
0x82: {  	v12 =	vld [tilespmem:s1+$0x3820]  }
0x83: {  	v13 =	vld [tilespmem:s1+$0x7820]  }
0x84: {  	v14 =	vld [tilespmem:s1+$0x3830]  }
0x85: {  	v15 =	vld [tilespmem:s1+$0x7830]  }
0x86: {  	v16 =	vld [tilespmem:s1+$0x3840]  }
0x87: {  	v17 =	vld [tilespmem:s1+$0x7840]  }
0x88: {  	v18 =	vld [tilespmem:s1+$0x3850]  }
0x89: {  	v19 =	vld [tilespmem:s1+$0x7850]  }
0x8a: {  	v20 =	vld [tilespmem:s1+$0x3860]  }
0x8b: {  	v21 =	vld [tilespmem:s1+$0x7860]  }
0x8c: {  	v22 =	vld [tilespmem:s1+$0x3870]  }
0x8d: {  	v23 =	vld [tilespmem:s1+$0x7870]  }
0x8e: {  	v24 =	vld [tilespmem:s1+$0x3C00]  }
0x8f: {  	v25 =	vld [tilespmem:s1+$0x7C00]  }
0x90: {  	v26 =	vld [tilespmem:s1+$0x3C10]  }
0x91: {  	v27 =	vld [tilespmem:s1+$0x7C10]  }
0x92: {  	v28 =	vld [tilespmem:s1+$0x3C20]  }
0x93: {  	v29 =	vld [tilespmem:s1+$0x7C20]  }
0x94: {  	v30 =	vld [tilespmem:s1+$0x3C30]  }
0x95: {  	v31 =	vld [tilespmem:s1+$0x7C30]  }
0x96: {  	v32 =	vld [tilespmem:s1+$0x3C40]  }
0x97: {  	v33 =	vld [tilespmem:s1+$0x7C40]  }
0x98: {  	v34 =	vld [tilespmem:s1+$0x3C50]  }
0x99: {  	v35 =	vld [tilespmem:s1+$0x7C50]  }
0x9a: {  	v36 =	vld [tilespmem:s1+$0x3C60]  }
0x9b: {  	v37 =	vld [tilespmem:s1+$0x7C60]  }
0x9c: {  	v38 =	vld [tilespmem:s1+$0x3C70]  }
0x9d: {  	v39 =	vld [tilespmem:s1+$0x7C70]  }
0x9e: {  	v40 =	vld [tilespmem:s1+$0x4000]  }
0x9f: {  	v41 =	vld [tilespmem:s1+$0x8000]  }
0xa0: {  	v42 =	vld [tilespmem:s1+$0x4010]  }
0xa1: {  	v43 =	vld [tilespmem:s1+$0x8010]  }
0xa2: {  	v44 =	vld [tilespmem:s1+$0x4020]  }
0xa3: {  	v45 =	vld [tilespmem:s1+$0x8020]  }
0xa4: {  	v46 =	vld [tilespmem:s1+$0x4030]  }
0xa5: {  	v47 =	vld [tilespmem:s1+$0x8030]  }
0xa6: {  	v48 =	vld [tilespmem:s1+$0x4040]  }
0xa7: {  	v49 =	vld [tilespmem:s1+$0x8040]  }
0xa8: {  	v50 =	vld [tilespmem:s1+$0x4050]  }
0xa9: {  	v51 =	vld [tilespmem:s1+$0x8050]  }
0xaa: {  	v52 =	vld [tilespmem:s1+$0x4060]  }
0xab: {  	v53 =	vld [tilespmem:s1+$0x8060]  }
0xac: {  	v54 =	vld [tilespmem:s1+$0x4070]  }
0xad: {  	v55 =	vld [tilespmem:s1+$0x8070]  }
0xae: {  	v56 =	vld [tilespmem:s1+$0x2800];
	v8 =	vmul.f32 v9, v8;
	v9 =	vmul.f32 v11, v10  }
0xaf: {  	v57 =	vld [tilespmem:s1+$0x6800]  }
0xb0: {  	v58 =	vld [tilespmem:s1+$0x2810];
	v8 =	vadd.f32 v9, v8;
	v9 =	vmul.f32 v13, v12  }
0xb1: {  	v59 =	vld [tilespmem:s1+$0x6810]  }
0xb2: {  	s10 =	sand.u32 $0x7, s2;
	v60 =	vld [tilespmem:s1+$0x2820];
	v8 =	vadd.f32 v9, v8;
	v9 =	vmul.f32 v15, v14  }
0xb3: {  	s0 =	sshll.u32 s10, $0x7;
	v61 =	vld [tilespmem:s1+$0x6820]  }
0xb4: {  	s0 =	sadd.s32 $0x0, s0;
	v62 =	vld [tilespmem:s1+$0x2830];
	v8 =	vadd.f32 v9, v8;
	v9 =	vmul.f32 v17, v16  }
0xb5: {  	s4 =	sor.u32 $0x1C00, s0;
	v63 =	vld [tilespmem:s1+$0x6830]  }
0xb6: {  	v10 =	vld [tilespmem:s4+$0x2800];
	v8 =	vadd.f32 v9, v8;
	v9 =	vmul.f32 v19, v18  }
0xb7: {  	s11 =	sor.u32 $0x1C10, s0;
	v11 =	vld [tilespmem:s4+$0x6800]  }
0xb8: {  	v12 =	vld [tilespmem:s11+$0x2800];
	v8 =	vadd.f32 v9, v8;
	v9 =	vmul.f32 v21, v20  }
0xb9: {  	s12 =	sor.u32 $0x1C20, s0;
	v13 =	vld [tilespmem:s11+$0x6800]  }
0xba: {  	v14 =	vld [tilespmem:s12+$0x2800];
	v8 =	vadd.f32 v9, v8;
	v9 =	vmul.f32 v23, v22  }
0xbb: {  	s23 =	sor.u32 $0x1C30, s0;
	v15 =	vld [tilespmem:s12+$0x6800]  }
0xbc: {  	v16 =	vld [tilespmem:s23+$0x2800];
	v8 =	vadd.f32 v9, v8;
	v9 =	vmul.f32 v25, v24  }
0xbd: {  	s9 =	sor.u32 $0x1C40, s0;
	v17 =	vld [tilespmem:s23+$0x6800]  }
0xbe: {  	v18 =	vld [tilespmem:s9+$0x2800];
	v8 =	vadd.f32 v9, v8;
	v9 =	vmul.f32 v27, v26  }
0xbf: {  	s10 =	sor.u32 $0x1C50, s0;
	v19 =	vld [tilespmem:s9+$0x6800]  }
0xc0: {  	v20 =	vld [tilespmem:s10+$0x2800];
	v8 =	vadd.f32 v9, v8;
	v9 =	vmul.f32 v29, v28  }
0xc1: {  	s11 =	sor.u32 $0x1C60, s0;
	v21 =	vld [tilespmem:s10+$0x6800]  }
0xc2: {  	v22 =	vld [tilespmem:s11+$0x2800];
	v8 =	vadd.f32 v9, v8;
	v9 =	vmul.f32 v31, v30  }
0xc3: {  	s0 =	sor.u32 $0x1C70, s0;
	v23 =	vld [tilespmem:s11+$0x6800]  }
0xc4: {  	v24 =	vld [tilespmem:s0+$0x2800];
	v8 =	vadd.f32 v9, v8;
	v9 =	vmul.f32 v33, v32  }
0xc5: {  	v25 =	vld [tilespmem:s0+$0x6800]  }
0xc6: {  	v26 =	vmul.f32 v57, v56;
	v56 =	vld [tilespmem:s1+$0x6840];
	v8 =	vadd.f32 v9, v8;
	v9 =	vmul.f32 v35, v34  }
0xc7: {  	v57 =	vld [tilespmem:s1+$0x2850];
	v35 =	vmul.f32 v59, v58  }
0xc8: {  	v34 =	vld [tilespmem:s1+$0x2840];
	v8 =	vadd.f32 v9, v8;
	v9 =	vmul.f32 v37, v36  }
0xc9: {  	v58 =	vmul.f32 v61, v60;
	v59 =	vld [tilespmem:s1+$0x6850];
	v26 =	vadd.f32 v35, v26  }
0xca: {  	v60 =	vld [tilespmem:s1+$0x2860];
	v8 =	vadd.f32 v9, v8;
	v9 =	vmul.f32 v39, v38  }
0xcb: {  	v61 =	vmul.f32 v63, v62;
	v62 =	vld [tilespmem:s1+$0x6860];
	v26 =	vadd.f32 v58, v26  }
0xcc: {  	v63 =	vld [tilespmem:s1+$0x2870];
	v8 =	vadd.f32 v9, v8;
	v9 =	vmul.f32 v41, v40  }
0xcd: {  	v37 =	vld [tilespmem:s1+$0x6870];
	v36 =	vmul.f32 v56, v34;
	v26 =	vadd.f32 v61, v26  }
0xce: {  	v38 =	vld [tilespmem:s1+$0x2C00];
	v8 =	vadd.f32 v9, v8;
	v9 =	vmul.f32 v43, v42  }
0xcf: {  	v58 =	vld [tilespmem:s1+$0x7000];
	v39 =	vmul.f32 v59, v57;
	v26 =	vadd.f32 v36, v26  }
0xd0: {  	v40 =	vld [tilespmem:s1+$0x6C00];
	v8 =	vadd.f32 v9, v8;
	v9 =	vmul.f32 v45, v44  }
0xd1: {  	v41 =	vld [tilespmem:s1+$0x2C10];
	v42 =	vmul.f32 v62, v60;
	v26 =	vadd.f32 v39, v26  }
0xd2: {  	v43 =	vld [tilespmem:s1+$0x6C10];
	v8 =	vadd.f32 v9, v8;
	v9 =	vmul.f32 v47, v46  }
0xd3: {  	v44 =	vld [tilespmem:s1+$0x2C20];
	v45 =	vmul.f32 v37, v63;
	v26 =	vadd.f32 v42, v26  }
0xd4: {  	v46 =	vld [tilespmem:s1+$0x6C20];
	v8 =	vadd.f32 v9, v8;
	v9 =	vmul.f32 v49, v48  }
0xd5: {  	v47 =	vld [tilespmem:s1+$0x2C30];
	v26 =	vadd.f32 v45, v26;
	v48 =	vmul.f32 v40, v38  }
0xd6: {  	v49 =	vld [tilespmem:s1+$0x6C30];
	v8 =	vadd.f32 v9, v8;
	v9 =	vmul.f32 v51, v50  }
0xd7: {  	v30 =	vmul.f32 v43, v41;
	v50 =	vld [tilespmem:s1+$0x2C40];
	v26 =	vadd.f32 v48, v26  }
0xd8: {  	v51 =	vld [tilespmem:s1+$0x6C40];
	v8 =	vadd.f32 v9, v8;
	v9 =	vmul.f32 v53, v52  }
0xd9: {  	v28 =	vmul.f32 v46, v44;
	v52 =	vld [tilespmem:s1+$0x2C50];
	v26 =	vadd.f32 v30, v26  }
0xda: {  	v53 =	vld [tilespmem:s1+$0x6C50];
	v8 =	vadd.f32 v9, v8;
	v9 =	vmul.f32 v55, v54  }
0xdb: {  	v56 =	vld [tilespmem:s1+$0x6C60];
	v29 =	vmul.f32 v49, v47;
	v26 =	vadd.f32 v28, v26  }
0xdc: {  	v55 =	vld [tilespmem:s1+$0x2C60];
	v8 =	vadd.f32 v9, v8;
	v9 =	vmul.f32 v11, v10  }
0xdd: {  	v57 =	vld [tilespmem:s1+$0x6C70];
	v11 =	vmul.f32 v51, v50;
	v26 =	vadd.f32 v29, v26  }
0xde: {  	v10 =	vld [tilespmem:s1+$0x2C70];
	v8 =	vadd.f32 v9, v8;
	v9 =	vmul.f32 v13, v12  }
0xdf: {  	v12 =	vld [tilespmem:s1+$0x3000];
	v13 =	vmul.f32 v53, v52;
	v11 =	vadd.f32 v11, v26  }
0xe0: {  	v8 =	vadd.f32 v9, v8;
	v9 =	vmul.f32 v15, v14;
	v14 =	vld [tilespmem:s1+$0x3010]  }
0xe1: {  	v15 =	vmul.f32 v56, v55;
	v11 =	vadd.f32 v13, v11;
	v13 =	vld [tilespmem:s1+$0x7010]  }
0xe2: {  	v8 =	vadd.f32 v9, v8;
	v9 =	vmul.f32 v17, v16;
	v16 =	vld [tilespmem:s1+$0x3020]  }
0xe3: {  	v10 =	vmul.f32 v57, v10;
	v11 =	vadd.f32 v15, v11;
	v15 =	vld [tilespmem:s1+$0x7020]  }
0xe4: {  	v59 =	vld [tilespmem:s1+$0x3040];
	v12 =	vmul.f32 v58, v12  }
0xe5: {  	v17 =	vld [tilespmem:s1+$0x3030];
	v8 =	vadd.f32 v9, v8;
	v9 =	vmul.f32 v19, v18;
	v10 =	vadd.f32 v10, v11  }
0xe6: {  	v11 =	vld [tilespmem:s1+$0x7030];
	v13 =	vmul.f32 v13, v14  }
0xe7: {  	v61 =	vld [tilespmem:s1+$0x3450];
	v8 =	vadd.f32 v9, v8;
	v9 =	vmul.f32 v21, v20;
	v10 =	vadd.f32 v12, v10  }
0xe8: {  	v12 =	vld [tilespmem:s1+$0x7040];
	v15 =	vmul.f32 v15, v16  }
0xe9: {  	v14 =	vld [tilespmem:s1+$0x3050];
	v8 =	vadd.f32 v9, v8;
	v9 =	vmul.f32 v23, v22;
	v10 =	vadd.f32 v13, v10  }
0xea: {  	v16 =	vmul.f32 v25, v24;
	v13 =	vld [tilespmem:s1+$0x7050]  }
0xeb: {  	v11 =	vmul.f32 v11, v17;
	v8 =	vadd.f32 v9, v8;
	v9 =	vld [tilespmem:s1+$0x3060];
	v10 =	vadd.f32 v15, v10  }
0xec: {  	v15 =	vld [tilespmem:s1+$0x7060]  }
0xed: {  	v17 =	vld [tilespmem:s1+$0x3070];
	v12 =	vmul.f32 v12, v59;
	v8 =	vadd.f32 v16, v8;
	v10 =	vadd.f32 v11, v10  }
0xee: {  	v11 =	vld [tilespmem:s1+$0x7070]  }
0xef: {  	v16 =	vld [tilespmem:s1+$0x3400];
	v13 =	vmul.f32 v13, v14;
	v60 =	vperm.xlane v8, v4;
	v10 =	vadd.f32 v12, v10  }
0xf0: {  	v12 =	vld [tilespmem:s1+$0x7400]  }
0xf1: {  	v14 =	vld [tilespmem:s1+$0x3410];
	v9 =	vmul.f32 v15, v9;
	v8 =	vadd.f32 v60, v8;
	v10 =	vadd.f32 v13, v10  }
0xf2: {  	v13 =	vld [tilespmem:s1+$0x7410]  }
0xf3: {  	v15 =	vld [tilespmem:s1+$0x3420];
	v11 =	vmul.f32 v11, v17;
	v18 =	vperm.xlane v8, v5;
	v9 =	vadd.f32 v9, v10  }
0xf4: {  	v10 =	vld [tilespmem:s1+$0x7420]  }
0xf5: {  	v17 =	vld [tilespmem:s1+$0x3430];
	v12 =	vmul.f32 v12, v16;
	v8 =	vadd.f32 v18, v8;
	v9 =	vadd.f32 v11, v9  }
0xf6: {  	v11 =	vld [tilespmem:s1+$0x7430]  }
0xf7: {  	v16 =	vld [tilespmem:s1+$0x3440];
	v13 =	vmul.f32 v13, v14;
	v18 =	vperm.xlane v8, v6;
	v9 =	vadd.f32 v12, v9  }
0xf8: {  	v14 =	vld [tilespmem:s1+$0x7440]  }
0xf9: {  	v12 =	vmul.f32 v10, v15;
	v15 =	vld [tilespmem:s1+$0x7450];
	v8 =	vadd.f32 v18, v8;
	v9 =	vadd.f32 v13, v9  }
0xfa: {  	v10 =	vld [tilespmem:s1+$0x3460]  }
0xfb: {  	s9 =	simm.s32 $0x400;
	s10 =	simm.s32 $0x80;
	v17 =	vmul.f32 v11, v17;
	v11 =	vld [tilespmem:s1+$0x7460];
	v13 =	vperm.xlane v8, v7;
	v9 =	vadd.f32 v12, v9  }
0xfc: {  	s12 =	sand.u32 $0x2000, s9;
	s23 =	sand.u32 $0x380, s10;
	v62 =	vmov s2;
	v12 =	vld [tilespmem:s1+$0x3470]  }
0xfd: {  	s0 =	sor.u32 s23, s12;
	v16 =	vmul.f32 v14, v16;
	v63 =	vadd.f32 v13, v8;
	v17 =	vadd.f32 v17, v9;
	v13 =	vld [tilespmem:s1+$0x7470]  }
0xfe: {  	s31 =	sshll.u32 s22, $0x1;
	vm1 =	veq.s32 v62, v0;
	v54 =	vld [tilespmem:s0+$0x3800];
	v8 =	vimm.f32 $0.0e+00  }
0xff: {  	s4 =	simm.s32 $0x2;
	s23 =	sor.u32 $0x10, s24;
	v55 =	vld [tilespmem:s0+$0x7800];
	s1 =	simm.s32 $0x1;
	v14 =	vmul.f32 v15, v61;
	v9 =	vsel vm1, v63, v8;
	v15 =	vadd.f32 v16, v17  }
.LBB2_3:
0x100: {  	p0 =	sne.s32 s4, $0xF;
	v16 =	vld [tilespmem:s0+$0x3810];
	v10 =	vmul.f32 v11, v10  }
0x101: {  	v11 =	vld [tilespmem:s0+$0x7810];
	v14 =	vadd.f32 v14, v15  }
0x102: {  	v15 =	vld [tilespmem:s0+$0x3820];
	v12 =	vmul.f32 v13, v12  }
0x103: {  	v13 =	vld [tilespmem:s0+$0x7820];
	v10 =	vadd.f32 v10, v14  }
0x104: {  	v14 =	vld [tilespmem:s0+$0x3830]  }
0x105: {  	v17 =	vld [tilespmem:s0+$0x7830];
	v10 =	vadd.f32 v12, v10  }
0x106: {  	v12 =	vmul.f32 v55, v54;
	v11 =	vmul.f32 v11, v16;
	v16 =	vld [tilespmem:s0+$0x3840]  }
0x107: {  	v18 =	vld [tilespmem:s0+$0x7840];
	v19 =	vperm.xlane v10, v4  }
0x108: {  	v11 =	vadd.f32 v11, v12;
	v12 =	vmul.f32 v13, v15;
	v13 =	vld [tilespmem:s0+$0x3850]  }
0x109: {  	v15 =	vld [tilespmem:s0+$0x7850];
	v10 =	vadd.f32 v19, v10  }
0x10a: {  	v11 =	vadd.f32 v12, v11;
	v12 =	vmul.f32 v17, v14;
	v14 =	vld [tilespmem:s0+$0x3860]  }
0x10b: {  	v17 =	vld [tilespmem:s0+$0x7860];
	v19 =	vperm.xlane v10, v5  }
0x10c: {  	v11 =	vadd.f32 v12, v11;
	v12 =	vmul.f32 v18, v16;
	v16 =	vld [tilespmem:s0+$0x3870]  }
0x10d: {  	v18 =	vld [tilespmem:s0+$0x7870];
	v10 =	vadd.f32 v19, v10  }
0x10e: {  	v11 =	vadd.f32 v12, v11;
	v12 =	vmul.f32 v15, v13;
	v13 =	vld [tilespmem:s0+$0x3C00]  }
0x10f: {  	v15 =	vld [tilespmem:s0+$0x7C00];
	v19 =	vperm.xlane v10, v6  }
0x110: {  	v11 =	vadd.f32 v12, v11;
	v12 =	vmul.f32 v17, v14;
	v14 =	vld [tilespmem:s0+$0x3C10]  }
0x111: {  	v17 =	vld [tilespmem:s0+$0x7C10];
	v10 =	vadd.f32 v19, v10  }
0x112: {  	v11 =	vadd.f32 v12, v11;
	v12 =	vmul.f32 v18, v16;
	v16 =	vld [tilespmem:s0+$0x3C20]  }
0x113: {  	v18 =	vld [tilespmem:s0+$0x7C20];
	v19 =	vperm.xlane v10, v7  }
0x114: {  	v11 =	vadd.f32 v12, v11;
	v12 =	vmul.f32 v15, v13;
	v13 =	vld [tilespmem:s0+$0x3C30]  }
0x115: {  	v15 =	vld [tilespmem:s0+$0x7C30];
	v10 =	vadd.f32 v19, v10  }
0x116: {  	v11 =	vadd.f32 v12, v11;
	v12 =	vmul.f32 v17, v14;
	v14 =	vld [tilespmem:s0+$0x3C40]  }
0x117: {  	v17 =	vld [tilespmem:s0+$0x7C40];
	v8 =	vsel vm1, v10, v8  }
0x118: {  	v10 =	vadd.f32 v12, v11;
	v11 =	vmul.f32 v18, v16;
	v12 =	vld [tilespmem:s0+$0x3C50]  }
0x119: {  	v16 =	vld [tilespmem:s0+$0x7C50]  }
0x11a: {  	v10 =	vadd.f32 v11, v10;
	v11 =	vmul.f32 v15, v13;
	v13 =	vld [tilespmem:s0+$0x3C60]  }
0x11b: {  	v15 =	vld [tilespmem:s0+$0x7C60]  }
0x11c: {  	v10 =	vadd.f32 v11, v10;
	v11 =	vmul.f32 v17, v14;
	v14 =	vld [tilespmem:s0+$0x3C70]  }
0x11d: {  	v17 =	vld [tilespmem:s0+$0x7C70]  }
0x11e: {  	v10 =	vadd.f32 v11, v10;
	v11 =	vmul.f32 v16, v12;
	v12 =	vld [tilespmem:s0+$0x4000]  }
0x11f: {  	v16 =	vld [tilespmem:s0+$0x8000]  }
0x120: {  	v10 =	vadd.f32 v11, v10;
	v11 =	vmul.f32 v15, v13;
	v13 =	vld [tilespmem:s0+$0x4010]  }
0x121: {  	v15 =	vld [tilespmem:s0+$0x8010]  }
0x122: {  	v10 =	vadd.f32 v11, v10;
	v11 =	vmul.f32 v17, v14;
	v14 =	vld [tilespmem:s0+$0x4020]  }
0x123: {  	v17 =	vld [tilespmem:s0+$0x8020]  }
0x124: {  	v10 =	vadd.f32 v11, v10;
	v11 =	vmul.f32 v16, v12;
	v12 =	vld [tilespmem:s0+$0x4030]  }
0x125: {  	v16 =	vld [tilespmem:s0+$0x8030]  }
0x126: {  	v10 =	vadd.f32 v11, v10;
	v11 =	vmul.f32 v15, v13;
	v13 =	vld [tilespmem:s0+$0x4040]  }
0x127: {  	v15 =	vld [tilespmem:s0+$0x8040]  }
0x128: {  	v10 =	vadd.f32 v11, v10;
	v11 =	vmul.f32 v17, v14;
	v14 =	vld [tilespmem:s0+$0x4050]  }
0x129: {  	s2 =	sadd.s32 $0x1, s2;
	v17 =	vld [tilespmem:s0+$0x8050]  }
0x12a: {  	s11 =	sand.u32 $0x7, s2;
	v10 =	vadd.f32 v11, v10;
	v11 =	vmul.f32 v16, v12;
	v12 =	vld [tilespmem:s0+$0x4060]  }
0x12b: {  	s11 =	sshll.u32 s11, $0x7;
	v16 =	vld [tilespmem:s0+$0x8060]  }
0x12c: {  	s11 =	sadd.s32 s11, s9;
	v10 =	vadd.f32 v11, v10;
	v11 =	vmul.f32 v15, v13;
	v13 =	vld [tilespmem:s0+$0x4070]  }
0x12d: {  	s12 =	sor.u32 $0x1C00, s11;
	v15 =	vld [tilespmem:s0+$0x8070]  }
0x12e: {  	v10 =	vadd.f32 v11, v10;
	v11 =	vmul.f32 v17, v14;
	v14 =	vld [tilespmem:s12+$0x2800]  }
0x12f: {  	v17 =	vld [tilespmem:s12+$0x6800];
	s12 =	sor.u32 $0x1C10, s11  }
0x130: {  	v10 =	vadd.f32 v11, v10;
	v11 =	vmul.f32 v16, v12;
	v12 =	vld [tilespmem:s12+$0x2800]  }
0x131: {  	v16 =	vld [tilespmem:s12+$0x6800];
	s12 =	sor.u32 $0x1C20, s11  }
0x132: {  	v10 =	vadd.f32 v11, v10;
	v11 =	vmul.f32 v15, v13;
	v13 =	vld [tilespmem:s12+$0x2800]  }
0x133: {  	v15 =	vld [tilespmem:s12+$0x6800];
	s12 =	sor.u32 $0x1C30, s11  }
0x134: {  	v10 =	vadd.f32 v11, v10;
	v11 =	vmul.f32 v17, v14;
	v14 =	vld [tilespmem:s12+$0x2800]  }
0x135: {  	v17 =	vld [tilespmem:s12+$0x6800];
	s12 =	sor.u32 $0x1C40, s11  }
0x136: {  	v10 =	vadd.f32 v11, v10;
	v11 =	vmul.f32 v16, v12;
	v12 =	vld [tilespmem:s12+$0x2800]  }
0x137: {  	v16 =	vld [tilespmem:s12+$0x6800];
	s12 =	sor.u32 $0x1C50, s11  }
0x138: {  	v10 =	vadd.f32 v11, v10;
	v11 =	vmul.f32 v15, v13;
	v13 =	vld [tilespmem:s12+$0x2800]  }
0x139: {  	v15 =	vld [tilespmem:s12+$0x6800];
	s12 =	sor.u32 $0x1C60, s11  }
0x13a: {  	v10 =	vadd.f32 v11, v10;
	v11 =	vmul.f32 v17, v14;
	v14 =	vld [tilespmem:s12+$0x2800]  }
0x13b: {  	s11 =	sor.u32 $0x1C70, s11;
	v17 =	vld [tilespmem:s12+$0x6800]  }
0x13c: {  	v10 =	vadd.f32 v11, v10;
	v11 =	vmul.f32 v16, v12;
	v12 =	vld [tilespmem:s11+$0x2800]  }
0x13d: {  	v16 =	vld [tilespmem:s11+$0x6800]  }
0x13e: {  	v18 =	vld [tilespmem:s0+$0x2800];
	v10 =	vadd.f32 v11, v10;
	v11 =	vmul.f32 v15, v13  }
0x13f: {  	v13 =	vld [tilespmem:s0+$0x6800]  }
0x140: {  	v15 =	vld [tilespmem:s0+$0x2810];
	v10 =	vadd.f32 v11, v10;
	v11 =	vmul.f32 v17, v14  }
0x141: {  	v14 =	vld [tilespmem:s0+$0x6810]  }
0x142: {  	v17 =	vld [tilespmem:s0+$0x2820];
	v10 =	vadd.f32 v11, v10;
	v11 =	vmul.f32 v16, v12  }
0x143: {  	v12 =	vld [tilespmem:s0+$0x6820]  }
0x144: {  	v13 =	vmul.f32 v13, v18;
	v16 =	vld [tilespmem:s0+$0x2830];
	v10 =	vadd.f32 v11, v10  }
0x145: {  	v11 =	vld [tilespmem:s0+$0x6830]  }
0x146: {  	v14 =	vmul.f32 v14, v15;
	v15 =	vld [tilespmem:s0+$0x2840];
	v18 =	vperm.xlane v10, v4  }
0x147: {  	v19 =	vld [tilespmem:s0+$0x6840]  }
0x148: {  	v13 =	vadd.f32 v14, v13;
	v12 =	vmul.f32 v12, v17;
	v14 =	vld [tilespmem:s0+$0x2850];
	v10 =	vadd.f32 v18, v10  }
0x149: {  	v17 =	vld [tilespmem:s0+$0x6850]  }
0x14a: {  	v12 =	vadd.f32 v12, v13;
	v11 =	vmul.f32 v11, v16;
	v13 =	vld [tilespmem:s0+$0x2860];
	v16 =	vperm.xlane v10, v5  }
0x14b: {  	v18 =	vld [tilespmem:s0+$0x6860]  }
0x14c: {  	v11 =	vadd.f32 v11, v12;
	v12 =	vmul.f32 v19, v15;
	v15 =	vld [tilespmem:s0+$0x2870];
	v10 =	vadd.f32 v16, v10  }
0x14d: {  	v16 =	vld [tilespmem:s0+$0x6870]  }
0x14e: {  	v11 =	vadd.f32 v12, v11;
	v12 =	vmul.f32 v17, v14;
	v14 =	vld [tilespmem:s0+$0x2C00];
	v17 =	vperm.xlane v10, v6  }
0x14f: {  	v19 =	vld [tilespmem:s0+$0x6C00]  }
0x150: {  	v11 =	vadd.f32 v12, v11;
	v12 =	vmul.f32 v18, v13;
	v13 =	vld [tilespmem:s0+$0x2C10];
	v10 =	vadd.f32 v17, v10  }
0x151: {  	v17 =	vld [tilespmem:s0+$0x6C10]  }
0x152: {  	v11 =	vadd.f32 v12, v11;
	v12 =	vmul.f32 v16, v15;
	v15 =	vld [tilespmem:s0+$0x2C20];
	v16 =	vperm.xlane v10, v7  }
0x153: {  	v18 =	vld [tilespmem:s0+$0x6C20]  }
0x154: {  	v20 =	vmov s1;
	s1 =	smov.u32 s4;
	v11 =	vadd.f32 v12, v11;
	v12 =	vld [tilespmem:s0+$0x2C30];
	v10 =	vadd.f32 v16, v10  }
0x155: {  	vm1 =	veq.s32 v20, v0;
	v14 =	vmul.f32 v19, v14;
	v16 =	vld [tilespmem:s0+$0x6C30]  }
0x156: {  	v13 =	vmul.f32 v17, v13;
	v17 =	vld [tilespmem:s0+$0x2C40];
	v9 =	vsel vm1, v10, v9  }
0x157: {  	v10 =	vadd.f32 v14, v11;
	v11 =	vld [tilespmem:s0+$0x6C40]  }
0x158: {  	v14 =	vmul.f32 v18, v15;
	v15 =	vld [tilespmem:s0+$0x2C50]  }
0x159: {  	v10 =	vadd.f32 v13, v10;
	v13 =	vld [tilespmem:s0+$0x6C50]  }
0x15a: {  	v12 =	vmul.f32 v16, v12;
	v16 =	vld [tilespmem:s0+$0x2C60]  }
0x15b: {  	v10 =	vadd.f32 v14, v10;
	v14 =	vld [tilespmem:s0+$0x6C60]  }
0x15c: {  	v11 =	vmul.f32 v11, v17;
	v17 =	vld [tilespmem:s0+$0x2C70]  }
0x15d: {  	v10 =	vadd.f32 v12, v10;
	v12 =	vld [tilespmem:s0+$0x6C70]  }
0x15e: {  	v13 =	vmul.f32 v13, v15;
	v15 =	vld [tilespmem:s0+$0x3000]  }
0x15f: {  	v10 =	vadd.f32 v11, v10;
	v11 =	vld [tilespmem:s0+$0x7000]  }
0x160: {  	v14 =	vmul.f32 v14, v16;
	v16 =	vld [tilespmem:s0+$0x3010]  }
0x161: {  	v10 =	vadd.f32 v13, v10;
	v13 =	vld [tilespmem:s0+$0x7010]  }
0x162: {  	v12 =	vmul.f32 v12, v17;
	v17 =	vld [tilespmem:s0+$0x3020]  }
0x163: {  	v10 =	vadd.f32 v14, v10;
	v14 =	vld [tilespmem:s0+$0x7020]  }
0x164: {  	v11 =	vmul.f32 v11, v15;
	v15 =	vld [tilespmem:s0+$0x3030]  }
0x165: {  	v10 =	vadd.f32 v12, v10;
	v12 =	vld [tilespmem:s0+$0x7030]  }
0x166: {  	v13 =	vmul.f32 v13, v16;
	v16 =	vld [tilespmem:s0+$0x3040]  }
0x167: {  	v10 =	vadd.f32 v11, v10;
	v11 =	vld [tilespmem:s0+$0x7040]  }
0x168: {  	v14 =	vmul.f32 v14, v17;
	v17 =	vld [tilespmem:s0+$0x3050]  }
0x169: {  	v10 =	vadd.f32 v13, v10;
	v13 =	vld [tilespmem:s0+$0x7050]  }
0x16a: {  	v12 =	vmul.f32 v12, v15;
	v15 =	vld [tilespmem:s0+$0x3060]  }
0x16b: {  	v10 =	vadd.f32 v14, v10;
	v14 =	vld [tilespmem:s0+$0x7060]  }
0x16c: {  	v11 =	vmul.f32 v11, v16;
	v16 =	vld [tilespmem:s0+$0x3070]  }
0x16d: {  	v10 =	vadd.f32 v12, v10;
	v12 =	vld [tilespmem:s0+$0x7070]  }
0x16e: {  	v13 =	vmul.f32 v13, v17;
	v17 =	vld [tilespmem:s0+$0x3400]  }
0x16f: {  	v10 =	vadd.f32 v11, v10;
	v11 =	vld [tilespmem:s0+$0x7400]  }
0x170: {  	v14 =	vmul.f32 v14, v15;
	v15 =	vld [tilespmem:s0+$0x3410]  }
0x171: {  	v10 =	vadd.f32 v13, v10;
	v13 =	vld [tilespmem:s0+$0x7410]  }
0x172: {  	v12 =	vmul.f32 v12, v16;
	v16 =	vld [tilespmem:s0+$0x3420]  }
0x173: {  	v10 =	vadd.f32 v14, v10;
	v14 =	vld [tilespmem:s0+$0x7420]  }
0x174: {  	v11 =	vmul.f32 v11, v17;
	v17 =	vld [tilespmem:s0+$0x3430]  }
0x175: {  	v10 =	vadd.f32 v12, v10;
	v12 =	vld [tilespmem:s0+$0x7430]  }
0x176: {  	v13 =	vmul.f32 v13, v15;
	v15 =	vld [tilespmem:s0+$0x3440]  }
0x177: {  	v10 =	vadd.f32 v11, v10;
	v18 =	vld [tilespmem:s0+$0x7440]  }
0x178: {  	v11 =	vmul.f32 v14, v16;
	v14 =	vld [tilespmem:s0+$0x3450]  }
0x179: {  	v13 =	vadd.f32 v13, v10;
	v16 =	vld [tilespmem:s0+$0x7450]  }
0x17a: {  	v17 =	vmul.f32 v12, v17;
	v10 =	vld [tilespmem:s0+$0x3460]  }
.Ltmp0:
0x17b: {  	s10 =	sadd.s32 $0x80, s10;
	s9 =	sadd.s32 $0x400, s9;
	v13 =	vadd.f32 v11, v13;
	v11 =	vld [tilespmem:s0+$0x7460];
	(pc) =	sbr.rel @p0 .LBB2_3-.Ltmp0, $4  }
0x17c: {  	s12 =	sand.u32 $0x380, s10;
	s11 =	sand.u32 $0x2000, s9;
	v15 =	vmul.f32 v18, v15;
	v12 =	vld [tilespmem:s0+$0x3470]  }
0x17d: {  	v17 =	vadd.f32 v17, v13;
	v13 =	vld [tilespmem:s0+$0x7470];
	s0 =	sor.u32 s12, s11  }
0x17e: {  	v54 =	vld [tilespmem:s0+$0x3800];
	v14 =	vmul.f32 v16, v14  }
0x17f: {  	s4 =	sadd.s32 $0x1, s4;
	v15 =	vadd.f32 v15, v17;
	v55 =	vld [tilespmem:s0+$0x7800]  }
0x180: {  	v1 =	vld [tilespmem:s0+$0x4040];
	_ =	sdelay $0x4  }
0x181: {  	[tilespmem:$0x1FE90] =	vst v1;
	v1 =	vld [tilespmem:s0+$0x4050];
	_ =	sdelay $0x4  }
0x182: {  	[tilespmem:$0x1FEA0] =	vst v1;
	v1 =	vld [tilespmem:s0+$0x8050];
	_ =	sdelay $0x4  }
0x183: {  	[tilespmem:$0x1FEB0] =	vst v1;
	v1 =	vld [tilespmem:s0+$0x4060];
	_ =	sdelay $0x4  }
0x184: {  	s2 =	sadd.s32 $0x1, s2;
	[tilespmem:$0x1FEC0] =	vst v1;
	v1 =	vld [tilespmem:s0+$0x8060]  }
0x185: {  	s2 =	sand.u32 $0x7, s2  }
0x186: {  	s2 =	sshll.u32 s2, $0x7  }
0x187: {  	s2 =	sadd.s32 s2, s9  }
0x188: {  	s4 =	sor.u32 $0x1C00, s2  }
0x189: {  	[tilespmem:$0x1FED0] =	vst v1;
	v1 =	vld [tilespmem:s4+$0x2800];
	_ =	sdelay $0x4  }
0x18a: {  	[tilespmem:$0x1FEE0] =	vst v1;
	v1 =	vld [tilespmem:s4+$0x6800];
	_ =	sdelay $0x3  }
0x18b: {  	s10 =	sor.u32 $0x1C10, s2  }
0x18c: {  	[tilespmem:$0x1FEF0] =	vst v1;
	v1 =	vld [tilespmem:s10+$0x2800];
	_ =	sdelay $0x4  }
0x18d: {  	[tilespmem:$0x1FF00] =	vst v1;
	v1 =	vld [tilespmem:s10+$0x6800];
	_ =	sdelay $0x3  }
0x18e: {  	s11 =	sor.u32 $0x1C20, s2  }
0x18f: {  	[tilespmem:$0x1FF10] =	vst v1;
	v1 =	vld [tilespmem:s11+$0x2800];
	_ =	sdelay $0x4  }
0x190: {  	[tilespmem:$0x1FF20] =	vst v1;
	v1 =	vld [tilespmem:s11+$0x6800];
	_ =	sdelay $0x1  }
0x191: {  	v56 =	vld [tilespmem:s0+$0x3810]  }
0x192: {  	v57 =	vld [tilespmem:s0+$0x7810]  }
0x193: {  	v58 =	vld [tilespmem:s0+$0x3820];
	s12 =	sor.u32 $0x1C30, s2  }
0x194: {  	[tilespmem:$0x1FF30] =	vst v1;
	v1 =	vld [tilespmem:s12+$0x2800]  }
0x195: {  	v59 =	vld [tilespmem:s0+$0x7820]  }
0x196: {  	v60 =	vld [tilespmem:s0+$0x3830]  }
0x197: {  	v61 =	vld [tilespmem:s0+$0x7830]  }
0x198: {  	v62 =	vld [tilespmem:s0+$0x3840]  }
0x199: {  	[tilespmem:$0x1FF40] =	vst v1;
	v1 =	vld [tilespmem:s12+$0x6800]  }
0x19a: {  	v63 =	vld [tilespmem:s0+$0x7840]  }
0x19b: {  	v22 =	vld [tilespmem:s0+$0x3850]  }
0x19c: {  	v21 =	vld [tilespmem:s0+$0x7850]  }
0x19d: {  	v24 =	vld [tilespmem:s0+$0x3860];
	s9 =	sor.u32 $0x1C40, s2  }
0x19e: {  	[tilespmem:$0x1FF50] =	vst v1;
	v1 =	vld [tilespmem:s9+$0x2800]  }
0x19f: {  	v23 =	vld [tilespmem:s0+$0x7860]  }
0x1a0: {  	v26 =	vld [tilespmem:s0+$0x3870]  }
0x1a1: {  	v25 =	vld [tilespmem:s0+$0x7870]  }
0x1a2: {  	v28 =	vld [tilespmem:s0+$0x3C00]  }
0x1a3: {  	[tilespmem:$0x1FF60] =	vst v1;
	v1 =	vld [tilespmem:s9+$0x6800]  }
0x1a4: {  	v27 =	vld [tilespmem:s0+$0x7C00]  }
0x1a5: {  	v30 =	vld [tilespmem:s0+$0x3C10]  }
0x1a6: {  	v29 =	vld [tilespmem:s0+$0x7C10]  }
0x1a7: {  	v32 =	vld [tilespmem:s0+$0x3C20];
	s10 =	sor.u32 $0x1C50, s2  }
0x1a8: {  	[tilespmem:$0x1FF70] =	vst v1;
	v1 =	vld [tilespmem:s10+$0x2800]  }
0x1a9: {  	v31 =	vld [tilespmem:s0+$0x7C20]  }
0x1aa: {  	v34 =	vld [tilespmem:s0+$0x3C30]  }
0x1ab: {  	v33 =	vld [tilespmem:s0+$0x7C30]  }
0x1ac: {  	v53 =	vld [tilespmem:s0+$0x3C40]  }
0x1ad: {  	[tilespmem:$0x1FF80] =	vst v1;
	v1 =	vld [tilespmem:s10+$0x6800]  }
0x1ae: {  	v35 =	vld [tilespmem:s0+$0x7C40]  }
0x1af: {  	v51 =	vld [tilespmem:s0+$0x3C50]  }
0x1b0: {  	v52 =	vld [tilespmem:s0+$0x7C50]  }
0x1b1: {  	v49 =	vld [tilespmem:s0+$0x3C60];
	s11 =	sor.u32 $0x1C60, s2  }
0x1b2: {  	[tilespmem:$0x1FF90] =	vst v1;
	v1 =	vld [tilespmem:s11+$0x2800]  }
0x1b3: {  	v50 =	vld [tilespmem:s0+$0x7C60]  }
0x1b4: {  	v47 =	vld [tilespmem:s0+$0x3C70]  }
0x1b5: {  	v48 =	vld [tilespmem:s0+$0x7C70]  }
0x1b6: {  	v45 =	vld [tilespmem:s0+$0x4000]  }
0x1b7: {  	[tilespmem:$0x1FFA0] =	vst v1;
	v1 =	vld [tilespmem:s11+$0x6800]  }
0x1b8: {  	v46 =	vld [tilespmem:s0+$0x8000]  }
0x1b9: {  	v42 =	vld [tilespmem:s0+$0x4010]  }
0x1ba: {  	v44 =	vld [tilespmem:s0+$0x8010]  }
0x1bb: {  	v39 =	vld [tilespmem:s0+$0x4020];
	s2 =	sor.u32 $0x1C70, s2  }
0x1bc: {  	[tilespmem:$0x1FFB0] =	vst v1;
	v1 =	vld [tilespmem:s2+$0x2800]  }
0x1bd: {  	v16 =	vld [tilespmem:s0+$0x2800]  }
0x1be: {  	v3 =	vld [tilespmem:s0+$0x6800]  }
0x1bf: {  	v2 =	vld [tilespmem:s0+$0x2810]  }
0x1c0: {  	v18 =	vld [tilespmem:s0+$0x2820]  }
0x1c1: {  	[tilespmem:$0x1FFC0] =	vst v1;
	v1 =	vld [tilespmem:s0+$0x6810]  }
0x1c2: {  	v17 =	vld [tilespmem:s0+$0x6820]  }
0x1c3: {  	v20 =	vld [tilespmem:s0+$0x2830]  }
0x1c4: {  	v19 =	vld [tilespmem:s0+$0x6830];
	v3 =	vmul.f32 v3, v16  }
0x1c5: {  	v16 =	vmul.f32 v55, v54;
	v57 =	vmul.f32 v57, v56;
	v55 =	vld [tilespmem:s0+$0x6840]  }
0x1c6: {  	v54 =	vld [tilespmem:s0+$0x6850];
	v1 =	vmul.f32 v1, v2  }
0x1c7: {  	v59 =	vmul.f32 v59, v58;
	v16 =	vadd.f32 v57, v16;
	v2 =	vld [tilespmem:s0+$0x2840]  }
0x1c8: {  	v56 =	vmul.f32 v61, v60;
	v61 =	vld [tilespmem:s0+$0x6C00];
	v1 =	vadd.f32 v1, v3;
	v3 =	vmul.f32 v17, v18  }
0x1c9: {  	v16 =	vadd.f32 v59, v16;
	v17 =	vld [tilespmem:s0+$0x2850]  }
0x1ca: {  	v57 =	vld [tilespmem:s0+$0x6860];
	v1 =	vadd.f32 v3, v1;
	v3 =	vmul.f32 v19, v20  }
0x1cb: {  	v58 =	vmul.f32 v63, v62;
	v16 =	vadd.f32 v56, v16;
	v19 =	vld [tilespmem:s0+$0x2860]  }
0x1cc: {  	v59 =	vld [tilespmem:s0+$0x6870];
	v2 =	vmul.f32 v55, v2;
	v1 =	vadd.f32 v3, v1  }
0x1cd: {  	v60 =	vmul.f32 v21, v22;
	v16 =	vadd.f32 v58, v16;
	v3 =	vld [tilespmem:s0+$0x2870]  }
0x1ce: {  	v62 =	vld [tilespmem:s0+$0x2C10];
	v1 =	vadd.f32 v2, v1;
	v2 =	vmul.f32 v54, v17  }
0x1cf: {  	v63 =	vmul.f32 v23, v24;
	v16 =	vadd.f32 v60, v16;
	v17 =	vld [tilespmem:s0+$0x2C00]  }
0x1d0: {  	v24 =	vld [tilespmem:s0+$0x6C10];
	v1 =	vadd.f32 v2, v1;
	v2 =	vmul.f32 v57, v19  }
0x1d1: {  	v25 =	vmul.f32 v25, v26;
	v26 =	vld [tilespmem:s0+$0x6C20];
	v16 =	vadd.f32 v63, v16  }
0x1d2: {  	v27 =	vmul.f32 v27, v28;
	v28 =	vld [tilespmem:s0+$0x6C30];
	v1 =	vadd.f32 v2, v1;
	v2 =	vmul.f32 v59, v3  }
0x1d3: {  	v16 =	vadd.f32 v25, v16;
	v3 =	vld [tilespmem:s0+$0x2C20]  }
0x1d4: {  	v63 =	vld [tilespmem:s0+$0x7000];
	v1 =	vadd.f32 v2, v1;
	v2 =	vmul.f32 v61, v17  }
0x1d5: {  	v30 =	vmul.f32 v29, v30;
	v16 =	vadd.f32 v27, v16;
	v17 =	vld [tilespmem:s0+$0x2C30]  }
0x1d6: {  	v54 =	vld [tilespmem:s0+$0x6C40];
	v19 =	vmul.f32 v24, v62;
	v1 =	vadd.f32 v2, v1  }
0x1d7: {  	v56 =	vmul.f32 v31, v32;
	v16 =	vadd.f32 v30, v16;
	v2 =	vld [tilespmem:s0+$0x2C40]  }
0x1d8: {  	v55 =	vld [tilespmem:s0+$0x2C50];
	v3 =	vmul.f32 v26, v3;
	v1 =	vadd.f32 v19, v1  }
0x1d9: {  	v58 =	vmul.f32 v33, v34;
	v16 =	vadd.f32 v56, v16;
	v57 =	vld [tilespmem:s0+$0x6C50]  }
0x1da: {  	v59 =	vld [tilespmem:s0+$0x6C60];
	v17 =	vmul.f32 v28, v17;
	v1 =	vadd.f32 v3, v1  }
0x1db: {  	v60 =	vmul.f32 v35, v53;
	v16 =	vadd.f32 v58, v16;
	v3 =	vld [tilespmem:s0+$0x2C60]  }
0x1dc: {  	v61 =	vld [tilespmem:s0+$0x6C70];
	v2 =	vmul.f32 v54, v2;
	v1 =	vadd.f32 v17, v1  }
0x1dd: {  	v16 =	vadd.f32 v60, v16;
	v17 =	vld [tilespmem:s0+$0x2C70]  }
0x1de: {  	v62 =	vmul.f32 v52, v51;
	v24 =	vld [tilespmem:s0+$0x3010];
	v19 =	vmul.f32 v57, v55;
	v1 =	vadd.f32 v2, v1  }
0x1df: {  	v25 =	vmul.f32 v50, v49;
	v2 =	vld [tilespmem:s0+$0x3000]  }
0x1e0: {  	v16 =	vadd.f32 v62, v16;
	v26 =	vld [tilespmem:s0+$0x7010];
	v3 =	vmul.f32 v59, v3;
	v1 =	vadd.f32 v19, v1  }
0x1e1: {  	v27 =	vmul.f32 v48, v47;
	v28 =	vld [tilespmem:s0+$0x7020]  }
0x1e2: {  	v16 =	vadd.f32 v25, v16;
	v17 =	vmul.f32 v61, v17;
	v1 =	vadd.f32 v3, v1;
	v3 =	vld [tilespmem:s0+$0x3020]  }
0x1e3: {  	v41 =	vld [tilespmem:s0+$0x8020];
	v29 =	vmul.f32 v46, v45  }
0x1e4: {  	v37 =	vld [tilespmem:s0+$0x4030];
	v16 =	vadd.f32 v27, v16;
	v2 =	vmul.f32 v63, v2;
	v1 =	vadd.f32 v17, v1  }
0x1e5: {  	v38 =	vld [tilespmem:s0+$0x8030];
	v19 =	vmul.f32 v26, v24  }
0x1e6: {  	v1 =	vadd.f32 v2, v1;
	v2 =	vadd.f32 v29, v16;
	v16 =	vmul.f32 v44, v42  }
0x1e7: {  	v3 =	vmul.f32 v28, v3  }
0x1e8: {  	v1 =	vadd.f32 v19, v1;
	v2 =	vadd.f32 v16, v2;
	v16 =	vmul.f32 v41, v39;
	_ =	sdelay $0x1  }
0x1e9: {  	v1 =	vadd.f32 v3, v1;
	v2 =	vadd.f32 v16, v2;
	v3 =	vmul.f32 v38, v37  }
0x1ea: {  	v36 =	vld [tilespmem:s0+$0x8040]  }
0x1eb: {  	v2 =	vadd.f32 v3, v2;
	v3 =	vld [tilespmem:$0x1FE90]  }
0x1ec: {  	v40 =	vld [tilespmem:s0+$0x4070]  }
0x1ed: {  	v31 =	vld [tilespmem:s0+$0x3040]  }
0x1ee: {  	v32 =	vld [tilespmem:s0+$0x7040]  }
0x1ef: {  	v30 =	vld [tilespmem:s0+$0x7030]  }
0x1f0: {  	v17 =	vld [tilespmem:s0+$0x3030];
	v3 =	vmul.f32 v36, v3  }
0x1f1: {  	v42 =	vld [tilespmem:$0x1FEB0]  }
0x1f2: {  	v2 =	vadd.f32 v3, v2;
	v3 =	vld [tilespmem:$0x1FEA0]  }
0x1f3: {  	v33 =	vld [tilespmem:s0+$0x3050]  }
0x1f4: {  	v34 =	vld [tilespmem:s0+$0x7050]  }
0x1f5: {  	v35 =	vld [tilespmem:s0+$0x3060]  }
0x1f6: {  	v46 =	vld [tilespmem:$0x1FED0]  }
0x1f7: {  	v39 =	vld [tilespmem:s0+$0x3070];
	v17 =	vmul.f32 v30, v17;
	v3 =	vmul.f32 v42, v3  }
0x1f8: {  	v16 =	vld [tilespmem:s0+$0x7060]  }
0x1f9: {  	v18 =	vmul.f32 v32, v31;
	v1 =	vadd.f32 v17, v1;
	v2 =	vadd.f32 v3, v2;
	v3 =	vld [tilespmem:$0x1FEC0]  }
0x1fa: {  	v17 =	vld [tilespmem:s0+$0x7070]  }
0x1fb: {  	v43 =	vld [tilespmem:s0+$0x8070];
	v19 =	vmul.f32 v34, v33;
	v1 =	vadd.f32 v18, v1;
	_ =	sdelay $0x1  }
0x1fc: {  	v16 =	vmul.f32 v16, v35;
	v1 =	vadd.f32 v19, v1  }
0x1fd: {  	v3 =	vmul.f32 v46, v3  }
0x1fe: {  	v17 =	vmul.f32 v17, v39;
	v1 =	vadd.f32 v16, v1  }
0x1ff: {  	v2 =	vadd.f32 v3, v2;
	v3 =	vmul.f32 v43, v40  }
0x200: {  	v1 =	vadd.f32 v17, v1;
	v17 =	vld [tilespmem:$0x1FEF0]  }
0x201: {  	v2 =	vadd.f32 v3, v2;
	v3 =	vld [tilespmem:$0x1FEE0];
	_ =	sdelay $0x4  }
0x202: {  	v51 =	vld [tilespmem:$0x1FF10];
	v3 =	vmul.f32 v17, v3  }
0x203: {  	v44 =	vld [tilespmem:s0+$0x7400]  }
0x204: {  	v2 =	vadd.f32 v3, v2;
	v3 =	vld [tilespmem:$0x1FF00]  }
0x205: {  	v41 =	vld [tilespmem:s0+$0x3400]  }
0x206: {  	v45 =	vld [tilespmem:s0+$0x3410]  }
0x207: {  	v47 =	vld [tilespmem:s0+$0x7410]  }
0x208: {  	v48 =	vld [tilespmem:s0+$0x3420]  }
0x209: {  	v16 =	vld [tilespmem:s0+$0x7420];
	v3 =	vmul.f32 v51, v3  }
0x20a: {  	v54 =	vld [tilespmem:$0x1FF30];
	v18 =	vmul.f32 v44, v41  }
0x20b: {  	v2 =	vadd.f32 v3, v2;
	v3 =	vld [tilespmem:$0x1FF20]  }
0x20c: {  	v19 =	vmul.f32 v47, v45;
	v1 =	vadd.f32 v18, v1;
	_ =	sdelay $0x1  }
0x20d: {  	v16 =	vmul.f32 v16, v48;
	v1 =	vadd.f32 v19, v1  }
0x20e: {  	v49 =	vld [tilespmem:s0+$0x3430]  }
0x20f: {  	v1 =	vadd.f32 v16, v1;
	v16 =	vld [tilespmem:$0x1FF50];
	v3 =	vmul.f32 v54, v3  }
0x210: {  	v17 =	vld [tilespmem:s0+$0x7430]  }
0x211: {  	v2 =	vadd.f32 v3, v2;
	v3 =	vld [tilespmem:$0x1FF40];
	_ =	sdelay $0x3  }
0x212: {  	v17 =	vmul.f32 v17, v49  }
0x213: {  	v3 =	vmul.f32 v16, v3  }
0x214: {  	v1 =	vadd.f32 v17, v1;
	v17 =	vld [tilespmem:$0x1FF70]  }
0x215: {  	v2 =	vadd.f32 v3, v2;
	v3 =	vld [tilespmem:$0x1FF60];
	_ =	sdelay $0x4  }
0x216: {  	v3 =	vmul.f32 v17, v3  }
0x217: {  	v14 =	vadd.f32 v14, v15;
	v15 =	vld [tilespmem:$0x1FF90]  }
0x218: {  	v2 =	vadd.f32 v3, v2;
	v3 =	vld [tilespmem:$0x1FF80];
	_ =	sdelay $0x2  }
0x219: {  	v10 =	vmul.f32 v11, v10;
	v53 =	vld [tilespmem:s0+$0x3450]  }
0x21a: {  	v50 =	vld [tilespmem:s0+$0x3440]  }
0x21b: {  	v10 =	vadd.f32 v10, v14;
	v14 =	vld [tilespmem:$0x1FFB0];
	v3 =	vmul.f32 v15, v3  }
0x21c: {  	v52 =	vld [tilespmem:s0+$0x7440]  }
0x21d: {  	v2 =	vadd.f32 v3, v2;
	v3 =	vld [tilespmem:$0x1FFA0]  }
0x21e: {  	v56 =	vld [tilespmem:s0+$0x3460]  }
0x21f: {  	v55 =	vld [tilespmem:s0+$0x7450]  }
0x220: {  	v11 =	vld [tilespmem:s2+$0x6800]  }
0x221: {  	v16 =	vld [tilespmem:s0+$0x7460]  }
0x222: {  	v57 =	vld [tilespmem:s0+$0x3470];
	v18 =	vmul.f32 v52, v50;
	v3 =	vmul.f32 v14, v3  }
0x223: {  	v17 =	vld [tilespmem:s0+$0x7470]  }
0x224: {  	v19 =	vmul.f32 v55, v53;
	v1 =	vadd.f32 v18, v1;
	v2 =	vadd.f32 v3, v2;
	v3 =	vld [tilespmem:$0x1FFC0];
	_ =	sdelay $0x1  }
0x225: {  	v12 =	vmul.f32 v13, v12;
	v1 =	vadd.f32 v19, v1;
	v13 =	vmul.f32 v16, v56;
	_ =	sdelay $0x1  }
0x226: {  	v1 =	vadd.f32 v13, v1;
	v14 =	vmul.f32 v17, v57  }
0x227: {  	v10 =	vadd.f32 v12, v10;
	v3 =	vmul.f32 v11, v3  }
0x228: {  	v1 =	vadd.f32 v14, v1  }
0x229: {  	v11 =	vperm.xlane v10, v4;
	v2 =	vadd.f32 v3, v2  }
0x22a: {  	v3 =	vperm.xlane v1, v4  }
0x22b: {  	v10 =	vadd.f32 v11, v10;
	v11 =	vperm.xlane v2, v4  }
0x22c: {  	v1 =	vadd.f32 v3, v1  }
0x22d: {  	v3 =	vperm.xlane v10, v5;
	v2 =	vadd.f32 v11, v2  }
0x22e: {  	v11 =	vperm.xlane v1, v5  }
0x22f: {  	v3 =	vadd.f32 v3, v10;
	v10 =	vperm.xlane v2, v5  }
0x230: {  	v1 =	vadd.f32 v11, v1  }
0x231: {  	v11 =	vperm.xlane v3, v6;
	v2 =	vadd.f32 v10, v2  }
0x232: {  	v10 =	vperm.xlane v1, v6  }
0x233: {  	v3 =	vadd.f32 v11, v3;
	v11 =	vperm.xlane v2, v6  }
0x234: {  	v1 =	vadd.f32 v10, v1  }
0x235: {  	v10 =	vperm.xlane v3, v7;
	v2 =	vadd.f32 v11, v2  }
0x236: {  	v11 =	vperm.xlane v1, v7  }
0x237: {  	v3 =	vadd.f32 v10, v3;
	v10 =	vperm.xlane v2, v7  }
0x238: {  	v12 =	vmov s1;
	v1 =	vadd.f32 v11, v1  }
0x239: {  	v3 =	vsel vm1, v3, v8;
	vm1 =	veq.s32 v12, v0;
	v2 =	vadd.f32 v10, v2  }
0x23a: {  	v1 =	vsel vm1, v1, v3  }
0x23b: {  	v1 =	vmax.f32 v1, $0.0e+00;
	v2 =	vsel vm1, v2, v9  }
0x23c: {  	s12 =	smin.u32 s31, $0x137;
	[tilespmem:s24+$0x12800] =	vst v1;
	v1 =	vmax.f32 v2, $0.0e+00  }
0x23d: {  	s0 =	sshll.u32 s12, $0x4;
	[tilespmem:s24+$0x13C00] =	vst v1  }
0x23e: {  	v1 =	vld [tilespmem:s0+$0x20];
	_ =	sdelay $0x2  }
0x23f: {  	v3 =	vld [tilespmem:$0x1FFD0];
	_ =	sdelay $0x1  }
0x240: {  	v8 =	vld [tilespmem:$0x1FFE0];
	v2 =	vshll.u32 v1, $0x3  }
0x241: {  	v1 =	vand.u32 $0x7, v1;
	v2 =	vand.u32 $0xFFFFFFC0, v2  }
0x242: {  	v1 =	vor.u32 v1, v2  }
0x243: {  	v2 =	vperm.xlane v1, v3;
	_ =	sdelay $0x1  }
0x244: {  	v2 =	vadd.s32 v8, v2  }
0x245: {  	v9 =	vld [tilespmem:$0x1FFF0];
	_ =	sdelay $0x2  }
0x246: {  	s2 =	simm.s32 $0x0;
	s24 =	simm.s32 $0x2800  }
0x247: {  	[tilespmem:s24], [sflag:$0x1] =	stream.indirect_vreg.gather [hbm4b:s3+s2], $0x80, v2, vm0, $0xb8;
	[tilespmem:$0x15000] =	vst v63  }
0x248: {  	s31 =	simm.s32 $0x3000;
	v1 =	vperm.xlane v1, v9  }
0x249: {  	[tilespmem:s31], [sflag:$0x1] =	stream.indirect_vreg.gather [hbm4b:s6+s2], $0x80, v2, vm0, $0xb8;
	[tilespmem:$0x15000] =	vst v63  }
0x24a: {  	s4 =	simm.s32 $0x3800;
	v1 =	vadd.s32 v8, v1  }
0x24b: {  	[tilespmem:s4], [sflag:$0x1] =	stream.indirect_vreg.gather [hbm4b:s7+s2], $0x80, v2, vm0, $0xb8;
	[tilespmem:$0x15000] =	vst v63  }
0x24c: {  	_ = 	snop  }
0x24d: {  	[tilespmem:s13], [sflag:$0x1] =	stream.indirect_vreg.gather [hbm4b:s8+s2], $0x80, v2, vm0, $0xb8;
	[tilespmem:$0x15000] =	vst v63  }
0x24e: {  	_ = 	snop  }
0x24f: {  	[tilespmem:s14], [sflag:$0x1] =	stream.indirect_vreg.gather [hbm4b:s3+s2], $0x80, v1, vm0, $0xb8;
	[tilespmem:$0x15000] =	vst v63  }
0x250: {  	_ = 	snop  }
0x251: {  	[tilespmem:s15], [sflag:$0x1] =	stream.indirect_vreg.gather [hbm4b:s6+s2], $0x80, v1, vm0, $0xb8;
	[tilespmem:$0x15000] =	vst v63  }
0x252: {  	_ = 	snop  }
0x253: {  	[tilespmem:s16], [sflag:$0x1] =	stream.indirect_vreg.gather [hbm4b:s7+s2], $0x80, v1, vm0, $0xb8;
	[tilespmem:$0x15000] =	vst v63  }
0x254: {  	_ = 	snop  }
0x255: {  	[tilespmem:s17], [sflag:$0x1] =	stream.indirect_vreg.gather [hbm4b:s8+s2], $0x80, v1, vm0, $0xb8;
	[tilespmem:$0x15000] =	vst v63  }
0x256: {  	v1 =	vld [tilespmem:s0+$0x1420];
	_ =	sdelay $0x4  }
0x257: {  	v2 =	vshll.u32 v1, $0x3  }
0x258: {  	v1 =	vand.u32 $0x7, v1;
	v2 =	vand.u32 $0xFFFFFFC0, v2  }
0x259: {  	v1 =	vor.u32 v1, v2  }
0x25a: {  	v2 =	vperm.xlane v1, v3;
	_ =	sdelay $0x1  }
0x25b: {  	v2 =	vadd.s32 v8, v2;
	_ =	sdelay $0x4  }
0x25c: {  	[tilespmem:s18], [sflag:$0x1] =	stream.indirect_vreg.gather [hbm4b:s3+s2], $0x80, v2, vm0, $0xb8;
	[tilespmem:$0x15000] =	vst v63  }
0x25d: {  	v1 =	vperm.xlane v1, v9  }
0x25e: {  	[tilespmem:s19], [sflag:$0x1] =	stream.indirect_vreg.gather [hbm4b:s6+s2], $0x80, v2, vm0, $0xb8;
	[tilespmem:$0x15000] =	vst v63  }
0x25f: {  	v1 =	vadd.s32 v8, v1  }
0x260: {  	[tilespmem:s20], [sflag:$0x1] =	stream.indirect_vreg.gather [hbm4b:s7+s2], $0x80, v2, vm0, $0xb8;
	[tilespmem:$0x15000] =	vst v63  }
0x261: {  	_ = 	snop  }
0x262: {  	[tilespmem:s25], [sflag:$0x1] =	stream.indirect_vreg.gather [hbm4b:s8+s2], $0x80, v2, vm0, $0xb8;
	[tilespmem:$0x15000] =	vst v63  }
0x263: {  	_ = 	snop  }
0x264: {  	[tilespmem:s26], [sflag:$0x1] =	stream.indirect_vreg.gather [hbm4b:s3+s2], $0x80, v1, vm0, $0xb8;
	[tilespmem:$0x15000] =	vst v63  }
0x265: {  	_ = 	snop  }
0x266: {  	[tilespmem:s28], [sflag:$0x1] =	stream.indirect_vreg.gather [hbm4b:s6+s2], $0x80, v1, vm0, $0xb8;
	[tilespmem:$0x15000] =	vst v63  }
0x267: {  	_ = 	snop  }
0x268: {  	[tilespmem:s29], [sflag:$0x1] =	stream.indirect_vreg.gather [hbm4b:s7+s2], $0x80, v1, vm0, $0xb8;
	[tilespmem:$0x15000] =	vst v63  }
0x269: {  	_ = 	snop  }
0x26a: {  	[tilespmem:s30], [sflag:$0x1] =	stream.indirect_vreg.gather [hbm4b:s8+s2], $0x80, v1, vm0, $0xb8;
	[tilespmem:$0x15000] =	vst v63  }
0x26b: {  	_ =	swait.ge [sflag:s21], $0x4000  }
0x26c: {  	[sflag:s21] =	ssyncset.done $0x0  }
0x26d: {  	[sflag:s21] =	ssyncadd.s32 $0xFFFFC000  }
0x26e: {  	_ =	swait.ge [sflag:s21], $0x4000  }
0x26f: {  	s9 =	sand.u32 $0x2000, s2;
	s10 =	sand.u32 $0x380, s2;
	[sflag:s21] =	ssyncset.done $0x0  }
0x270: {  	s1 =	sor.u32 s10, s9;
	[sflag:s21] =	ssyncadd.s32 $0xFFFFC000  }
0x271: {  	v1 =	vld [tilespmem:s1+$0xB800]  }
0x272: {  	v2 =	vld [tilespmem:s1+$0xF800]  }
0x273: {  	v3 =	vld [tilespmem:s1+$0xB810]  }
0x274: {  	v8 =	vld [tilespmem:s1+$0xF810]  }
0x275: {  	v9 =	vld [tilespmem:s1+$0xB820]  }
0x276: {  	v10 =	vld [tilespmem:s1+$0xF820]  }
0x277: {  	v11 =	vld [tilespmem:s1+$0xB830]  }
0x278: {  	v12 =	vld [tilespmem:s1+$0xF830]  }
0x279: {  	v13 =	vld [tilespmem:s1+$0xB840]  }
0x27a: {  	v14 =	vld [tilespmem:s1+$0xF840]  }
0x27b: {  	v15 =	vld [tilespmem:s1+$0xB850]  }
0x27c: {  	v16 =	vld [tilespmem:s1+$0xF850]  }
0x27d: {  	v17 =	vld [tilespmem:s1+$0xB860]  }
0x27e: {  	v18 =	vld [tilespmem:s1+$0xF860]  }
0x27f: {  	v19 =	vld [tilespmem:s1+$0xB870]  }
0x280: {  	v20 =	vld [tilespmem:s1+$0xF870]  }
0x281: {  	v21 =	vld [tilespmem:s1+$0xBC00]  }
0x282: {  	v22 =	vld [tilespmem:s1+$0xFC00]  }
0x283: {  	v58 =	vld [tilespmem:s1+$0xBC10]  }
0x284: {  	v59 =	vld [tilespmem:s1+$0xFC10]  }
0x285: {  	v60 =	vld [tilespmem:s1+$0xBC20]  }
0x286: {  	v61 =	vld [tilespmem:s1+$0xFC20]  }
0x287: {  	v62 =	vld [tilespmem:s1+$0xBC30]  }
0x288: {  	v63 =	vld [tilespmem:s1+$0xFC30]  }
0x289: {  	v29 =	vld [tilespmem:s1+$0xBC40]  }
0x28a: {  	v30 =	vld [tilespmem:s1+$0xFC40]  }
0x28b: {  	v56 =	vld [tilespmem:s1+$0xBC50]  }
0x28c: {  	v57 =	vld [tilespmem:s1+$0xFC50]  }
0x28d: {  	v33 =	vld [tilespmem:s1+$0xBC60]  }
0x28e: {  	v34 =	vld [tilespmem:s1+$0xFC60]  }
0x28f: {  	v35 =	vld [tilespmem:s1+$0xBC70]  }
0x290: {  	v36 =	vld [tilespmem:s1+$0xFC70]  }
0x291: {  	v37 =	vld [tilespmem:s1+$0xC000]  }
0x292: {  	v38 =	vld [tilespmem:s1+$0x10000]  }
0x293: {  	v39 =	vld [tilespmem:s1+$0xC010]  }
0x294: {  	v40 =	vld [tilespmem:s1+$0x10010]  }
0x295: {  	v41 =	vld [tilespmem:s1+$0xC020]  }
0x296: {  	v42 =	vld [tilespmem:s1+$0x10020]  }
0x297: {  	v43 =	vld [tilespmem:s1+$0xC030]  }
0x298: {  	v44 =	vld [tilespmem:s1+$0x10030]  }
0x299: {  	v45 =	vld [tilespmem:s1+$0xC040]  }
0x29a: {  	v46 =	vld [tilespmem:s1+$0x10040]  }
0x29b: {  	v47 =	vld [tilespmem:s1+$0xC050]  }
0x29c: {  	v48 =	vld [tilespmem:s1+$0x10050]  }
0x29d: {  	v49 =	vld [tilespmem:s1+$0xC060]  }
0x29e: {  	v50 =	vld [tilespmem:s1+$0x10060]  }
0x29f: {  	v51 =	vld [tilespmem:s1+$0xC070]  }
0x2a0: {  	s11 =	sand.u32 $0x7, s2;
	v52 =	vld [tilespmem:s1+$0x10070]  }
0x2a1: {  	s0 =	sshll.u32 s11, $0x7;
	v53 =	vld [tilespmem:s1+$0xA830];
	v1 =	vmul.f32 v2, v1;
	v2 =	vmul.f32 v8, v3  }
0x2a2: {  	s0 =	sadd.s32 $0x0, s0;
	v54 =	vld [tilespmem:s1+$0xE830]  }
0x2a3: {  	s12 =	sor.u32 $0x1C00, s0;
	v55 =	vld [tilespmem:s1+$0xA840];
	v1 =	vadd.f32 v2, v1;
	v2 =	vmul.f32 v10, v9  }
0x2a4: {  	v3 =	vld [tilespmem:s12+$0xA800]  }
0x2a5: {  	s24 =	sor.u32 $0x1C10, s0;
	v8 =	vld [tilespmem:s12+$0xE800];
	v1 =	vadd.f32 v2, v1;
	v2 =	vmul.f32 v12, v11  }
0x2a6: {  	v9 =	vld [tilespmem:s24+$0xA800]  }
0x2a7: {  	s31 =	sor.u32 $0x1C20, s0;
	v10 =	vld [tilespmem:s24+$0xE800];
	v1 =	vadd.f32 v2, v1;
	v2 =	vmul.f32 v14, v13  }
0x2a8: {  	v11 =	vld [tilespmem:s31+$0xA800]  }
0x2a9: {  	s9 =	sor.u32 $0x1C30, s0;
	v12 =	vld [tilespmem:s31+$0xE800];
	v1 =	vadd.f32 v2, v1;
	v2 =	vmul.f32 v16, v15  }
0x2aa: {  	v13 =	vld [tilespmem:s9+$0xA800]  }
0x2ab: {  	s10 =	sor.u32 $0x1C40, s0;
	v14 =	vld [tilespmem:s9+$0xE800];
	v1 =	vadd.f32 v2, v1;
	v2 =	vmul.f32 v18, v17  }
0x2ac: {  	v15 =	vld [tilespmem:s10+$0xA800]  }
0x2ad: {  	s11 =	sor.u32 $0x1C50, s0;
	v16 =	vld [tilespmem:s10+$0xE800];
	v1 =	vadd.f32 v2, v1;
	v2 =	vmul.f32 v20, v19  }
0x2ae: {  	v17 =	vld [tilespmem:s11+$0xA800]  }
0x2af: {  	s12 =	sor.u32 $0x1C60, s0;
	v18 =	vld [tilespmem:s11+$0xE800];
	v1 =	vadd.f32 v2, v1;
	v2 =	vmul.f32 v22, v21  }
0x2b0: {  	v19 =	vld [tilespmem:s12+$0xA800]  }
0x2b1: {  	v20 =	vld [tilespmem:s12+$0xE800];
	v1 =	vadd.f32 v2, v1;
	v2 =	vmul.f32 v59, v58  }
0x2b2: {  	v58 =	vld [tilespmem:s1+$0xA800]  }
0x2b3: {  	v59 =	vld [tilespmem:s1+$0xE800];
	v1 =	vadd.f32 v2, v1;
	v2 =	vmul.f32 v61, v60  }
0x2b4: {  	v60 =	vld [tilespmem:s1+$0xA810]  }
0x2b5: {  	v61 =	vld [tilespmem:s1+$0xE810];
	v1 =	vadd.f32 v2, v1;
	v2 =	vmul.f32 v63, v62  }
0x2b6: {  	v62 =	vld [tilespmem:s1+$0xA820]  }
0x2b7: {  	s0 =	sor.u32 $0x1C70, s0;
	v63 =	vld [tilespmem:s1+$0xE820];
	v1 =	vadd.f32 v2, v1;
	v2 =	vmul.f32 v30, v29  }
0x2b8: {  	v21 =	vld [tilespmem:s0+$0xA800]  }
0x2b9: {  	v22 =	vld [tilespmem:s0+$0xE800];
	v1 =	vadd.f32 v2, v1;
	v2 =	vmul.f32 v57, v56  }
0x2ba: {  	v23 =	vmul.f32 v59, v58;
	v58 =	vld [tilespmem:s1+$0xA850];
	v56 =	vmul.f32 v61, v60  }
0x2bb: {  	v57 =	vld [tilespmem:s1+$0xE840];
	v1 =	vadd.f32 v2, v1;
	v2 =	vmul.f32 v34, v33  }
0x2bc: {  	v60 =	vld [tilespmem:s1+$0xE850];
	v59 =	vmul.f32 v63, v62;
	v23 =	vadd.f32 v56, v23  }
0x2bd: {  	v61 =	vld [tilespmem:s1+$0xA860];
	v1 =	vadd.f32 v2, v1;
	v2 =	vmul.f32 v36, v35  }
0x2be: {  	v62 =	vmul.f32 v54, v53;
	v63 =	vld [tilespmem:s1+$0xE860];
	v23 =	vadd.f32 v59, v23  }
0x2bf: {  	v53 =	vld [tilespmem:s1+$0xAC30];
	v1 =	vadd.f32 v2, v1;
	v2 =	vmul.f32 v38, v37  }
0x2c0: {  	v33 =	vld [tilespmem:s1+$0xA870];
	v34 =	vmul.f32 v57, v55;
	v23 =	vadd.f32 v62, v23  }
0x2c1: {  	v35 =	vld [tilespmem:s1+$0xE870];
	v1 =	vadd.f32 v2, v1;
	v2 =	vmul.f32 v40, v39  }
0x2c2: {  	v36 =	vld [tilespmem:s1+$0xAC00];
	v37 =	vmul.f32 v60, v58;
	v23 =	vadd.f32 v34, v23  }
0x2c3: {  	v38 =	vld [tilespmem:s1+$0xEC00];
	v1 =	vadd.f32 v2, v1;
	v2 =	vmul.f32 v42, v41  }
0x2c4: {  	v39 =	vld [tilespmem:s1+$0xAC10];
	v40 =	vmul.f32 v63, v61;
	v23 =	vadd.f32 v37, v23  }
0x2c5: {  	v41 =	vld [tilespmem:s1+$0xEC10];
	v1 =	vadd.f32 v2, v1;
	v2 =	vmul.f32 v44, v43  }
0x2c6: {  	v42 =	vld [tilespmem:s1+$0xAC20];
	v23 =	vadd.f32 v40, v23;
	v43 =	vmul.f32 v35, v33  }
0x2c7: {  	v44 =	vld [tilespmem:s1+$0xEC20];
	v1 =	vadd.f32 v2, v1;
	v2 =	vmul.f32 v46, v45  }
0x2c8: {  	v56 =	vld [tilespmem:s1+$0xAC40];
	v54 =	vmul.f32 v38, v36;
	v23 =	vadd.f32 v43, v23  }
0x2c9: {  	v55 =	vld [tilespmem:s1+$0xEC30];
	v1 =	vadd.f32 v2, v1;
	v2 =	vmul.f32 v48, v47  }
0x2ca: {  	v59 =	vld [tilespmem:s1+$0xEC50];
	v27 =	vmul.f32 v41, v39;
	v23 =	vadd.f32 v54, v23  }
0x2cb: {  	v57 =	vld [tilespmem:s1+$0xEC40];
	v1 =	vadd.f32 v2, v1;
	v2 =	vmul.f32 v50, v49  }
0x2cc: {  	v58 =	vld [tilespmem:s1+$0xAC50];
	v25 =	vmul.f32 v44, v42;
	v23 =	vadd.f32 v27, v23  }
0x2cd: {  	v60 =	vld [tilespmem:s1+$0xAC60];
	v1 =	vadd.f32 v2, v1;
	v2 =	vmul.f32 v52, v51  }
0x2ce: {  	v62 =	vld [tilespmem:s1+$0xEC70];
	v26 =	vmul.f32 v55, v53;
	v23 =	vadd.f32 v25, v23  }
0x2cf: {  	v61 =	vld [tilespmem:s1+$0xEC60];
	v1 =	vadd.f32 v2, v1;
	v2 =	vmul.f32 v8, v3  }
0x2d0: {  	v63 =	vld [tilespmem:s1+$0xF000];
	v8 =	vmul.f32 v57, v56;
	v23 =	vadd.f32 v26, v23  }
0x2d1: {  	v3 =	vld [tilespmem:s1+$0xAC70];
	v1 =	vadd.f32 v2, v1;
	v2 =	vmul.f32 v10, v9  }
0x2d2: {  	v9 =	vld [tilespmem:s1+$0xB000];
	v10 =	vmul.f32 v59, v58;
	v8 =	vadd.f32 v8, v23  }
0x2d3: {  	v1 =	vadd.f32 v2, v1;
	v2 =	vmul.f32 v12, v11;
	v11 =	vld [tilespmem:s1+$0xB010]  }
0x2d4: {  	v12 =	vmul.f32 v61, v60;
	v8 =	vadd.f32 v10, v8;
	v10 =	vld [tilespmem:s1+$0xF010]  }
0x2d5: {  	v1 =	vadd.f32 v2, v1;
	v2 =	vmul.f32 v14, v13;
	v13 =	vld [tilespmem:s1+$0xB020]  }
0x2d6: {  	v3 =	vmul.f32 v62, v3;
	v8 =	vadd.f32 v12, v8;
	v12 =	vld [tilespmem:s1+$0xF020]  }
0x2d7: {  	v14 =	vld [tilespmem:s1+$0xB030];
	v9 =	vmul.f32 v63, v9  }
0x2d8: {  	v1 =	vadd.f32 v2, v1;
	v2 =	vmul.f32 v16, v15;
	v3 =	vadd.f32 v3, v8;
	v8 =	vld [tilespmem:s1+$0xF030]  }
0x2d9: {  	v15 =	vld [tilespmem:s1+$0xB040];
	v10 =	vmul.f32 v10, v11  }
0x2da: {  	v16 =	vld [tilespmem:s1+$0xB450];
	v1 =	vadd.f32 v2, v1;
	v2 =	vmul.f32 v18, v17;
	v3 =	vadd.f32 v9, v3  }
0x2db: {  	v9 =	vld [tilespmem:s1+$0xF040];
	v12 =	vmul.f32 v12, v13  }
0x2dc: {  	v11 =	vld [tilespmem:s1+$0xB050];
	v1 =	vadd.f32 v2, v1;
	v2 =	vmul.f32 v20, v19;
	v3 =	vadd.f32 v10, v3  }
0x2dd: {  	v13 =	vmul.f32 v22, v21;
	v10 =	vld [tilespmem:s1+$0xF050]  }
0x2de: {  	v8 =	vmul.f32 v8, v14;
	v1 =	vadd.f32 v2, v1;
	v2 =	vld [tilespmem:s1+$0xB060];
	v3 =	vadd.f32 v12, v3  }
0x2df: {  	v12 =	vld [tilespmem:s1+$0xF060]  }
0x2e0: {  	v14 =	vld [tilespmem:s1+$0xB070];
	v9 =	vmul.f32 v9, v15;
	v1 =	vadd.f32 v13, v1;
	v3 =	vadd.f32 v8, v3  }
0x2e1: {  	v8 =	vld [tilespmem:s1+$0xF070]  }
0x2e2: {  	v13 =	vld [tilespmem:s1+$0xB400];
	v10 =	vmul.f32 v10, v11;
	v15 =	vperm.xlane v1, v4;
	v3 =	vadd.f32 v9, v3  }
0x2e3: {  	v9 =	vld [tilespmem:s1+$0xF400]  }
0x2e4: {  	v11 =	vld [tilespmem:s1+$0xB410];
	v2 =	vmul.f32 v12, v2;
	v1 =	vadd.f32 v15, v1;
	v3 =	vadd.f32 v10, v3  }
0x2e5: {  	v10 =	vld [tilespmem:s1+$0xF410]  }
0x2e6: {  	v12 =	vld [tilespmem:s1+$0xB420];
	v8 =	vmul.f32 v8, v14;
	v15 =	vperm.xlane v1, v5;
	v2 =	vadd.f32 v2, v3  }
0x2e7: {  	v3 =	vld [tilespmem:s1+$0xF420]  }
0x2e8: {  	v14 =	vld [tilespmem:s1+$0xB430];
	v9 =	vmul.f32 v9, v13;
	v1 =	vadd.f32 v15, v1;
	v2 =	vadd.f32 v8, v2  }
0x2e9: {  	v8 =	vld [tilespmem:s1+$0xF430]  }
0x2ea: {  	v13 =	vld [tilespmem:s1+$0xB440];
	v10 =	vmul.f32 v10, v11;
	v15 =	vperm.xlane v1, v6;
	v2 =	vadd.f32 v9, v2  }
0x2eb: {  	v9 =	vld [tilespmem:s1+$0xF440]  }
0x2ec: {  	v11 =	vld [tilespmem:s1+$0xF460];
	v3 =	vmul.f32 v3, v12;
	v1 =	vadd.f32 v15, v1;
	v2 =	vadd.f32 v10, v2  }
0x2ed: {  	v15 =	vld [tilespmem:s1+$0xF450]  }
0x2ee: {  	s9 =	simm.s32 $0x400;
	s10 =	simm.s32 $0x80;
	v10 =	vld [tilespmem:s1+$0xB460];
	v8 =	vmul.f32 v8, v14;
	v17 =	vperm.xlane v1, v7;
	v2 =	vadd.f32 v3, v2  }
0x2ef: {  	s24 =	sand.u32 $0x2000, s9;
	s31 =	sand.u32 $0x380, s10;
	v12 =	vld [tilespmem:s1+$0xB470];
	v3 =	vmov s2  }
0x2f0: {  	s0 =	sor.u32 s31, s24;
	v1 =	vadd.f32 v17, v1;
	v17 =	vmul.f32 v9, v13;
	v2 =	vadd.f32 v8, v2;
	v13 =	vld [tilespmem:s1+$0xF470]  }
0x2f1: {  	v55 =	vld [tilespmem:s0+$0xF800];
	vm1 =	veq.s32 v3, v0;
	v8 =	vimm.f32 $0.0e+00  }
0x2f2: {  	s4 =	simm.s32 $0x2;
	v54 =	vld [tilespmem:s0+$0xB800];
	s1 =	simm.s32 $0x1;
	v14 =	vmul.f32 v15, v16;
	v9 =	vsel vm1, v1, v8;
	v15 =	vadd.f32 v17, v2  }
.LBB2_5:
0x2f3: {  	p0 =	sne.s32 s4, $0xF;
	v1 =	vld [tilespmem:s0+$0xB810];
	v2 =	vmul.f32 v11, v10  }
0x2f4: {  	v3 =	vld [tilespmem:s0+$0xF810];
	v10 =	vadd.f32 v14, v15  }
0x2f5: {  	v11 =	vld [tilespmem:s0+$0xB820];
	v12 =	vmul.f32 v13, v12  }
0x2f6: {  	v13 =	vld [tilespmem:s0+$0xF820];
	v2 =	vadd.f32 v2, v10  }
0x2f7: {  	v10 =	vld [tilespmem:s0+$0xB830]  }
0x2f8: {  	v14 =	vld [tilespmem:s0+$0xF830];
	v2 =	vadd.f32 v12, v2  }
0x2f9: {  	v12 =	vmul.f32 v55, v54;
	v1 =	vmul.f32 v3, v1;
	v3 =	vld [tilespmem:s0+$0xB840]  }
0x2fa: {  	v15 =	vld [tilespmem:s0+$0xF840];
	v16 =	vperm.xlane v2, v4  }
0x2fb: {  	v1 =	vadd.f32 v1, v12;
	v11 =	vmul.f32 v13, v11;
	v12 =	vld [tilespmem:s0+$0xB850]  }
0x2fc: {  	v13 =	vld [tilespmem:s0+$0xF850];
	v2 =	vadd.f32 v16, v2  }
0x2fd: {  	v1 =	vadd.f32 v11, v1;
	v10 =	vmul.f32 v14, v10;
	v11 =	vld [tilespmem:s0+$0xB860]  }
0x2fe: {  	v14 =	vld [tilespmem:s0+$0xF860];
	v16 =	vperm.xlane v2, v5  }
0x2ff: {  	v1 =	vadd.f32 v10, v1;
	v3 =	vmul.f32 v15, v3;
	v10 =	vld [tilespmem:s0+$0xB870]  }
0x300: {  	v15 =	vld [tilespmem:s0+$0xF870];
	v2 =	vadd.f32 v16, v2  }
0x301: {  	v1 =	vadd.f32 v3, v1;
	v3 =	vmul.f32 v13, v12;
	v12 =	vld [tilespmem:s0+$0xBC00]  }
0x302: {  	v13 =	vld [tilespmem:s0+$0xFC00];
	v16 =	vperm.xlane v2, v6  }
0x303: {  	v1 =	vadd.f32 v3, v1;
	v3 =	vmul.f32 v14, v11;
	v11 =	vld [tilespmem:s0+$0xBC10]  }
0x304: {  	v14 =	vld [tilespmem:s0+$0xFC10];
	v2 =	vadd.f32 v16, v2  }
0x305: {  	v1 =	vadd.f32 v3, v1;
	v3 =	vmul.f32 v15, v10;
	v10 =	vld [tilespmem:s0+$0xBC20]  }
0x306: {  	v15 =	vld [tilespmem:s0+$0xFC20];
	v16 =	vperm.xlane v2, v7  }
0x307: {  	v1 =	vadd.f32 v3, v1;
	v3 =	vmul.f32 v13, v12;
	v12 =	vld [tilespmem:s0+$0xBC30]  }
0x308: {  	v13 =	vld [tilespmem:s0+$0xFC30];
	v2 =	vadd.f32 v16, v2  }
0x309: {  	v1 =	vadd.f32 v3, v1;
	v3 =	vmul.f32 v14, v11;
	v11 =	vld [tilespmem:s0+$0xBC40]  }
0x30a: {  	v14 =	vld [tilespmem:s0+$0xFC40];
	v8 =	vsel vm1, v2, v8  }
0x30b: {  	v1 =	vadd.f32 v3, v1;
	v2 =	vmul.f32 v15, v10;
	v3 =	vld [tilespmem:s0+$0xBC50]  }
0x30c: {  	v10 =	vld [tilespmem:s0+$0xFC50]  }
0x30d: {  	v1 =	vadd.f32 v2, v1;
	v2 =	vmul.f32 v13, v12;
	v12 =	vld [tilespmem:s0+$0xBC60]  }
0x30e: {  	v13 =	vld [tilespmem:s0+$0xFC60]  }
0x30f: {  	v1 =	vadd.f32 v2, v1;
	v2 =	vmul.f32 v14, v11;
	v11 =	vld [tilespmem:s0+$0xBC70]  }
0x310: {  	v14 =	vld [tilespmem:s0+$0xFC70]  }
0x311: {  	v1 =	vadd.f32 v2, v1;
	v2 =	vmul.f32 v10, v3;
	v3 =	vld [tilespmem:s0+$0xC000]  }
0x312: {  	v10 =	vld [tilespmem:s0+$0x10000]  }
0x313: {  	v1 =	vadd.f32 v2, v1;
	v2 =	vmul.f32 v13, v12;
	v12 =	vld [tilespmem:s0+$0xC010]  }
0x314: {  	v13 =	vld [tilespmem:s0+$0x10010]  }
0x315: {  	v1 =	vadd.f32 v2, v1;
	v2 =	vmul.f32 v14, v11;
	v11 =	vld [tilespmem:s0+$0xC020]  }
0x316: {  	v14 =	vld [tilespmem:s0+$0x10020]  }
0x317: {  	v1 =	vadd.f32 v2, v1;
	v2 =	vmul.f32 v10, v3;
	v3 =	vld [tilespmem:s0+$0xC030]  }
0x318: {  	v10 =	vld [tilespmem:s0+$0x10030]  }
0x319: {  	v1 =	vadd.f32 v2, v1;
	v2 =	vmul.f32 v13, v12;
	v12 =	vld [tilespmem:s0+$0xC040]  }
0x31a: {  	v13 =	vld [tilespmem:s0+$0x10040]  }
0x31b: {  	v1 =	vadd.f32 v2, v1;
	v2 =	vmul.f32 v14, v11;
	v11 =	vld [tilespmem:s0+$0xC050]  }
0x31c: {  	s2 =	sadd.s32 $0x1, s2;
	v14 =	vld [tilespmem:s0+$0x10050]  }
0x31d: {  	s11 =	sand.u32 $0x7, s2;
	v1 =	vadd.f32 v2, v1;
	v2 =	vmul.f32 v10, v3;
	v3 =	vld [tilespmem:s0+$0xC060]  }
0x31e: {  	s11 =	sshll.u32 s11, $0x7;
	v10 =	vld [tilespmem:s0+$0x10060]  }
0x31f: {  	s11 =	sadd.s32 s11, s9;
	v1 =	vadd.f32 v2, v1;
	v2 =	vmul.f32 v13, v12;
	v12 =	vld [tilespmem:s0+$0xC070]  }
0x320: {  	s12 =	sor.u32 $0x1C00, s11;
	v13 =	vld [tilespmem:s0+$0x10070]  }
0x321: {  	v1 =	vadd.f32 v2, v1;
	v2 =	vmul.f32 v14, v11;
	v11 =	vld [tilespmem:s12+$0xA800]  }
0x322: {  	v14 =	vld [tilespmem:s12+$0xE800];
	s12 =	sor.u32 $0x1C10, s11  }
0x323: {  	v1 =	vadd.f32 v2, v1;
	v2 =	vmul.f32 v10, v3;
	v3 =	vld [tilespmem:s12+$0xA800]  }
0x324: {  	v10 =	vld [tilespmem:s12+$0xE800];
	s12 =	sor.u32 $0x1C20, s11  }
0x325: {  	v1 =	vadd.f32 v2, v1;
	v2 =	vmul.f32 v13, v12;
	v12 =	vld [tilespmem:s12+$0xA800]  }
0x326: {  	v13 =	vld [tilespmem:s12+$0xE800];
	s12 =	sor.u32 $0x1C30, s11  }
0x327: {  	v1 =	vadd.f32 v2, v1;
	v2 =	vmul.f32 v14, v11;
	v11 =	vld [tilespmem:s12+$0xA800]  }
0x328: {  	v14 =	vld [tilespmem:s12+$0xE800];
	s12 =	sor.u32 $0x1C40, s11  }
0x329: {  	v1 =	vadd.f32 v2, v1;
	v2 =	vmul.f32 v10, v3;
	v3 =	vld [tilespmem:s12+$0xA800]  }
0x32a: {  	v10 =	vld [tilespmem:s12+$0xE800];
	s12 =	sor.u32 $0x1C50, s11  }
0x32b: {  	v1 =	vadd.f32 v2, v1;
	v2 =	vmul.f32 v13, v12;
	v12 =	vld [tilespmem:s12+$0xA800]  }
0x32c: {  	v13 =	vld [tilespmem:s12+$0xE800];
	s12 =	sor.u32 $0x1C60, s11  }
0x32d: {  	v1 =	vadd.f32 v2, v1;
	v2 =	vmul.f32 v14, v11;
	v11 =	vld [tilespmem:s12+$0xA800]  }
0x32e: {  	s11 =	sor.u32 $0x1C70, s11;
	v14 =	vld [tilespmem:s12+$0xE800]  }
0x32f: {  	v1 =	vadd.f32 v2, v1;
	v2 =	vmul.f32 v10, v3;
	v3 =	vld [tilespmem:s11+$0xA800]  }
0x330: {  	v10 =	vld [tilespmem:s11+$0xE800]  }
0x331: {  	v15 =	vld [tilespmem:s0+$0xA800];
	v1 =	vadd.f32 v2, v1;
	v2 =	vmul.f32 v13, v12  }
0x332: {  	v12 =	vld [tilespmem:s0+$0xE800]  }
0x333: {  	v13 =	vld [tilespmem:s0+$0xA810];
	v1 =	vadd.f32 v2, v1;
	v2 =	vmul.f32 v14, v11  }
0x334: {  	v11 =	vld [tilespmem:s0+$0xE810]  }
0x335: {  	v14 =	vld [tilespmem:s0+$0xA820];
	v1 =	vadd.f32 v2, v1;
	v2 =	vmul.f32 v10, v3  }
0x336: {  	v3 =	vld [tilespmem:s0+$0xE820]  }
0x337: {  	v10 =	vmul.f32 v12, v15;
	v12 =	vld [tilespmem:s0+$0xA830];
	v1 =	vadd.f32 v2, v1  }
0x338: {  	v2 =	vld [tilespmem:s0+$0xE830]  }
0x339: {  	v11 =	vmul.f32 v11, v13;
	v13 =	vld [tilespmem:s0+$0xA840];
	v15 =	vperm.xlane v1, v4  }
0x33a: {  	v16 =	vld [tilespmem:s0+$0xE840]  }
0x33b: {  	v10 =	vadd.f32 v11, v10;
	v3 =	vmul.f32 v3, v14;
	v11 =	vld [tilespmem:s0+$0xA850];
	v1 =	vadd.f32 v15, v1  }
0x33c: {  	v14 =	vld [tilespmem:s0+$0xE850]  }
0x33d: {  	v3 =	vadd.f32 v3, v10;
	v2 =	vmul.f32 v2, v12;
	v10 =	vld [tilespmem:s0+$0xA860];
	v12 =	vperm.xlane v1, v5  }
0x33e: {  	v15 =	vld [tilespmem:s0+$0xE860]  }
0x33f: {  	v2 =	vadd.f32 v2, v3;
	v3 =	vmul.f32 v16, v13;
	v13 =	vld [tilespmem:s0+$0xA870];
	v1 =	vadd.f32 v12, v1  }
0x340: {  	v12 =	vld [tilespmem:s0+$0xE870]  }
0x341: {  	v2 =	vadd.f32 v3, v2;
	v3 =	vmul.f32 v14, v11;
	v11 =	vld [tilespmem:s0+$0xAC00];
	v14 =	vperm.xlane v1, v6  }
0x342: {  	v16 =	vld [tilespmem:s0+$0xEC00]  }
0x343: {  	v2 =	vadd.f32 v3, v2;
	v3 =	vmul.f32 v15, v10;
	v10 =	vld [tilespmem:s0+$0xAC10];
	v1 =	vadd.f32 v14, v1  }
0x344: {  	v14 =	vld [tilespmem:s0+$0xEC10]  }
0x345: {  	v2 =	vadd.f32 v3, v2;
	v3 =	vmul.f32 v12, v13;
	v12 =	vld [tilespmem:s0+$0xAC20];
	v13 =	vperm.xlane v1, v7  }
0x346: {  	v15 =	vld [tilespmem:s0+$0xEC20]  }
0x347: {  	v17 =	vmov s1;
	s1 =	smov.u32 s4;
	v2 =	vadd.f32 v3, v2;
	v3 =	vld [tilespmem:s0+$0xAC30];
	v1 =	vadd.f32 v13, v1  }
0x348: {  	vm1 =	veq.s32 v17, v0;
	v11 =	vmul.f32 v16, v11;
	v13 =	vld [tilespmem:s0+$0xEC30]  }
0x349: {  	v10 =	vmul.f32 v14, v10;
	v14 =	vld [tilespmem:s0+$0xAC40];
	v9 =	vsel vm1, v1, v9  }
0x34a: {  	v1 =	vadd.f32 v11, v2;
	v2 =	vld [tilespmem:s0+$0xEC40]  }
0x34b: {  	v11 =	vmul.f32 v15, v12;
	v12 =	vld [tilespmem:s0+$0xAC50]  }
0x34c: {  	v1 =	vadd.f32 v10, v1;
	v10 =	vld [tilespmem:s0+$0xEC50]  }
0x34d: {  	v3 =	vmul.f32 v13, v3;
	v13 =	vld [tilespmem:s0+$0xAC60]  }
0x34e: {  	v1 =	vadd.f32 v11, v1;
	v11 =	vld [tilespmem:s0+$0xEC60]  }
0x34f: {  	v2 =	vmul.f32 v2, v14;
	v14 =	vld [tilespmem:s0+$0xAC70]  }
0x350: {  	v1 =	vadd.f32 v3, v1;
	v3 =	vld [tilespmem:s0+$0xEC70]  }
0x351: {  	v10 =	vmul.f32 v10, v12;
	v12 =	vld [tilespmem:s0+$0xB000]  }
0x352: {  	v1 =	vadd.f32 v2, v1;
	v2 =	vld [tilespmem:s0+$0xF000]  }
0x353: {  	v11 =	vmul.f32 v11, v13;
	v13 =	vld [tilespmem:s0+$0xB010]  }
0x354: {  	v1 =	vadd.f32 v10, v1;
	v10 =	vld [tilespmem:s0+$0xF010]  }
0x355: {  	v3 =	vmul.f32 v3, v14;
	v14 =	vld [tilespmem:s0+$0xB020]  }
0x356: {  	v1 =	vadd.f32 v11, v1;
	v11 =	vld [tilespmem:s0+$0xF020]  }
0x357: {  	v2 =	vmul.f32 v2, v12;
	v12 =	vld [tilespmem:s0+$0xB030]  }
0x358: {  	v1 =	vadd.f32 v3, v1;
	v3 =	vld [tilespmem:s0+$0xF030]  }
0x359: {  	v10 =	vmul.f32 v10, v13;
	v13 =	vld [tilespmem:s0+$0xB040]  }
0x35a: {  	v1 =	vadd.f32 v2, v1;
	v2 =	vld [tilespmem:s0+$0xF040]  }
0x35b: {  	v11 =	vmul.f32 v11, v14;
	v14 =	vld [tilespmem:s0+$0xB050]  }
0x35c: {  	v1 =	vadd.f32 v10, v1;
	v10 =	vld [tilespmem:s0+$0xF050]  }
0x35d: {  	v3 =	vmul.f32 v3, v12;
	v12 =	vld [tilespmem:s0+$0xB060]  }
0x35e: {  	v1 =	vadd.f32 v11, v1;
	v11 =	vld [tilespmem:s0+$0xF060]  }
0x35f: {  	v2 =	vmul.f32 v2, v13;
	v13 =	vld [tilespmem:s0+$0xB070]  }
0x360: {  	v1 =	vadd.f32 v3, v1;
	v3 =	vld [tilespmem:s0+$0xF070]  }
0x361: {  	v10 =	vmul.f32 v10, v14;
	v14 =	vld [tilespmem:s0+$0xB400]  }
0x362: {  	v1 =	vadd.f32 v2, v1;
	v2 =	vld [tilespmem:s0+$0xF400]  }
0x363: {  	v11 =	vmul.f32 v11, v12;
	v12 =	vld [tilespmem:s0+$0xB410]  }
0x364: {  	v1 =	vadd.f32 v10, v1;
	v10 =	vld [tilespmem:s0+$0xF410]  }
0x365: {  	v3 =	vmul.f32 v3, v13;
	v13 =	vld [tilespmem:s0+$0xB420]  }
0x366: {  	v1 =	vadd.f32 v11, v1;
	v11 =	vld [tilespmem:s0+$0xF420]  }
0x367: {  	v2 =	vmul.f32 v2, v14;
	v14 =	vld [tilespmem:s0+$0xB430]  }
0x368: {  	v1 =	vadd.f32 v3, v1;
	v3 =	vld [tilespmem:s0+$0xF430]  }
0x369: {  	v10 =	vmul.f32 v10, v12;
	v12 =	vld [tilespmem:s0+$0xB440]  }
0x36a: {  	v1 =	vadd.f32 v2, v1;
	v2 =	vld [tilespmem:s0+$0xF440]  }
0x36b: {  	v11 =	vmul.f32 v11, v13;
	v15 =	vld [tilespmem:s0+$0xB450]  }
0x36c: {  	v1 =	vadd.f32 v10, v1;
	v16 =	vld [tilespmem:s0+$0xF450]  }
0x36d: {  	v3 =	vmul.f32 v3, v14;
	v10 =	vld [tilespmem:s0+$0xB460]  }
.Ltmp1:
0x36e: {  	s10 =	sadd.s32 $0x80, s10;
	s9 =	sadd.s32 $0x400, s9;
	v1 =	vadd.f32 v11, v1;
	v11 =	vld [tilespmem:s0+$0xF460];
	(pc) =	sbr.rel @p0 .LBB2_5-.Ltmp1, $4  }
0x36f: {  	s12 =	sand.u32 $0x380, s10;
	s11 =	sand.u32 $0x2000, s9;
	v2 =	vmul.f32 v2, v12;
	v12 =	vld [tilespmem:s0+$0xB470]  }
0x370: {  	v1 =	vadd.f32 v3, v1;
	v13 =	vld [tilespmem:s0+$0xF470];
	s0 =	sor.u32 s12, s11  }
0x371: {  	v54 =	vld [tilespmem:s0+$0xB800];
	v14 =	vmul.f32 v16, v15  }
0x372: {  	s4 =	sadd.s32 $0x1, s4;
	v15 =	vadd.f32 v2, v1;
	v55 =	vld [tilespmem:s0+$0xF800]  }
0x373: {  	v1 =	vld [tilespmem:s0+$0xC040];
	_ =	sdelay $0x4  }
0x374: {  	[tilespmem:$0x1FD50] =	vst v1;
	v1 =	vld [tilespmem:s0+$0xC050];
	_ =	sdelay $0x4  }
0x375: {  	[tilespmem:$0x1FD60] =	vst v1;
	v1 =	vld [tilespmem:s0+$0x10050];
	_ =	sdelay $0x4  }
0x376: {  	[tilespmem:$0x1FD70] =	vst v1;
	v1 =	vld [tilespmem:s0+$0xC060];
	_ =	sdelay $0x4  }
0x377: {  	s2 =	sadd.s32 $0x1, s2;
	[tilespmem:$0x1FD80] =	vst v1;
	v1 =	vld [tilespmem:s0+$0x10060]  }
0x378: {  	s2 =	sand.u32 $0x7, s2  }
0x379: {  	v22 =	vld [tilespmem:s0+$0xB810];
	s2 =	sshll.u32 s2, $0x7  }
0x37a: {  	v21 =	vld [tilespmem:s0+$0xF810];
	s2 =	sadd.s32 s2, s9  }
0x37b: {  	v23 =	vld [tilespmem:s0+$0xB820];
	s4 =	sor.u32 $0x1C00, s2  }
0x37c: {  	[tilespmem:$0x1FD90] =	vst v1;
	v1 =	vld [tilespmem:s4+$0xA800]  }
0x37d: {  	v56 =	vld [tilespmem:s0+$0xF820]  }
0x37e: {  	v57 =	vld [tilespmem:s0+$0xB830]  }
0x37f: {  	v58 =	vld [tilespmem:s0+$0xF830]  }
0x380: {  	v59 =	vld [tilespmem:s0+$0xB840]  }
0x381: {  	[tilespmem:$0x1FDA0] =	vst v1;
	v1 =	vld [tilespmem:s4+$0xE800]  }
0x382: {  	v60 =	vld [tilespmem:s0+$0xF840]  }
0x383: {  	v61 =	vld [tilespmem:s0+$0xB850]  }
0x384: {  	v62 =	vld [tilespmem:s0+$0xF850]  }
0x385: {  	v63 =	vld [tilespmem:s0+$0xB860];
	s9 =	sor.u32 $0x1C10, s2  }
0x386: {  	[tilespmem:$0x1FDB0] =	vst v1;
	v1 =	vld [tilespmem:s9+$0xA800]  }
0x387: {  	v24 =	vld [tilespmem:s0+$0xF860]  }
0x388: {  	v26 =	vld [tilespmem:s0+$0xB870]  }
0x389: {  	v25 =	vld [tilespmem:s0+$0xF870]  }
0x38a: {  	v28 =	vld [tilespmem:s0+$0xBC00]  }
0x38b: {  	[tilespmem:$0x1FDC0] =	vst v1;
	v1 =	vld [tilespmem:s9+$0xE800]  }
0x38c: {  	v27 =	vld [tilespmem:s0+$0xFC00]  }
0x38d: {  	v30 =	vld [tilespmem:s0+$0xBC10]  }
0x38e: {  	v29 =	vld [tilespmem:s0+$0xFC10]  }
0x38f: {  	v32 =	vld [tilespmem:s0+$0xBC20];
	s10 =	sor.u32 $0x1C20, s2  }
0x390: {  	[tilespmem:$0x1FDD0] =	vst v1;
	v1 =	vld [tilespmem:s10+$0xA800]  }
0x391: {  	v31 =	vld [tilespmem:s0+$0xFC20]  }
0x392: {  	v34 =	vld [tilespmem:s0+$0xBC30]  }
0x393: {  	v33 =	vld [tilespmem:s0+$0xFC30]  }
0x394: {  	v53 =	vld [tilespmem:s0+$0xBC40]  }
0x395: {  	[tilespmem:$0x1FDE0] =	vst v1;
	v1 =	vld [tilespmem:s10+$0xE800]  }
0x396: {  	v35 =	vld [tilespmem:s0+$0xFC40]  }
0x397: {  	v51 =	vld [tilespmem:s0+$0xBC50]  }
0x398: {  	v52 =	vld [tilespmem:s0+$0xFC50]  }
0x399: {  	v49 =	vld [tilespmem:s0+$0xBC60];
	s11 =	sor.u32 $0x1C30, s2  }
0x39a: {  	[tilespmem:$0x1FDF0] =	vst v1;
	v1 =	vld [tilespmem:s11+$0xA800]  }
0x39b: {  	v50 =	vld [tilespmem:s0+$0xFC60]  }
0x39c: {  	v47 =	vld [tilespmem:s0+$0xBC70]  }
0x39d: {  	v48 =	vld [tilespmem:s0+$0xFC70]  }
0x39e: {  	v45 =	vld [tilespmem:s0+$0xC000]  }
0x39f: {  	[tilespmem:$0x1FE00] =	vst v1;
	v1 =	vld [tilespmem:s11+$0xE800]  }
0x3a0: {  	v46 =	vld [tilespmem:s0+$0x10000]  }
0x3a1: {  	v42 =	vld [tilespmem:s0+$0xC010]  }
0x3a2: {  	v44 =	vld [tilespmem:s0+$0x10010]  }
0x3a3: {  	v39 =	vld [tilespmem:s0+$0xC020];
	s12 =	sor.u32 $0x1C40, s2  }
0x3a4: {  	[tilespmem:$0x1FE10] =	vst v1;
	v1 =	vld [tilespmem:s12+$0xA800]  }
0x3a5: {  	v41 =	vld [tilespmem:s0+$0x10020]  }
0x3a6: {  	v37 =	vld [tilespmem:s0+$0xC030]  }
0x3a7: {  	v38 =	vld [tilespmem:s0+$0x10030]  }
0x3a8: {  	v36 =	vld [tilespmem:s0+$0x10040]  }
0x3a9: {  	[tilespmem:$0x1FE20] =	vst v1;
	v1 =	vld [tilespmem:s12+$0xE800]  }
0x3aa: {  	v40 =	vld [tilespmem:s0+$0xC070]  }
0x3ab: {  	v43 =	vld [tilespmem:s0+$0x10070]  }
0x3ac: {  	v16 =	vld [tilespmem:s0+$0xA800]  }
0x3ad: {  	v3 =	vld [tilespmem:s0+$0xE800];
	s24 =	sor.u32 $0x1C50, s2  }
0x3ae: {  	[tilespmem:$0x1FE30] =	vst v1;
	v1 =	vld [tilespmem:s24+$0xA800]  }
0x3af: {  	v2 =	vld [tilespmem:s0+$0xA810]  }
0x3b0: {  	v18 =	vld [tilespmem:s0+$0xA820]  }
0x3b1: {  	v17 =	vld [tilespmem:s0+$0xE820]  }
0x3b2: {  	v20 =	vld [tilespmem:s0+$0xA830]  }
0x3b3: {  	[tilespmem:$0x1FE40] =	vst v1;
	v1 =	vld [tilespmem:s24+$0xE800]  }
0x3b4: {  	v19 =	vld [tilespmem:s0+$0xE830]  }
0x3b5: {  	v21 =	vmul.f32 v21, v22;
	v22 =	vld [tilespmem:s0+$0xE840]  }
0x3b6: {  	v55 =	vmul.f32 v55, v54;
	v54 =	vmul.f32 v58, v57;
	v57 =	vld [tilespmem:s0+$0xE870]  }
0x3b7: {  	s31 =	sor.u32 $0x1C60, s2;
	v58 =	vld [tilespmem:s0+$0xAC00]  }
0x3b8: {  	[tilespmem:$0x1FE50] =	vst v1;
	v1 =	vld [tilespmem:s31+$0xA800]  }
0x3b9: {  	v3 =	vmul.f32 v3, v16;
	v56 =	vmul.f32 v56, v23;
	v16 =	vadd.f32 v21, v55;
	v21 =	vld [tilespmem:s0+$0xE850]  }
0x3ba: {  	v55 =	vld [tilespmem:s0+$0xE860]  }
0x3bb: {  	v16 =	vadd.f32 v56, v16;
	v56 =	vmul.f32 v60, v59;
	v60 =	vld [tilespmem:s0+$0xEC00]  }
0x3bc: {  	v59 =	vmul.f32 v62, v61;
	v61 =	vld [tilespmem:s0+$0xAC10]  }
0x3bd: {  	[tilespmem:$0x1FE60] =	vst v1;
	v1 =	vld [tilespmem:s31+$0xE800]  }
0x3be: {  	v62 =	vmul.f32 v24, v63;
	v63 =	vld [tilespmem:s0+$0xEC10]  }
0x3bf: {  	v24 =	vmul.f32 v25, v26;
	v25 =	vld [tilespmem:s0+$0xEC20]  }
0x3c0: {  	v26 =	vld [tilespmem:s0+$0xAC30]  }
0x3c1: {  	s2 =	sor.u32 $0x1C70, s2;
	v16 =	vadd.f32 v54, v16;
	v54 =	vmul.f32 v27, v28;
	v27 =	vld [tilespmem:s0+$0xF000]  }
0x3c2: {  	[tilespmem:$0x1FE70] =	vst v1;
	v1 =	vld [tilespmem:s2+$0xA800]  }
0x3c3: {  	v28 =	vld [tilespmem:s0+$0xB010]  }
0x3c4: {  	v16 =	vadd.f32 v56, v16;
	v56 =	vmul.f32 v29, v30;
	v30 =	vld [tilespmem:s0+$0xF010]  }
0x3c5: {  	v29 =	vmul.f32 v50, v49;
	v50 =	vld [tilespmem:s0+$0xF060]  }
0x3c6: {  	v49 =	vmul.f32 v38, v37;
	v37 =	vld [tilespmem:s0+$0xB470]  }
0x3c7: {  	v16 =	vadd.f32 v59, v16;
	[tilespmem:$0x1FE80] =	vst v1;
	v1 =	vld [tilespmem:s0+$0xE810]  }
0x3c8: {  	v59 =	vmul.f32 v31, v32;
	v32 =	vld [tilespmem:s0+$0xF020]  }
0x3c9: {  	v31 =	vmul.f32 v48, v47;
	v48 =	vld [tilespmem:s0+$0xF050];
	v16 =	vadd.f32 v62, v16  }
0x3ca: {  	v62 =	vld [tilespmem:s0+$0xEC60]  }
0x3cb: {  	v16 =	vadd.f32 v24, v16;
	v24 =	vmul.f32 v35, v53;
	v35 =	vld [tilespmem:s0+$0xF030]  }
0x3cc: {  	v53 =	vld [tilespmem:s0+$0xF070];
	v1 =	vmul.f32 v1, v2  }
0x3cd: {  	v2 =	vld [tilespmem:s0+$0xA840]  }
0x3ce: {  	v16 =	vadd.f32 v54, v16;
	v54 =	vld [tilespmem:$0x1FD60];
	v1 =	vadd.f32 v1, v3;
	v3 =	vmul.f32 v17, v18  }
0x3cf: {  	v17 =	vld [tilespmem:s0+$0xA850]  }
0x3d0: {  	v16 =	vadd.f32 v56, v16;
	v56 =	vld [tilespmem:s0+$0xF400];
	v1 =	vadd.f32 v3, v1;
	v3 =	vmul.f32 v19, v20  }
0x3d1: {  	v19 =	vld [tilespmem:s0+$0xA860]  }
0x3d2: {  	v16 =	vadd.f32 v59, v16;
	v59 =	vld [tilespmem:$0x1FD90];
	v2 =	vmul.f32 v22, v2;
	v1 =	vadd.f32 v3, v1  }
0x3d3: {  	v38 =	vld [tilespmem:$0x1FE20]  }
0x3d4: {  	v3 =	vld [tilespmem:s0+$0xA870];
	v1 =	vadd.f32 v2, v1;
	v2 =	vmul.f32 v21, v17  }
0x3d5: {  	v47 =	vmul.f32 v41, v39;
	v39 =	vld [tilespmem:$0x1FE30]  }
0x3d6: {  	v1 =	vadd.f32 v2, v1;
	v2 =	vmul.f32 v55, v19;
	v55 =	vld [tilespmem:s0+$0xEC30]  }
0x3d7: {  	v19 =	vmul.f32 v63, v61;
	v63 =	vld [tilespmem:s0+$0xAC70]  }
0x3d8: {  	v61 =	vmul.f32 v33, v34;
	v33 =	vld [tilespmem:s0+$0xB030]  }
0x3d9: {  	v34 =	vmul.f32 v46, v45;
	v45 =	vld [tilespmem:s0+$0xF040];
	v1 =	vadd.f32 v2, v1;
	v2 =	vmul.f32 v57, v3  }
0x3da: {  	v3 =	vld [tilespmem:s0+$0xAC20]  }
0x3db: {  	v46 =	vld [tilespmem:s0+$0xB050];
	v1 =	vadd.f32 v2, v1;
	v2 =	vmul.f32 v60, v58  }
0x3dc: {  	v57 =	vld [tilespmem:s0+$0xEC40]  }
0x3dd: {  	v16 =	vadd.f32 v61, v16;
	v61 =	vmul.f32 v43, v40;
	v40 =	vld [tilespmem:s0+$0xF470];
	v1 =	vadd.f32 v2, v1  }
0x3de: {  	v2 =	vld [tilespmem:s0+$0xAC40]  }
0x3df: {  	v58 =	vld [tilespmem:s0+$0xAC50];
	v3 =	vmul.f32 v25, v3;
	v1 =	vadd.f32 v19, v1  }
0x3e0: {  	v60 =	vld [tilespmem:s0+$0xEC50]  }
0x3e1: {  	v43 =	vld [tilespmem:$0x1FE40];
	v17 =	vmul.f32 v55, v26;
	v1 =	vadd.f32 v3, v1  }
0x3e2: {  	v3 =	vld [tilespmem:s0+$0xAC60]  }
0x3e3: {  	v16 =	vadd.f32 v24, v16;
	v24 =	vld [tilespmem:$0x1FDA0];
	v2 =	vmul.f32 v57, v2;
	v1 =	vadd.f32 v17, v1  }
0x3e4: {  	v25 =	vld [tilespmem:s0+$0xEC70]  }
0x3e5: {  	v26 =	vmul.f32 v52, v51;
	v51 =	vld [tilespmem:s0+$0xB070];
	v19 =	vmul.f32 v60, v58;
	v1 =	vadd.f32 v2, v1  }
0x3e6: {  	v2 =	vld [tilespmem:s0+$0xB000]  }
0x3e7: {  	v52 =	vld [tilespmem:$0x1FD50];
	v3 =	vmul.f32 v62, v3;
	v1 =	vadd.f32 v19, v1  }
0x3e8: {  	v55 =	vld [tilespmem:$0x1FD70];
	v16 =	vadd.f32 v26, v16  }
0x3e9: {  	v26 =	vld [tilespmem:s0+$0xF430];
	v17 =	vmul.f32 v25, v63;
	v1 =	vadd.f32 v3, v1  }
0x3ea: {  	v16 =	vadd.f32 v29, v16;
	v3 =	vld [tilespmem:s0+$0xB020]  }
0x3eb: {  	v58 =	vld [tilespmem:$0x1FD80];
	v2 =	vmul.f32 v27, v2;
	v1 =	vadd.f32 v17, v1  }
0x3ec: {  	v60 =	vld [tilespmem:s0+$0xF410];
	v16 =	vadd.f32 v31, v16  }
0x3ed: {  	v29 =	vld [tilespmem:s0+$0xF440];
	v19 =	vmul.f32 v30, v28;
	v1 =	vadd.f32 v2, v1  }
0x3ee: {  	v44 =	vmul.f32 v44, v42;
	v16 =	vadd.f32 v34, v16;
	v2 =	vld [tilespmem:s0+$0xB040]  }
0x3ef: {  	v18 =	vmul.f32 v36, v52;
	v36 =	vld [tilespmem:s0+$0xF460];
	v3 =	vmul.f32 v32, v3;
	v1 =	vadd.f32 v19, v1  }
0x3f0: {  	v57 =	vld [tilespmem:s0+$0xB410];
	v16 =	vadd.f32 v44, v16  }
0x3f1: {  	v31 =	vld [tilespmem:$0x1FDE0];
	v17 =	vmul.f32 v35, v33;
	v1 =	vadd.f32 v3, v1  }
0x3f2: {  	v16 =	vadd.f32 v47, v16;
	v3 =	vld [tilespmem:s0+$0xB060]  }
0x3f3: {  	v63 =	vld [tilespmem:s0+$0xB430];
	v2 =	vmul.f32 v45, v2;
	v1 =	vadd.f32 v17, v1  }
0x3f4: {  	v25 =	vld [tilespmem:$0x1FDB0];
	v16 =	vadd.f32 v49, v16  }
0x3f5: {  	v34 =	vld [tilespmem:$0x1FE00];
	v19 =	vmul.f32 v48, v46;
	v1 =	vadd.f32 v2, v1  }
0x3f6: {  	v16 =	vadd.f32 v18, v16;
	v18 =	vmul.f32 v55, v54;
	v2 =	vld [tilespmem:s0+$0xB400]  }
0x3f7: {  	v62 =	vld [tilespmem:s0+$0xF420];
	v3 =	vmul.f32 v50, v3;
	v1 =	vadd.f32 v19, v1  }
0x3f8: {  	v28 =	vld [tilespmem:$0x1FDD0];
	v16 =	vadd.f32 v18, v16;
	v18 =	vmul.f32 v59, v58  }
0x3f9: {  	v27 =	vld [tilespmem:$0x1FDC0];
	v17 =	vmul.f32 v53, v51;
	v1 =	vadd.f32 v3, v1  }
0x3fa: {  	v16 =	vadd.f32 v18, v16;
	v3 =	vld [tilespmem:s0+$0xB420]  }
0x3fb: {  	v32 =	vld [tilespmem:$0x1FDF0];
	v2 =	vmul.f32 v56, v2;
	v1 =	vadd.f32 v17, v1  }
0x3fc: {  	v44 =	vld [tilespmem:$0x1FE50];
	v18 =	vmul.f32 v25, v24;
	v16 =	vadd.f32 v61, v16  }
0x3fd: {  	v35 =	vld [tilespmem:$0x1FE10];
	v19 =	vmul.f32 v60, v57;
	v1 =	vadd.f32 v2, v1  }
0x3fe: {  	v16 =	vadd.f32 v18, v16;
	v18 =	vmul.f32 v28, v27;
	v2 =	vld [tilespmem:s0+$0xB440]  }
0x3ff: {  	v30 =	vld [tilespmem:s0+$0xB450];
	v3 =	vmul.f32 v62, v3;
	v1 =	vadd.f32 v19, v1  }
0x400: {  	v33 =	vld [tilespmem:s0+$0xF450];
	v16 =	vadd.f32 v18, v16;
	v18 =	vmul.f32 v32, v31  }
0x401: {  	v47 =	vld [tilespmem:$0x1FE70];
	v17 =	vmul.f32 v26, v63;
	v1 =	vadd.f32 v3, v1  }
0x402: {  	v16 =	vadd.f32 v18, v16;
	v18 =	vmul.f32 v35, v34;
	v3 =	vld [tilespmem:s0+$0xB460]  }
0x403: {  	v46 =	vld [tilespmem:$0x1FE60];
	v2 =	vmul.f32 v29, v2;
	v1 =	vadd.f32 v17, v1  }
0x404: {  	v50 =	vld [tilespmem:$0x1FE80];
	v16 =	vadd.f32 v18, v16;
	v18 =	vmul.f32 v39, v38  }
0x405: {  	v10 =	vmul.f32 v11, v10;
	v41 =	vmul.f32 v33, v30;
	v1 =	vadd.f32 v2, v1;
	v2 =	vld [tilespmem:s2+$0xE800]  }
0x406: {  	v14 =	vadd.f32 v14, v15;
	v42 =	vadd.f32 v18, v16;
	v16 =	vmul.f32 v44, v43  }
0x407: {  	v12 =	vmul.f32 v13, v12;
	v3 =	vmul.f32 v36, v3;
	v1 =	vadd.f32 v41, v1  }
0x408: {  	v10 =	vadd.f32 v10, v14;
	v13 =	vmul.f32 v47, v46;
	v45 =	vadd.f32 v16, v42  }
0x409: {  	v48 =	vmul.f32 v40, v37;
	v1 =	vadd.f32 v3, v1  }
0x40a: {  	v49 =	vadd.f32 v13, v45;
	v3 =	vadd.f32 v12, v10;
	v2 =	vmul.f32 v2, v50  }
0x40b: {  	v1 =	vadd.f32 v48, v1  }
0x40c: {  	v51 =	vperm.xlane v3, v4;
	v2 =	vadd.f32 v2, v49  }
0x40d: {  	v52 =	vperm.xlane v1, v4  }
0x40e: {  	v3 =	vadd.f32 v51, v3;
	v53 =	vperm.xlane v2, v4  }
0x40f: {  	v1 =	vadd.f32 v52, v1  }
0x410: {  	v54 =	vperm.xlane v3, v5;
	v2 =	vadd.f32 v53, v2  }
0x411: {  	v55 =	vperm.xlane v1, v5  }
0x412: {  	v3 =	vadd.f32 v54, v3;
	v56 =	vperm.xlane v2, v5  }
0x413: {  	v1 =	vadd.f32 v55, v1  }
0x414: {  	v57 =	vperm.xlane v3, v6;
	v2 =	vadd.f32 v56, v2  }
0x415: {  	v58 =	vperm.xlane v1, v6  }
0x416: {  	v3 =	vadd.f32 v57, v3;
	v59 =	vperm.xlane v2, v6  }
0x417: {  	v1 =	vadd.f32 v58, v1  }
0x418: {  	v60 =	vperm.xlane v3, v7;
	v2 =	vadd.f32 v59, v2  }
0x419: {  	v61 =	vperm.xlane v1, v7  }
0x41a: {  	s22 =	sadd.s32 $0x1, s22;
	v3 =	vadd.f32 v60, v3;
	v62 =	vperm.xlane v2, v7  }
0x41b: {  	p0 =	sne.s32 s22, $0x9D;
	v63 =	vmov s1;
	v1 =	vadd.f32 v61, v1  }
.Ltmp2:
0x41c: {  	v3 =	vsel vm1, v3, v8;
	vm1 =	veq.s32 v63, v0;
	v2 =	vadd.f32 v62, v2;
	(pc) =	sbr.rel @p0 .LBB2_2-.Ltmp2, $4  }
0x41d: {  	v1 =	vsel vm1, v1, v3  }
0x41e: {  	v2 =	vsel vm1, v2, v9;
	v1 =	vmax.f32 v1, $0.0e+00  }
0x41f: {  	[tilespmem:s23+$0x12800] =	vst v1;
	v1 =	vmax.f32 v2, $0.0e+00  }
0x420: {  	[tilespmem:s23+$0x13C00] =	vst v1  }
0x421: {  	_ =	swait.ge [sflag:s5], $0x4000  }
0x422: {  	[sflag:s5] =	ssyncset.done $0x0  }
0x423: {  	[sflag:s5] =	ssyncadd.s32 $0xFFFFC000  }
0x424: {  	_ =	swait.ge [sflag:s5], $0x4000  }
0x425: {  	s10 =	simm.s32 $0x0;
	s1 =	simm.s32 $0x12800;
	[sflag:s5] =	ssyncset.done $0x0  }
0x426: {  	s2 =	simm.s32 $0x3;
	s0 =	rddreg [dreg:$0x6];
	[sflag:s5] =	ssyncadd.s32 $0xFFFFC000  }
0x427: {  	[hbm4b:s0+s10] =	stream.linear.scatter [tilespmem:s1], [sflag:$0x3], $0x13A0, $0x38;
	[tilespmem:$0x15000] =	vst v63  }
0x428: {  	_ =	swait.ge [sflag:s2], $0x13A0  }
0x429: {  	[sflag:s2] =	ssyncset.done $0x0  }
0x42a: {  	s23 =	simm.s32 $0x13C00;
	s22 =	rddreg [dreg:$0x7];
	[sflag:s2] =	ssyncadd.s32 $0xFFFFEC60  }
0x42b: {  	[hbm4b:s22+s10] =	stream.linear.scatter [tilespmem:s23], [sflag:$0x3], $0x13A0, $0x38;
	[tilespmem:$0x15000] =	vst v63  }
0x42c: {  	_ =	swait.ge [sflag:s2], $0x13A0  }
0x42d: {  	s24 =	rddreg [dreg:$0x9]  }
0x42e: {  	s31 =	rddreg [dreg:$0x8];
	s1 =	sadd.s32 $0x1, s24  }
0x42f: {  	p0 =	sne.s32 s1, s31  }
.Ltmp3:
0x430: {  	_ = 	snop;
	(pc) =	sbr.rel @p0 .LBB2_1-.Ltmp3, $3  }
0x431: {  	_ =	sdelay $0x1  }
0x432: {  	[sflag:s2] =	ssyncset.done $0x0  }
0x433: {  	[sflag:s2] =	ssyncadd.s32 $0xFFFFEC60  }
0x434: {  	_ =	sfence.sel $0x180000  }
0x435: {  	[bflag:$0x0] =	sbarrier.arrive $0xFFFF  }
0x436: {  	_ =	strace $0x90000050  }
0x437: {  	s0 =	stileid.u32;
	[bflag:$0x2] =	sbarrier.arrive $0xFFFF  }
0x438: {  	p0 =	sne.s32 s0, $0x0;
	s0 =	rddreg [dreg:$0x3]  }
0x439: {  	s0 =	sadd.s32 @!p0 $0x100000, s0  }
0x43a: {  	[sflag:s0] =	ssyncadd.tile.s32 @!p0 $0x1;
	_ =	shalt  }
.Lfunc_end2:
_tile_overlayer_lowered:
.L_overlay_start_2:
0x43b: {  	(tag) =	ssettag $0x2  }
0x43c: {  	s0 =	rddreg [dreg:$0x0];
	s2 =	stileid.u32  }
0x43d: {  	s1 =	rddreg [dreg:$0x1];
	p0 =	sne.s32 s2, $0x0  }
0x43e: {  	s3 =	rddreg [dreg:$0x2];
	[bflag:$0x3] =	sbarrier.arrive $0xFFFF;
	s2 =	simm.s32 @!p0 $0x1C03  }
0x43f: {  	[timem:s3], [sflag:s2] =	dma.local @!p0 [hbm:s0], s1  }
0x440: {  	s0 =	simm.s32 @!p0 $0x3  }
0x441: {  	_ =	swait.ge @!p0 [sflag:s0], s1  }
0x442: {  	s1 =	ssub.s32 @!p0 $0x0, s1;
	[sflag:s0] =	ssyncset.done @!p0 $0x0  }
0x443: {  	[sflag:s0] =	ssyncadd.s32 @!p0 s1  }
0x444: {  	[bflag:$0x3] =	sbarrier.arrive $0xFFFF  }
0x445: {  	_ =	shalt  }

// kernel: scatter_offload_async_start.1
scs
__scs_entry_jumppad:
0x0: {  	(pc) =	sbr.rel $0x88, $3  }
0x1: {  	(tag) =	ssettag $0x0;
	lr =	simm.s32 $0x1  }
0x2: {  	[smem:$0x3F93] =	sst lr;
	_ =	strace $0xD0000000  }
0x3: {  	_ = 	snop  }
0x4: {  	_ = 	snop  }
0x5: {  	_ = 	snop  }
0x6: {  	_ = 	snop  }
0x7: {  	_ = 	snop  }
__scs_overlays_trampoline_lowered:
0x8: {  	[smem:$0x3FA2] =	sst s0  }
0x9: {  	[smem:$0x3FA3] =	sst s1  }
0xa: {  	[smem:$0x3FA4] =	sst s2  }
0xb: {  	[smem:$0x3FA5] =	sst s3  }
0xc: {  	[smem:$0x3FA6] =	sst s4  }
0xd: {  	[smem:$0x3FA7] =	sst s5  }
0xe: {  	[smem:$0x3FA8] =	sst s6  }
0xf: {  	[smem:$0x3FA9] =	sst s7  }
0x10: {  	[smem:$0x3FAA] =	sst s8  }
0x11: {  	[smem:$0x3FAB] =	sst s9;
	s0 =	simm.s32 @!p0 $0x0  }
0x12: {  	s1 =	sld [smem:$0x3F91];
	s0 =	simm.s32 @p0 $0x1  }
0x13: {  	[smem:$0x3FAC] =	sst s0;
	s0 =	simm.s32 @!p1 $0x0  }
0x14: {  	s2 =	sld [smem:$0x3F90];
	s0 =	simm.s32 @p1 $0x1  }
0x15: {  	[smem:$0x3FAD] =	sst s0;
	s0 =	simm.s32 @!p2 $0x0  }
0x16: {  	s3 =	sld [smem:$0x3FDB];
	s0 =	simm.s32 @p2 $0x1  }
0x17: {  	s4 =	simm.s32 $0x1BF5;
	[smem:$0x3FAF] =	sst s0  }
0x18: {  	s0 =	sld [smem:$0x3F92];
	_ =	swait.ge [sflag:s4], $0x0  }
0x19: {  	s7 =	sld [smem:$0x3F93]  }
0x1a: {  	s8 =	sadd.s32 $0xFFFFE003, lr  }
0x1b: {  	s9 =	sadd.s32 $0xFFFFFEF7, lr;
	s5 =	simm.s32 $0xFFFFFFFF;
	p2 =	slt.u32 s8, $0xFFFFF086  }
0x1c: {  	p1 =	slt.u32 s9, $0xF7A;
	s5 =	simm.s32 @!p2 $0x0  }
0x1d: {  	s5 =	simm.s32 @p1 $0x1;
	p0 =	seq.s32 s7, s2  }
0x1e: {  	s7 =	smul.u32 @!p0 $0xF7A, s2;
	p2 =	seq.s32 @!p0 s5, $0x0  }
0x1f: {  	s9 =	smul.u32 $0xF7A, s1;
	s8 =	simm.s32 @!p0 $0x1BF5;
	p2 =	por !p2, p0  }
0x20: {  	[sflag:s8] =	ssyncset.s32 @!p0 $0xFFFFF086;
	s6 =	sadd.s32 @!p0 s3, s7;
	s7 =	simm.s32 @!p0 $0x108  }
0x21: {  	s3 =	sadd.s32 s3, s9;
	s6 =	sadd.s32 @!p0 $0x88, s6;
	s7 =	simm.s32 @p2 $0x1082  }
0x22: {  	[simem:s7], [sflag:s8] =	dma.local @!p0 [hbm:s6], $0xF7A  }
0x23: {  	s9 =	sor.u32 $0xD0000000, s2;
	s6 =	simm.s32 $0x108;
	_ =	swait.ge @!p0 [sflag:s8], $0x0  }
0x24: {  	s3 =	sadd.s32 $0x88, s3;
	s6 =	simm.s32 @!p1 $0x1082;
	[sflag:s4] =	ssyncset.s32 $0xFFFFF086  }
0x25: {  	[simem:s6], [sflag:s4] =	dma.local [hbm:s3], $0xF7A  }
0x26: {  	[smem:$0x3F93] =	sst s1;
	(tag) =	ssettag s2;
	_ =	strace s9  }
0x27: {  	s1 =	sld [smem:$0x3FA3]  }
0x28: {  	s2 =	sld [smem:$0x3FA4]  }
0x29: {  	s4 =	sld [smem:$0x3FA6]  }
0x2a: {  	p0 =	seq.s32 s5, $0x0;
	s5 =	sld [smem:$0x3FA7]  }
0x2b: {  	s6 =	sld [smem:$0x3FA8]  }
0x2c: {  	s7 =	sld [smem:$0x3FA9]  }
0x2d: {  	s3 =	simm.s32 $0x108;
	s8 =	sld [smem:$0x3FAA]  }
0x2e: {  	s3 =	simm.s32 @!p0 $0x1082;
	s9 =	sld [smem:$0x3FAB]  }
0x2f: {  	lr =	sadd.s32 s0, s3;
	s0 =	sld [smem:$0x3FA2]  }
0x30: {  	s3 =	sld [smem:$0x3FA5]  }
0x31: {  	[smem:$0x3FAE] =	sst s10  }
0x32: {  	s10 =	sld [smem:$0x3FAC];
	_ =	sdelay $0x3  }
0x33: {  	p0 =	seq.s32 s10, $0x1;
	s10 =	sld [smem:$0x3FAE];
	_ =	sdelay $0x3  }
0x34: {  	[smem:$0x3FAE] =	sst s10  }
0x35: {  	s10 =	sld [smem:$0x3FAD];
	_ =	sdelay $0x3  }
0x36: {  	p1 =	seq.s32 s10, $0x1;
	s10 =	sld [smem:$0x3FAE];
	_ =	sdelay $0x3  }
0x37: {  	[smem:$0x3FAE] =	sst s10  }
0x38: {  	s10 =	sld [smem:$0x3FAF]  }
0x39: {  	_ = 	snop;
	(pc) =	sbr.ind lr, $3  }
0x3a: {  	_ = 	snop  }
0x3b: {  	_ = 	snop  }
0x3c: {  	p2 =	seq.s32 s10, $0x1;
	s10 =	sld [smem:$0x3FAE]  }
0x3d: {  	_ =	shalt  }
0x3e: {  	_ =	shalt  }
0x3f: {  	_ =	shalt  }
0x40: {  	_ =	shalt  }
0x41: {  	_ =	shalt  }
0x42: {  	_ =	shalt  }
0x43: {  	_ =	shalt  }
0x44: {  	_ =	shalt  }
0x45: {  	_ =	shalt  }
0x46: {  	_ =	shalt  }
0x47: {  	_ =	shalt  }
0x48: {  	_ =	shalt  }
0x49: {  	_ =	shalt  }
0x4a: {  	_ =	shalt  }
0x4b: {  	_ =	shalt  }
0x4c: {  	_ =	shalt  }
0x4d: {  	_ =	shalt  }
0x4e: {  	_ =	shalt  }
0x4f: {  	_ =	shalt  }
0x50: {  	_ =	shalt  }
0x51: {  	_ =	shalt  }
0x52: {  	_ =	shalt  }
0x53: {  	_ =	shalt  }
0x54: {  	_ =	shalt  }
0x55: {  	_ =	shalt  }
0x56: {  	_ =	shalt  }
0x57: {  	_ =	shalt  }
0x58: {  	_ =	shalt  }
0x59: {  	_ =	shalt  }
0x5a: {  	_ =	shalt  }
0x5b: {  	_ =	shalt  }
0x5c: {  	_ =	shalt  }
0x5d: {  	_ =	shalt  }
0x5e: {  	_ =	shalt  }
0x5f: {  	_ =	shalt  }
0x60: {  	_ =	shalt  }
0x61: {  	_ =	shalt  }
0x62: {  	_ =	shalt  }
0x63: {  	_ =	shalt  }
0x64: {  	_ =	shalt  }
0x65: {  	_ =	shalt  }
0x66: {  	_ =	shalt  }
0x67: {  	_ =	shalt  }
0x68: {  	_ =	shalt  }
0x69: {  	_ =	shalt  }
0x6a: {  	_ =	shalt  }
0x6b: {  	_ =	shalt  }
0x6c: {  	_ =	shalt  }
0x6d: {  	_ =	shalt  }
0x6e: {  	_ =	shalt  }
0x6f: {  	_ =	shalt  }
0x70: {  	_ =	shalt  }
0x71: {  	_ =	shalt  }
0x72: {  	_ =	shalt  }
0x73: {  	_ =	shalt  }
0x74: {  	_ =	shalt  }
0x75: {  	_ =	shalt  }
0x76: {  	_ =	shalt  }
0x77: {  	_ =	shalt  }
0x78: {  	_ =	shalt  }
0x79: {  	_ =	shalt  }
0x7a: {  	_ =	shalt  }
0x7b: {  	_ =	shalt  }
0x7c: {  	_ =	shalt  }
0x7d: {  	_ =	shalt  }
0x7e: {  	_ =	shalt  }
0x7f: {  	_ =	shalt  }
0x80: {  	_ =	shalt  }
0x81: {  	_ =	shalt  }
0x82: {  	_ =	shalt  }
0x83: {  	_ =	shalt  }
0x84: {  	_ =	shalt  }
0x85: {  	_ =	shalt  }
0x86: {  	_ =	shalt  }
0x87: {  	_ =	shalt  }
.Lfunc_end0:
.L_simem_size_0:
called_computation.1_lowered:
.L_overlay_start_0:
0x88: {  	s2 =	sld [smem:$0x3FD9]  }
0x89: {  	s3 =	sld [smem:$0x3FFE];
	_ =	sdelay $0x1  }
0x8a: {  	s1 =	srdreg.scid  }
0x8b: {  	s0 =	sand.u32 $0x1, s1  }
0x8c: {  	s13 =	sshll.u32 s0, $0xA;
	s2 =	sadd.s32 s3, s2  }
0x8d: {  	s2 =	sadd.s32 s2, s13  }
0x8e: {  	[smem:$0x3FBA] =	sst s2  }
0x8f: {  	_ = 	snop  }
0x90: {  	s2 =	sld [smem:$0x3FD0];
	_ =	sdelay $0x2  }
0x91: {  	s14 =	simm.s32 $0xA;
	s4 =	simm.s32 $0x10  }
0x92: {  	[smem:s4], [sflag:s14] =	dma.local [hbm:s2], $0x1  }
0x93: {  	_ =	swait.eq [sflag:s14], $0x1  }
0x94: {  	s15 =	sld [smem:$0x13];
	[sflag:s14] =	ssyncset.done $0x0  }
0x95: {  	s16 =	sld [smem:$0x14];
	[sflag:s14] =	ssyncadd.s32 $0xFFFFFFFF  }
0x96: {  	s17 =	sld [smem:$0x15];
	(tm) =	ssettm $0x1  }
0x97: {  	s5 =	sld [smem:$0x3FFB];
	_ =	sdelay $0x3  }
0x98: {  	_ =	strace s5  }
0x99: {  	s5 =	sld [smem:$0x3FFC];
	_ =	sdelay $0x3  }
0x9a: {  	_ =	strace s5  }
0x9b: {  	s5 =	sld [smem:$0x3FFD];
	_ =	sdelay $0x3  }
0x9c: {  	_ =	strace s5  }
0x9d: {  	_ =	strace $0x8FFFFFFF  }
0x9e: {  	s18 =	sld [smem:$0x3FDB];
	_ =	sdelay $0x1  }
0x9f: {  	s6 =	simm.s32 $_scs_section_size  }
0xa0: {  	s7 =	simm.s32 $_size__tile_overlayer_lowered;
	s8 =	simm.s32 $_tile_overlayer_lowered  }
0xa1: {  	s21 =	simm.s32 $0x1BFF;
	s20 =	sshll.u32 s8, $0x1;
	s5 =	sadd.s32 s6, s18  }
0xa2: {  	s9 =	simm.s32 $0x0;
	s19 =	sshll.u32 s7, $0x1;
	s7 =	sadd.s32 s20, s5  }
0xa3: {  	[timem:s9], [sflag:s21] =	dma.local [hbm:s7], s19  }
0xa4: {  	_ =	swait.ge [sflag:s21], s19  }
0xa5: {  	s6 =	ssub.s32 $0x0, s19;
	[sflag:s21] =	ssyncset.done $0x0  }
0xa6: {  	[sflag:s21] =	ssyncadd.s32 s6;
	_ =	sdelay $0x1  }
0xa7: {  	s22 =	simm.s32 $0x1B8B  }
0xa8: {  	_ =	swait.ge [sflag:s22], $0x1  }
0xa9: {  	[sflag:s22] =	ssyncset.done $0x0  }
0xaa: {  	s23 =	sld [smem:$0x3FFE];
	[sflag:s22] =	ssyncadd.s32 $0xFFFFFFFF  }
0xab: {  	s25 =	simm.s32 $0x1B8E;
	s24 =	sld [smem:$0x0]  }
0xac: {  	s26 =	simm.s32 $execute0_lowered;
	[smem:$0x3FD2] =	sst s25  }
0xad: {  	s8 =	sshll.u32 s26, $0x1;
	_ =	strace $0x80000049;
	[dreg:$0x1] =	wrdreg $0xFFFFFFFF  }
0xae: {  	s28 =	simm.s32 $_size_execute0_lowered;
	s5 =	sadd.s32 s5, s8;
	[dreg:$0x0] =	wrdreg $0x0  }
0xaf: {  	s8 =	sshll.u32 s28, $0x1;
	[dreg:$0x2] =	wrdreg s5  }
0xb0: {  	[dreg:$0x3] =	wrdreg s8  }
0xb1: {  	[dreg:$0x4] =	wrdreg $0xC0  }
0xb2: {  	_ =	task [dreg:s9], $0x5FFFF  }
0xb3: {  	[dreg:$0x1] =	wrdreg $0xFFFFFFFF  }
0xb4: {  	[dreg:$0x0] =	wrdreg $0x60  }
0xb5: {  	[dreg:$0x2] =	wrdreg s17  }
0xb6: {  	[dreg:$0x3] =	wrdreg s16  }
0xb7: {  	[dreg:$0x4] =	wrdreg s23  }
0xb8: {  	[dreg:$0x5] =	wrdreg s15  }
0xb9: {  	[dreg:$0x6] =	wrdreg s1  }
0xba: {  	[dreg:$0x7] =	wrdreg s24  }
0xbb: {  	[dreg:$0x8] =	wrdreg $0x9  }
0xbc: {  	_ =	task.clear_ibuf [dreg:s9], $0x9FFFF;
	_ =	strace $0x90000049  }
0xbd: {  	s29 =	simm.s32 $0x9;
	_ =	strace $0x8000004B  }
0xbe: {  	_ =	swait.ge [sflag:s29], $0x1  }
0xbf: {  	[sflag:s29] =	ssyncadd.s32 $0xFFFFFFFF  }
0xc0: {  	_ =	strace $0x9000004B  }
0xc1: {  	_ =	sfence  }
0xc2: {  	s30 =	sld [smem:$0x0];
	_ =	sdelay $0x2  }
0xc3: {  	s31 =	sshll.u32 s1, $0xD;
	s1 =	sshrl.u32 s1, $0x2  }
0xc4: {  	s3 =	sand.u32 $0x4000, s31;
	s1 =	sadd.s32 s1, s30  }
0xc5: {  	s0 =	sor.u32 s3, s0;
	s1 =	sshll.u32 s1, $0x11  }
0xc6: {  	s0 =	sor.u32 s1, s0  }
0xc7: {  	s0 =	sadd.s32 $0x8F2B, s0  }
0xc8: {  	[sflag:s0] =	ssyncadd.remote.s32 $0x1  }
0xc9: {  	_ =	sfence.sel $0xFFFF  }
0xca: {  	[dreg:$0x0] =	wrdreg $0xFFFFFFFF;
	(pc) =	sbr.abs _section_cstart, $3  }
0xcb: {  	[dreg:$0x1] =	wrdreg $0xFFFFFFFF  }
0xcc: {  	_ =	task.clear_ibuf [dreg:s9], $0x2FFFF;
	_ =	strace $0x9FFFFFFF  }
0xcd: {  	(tm) =	ssettm $0x7FFFFFFF  }
tec
execute0_lowered:
.L_overlay_start_1:
0x0: {  	(tag) =	ssettag $0x1  }
0x1: {  	s1 =	rddreg [dreg:$0x0]  }
0x2: {  	s0 =	rddreg [dreg:$0x1]  }
0x3: {  	s2 =	rddreg [dreg:$0x2]  }
0x4: {  	s4 =	rddreg [dreg:$0x3]  }
0x5: {  	s7 =	rddreg [dreg:$0x4];
	_ =	strace $0x8000004A;
	s3 =	simm.s32 $0x1  }
0x6: {  	s5 =	simm.s32 $0x208;
	v0 =	vimm.s32 $0x0;
	[sflag:s3] =	ssyncpa.u1 $0x0  }
0x7: {  	[tilespmem:s5+$0x70] =	vst v0  }
0x8: {  	[tilespmem:s5+$0x60] =	vst v0  }
0x9: {  	[tilespmem:s5+$0x50] =	vst v0  }
0xa: {  	[tilespmem:s5+$0x40] =	vst v0  }
0xb: {  	[tilespmem:s5+$0x30] =	vst v0  }
0xc: {  	[tilespmem:s5+$0x20] =	vst v0  }
0xd: {  	s6 =	sadd.s32 $0x6600, s2;
	s10 =	sand.u32 $0x1, s7;
	s2 =	simm.s32 $0x40;
	[tilespmem:s5+$0x10] =	vst v0  }
.LBB2_1:
0xe: {  	s2 =	sadd.s32 $0x40, s2;
	[tilespmem:s5+$0x0] =	vst v0;
	s5 =	sadd.s32 $0x80, s5  }
0xf: {  	p0 =	slt.u32 s2, $0x3880;
	[tilespmem:s5+$0x70] =	vst v0  }
0x10: {  	[tilespmem:s5+$0x60] =	vst v0  }
.Ltmp0:
0x11: {  	[tilespmem:s5+$0x50] =	vst v0;
	(pc) =	sbr.rel @p0 .LBB2_1-.Ltmp0, $4  }
0x12: {  	[tilespmem:s5+$0x40] =	vst v0  }
0x13: {  	[tilespmem:s5+$0x30] =	vst v0  }
0x14: {  	[tilespmem:s5+$0x20] =	vst v0  }
0x15: {  	[tilespmem:s5+$0x10] =	vst v0  }
0x16: {  	s11 =	stileid.u32  }
0x17: {  	s2 =	smul.u32 $0x2C, s11  }
0x18: {  	s3 =	smin.u32 s11, $0xB  }
0x19: {  	s2 =	sadd.s32 s3, s2  }
0x1a: {  	p0 =	slt.u32 s11, $0xB;
	s20 =	smul.u32 $0x70, s2;
	s2 =	simm.s32 $0x13B0  }
0x1b: {  	s2 =	simm.s32 @!p0 $0x1340  }
0x1c: {  	s2 =	sadd.s32 s2, s20  }
0x1d: {  	s8 =	smin.u32 s2, $0x13880  }
0x1e: {  	s26 =	simm.s32 $0x2;
	s2 =	ssub.s32 s8, s20  }
0x1f: {  	s9 =	simm.s32 $0x9;
	s29 =	simm.s32 $0xA;
	p0 =	sgt.s32 s2, $0x0  }
0x20: {  	s30 =	simm.s32 $0xB;
	s31 =	smul.u32 $0x2710, s10;
	s2 =	simm.s32 @!p0 $0x0  }
0x21: {  	[dreg:$0x7] =	wrdreg s10;
	s12 =	simm.s32 $0x1;
	s25 =	smulhi.u32 $0x92492493, s2  }
0x22: {  	s24 =	simm.s32 $0x0;
	p1 =	por $0x0, $0x0;
	s18 =	simm.s32 $0x80  }
0x23: {  	s19 =	simm.s32 $0x400;
	s17 =	simm.s32 $0xC;
	s3 =	sshrl.u32 s25, $0x6  }
0x24: {  	s21 =	simm.s32 $0x0;
	s23 =	simm.s32 $0x0;
	s28 =	smul.u32 $0x70, s3  }
.Ltmp1:
0x25: {  	[tilespmem:s5+$0x0] =	vst v0;
	v0 =	vimm.s32 $0xFFFFFFFF;
	[sflag:s26] =	ssyncpa.u1 $0x0;
	s16 =	sshll.u32 s11, $0x9;
	(pc) =	sbr.rel .LBB2_3-.Ltmp1, $4  }
0x26: {  	[tilespmem:$0xE408] =	vst v0;
	[sflag:s9] =	ssyncpa.u1 $0x0;
	p0 =	sne.s32 s2, s28;
	s2 =	simm.s32 $0x1  }
0x27: {  	s14 =	sadd.s32 s31, s4;
	[sflag:s29] =	ssyncpa.u1 $0x0;
	s2 =	simm.s32 @!p0 $0x0  }
0x28: {  	s15 =	sadd.s32 s31, s0;
	[sflag:s30] =	ssyncpa.u1 $0x0;
	s13 =	sadd.s32 s2, s3  }
0x29: {  	v0 =	vlaneseq.u32;
	s22 =	smov.u32 s20;
	p0 =	por $0x1, $0x1;
	s11 =	sadd.s32 $0x1, s13  }
.LBB2_24:
0x2a: {  	s2 =	sshrl.u32 s4, $0x2  }
.LBB2_26:
0x2b: {  	_ =	swait.ge [sflag:s17], s2  }
0x2c: {  	s31 =	ssub.s32 $0x0, s2;
	v1 =	vmov s26;
	vm0 =	veq.s32 v0, $0x0;
	[sflag:s17] =	ssyncset.done $0x0  }
0x2d: {  	vm15 =	veq.s32 v0, $0x2;
	v1 =	vsel vm0, s0, v1;
	[sflag:s17] =	ssyncadd.s32 s31  }
0x2e: {  	v1 =	vsel vm15, s24, v1;
	[sflag:s17] =	ssyncpa.u1 $0x1  }
0x2f: {  	[tilespmem:$0xE408] =	vst v1  }
.LBB2_27:
0x30: {  	s0 =	sadd.s32 $0x70, s22  }
0x31: {  	s2 =	smov.u32 s20;
	p2 =	slt.s32 s0, s8  }
0x32: {  	s2 =	smov.u32 @p2 s0;
	p2 =	sne.s32 s23, s11  }
.Ltmp2:
0x33: {  	_ = 	snop;
	(pc) =	sbr.rel @!p2 .LBB2_28-.Ltmp2, $4  }
0x34: {  	_ = 	snop  }
0x35: {  	s24 =	smov.u32 s21  }
0x36: {  	s31 =	sadd.s32 $0x1, s23;
	s21 =	smov.u32 s22;
	p0 =	por !p0, !p0  }
0x37: {  	p1 =	por !p1, !p1;
	s23 =	smov.u32 s31;
	s22 =	smov.u32 s2  }
.LBB2_3:
0x38: {  	p2 =	sge.u32 s23, s13  }
0x39: {  	s0 =	smulhi.u32 @!p2 $0xAAAAAAAB, s23  }
0x3a: {  	s2 =	smov.u32 s22;
	p3 =	sgt.s32 @!p2 s22, $0x13810  }
0x3b: {  	s3 =	sshra.s32 @!p2 s22, $0x1F;
	p3 =	por !p3, p2;
	s0 =	sshrl.u32 @!p2 s0, $0x1  }
0x3c: {  	s3 =	sand.u32 @!p2 s3, s22;
	s2 =	simm.s32 @p3 $0x13810;
	s0 =	smul.u32 @!p2 $0x3, s0  }
0x3d: {  	s2 =	ssub.s32 @!p2 s2, s3  }
0x3e: {  	s2 =	sadd.s32 @!p2 $0xFFFEC7F0, s2;
	s0 =	ssub.s32 @!p2 s23, s0  }
0x3f: {  	s3 =	sshll.u32 @!p2 s2, $0x2;
	p3 =	sgt.s32 @!p2 s2, $0x6F;
	s0 =	smul.u32 @!p2 $0x1C0, s0  }
0x40: {  	s4 =	sand.u32 @!p2 $0x7, s22;
	s2 =	ssub.s32 @!p2 $0x1C0, s3;
	p3 =	por !p3, p2  }
0x41: {  	s3 =	sshrl.u32 @!p2 s22, $0x3;
	s2 =	sshrl.u32 @!p2 s2, $0x2;
	s0 =	sshrl.u32 @!p2 s0, $0x2  }
0x42: {  	s3 =	sadd.s32 @!p2 s3, s14;
	s2 =	simm.s32 @!p3 $0x0;
	s0 =	sadd.s32 @!p2 $0x10448, s0  }
0x43: {  	[tilespmem:s0], [sflag:$0xA] =	stream.linear.gather @!p2 [hbm4b:s3+s4], s2, $0x38;
	[tilespmem:$0x1E678] =	vst v63  }
0x44: {  	s2 =	sadd.s32 $0xFFFFFFFF, s23  }
0x45: {  	p2 =	sge.u32 s2, s13  }
0x46: {  	p3 =	sgt.s32 @!p2 s21, $0x13810  }
0x47: {  	s0 =	smov.u32 s21;
	s3 =	sshra.s32 @!p2 s21, $0x1F;
	p3 =	por !p3, p2  }
0x48: {  	s3 =	sand.u32 @!p2 s3, s21;
	s0 =	simm.s32 @p3 $0x13810  }
0x49: {  	s0 =	ssub.s32 @!p2 s0, s3  }
0x4a: {  	s0 =	sadd.s32 @!p2 $0xFFFEC7F0, s0  }
0x4b: {  	s3 =	sshll.u32 @!p2 s0, $0x2  }
0x4c: {  	p3 =	sgt.s32 @!p2 s0, $0x6F;
	s0 =	ssub.s32 @!p2 $0x1C0, s3  }
0x4d: {  	p3 =	por !p3, p2;
	s0 =	sshrl.u32 @!p2 s0, $0x2  }
0x4e: {  	s4 =	simm.s32 @!p2 $0xA;
	s3 =	sand.u32 @!p2 $0x1, s2;
	s0 =	simm.s32 @!p3 $0x0  }
0x4f: {  	s3 =	smul.u32 @!p2 $0x1C0, s3;
	_ =	swait.ge @!p2 [sflag:s4], s0  }
0x50: {  	s5 =	ssub.s32 @!p2 $0x0, s0;
	[sflag:s4] =	ssyncset.done @!p2 $0x0  }
0x51: {  	s3 =	sshrl.u32 @!p2 s3, $0x2;
	[sflag:s4] =	ssyncadd.s32 @!p2 s5;
	s4 =	sshrl.u32 @!p2 s21, $0x3  }
0x52: {  	s3 =	sadd.s32 @!p2 $0x10598, s3;
	s5 =	sand.u32 @!p2 $0x7, s21;
	s4 =	sadd.s32 @!p2 s4, s15  }
0x53: {  	[tilespmem:s3], [sflag:$0xB] =	stream.linear.gather @!p2 [hbm4b:s4+s5], s0, $0x38;
	[tilespmem:$0x1E678] =	vst v63  }
0x54: {  	s0 =	ssub.s32 @!p2 $0x13880, s21  }
0x55: {  	p3 =	slt.s32 @!p2 s0, $0x1  }
0x56: {  	p3 =	por p2, p3  }
.Ltmp3:
0x57: {  	_ = 	snop;
	(pc) =	sbr.rel @p3 .LBB2_9-.Ltmp3, $1  }
0x58: {  	_ =	sdelay $0x3  }
0x59: {  	s3 =	smulhi.u32 $0xAAAAAAAB, s2;
	_ =	sdelay $0x1  }
0x5a: {  	s3 =	sshrl.u32 s3, $0x1  }
0x5b: {  	s3 =	smul.u32 $0x3, s3;
	_ =	sdelay $0x1  }
0x5c: {  	s30 =	ssub.s32 s2, s3  }
0x5d: {  	s4 =	simm.s32 $0x1;
	s2 =	smul.u32 $0x1C0, s30  }
.Ltmp4:
0x5e: {  	s4 =	simm.s32 @!p0 $0x0;
	(pc) =	sbr.rel .LBB2_6-.Ltmp4, $4  }
0x5f: {  	s31 =	smul.u32 $0x1C000, s4  }
0x60: {  	p3 =	slt.s32 @!p2 s0, $0x70;
	s2 =	sshrl.u32 s2, $0x2  }
0x61: {  	p2 =	por !p3, p2;
	s3 =	sshrl.u32 s31, $0x2;
	s5 =	sadd.s32 $0x10448, s2  }
0x62: {  	s0 =	simm.s32 @p2 $0x70;
	s4 =	sor.u32 $0x10678, s3;
	s2 =	simm.s32 $0x0;
	v1 =	vmov s5  }
.LBB2_5:
0x63: {  	p2 =	sge.s32 s2, s0  }
.Ltmp5:
0x64: {  	_ = 	snop;
	(pc) =	sbr.rel @p2 .LBB2_9-.Ltmp5, $2  }
0x65: {  	_ =	sdelay $0x2  }
0x66: {  	s4 =	sadd.s32 $0x1000, s4  }
.LBB2_6:
0x67: {  	p2 =	sle.s32 s0, s2  }
.Ltmp6:
0x68: {  	_ = 	snop;
	(pc) =	sbr.rel @p2 .LBB2_5-.Ltmp6, $2  }
0x69: {  	_ =	sdelay $0x2  }
0x6a: {  	s5 =	smov.u32 s2;
	s2 =	sadd.s32 $0x10, s2  }
0x6b: {  	s3 =	ssub.s32 s0, s5  }
0x6c: {  	p2 =	slt.s32 s3, $0x10  }
0x6d: {  	s3 =	simm.s32 @!p2 $0x10  }
0x6e: {  	v2 =	vmov s3  }
0x6f: {  	vm0 =	vgt.s32 v2, v0;
	_ =	sdelay $0x5  }
0x70: {  	v2 =	vld.idx.msk [tilespmem:v1+s5+$0x0 ss:$0x1], vm0;
	_ =	sdelay $0x2  }
0x71: {  	p2 =	slt.s32 s2, s0;
	s3 =	smov.u32 s0  }
0x72: {  	s9 =	smov.u32 s4;
	s25 =	simm.s32 $0x0;
	s3 =	smov.u32 @p2 s2  }
.LBB2_8:
0x73: {  	(v2sf) =	vpush v2, s25;
	_ =	sdelay $0xe  }
0x74: {  	s25 =	sadd.s32 $0x1, s25;
	s10 =	spop (v2sf)  }
0x75: {  	s31 =	sadd.s32 s25, s5;
	s26 =	sshll.u32 s10, $0x8;
	s10 =	sshll.u32 s10, $0x7  }
0x76: {  	p2 =	slt.s32 s31, s3;
	s26 =	sand.u32 $0xFFFFF800, s26;
	s10 =	sand.u32 $0x380, s10  }
.Ltmp7:
0x77: {  	s10 =	sor.u32 s10, s26;
	(pc) =	sbr.rel @p2 .LBB2_8-.Ltmp7, $4  }
0x78: {  	s10 =	sshrl.u32 s10, $0x3  }
0x79: {  	s10 =	sadd.s32 s6, s10  }
0x7a: {  	[tilespmem:s9], [sflag:$0x9] =	stream.strided.gather [hbm4b:s10+s18], $0x100, s19, s18, $0x38;
	[tilespmem:$0x1E678] =	vst v63  }
0x7b: {  	s9 =	sadd.s32 $0x100, s9  }
.Ltmp8:
0x7c: {  	_ = 	snop;
	(pc) =	sbr.rel .LBB2_5-.Ltmp8, $1  }
0x7d: {  	_ =	sdelay $0x3  }
.LBB2_9:
0x7e: {  	p2 =	slt.u32 s23, $0x2  }
.Ltmp9:
0x7f: {  	_ = 	snop;
	(pc) =	sbr.rel @p2 .LBB2_27-.Ltmp9, $1  }
0x80: {  	_ =	sdelay $0x3  }
0x81: {  	p2 =	sgt.s32 s24, $0x13810  }
0x82: {  	s0 =	smov.u32 s24;
	s2 =	sshra.s32 s24, $0x1F;
	s3 =	ssub.s32 $0x13880, s24  }
0x83: {  	s0 =	simm.s32 @!p2 $0x13810;
	s2 =	sand.u32 s2, s24;
	p2 =	slt.s32 s3, $0x70  }
0x84: {  	s0 =	ssub.s32 s0, s2;
	s3 =	simm.s32 @!p2 $0x70  }
0x85: {  	s0 =	sadd.s32 $0xFFFEC7F0, s0;
	s9 =	sshll.u32 s3, $0x8  }
0x86: {  	s26 =	simm.s32 $0x9;
	s10 =	sshll.u32 s0, $0x2;
	s2 =	sand.u32 $0x3FFFFF00, s9  }
0x87: {  	p2 =	sgt.s32 s0, $0x6F;
	s25 =	ssub.s32 $0x1C0, s10;
	_ =	swait.ge [sflag:s26], s2  }
0x88: {  	s2 =	ssub.s32 $0x0, s2;
	[sflag:s26] =	ssyncset.done $0x0;
	s0 =	sshrl.u32 s25, $0x2  }
0x89: {  	s29 =	simm.s32 $0xB;
	[sflag:s26] =	ssyncadd.s32 s2;
	s0 =	simm.s32 @p2 $0x0  }
0x8a: {  	_ =	swait.ge [sflag:s29], s0  }
0x8b: {  	s0 =	ssub.s32 $0x0, s0;
	[sflag:s29] =	ssyncset.done $0x0  }
0x8c: {  	[sflag:s29] =	ssyncadd.s32 s0  }
0x8d: {  	v1 =	vld [tilespmem:$0xE408];
	_ =	sdelay $0x4  }
0x8e: {  	(v2sf) =	vpush v1, $0x0  }
0x8f: {  	(v2sf) =	vpush v1, $0x1  }
0x90: {  	(v2sf) =	vpush v1, $0x2;
	_ =	sdelay $0x3  }
0x91: {  	s0 =	sadd.s32 $0x70, s24  }
0x92: {  	s2 =	ssub.s32 $0x27100, s24;
	p2 =	slt.s32 s8, s0  }
0x93: {  	s0 =	smov.u32 @p2 s8;
	p2 =	sgt.s32 s2, $0x0  }
0x94: {  	s0 =	ssub.s32 s0, s24;
	s2 =	simm.s32 @!p2 $0x0  }
0x95: {  	p2 =	slt.s32 s2, s0  }
0x96: {  	s0 =	smov.u32 @p2 s2  }
0x97: {  	s4 =	simm.s32 $0x1;
	p2 =	slt.s32 s0, $0x1  }
.Ltmp10:
0x98: {  	s4 =	simm.s32 @!p1 $0x0;
	(pc) =	sbr.rel @p2 .LBB2_14-.Ltmp10, $4  }
0x99: {  	s30 =	smul.u32 $0x1C0, s4  }
0x9a: {  	s5 =	spop (v2sf)  }
0x9b: {  	s31 =	sshrl.u32 s30, $0x2;
	s28 =	spop (v2sf)  }
0x9c: {  	s25 =	sadd.s32 $0x10598, s31;
	s24 =	spop (v2sf)  }
0x9d: {  	s2 =	smin.u32 s0, $0x10  }
0x9e: {  	v1 =	vmov s2  }
0x9f: {  	vm1 =	vgt.u32 v1, v0  }
0xa0: {  	p3 =	sgt.s32 s0, $0x10  }
.Ltmp11:
0xa1: {  	_ = 	snop;
	(pc) =	sbr.rel @!p3 .LBB2_13-.Ltmp11, $2  }
0xa2: {  	_ =	sdelay $0x2  }
0xa3: {  	s26 =	simm.s32 $0x10;
	s29 =	sadd.s32 $0xFFFFFFF0, s0;
	s2 =	smov.u32 s25;
	vm0 =	vmmov vm1;
	v1 =	vld.msk [tilespmem:s25+$0x0 ss:$0x1], vm1  }
.LBB2_12:
0xa4: {  	s3 =	smin.u32 s29, $0x10;
	s26 =	sadd.s32 $0x10, s26  }
0xa5: {  	v2 =	vmov s3;
	p3 =	slt.s32 s26, s0  }
0xa6: {  	vm1 =	vgt.u32 v2, v0;
	_ =	sdelay $0x1  }
0xa7: {  	v2 =	vshll.u32 v1, $0x5;
	v1 =	vshll.u32 v1, $0x4  }
.Ltmp12:
0xa8: {  	v2 =	vand.u32 $0xFFFFFF00, v2;
	v1 =	vand.u32 $0x70, v1;
	(pc) =	sbr.rel @p3 .LBB2_12-.Ltmp12, $4  }
0xa9: {  	v1 =	vor.u32 v1, v2  }
0xaa: {  	[tilespmem:s2+$0x0] =	vst.msk vm0, v1;
	s2 =	sadd.s32 $0x10, s2;
	vm0 =	vmmov vm1  }
0xab: {  	v1 =	vld.msk [tilespmem:s2+$0x0 ss:$0x1], vm1  }
0xac: {  	s29 =	sadd.s32 $0xFFFFFFF0, s29  }
.LBB2_13:
0xad: {  	_ =	sdelay $0x3  }
0xae: {  	v2 =	vshll.u32 v1, $0x5;
	v1 =	vshll.u32 v1, $0x4  }
0xaf: {  	v2 =	vand.u32 $0xFFFFFF00, v2;
	v1 =	vand.u32 $0x70, v1  }
0xb0: {  	v1 =	vor.u32 v1, v2  }
0xb1: {  	[tilespmem:s2+$0x0] =	vst.msk vm0, v1  }
.LBB2_14:
0xb2: {  	s2 =	sand.u32 $0x1, s23  }
0xb3: {  	s2 =	smul.u32 $0x70, s2  }
0xb4: {  	p3 =	sne.s32 s28, $0xFFFFFFFF  }
0xb5: {  	v1 =	vld.msk @!p3 [tilespmem:s2+$0x10598], $0x1;
	_ =	sdelay $0x4  }
0xb6: {  	(v2sf) =	vpush @!p3 v1, $0x0;
	_ =	sdelay $0xc  }
.Ltmp13:
0xb7: {  	_ = 	snop;
	(pc) =	sbr.rel @p2 .LBB2_25-.Ltmp13, $4  }
0xb8: {  	_ = 	snop  }
0xb9: {  	s31 =	spop @!p3 (v2sf)  }
0xba: {  	s24 =	simm.s32 @!p3 $0x0;
	s26 =	smov.u32 s31  }
0xbb: {  	[sflag:s17] =	ssyncpa.u1 $0x0;
	s31 =	smov.u32 @p3 s5;
	s26 =	smov.u32 @p3 s28  }
0xbc: {  	v1 =	vld.msk [tilespmem:s25+$0x0], $0x1;
	_ =	sdelay $0x4  }
0xbd: {  	(v2sf) =	vpush v1, $0x0;
	_ =	sdelay $0xe  }
0xbe: {  	s7 =	smov.u32 s11;
	s5 =	spop (v2sf)  }
0xbf: {  	s17 =	smov.u32 s15;
	s2 =	smul.u32 $0x1C000, s4;
	p2 =	seq.s32 s31, s5  }
0xc0: {  	s3 =	smov.u32 s31;
	s29 =	ssub.s32 $0x0, s0;
	p3 =	sgt.s32 @!p2 s31, $0x0  }
0xc1: {  	s30 =	simm.s32 $0x0;
	s2 =	sshrl.u32 s2, $0x2;
	p3 =	por !p3, p2  }
0xc2: {  	s0 =	sadd.s32 $0x1, s29;
	s28 =	sor.u32 $0x106F8, s2;
	s3 =	simm.s32 @p3 $0x0  }
0xc3: {  	s2 =	simm.s32 @!p2 $0x1;
	p3 =	seq.s32 s0, $0x0;
	s3 =	smin.u32 @!p2 s3, $0x4E170  }
.Ltmp14:
0xc4: {  	s4 =	simm.s32 @!p2 $0x7308;
	s9 =	sand.u32 @!p2 $0x7FFF8, s3;
	(pc) =	sbr.rel @p3 .LBB2_17-.Ltmp14, $4  }
0xc5: {  	s10 =	sadd.s32 @!p2 $0x80, s3;
	s11 =	sadd.s32 @!p2 s1, s9;
	s9 =	sand.u32 @!p2 $0x7, s3  }
0xc6: {  	[tilespmem:s4], [sflag:$0x2] =	stream.linear.gather @!p2 [hbm4b:s11+s9], $0x80, $0x38;
	[tilespmem:$0x1E678] =	vst v63  }
0xc7: {  	s15 =	smov.u32 s14;
	s2 =	smov.u32 @p2 s30;
	s4 =	sand.u32 @!p2 $0xFFFF8, s10  }
0xc8: {  	s3 =	simm.s32 @!p2 $0x7388;
	s10 =	sadd.s32 @!p2 s1, s4;
	s4 =	sadd.s32 $0x1, s25  }
.LBB2_16:
0xc9: {  	s11 =	smov.u32 s2  }
0xca: {  	[tilespmem:s3], [sflag:$0x2] =	stream.linear.gather @!p2 [hbm4b:s10+s9], $0x80, $0x38;
	[tilespmem:$0x1E678] =	vst v63  }
0xcb: {  	s0 =	sadd.s32 $0x1, s0;
	s9 =	smov.u32 s5;
	v1 =	vld.msk [tilespmem:s4+$0x0], $0x1  }
0xcc: {  	p3 =	seq.s32 s0, $0x0;
	_ =	sdelay $0x3  }
0xcd: {  	(v2sf) =	vpush v1, $0x0;
	_ =	sdelay $0xe  }
0xce: {  	s5 =	spop (v2sf)  }
0xcf: {  	p2 =	seq.s32 s9, s5  }
0xd0: {  	p4 =	sgt.s32 @!p2 s9, $0x0;
	s3 =	sshll.u32 @!p2 s2, $0xA;
	s2 =	sadd.s32 @!p2 $0x1, s2  }
0xd1: {  	p4 =	por !p4, p2;
	s3 =	sshra.s32 @!p2 s3, $0x2;
	s2 =	smov.u32 @p2 s11  }
0xd2: {  	s9 =	simm.s32 @p4 $0x0;
	s10 =	sadd.s32 @!p2 $0x7308, s3;
	s3 =	sadd.s32 @!p2 $0x7388, s3  }
.Ltmp15:
0xd3: {  	s9 =	smin.u32 @!p2 s9, $0x4E170;
	(pc) =	sbr.rel @!p3 .LBB2_16-.Ltmp15, $4  }
0xd4: {  	s11 =	sand.u32 @!p2 $0x7FFF8, s9;
	s14 =	sadd.s32 @!p2 $0x80, s9  }
0xd5: {  	s9 =	sand.u32 @!p2 $0x7, s9;
	s11 =	sadd.s32 @!p2 s1, s11;
	s14 =	sand.u32 @!p2 $0xFFFF8, s14  }
0xd6: {  	[tilespmem:s10], [sflag:$0x2] =	stream.linear.gather @!p2 [hbm4b:s11+s9], $0x80, $0x38;
	[tilespmem:$0x1E678] =	vst v63  }
0xd7: {  	s4 =	sadd.s32 $0x1, s4;
	s10 =	sadd.s32 @!p2 s1, s14  }
.LBB2_17:
0xd8: {  	[tilespmem:s3], [sflag:$0x2] =	stream.linear.gather @!p2 [hbm4b:s10+s9], $0x80, $0x38;
	[tilespmem:$0x1E678] =	vst v63  }
0xd9: {  	s0 =	sshll.u32 s2, $0x8  }
.Ltmp16:
0xda: {  	s14 =	simm.s32 $0x2;
	s0 =	sand.u32 $0x3FFFFF00, s0;
	(pc) =	sbr.rel .LBB2_18-.Ltmp16, $4  }
0xdb: {  	_ =	swait.ge [sflag:s14], s0  }
0xdc: {  	s0 =	ssub.s32 $0x0, s0;
	[sflag:s14] =	ssyncset.done $0x0  }
0xdd: {  	s4 =	simm.s32 $0x0;
	s11 =	smov.u32 s7;
	[sflag:s14] =	ssyncadd.s32 s0  }
0xde: {  	s14 =	smov.u32 s15;
	s15 =	smov.u32 s17;
	s17 =	simm.s32 $0xC  }
.LBB2_19:
0xdf: {  	v1 =	vld [tilespmem:s28+$0xFFFFFF80];
	_ =	sdelay $0x4  }
0xe0: {  	[tilespmem:s5+$0x208] =	vst.add.f32.msk $0xffff, v1  }
0xe1: {  	v1 =	vld [tilespmem:s28+$0xFFFFFF90];
	_ =	sdelay $0x4  }
0xe2: {  	[tilespmem:s5+$0x218] =	vst.add.f32.msk $0xffff, v1  }
0xe3: {  	v1 =	vld [tilespmem:s28+$0xFFFFFFA0];
	_ =	sdelay $0x4  }
0xe4: {  	[tilespmem:s5+$0x228] =	vst.add.f32.msk $0xffff, v1  }
0xe5: {  	v1 =	vld [tilespmem:s28+$0xFFFFFFB0];
	_ =	sdelay $0x4  }
0xe6: {  	[tilespmem:s5+$0x238] =	vst.add.f32.msk $0xffff, v1  }
0xe7: {  	v1 =	vld [tilespmem:s28+$0xFFFFFFC0];
	_ =	sdelay $0x4  }
0xe8: {  	[tilespmem:s5+$0x248] =	vst.add.f32.msk $0xffff, v1  }
0xe9: {  	v1 =	vld [tilespmem:s28+$0xFFFFFFD0];
	_ =	sdelay $0x4  }
0xea: {  	[tilespmem:s5+$0x258] =	vst.add.f32.msk $0xffff, v1  }
0xeb: {  	v1 =	vld [tilespmem:s28+$0xFFFFFFE0];
	_ =	sdelay $0x4  }
0xec: {  	[tilespmem:s5+$0x268] =	vst.add.f32.msk $0xffff, v1  }
0xed: {  	v1 =	vld [tilespmem:s28+$0xFFFFFFF0];
	_ =	sdelay $0x4  }
0xee: {  	[tilespmem:s5+$0x278] =	vst.add.f32.msk $0xffff, v1  }
0xef: {  	v1 =	vld [tilespmem:s28+$0x0];
	_ =	sdelay $0x4  }
0xf0: {  	[tilespmem:s5+$0x288] =	vst.add.f32.msk $0xffff, v1  }
0xf1: {  	v1 =	vld [tilespmem:s28+$0x10];
	_ =	sdelay $0x4  }
0xf2: {  	[tilespmem:s5+$0x298] =	vst.add.f32.msk $0xffff, v1  }
0xf3: {  	v1 =	vld [tilespmem:s28+$0x20];
	_ =	sdelay $0x4  }
0xf4: {  	[tilespmem:s5+$0x2A8] =	vst.add.f32.msk $0xffff, v1  }
0xf5: {  	v1 =	vld [tilespmem:s28+$0x30];
	_ =	sdelay $0x4  }
0xf6: {  	[tilespmem:s5+$0x2B8] =	vst.add.f32.msk $0xffff, v1  }
0xf7: {  	v1 =	vld [tilespmem:s28+$0x40];
	_ =	sdelay $0x4  }
0xf8: {  	[tilespmem:s5+$0x2C8] =	vst.add.f32.msk $0xffff, v1  }
0xf9: {  	v1 =	vld [tilespmem:s28+$0x50];
	_ =	sdelay $0x4  }
0xfa: {  	[tilespmem:s5+$0x2D8] =	vst.add.f32.msk $0xffff, v1  }
0xfb: {  	v1 =	vld [tilespmem:s28+$0x60];
	_ =	sdelay $0x4  }
0xfc: {  	[tilespmem:s5+$0x2E8] =	vst.add.f32.msk $0xffff, v1  }
0xfd: {  	v1 =	vld [tilespmem:s28+$0x70];
	_ =	sdelay $0x4  }
0xfe: {  	[tilespmem:s5+$0x2F8] =	vst.add.f32.msk $0xffff, v1  }
.LBB2_23:
0xff: {  	s29 =	sadd.s32 $0x1, s29  }
0x100: {  	p2 =	seq.s32 s29, $0x0  }
.Ltmp17:
0x101: {  	_ = 	snop;
	(pc) =	sbr.rel @p2 .LBB2_24-.Ltmp17, $2  }
0x102: {  	_ =	sdelay $0x2  }
0x103: {  	s25 =	sadd.s32 $0x1, s25;
	s28 =	sadd.s32 $0x100, s28;
	s31 =	smov.u32 s0  }
.LBB2_18:
0x104: {  	v1 =	vld.msk [tilespmem:s25+$0x0], $0x1;
	_ =	sdelay $0x4  }
0x105: {  	(v2sf) =	vpush v1, $0x0;
	_ =	sdelay $0xe  }
0x106: {  	s0 =	spop (v2sf)  }
0x107: {  	p2 =	sne.s32 s31, s0  }
.Ltmp18:
0x108: {  	_ = 	snop;
	(pc) =	sbr.rel @!p2 .LBB2_19-.Ltmp18, $3  }
0x109: {  	_ =	sdelay $0x1  }
0x10a: {  	s2 =	sshll.u32 s24, $0xA  }
0x10b: {  	s5 =	sshra.s32 s2, $0x2  }
0x10c: {  	p2 =	seq.s32 s31, s26  }
.Ltmp19:
0x10d: {  	_ = 	snop;
	(pc) =	sbr.rel @!p2 .LBB2_21-.Ltmp19, $1  }
0x10e: {  	_ =	sdelay $0x3  }
.Ltmp20:
0x10f: {  	s2 =	sadd.s32 $0x208, s5;
	(pc) =	sbr.rel .LBB2_22-.Ltmp20, $4  }
0x110: {  	[spmem:s16] =	stream.linear.scatter [tilespmem:s2], [sflag:$0x1], $0x100, $0x38;
	[tilespmem:$0x1E678] =	vst v63  }
0x111: {  	_ =	swait.ge [sflag:s12], $0x100  }
0x112: {  	[sflag:s12] =	ssyncset.done $0x0  }
0x113: {  	[sflag:s12] =	ssyncadd.s32 $0xFFFFFF00  }
.LBB2_21:
0x114: {  	s2 =	sshll.u32 s30, $0xA  }
0x115: {  	s2 =	sshra.s32 s2, $0x2  }
0x116: {  	v1 =	vld [tilespmem:s2+$0x7308];
	_ =	sdelay $0x4  }
0x117: {  	[tilespmem:s5+$0x208] =	vst.add.f32.msk $0xffff, v1  }
0x118: {  	v1 =	vld [tilespmem:s2+$0x7318];
	_ =	sdelay $0x4  }
0x119: {  	[tilespmem:s5+$0x218] =	vst.add.f32.msk $0xffff, v1  }
0x11a: {  	v1 =	vld [tilespmem:s2+$0x7328];
	_ =	sdelay $0x4  }
0x11b: {  	[tilespmem:s5+$0x228] =	vst.add.f32.msk $0xffff, v1  }
0x11c: {  	v1 =	vld [tilespmem:s2+$0x7338];
	_ =	sdelay $0x4  }
0x11d: {  	[tilespmem:s5+$0x238] =	vst.add.f32.msk $0xffff, v1  }
0x11e: {  	v1 =	vld [tilespmem:s2+$0x7348];
	_ =	sdelay $0x4  }
0x11f: {  	[tilespmem:s5+$0x248] =	vst.add.f32.msk $0xffff, v1  }
0x120: {  	v1 =	vld [tilespmem:s2+$0x7358];
	_ =	sdelay $0x4  }
0x121: {  	[tilespmem:s5+$0x258] =	vst.add.f32.msk $0xffff, v1  }
0x122: {  	v1 =	vld [tilespmem:s2+$0x7368];
	_ =	sdelay $0x4  }
0x123: {  	[tilespmem:s5+$0x268] =	vst.add.f32.msk $0xffff, v1  }
0x124: {  	v1 =	vld [tilespmem:s2+$0x7378];
	_ =	sdelay $0x4  }
0x125: {  	[tilespmem:s5+$0x278] =	vst.add.f32.msk $0xffff, v1  }
0x126: {  	v1 =	vld [tilespmem:s2+$0x7388];
	_ =	sdelay $0x4  }
0x127: {  	[tilespmem:s5+$0x288] =	vst.add.f32.msk $0xffff, v1  }
0x128: {  	v1 =	vld [tilespmem:s2+$0x7398];
	_ =	sdelay $0x4  }
0x129: {  	[tilespmem:s5+$0x298] =	vst.add.f32.msk $0xffff, v1  }
0x12a: {  	v1 =	vld [tilespmem:s2+$0x73A8];
	_ =	sdelay $0x4  }
0x12b: {  	[tilespmem:s5+$0x2A8] =	vst.add.f32.msk $0xffff, v1  }
0x12c: {  	v1 =	vld [tilespmem:s2+$0x73B8];
	_ =	sdelay $0x4  }
0x12d: {  	[tilespmem:s5+$0x2B8] =	vst.add.f32.msk $0xffff, v1  }
0x12e: {  	v1 =	vld [tilespmem:s2+$0x73C8];
	_ =	sdelay $0x4  }
0x12f: {  	[tilespmem:s5+$0x2C8] =	vst.add.f32.msk $0xffff, v1  }
0x130: {  	v1 =	vld [tilespmem:s2+$0x73D8];
	_ =	sdelay $0x4  }
0x131: {  	[tilespmem:s5+$0x2D8] =	vst.add.f32.msk $0xffff, v1  }
0x132: {  	v1 =	vld [tilespmem:s2+$0x73E8];
	_ =	sdelay $0x4  }
0x133: {  	[tilespmem:s5+$0x2E8] =	vst.add.f32.msk $0xffff, v1  }
0x134: {  	v1 =	vld [tilespmem:s2+$0x73F8];
	_ =	sdelay $0x2  }
0x135: {  	p2 =	sgt.u32 s31, $0x4E170  }
0x136: {  	s2 =	sand.u32 @!p2 $0x7FFF8, s31  }
0x137: {  	s3 =	sadd.s32 $0x208, s5;
	s9 =	sand.u32 @!p2 $0x7, s31;
	s2 =	sadd.s32 @!p2 s1, s2;
	[tilespmem:s5+$0x2F8] =	vst.add.f32.msk $0xffff, v1  }
0x138: {  	[hbm4b:s2+s9] =	stream.linear.scatter @!p2 [tilespmem:s3], [sflag:$0xC], $0x80, $0x38;
	[tilespmem:$0x1E678] =	vst v63  }
0x139: {  	s2 =	sadd.s32 @!p2 $0x80, s31  }
0x13a: {  	s2 =	sand.u32 @!p2 $0xFFFF8, s2  }
0x13b: {  	s3 =	sadd.s32 $0x288, s5;
	s2 =	sadd.s32 @!p2 s1, s2  }
0x13c: {  	[hbm4b:s2+s9] =	stream.linear.scatter @!p2 [tilespmem:s3], [sflag:$0xC], $0x80, $0x38;
	[tilespmem:$0x1E678] =	vst v63  }
0x13d: {  	s2 =	simm.s32 $0x0  }
0x13e: {  	s2 =	simm.s32 @!p2 $0x400  }
0x13f: {  	s4 =	sadd.s32 s2, s4  }
.LBB2_22:
0x140: {  	s2 =	sadd.s32 $0x1, s24  }
0x141: {  	s3 =	sshrl.u32 s2, $0x4  }
0x142: {  	s3 =	smulhi.u32 $0x24924925, s3  }
0x143: {  	v1 =	vld [tilespmem:s28+$0xFFFFFF80]  }
0x144: {  	s3 =	smul.u32 $0x70, s3;
	_ =	sdelay $0x1  }
0x145: {  	s24 =	ssub.s32 s2, s3  }
0x146: {  	s2 =	sshll.u32 s24, $0x8  }
0x147: {  	[tilespmem:s2+$0x208] =	vst v1  }
0x148: {  	v1 =	vld [tilespmem:s28+$0xFFFFFF90];
	_ =	sdelay $0x4  }
0x149: {  	[tilespmem:s2+$0x218] =	vst v1  }
0x14a: {  	v1 =	vld [tilespmem:s28+$0xFFFFFFA0];
	_ =	sdelay $0x4  }
0x14b: {  	[tilespmem:s2+$0x228] =	vst v1  }
0x14c: {  	v1 =	vld [tilespmem:s28+$0xFFFFFFB0];
	_ =	sdelay $0x4  }
0x14d: {  	[tilespmem:s2+$0x238] =	vst v1  }
0x14e: {  	v1 =	vld [tilespmem:s28+$0xFFFFFFC0];
	_ =	sdelay $0x4  }
0x14f: {  	[tilespmem:s2+$0x248] =	vst v1  }
0x150: {  	v1 =	vld [tilespmem:s28+$0xFFFFFFD0];
	_ =	sdelay $0x4  }
0x151: {  	[tilespmem:s2+$0x258] =	vst v1  }
0x152: {  	v1 =	vld [tilespmem:s28+$0xFFFFFFE0];
	_ =	sdelay $0x4  }
0x153: {  	[tilespmem:s2+$0x268] =	vst v1  }
0x154: {  	v1 =	vld [tilespmem:s28+$0xFFFFFFF0];
	_ =	sdelay $0x4  }
0x155: {  	[tilespmem:s2+$0x278] =	vst v1  }
0x156: {  	v1 =	vld [tilespmem:s28+$0x0];
	_ =	sdelay $0x4  }
0x157: {  	[tilespmem:s2+$0x288] =	vst v1  }
0x158: {  	v1 =	vld [tilespmem:s28+$0x10];
	_ =	sdelay $0x4  }
0x159: {  	[tilespmem:s2+$0x298] =	vst v1  }
0x15a: {  	v1 =	vld [tilespmem:s28+$0x20];
	_ =	sdelay $0x4  }
0x15b: {  	[tilespmem:s2+$0x2A8] =	vst v1  }
0x15c: {  	v1 =	vld [tilespmem:s28+$0x30];
	_ =	sdelay $0x4  }
0x15d: {  	[tilespmem:s2+$0x2B8] =	vst v1  }
0x15e: {  	v1 =	vld [tilespmem:s28+$0x40];
	_ =	sdelay $0x4  }
0x15f: {  	[tilespmem:s2+$0x2C8] =	vst v1  }
0x160: {  	v1 =	vld [tilespmem:s28+$0x50];
	_ =	sdelay $0x4  }
0x161: {  	[tilespmem:s2+$0x2D8] =	vst v1  }
0x162: {  	v1 =	vld [tilespmem:s28+$0x60];
	_ =	sdelay $0x4  }
0x163: {  	[tilespmem:s2+$0x2E8] =	vst v1  }
0x164: {  	v1 =	vld [tilespmem:s28+$0x70]  }
.Ltmp21:
0x165: {  	_ = 	snop;
	(pc) =	sbr.rel .LBB2_23-.Ltmp21, $2  }
0x166: {  	_ =	sdelay $0x2  }
0x167: {  	s30 =	sadd.s32 $0x1, s30;
	[tilespmem:s2+$0x2F8] =	vst v1  }
.LBB2_25:
.Ltmp22:
0x168: {  	(pc) =	sbr.rel .LBB2_26-.Ltmp22, $4  }
0x169: {  	_ = 	snop  }
0x16a: {  	s0 =	simm.s32 $0x2  }
0x16b: {  	_ =	swait.ge [sflag:s0], $0x0  }
0x16c: {  	s2 =	simm.s32 $0x0;
	[sflag:s0] =	ssyncset.done $0x0;
	s0 =	smov.u32 s31  }
.LBB2_28:
0x16d: {  	_ =	sfence.sel $0x180000  }
0x16e: {  	s0 =	simm.s32 $0x9;
	[bflag:$0x0] =	sbarrier.arrive $0xFFFF  }
0x16f: {  	s24 =	simm.s32 $0xA;
	[sflag:s0] =	ssyncpa.u1 $0x1  }
0x170: {  	s25 =	simm.s32 $0xB;
	[sflag:s24] =	ssyncpa.u1 $0x1  }
0x171: {  	s26 =	simm.s32 $0x2;
	[sflag:s25] =	ssyncpa.u1 $0x1  }
0x172: {  	[sflag:s26] =	ssyncpa.u1 $0x1  }
0x173: {  	v0 =	vld [tilespmem:$0xE408];
	_ =	sdelay $0x4  }
0x174: {  	(v2sf) =	vpush v0, $0x0  }
0x175: {  	(v2sf) =	vpush v0, $0x1;
	_ =	sdelay $0x1  }
0x176: {  	(v2sf) =	vpush v0, $0x2;
	_ =	sdelay $0xb  }
0x177: {  	s0 =	spop (v2sf)  }
0x178: {  	s2 =	spop (v2sf)  }
0x179: {  	s3 =	smov.u32 s0;
	p0 =	sne.s32 s0, s2  }
0x17a: {  	s4 =	spop (v2sf);
	s3 =	simm.s32 @!p0 $0xFFFFFFFF  }
0x17b: {  	v2 =	vimm.s32 $0x1;
	v3 =	vlaneseq.u32;
	p0 =	seq.s32 s4, $0xFFFFFFFF;
	v1 =	vmov s3  }
0x17c: {  	s15 =	stileid.u32;
	v0 =	vperm.xlane v0, v2;
	p1 =	sne.s32 @!p0 s0, s2;
	v1 =	vperm.xlane v1, v3  }
0x17d: {  	vm0 =	vcmask $0x3F04;
	s6 =	simm.s32 $0xE408;
	s0 =	simm.s32 @!p0 $0x1;
	p1 =	por !p1, p0  }
0x17e: {  	s3 =	sshll.u32 s15, $0x1;
	s2 =	sshll.u32 @!p0 s4, $0xA;
	s0 =	simm.s32 @p1 $0x0;
	v0 =	vsel vm0, v1, v0  }
0x17f: {  	s5 =	sor.u32 $0x2000, s3;
	s2 =	sshra.s32 @!p0 s2, $0x2;
	s0 =	sor.u32 @!p0 s0, s3;
	[tilespmem:$0xE408] =	vst v0  }
0x180: {  	[spmem:s5] =	stream.linear.scatter [tilespmem:s6], [sflag:$0x1], $0x2, $0x38;
	[tilespmem:$0x1E678] =	vst v63  }
0x181: {  	s2 =	sadd.s32 @!p0 $0x208, s2;
	s0 =	sshll.u32 @!p0 s0, $0x8  }
0x182: {  	[spmem:s0] =	stream.linear.scatter @!p0 [tilespmem:s2], [sflag:$0x1], $0x100, $0x38;
	[tilespmem:$0x1E678] =	vst v63  }
0x183: {  	s0 =	simm.s32 @!p0 $0x102  }
0x184: {  	s28 =	simm.s32 $0x1;
	s0 =	simm.s32 @p0 $0x2  }
0x185: {  	_ =	swait.ge [sflag:s28], s0  }
0x186: {  	s0 =	ssub.s32 $0x0, s0;
	[sflag:s28] =	ssyncset.done $0x0  }
0x187: {  	p0 =	sne.s32 s15, $0x0;
	[sflag:s28] =	ssyncadd.s32 s0  }
.Ltmp23:
0x188: {  	_ =	sfence.stream.spmem;
	(pc) =	sbr.rel @p0 .LBB2_45-.Ltmp23, $4  }
0x189: {  	s29 =	simm.s32 $0x3;
	[bflag:$0x0] =	sbarrier.arrive $0xFFFF  }
0x18a: {  	s30 =	simm.s32 $0x4;
	[sflag:s29] =	ssyncpa.u1 $0x1  }
0x18b: {  	s31 =	simm.s32 $0x3C;
	[sflag:s30] =	ssyncpa.u1 $0x1  }
0x18c: {  	s14 =	rddreg [dreg:$0x7];
	[sflag:s31] =	ssyncpa.u1 $0x1  }
0x18d: {  	_ =	sfence.stream.spmem;
	s0 =	simm.s32 $0x5  }
0x18e: {  	s2 =	simm.s32 $0x2000;
	s3 =	simm.s32 $0xE418;
	[sflag:s0] =	ssyncpa.u1 $0x0  }
0x18f: {  	[tilespmem:s3], [sflag:$0x5] =	stream.linear.gather [spmem:s2], $0x20, $0x38;
	[tilespmem:$0x1E678] =	vst v63  }
0x190: {  	s26 =	simm.s32 $0x0;
	s28 =	simm.s32 $0xE438  }
0x191: {  	[tilespmem:s28], [sflag:$0x5] =	stream.linear.gather [spmem:s26], $0x2000, $0x38;
	[tilespmem:$0x1E678] =	vst v63  }
0x192: {  	_ =	swait.ge [sflag:s0], $0x2020  }
0x193: {  	[sflag:s0] =	ssyncset.done $0x0  }
0x194: {  	s29 =	simm.s32 $0x0;
	[sflag:s0] =	ssyncadd.s32 $0xFFFFDFE0  }
0x195: {  	v0 =	vld.msk [tilespmem:s29+$0xE418], $0x1;
	_ =	sdelay $0x1  }
0x196: {  	s30 =	simm.s32 $0x1  }
0x197: {  	v1 =	vld.msk [tilespmem:s30+$0xE418], $0x1;
	_ =	sdelay $0x1  }
0x198: {  	(v2sf) =	vpush v0, $0x0;
	_ =	sdelay $0x2  }
0x199: {  	(v2sf) =	vpush v1, $0x0;
	_ =	sdelay $0x2  }
0x19a: {  	s31 =	simm.s32 $0x2  }
0x19b: {  	v0 =	vld.msk [tilespmem:s31+$0xE418], $0x1;
	_ =	sdelay $0x2  }
0x19c: {  	s2 =	simm.s32 $0xFFFFFFFF;
	s3 =	simm.s32 $0xFFFFFFFF;
	s0 =	simm.s32 $0xC  }
.LBB2_30:
0x19d: {  	s4 =	smov.u32 s3;
	s5 =	smov.u32 s2  }
0x19e: {  	s2 =	sshra.s32 s0, $0x2;
	p1 =	sne.s32 s0, $0x7C;
	s0 =	sadd.s32 $0x4, s0;
	(v2sf) =	vpush v0, $0x0  }
0x19f: {  	v0 =	vld.msk [tilespmem:s2+$0xE418], $0x1  }
.Ltmp24:
0x1a0: {  	(pc) =	sbr.rel @p1 .LBB2_30-.Ltmp24, $4  }
0x1a1: {  	s3 =	spop (v2sf)  }
0x1a2: {  	p2 =	sne.s32 s5, $0xFFFFFFFF;
	s2 =	smov.u32 s3  }
0x1a3: {  	p3 =	seq.s32 s3, $0xFFFFFFFF;
	s2 =	smov.u32 @p2 s5  }
0x1a4: {  	s3 =	smov.u32 @p3 s4;
	s2 =	smov.u32 @p3 s5  }
0x1a5: {  	(v2sf) =	vpush v0, $0x0;
	_ =	sdelay $0x8  }
0x1a6: {  	s0 =	spop (v2sf)  }
0x1a7: {  	p1 =	sne.s32 s2, $0xFFFFFFFF;
	s9 =	simm.s32 $0x6;
	s4 =	smov.u32 s0  }
0x1a8: {  	s6 =	simm.s32 $0x0;
	p2 =	seq.s32 s0, $0xFFFFFFFF;
	s4 =	smov.u32 @p1 s2  }
0x1a9: {  	s10 =	simm.s32 $0xE308;
	s4 =	smov.u32 @p2 s2;
	s2 =	spop (v2sf)  }
0x1aa: {  	s0 =	smov.u32 @p2 s3;
	p1 =	sne.s32 s4, $0xFFFFFFFF;
	s5 =	smov.u32 s2  }
.Ltmp25:
0x1ab: {  	p2 =	seq.s32 s2, $0xFFFFFFFF;
	s5 =	smov.u32 @p1 s4;
	(pc) =	sbr.rel .LBB2_32-.Ltmp25, $4  }
0x1ac: {  	s11 =	simm.s32 $0xE388;
	s5 =	smov.u32 @p2 s4;
	s7 =	spop (v2sf)  }
0x1ad: {  	s12 =	simm.s32 $0x0;
	p1 =	sne.s32 s5, $0xFFFFFFFF;
	s8 =	smov.u32 s7  }
0x1ae: {  	s2 =	smov.u32 @p2 s0;
	p2 =	seq.s32 s7, $0xFFFFFFFF;
	s8 =	smov.u32 @p1 s5  }
0x1af: {  	[sflag:s9] =	ssyncpa.u1 $0x0;
	s7 =	smov.u32 @p2 s2;
	s8 =	smov.u32 @p2 s5  }
.LBB2_38:
0x1b0: {  	p1 =	sgt.u32 s0, $0x4E170  }
0x1b1: {  	p2 =	seq.s32 @!p1 s0, s8  }
0x1b2: {  	p1 =	por p1, p2  }
0x1b3: {  	p2 =	sne.s32 @!p1 s0, s7  }
0x1b4: {  	p1 =	por p1, !p2  }
0x1b5: {  	s0 =	sshll.u32 @p1 s12, $0xA  }
0x1b6: {  	s2 =	sand.u32 @!p1 $0x7FFF8, s0;
	s3 =	sand.u32 @!p1 $0x7, s0;
	s0 =	sadd.s32 @!p1 $0x80, s0  }
0x1b7: {  	s2 =	sadd.s32 @!p1 s1, s2;
	s0 =	sand.u32 @!p1 $0xFFFF8, s0  }
0x1b8: {  	[tilespmem:s10], [sflag:$0x6] =	stream.linear.gather @!p1 [hbm4b:s2+s3], $0x80, $0x38;
	[tilespmem:$0x1E678] =	vst v63  }
0x1b9: {  	s0 =	sadd.s32 @!p1 s1, s0  }
0x1ba: {  	[tilespmem:s11], [sflag:$0x6] =	stream.linear.gather @!p1 [hbm4b:s0+s3], $0x80, $0x38;
	[tilespmem:$0x1E678] =	vst v63  }
0x1bb: {  	_ =	swait.ge @!p1 [sflag:s9], $0x100  }
0x1bc: {  	[sflag:s9] =	ssyncset.done @!p1 $0x0  }
0x1bd: {  	[sflag:s9] =	ssyncadd.s32 @!p1 $0xFFFFFF00  }
0x1be: {  	v1 =	vld @!p1 [tilespmem:$0xE308];
	_ =	sdelay $0x2  }
0x1bf: {  	s0 =	sshll.u32 @!p1 s12, $0xA  }
0x1c0: {  	s2 =	sshrl.u32 @!p1 s0, $0x2  }
0x1c1: {  	[tilespmem:s2+$0xE438] =	vst.add.f32.msk @!p1 $0xffff, v1  }
0x1c2: {  	v1 =	vld @!p1 [tilespmem:$0xE318];
	_ =	sdelay $0x4  }
0x1c3: {  	[tilespmem:s2+$0xE448] =	vst.add.f32.msk @!p1 $0xffff, v1  }
0x1c4: {  	v1 =	vld @!p1 [tilespmem:$0xE328];
	_ =	sdelay $0x4  }
0x1c5: {  	[tilespmem:s2+$0xE458] =	vst.add.f32.msk @!p1 $0xffff, v1  }
0x1c6: {  	v1 =	vld @!p1 [tilespmem:$0xE338];
	_ =	sdelay $0x4  }
0x1c7: {  	[tilespmem:s2+$0xE468] =	vst.add.f32.msk @!p1 $0xffff, v1  }
0x1c8: {  	v1 =	vld @!p1 [tilespmem:$0xE348];
	_ =	sdelay $0x4  }
0x1c9: {  	[tilespmem:s2+$0xE478] =	vst.add.f32.msk @!p1 $0xffff, v1  }
0x1ca: {  	v1 =	vld @!p1 [tilespmem:$0xE358];
	_ =	sdelay $0x4  }
0x1cb: {  	[tilespmem:s2+$0xE488] =	vst.add.f32.msk @!p1 $0xffff, v1  }
0x1cc: {  	v1 =	vld @!p1 [tilespmem:$0xE368];
	_ =	sdelay $0x4  }
0x1cd: {  	[tilespmem:s2+$0xE498] =	vst.add.f32.msk @!p1 $0xffff, v1  }
0x1ce: {  	v1 =	vld @!p1 [tilespmem:$0xE378];
	_ =	sdelay $0x4  }
0x1cf: {  	[tilespmem:s2+$0xE4A8] =	vst.add.f32.msk @!p1 $0xffff, v1  }
0x1d0: {  	v1 =	vld @!p1 [tilespmem:$0xE388];
	_ =	sdelay $0x4  }
0x1d1: {  	[tilespmem:s2+$0xE4B8] =	vst.add.f32.msk @!p1 $0xffff, v1  }
0x1d2: {  	v1 =	vld @!p1 [tilespmem:$0xE398];
	_ =	sdelay $0x4  }
0x1d3: {  	[tilespmem:s2+$0xE4C8] =	vst.add.f32.msk @!p1 $0xffff, v1  }
0x1d4: {  	v1 =	vld @!p1 [tilespmem:$0xE3A8];
	_ =	sdelay $0x4  }
0x1d5: {  	[tilespmem:s2+$0xE4D8] =	vst.add.f32.msk @!p1 $0xffff, v1  }
0x1d6: {  	v1 =	vld @!p1 [tilespmem:$0xE3B8];
	_ =	sdelay $0x4  }
0x1d7: {  	[tilespmem:s2+$0xE4E8] =	vst.add.f32.msk @!p1 $0xffff, v1  }
0x1d8: {  	v1 =	vld @!p1 [tilespmem:$0xE3C8];
	_ =	sdelay $0x4  }
0x1d9: {  	[tilespmem:s2+$0xE4F8] =	vst.add.f32.msk @!p1 $0xffff, v1  }
0x1da: {  	v1 =	vld @!p1 [tilespmem:$0xE3D8];
	_ =	sdelay $0x4  }
0x1db: {  	[tilespmem:s2+$0xE508] =	vst.add.f32.msk @!p1 $0xffff, v1  }
0x1dc: {  	v1 =	vld @!p1 [tilespmem:$0xE3E8];
	_ =	sdelay $0x4  }
0x1dd: {  	[tilespmem:s2+$0xE518] =	vst.add.f32.msk @!p1 $0xffff, v1  }
0x1de: {  	v1 =	vld @!p1 [tilespmem:$0xE3F8];
	_ =	sdelay $0x4  }
0x1df: {  	[tilespmem:s2+$0xE528] =	vst.add.f32.msk @!p1 $0xffff, v1  }
0x1e0: {  	s0 =	sshrl.u32 s0, $0x2;
	[tilespmem:s6+$0xE418] =	vst.msk $0x1, v0  }
0x1e1: {  	v0 =	vld [tilespmem:s0+$0xE438];
	_ =	sdelay $0x2  }
0x1e2: {  	s31 =	sshll.u32 s6, $0xA  }
0x1e3: {  	s2 =	sshra.s32 s31, $0x2  }
0x1e4: {  	[tilespmem:s2+$0xE438] =	vst v0  }
0x1e5: {  	v0 =	vld [tilespmem:s0+$0xE448];
	_ =	sdelay $0x4  }
0x1e6: {  	[tilespmem:s2+$0xE448] =	vst v0  }
0x1e7: {  	v0 =	vld [tilespmem:s0+$0xE458];
	_ =	sdelay $0x4  }
0x1e8: {  	[tilespmem:s2+$0xE458] =	vst v0  }
0x1e9: {  	v0 =	vld [tilespmem:s0+$0xE468];
	_ =	sdelay $0x4  }
0x1ea: {  	[tilespmem:s2+$0xE468] =	vst v0  }
0x1eb: {  	v0 =	vld [tilespmem:s0+$0xE478];
	_ =	sdelay $0x4  }
0x1ec: {  	[tilespmem:s2+$0xE478] =	vst v0  }
0x1ed: {  	v0 =	vld [tilespmem:s0+$0xE488];
	_ =	sdelay $0x4  }
0x1ee: {  	[tilespmem:s2+$0xE488] =	vst v0  }
0x1ef: {  	v0 =	vld [tilespmem:s0+$0xE498];
	_ =	sdelay $0x4  }
0x1f0: {  	[tilespmem:s2+$0xE498] =	vst v0  }
0x1f1: {  	v0 =	vld [tilespmem:s0+$0xE4A8];
	_ =	sdelay $0x4  }
0x1f2: {  	[tilespmem:s2+$0xE4A8] =	vst v0  }
0x1f3: {  	v0 =	vld [tilespmem:s0+$0xE4B8];
	_ =	sdelay $0x4  }
0x1f4: {  	[tilespmem:s2+$0xE4B8] =	vst v0  }
0x1f5: {  	v0 =	vld [tilespmem:s0+$0xE4C8];
	_ =	sdelay $0x4  }
0x1f6: {  	[tilespmem:s2+$0xE4C8] =	vst v0  }
0x1f7: {  	v0 =	vld [tilespmem:s0+$0xE4D8];
	_ =	sdelay $0x4  }
0x1f8: {  	[tilespmem:s2+$0xE4D8] =	vst v0  }
0x1f9: {  	v0 =	vld [tilespmem:s0+$0xE4E8];
	_ =	sdelay $0x4  }
0x1fa: {  	[tilespmem:s2+$0xE4E8] =	vst v0  }
0x1fb: {  	v0 =	vld [tilespmem:s0+$0xE4F8];
	_ =	sdelay $0x4  }
0x1fc: {  	[tilespmem:s2+$0xE4F8] =	vst v0  }
0x1fd: {  	v0 =	vld [tilespmem:s0+$0xE508];
	_ =	sdelay $0x4  }
0x1fe: {  	[tilespmem:s2+$0xE508] =	vst v0  }
0x1ff: {  	v0 =	vld [tilespmem:s0+$0xE518];
	_ =	sdelay $0x4  }
0x200: {  	[tilespmem:s2+$0xE518] =	vst v0  }
0x201: {  	v0 =	vld [tilespmem:s0+$0xE528];
	_ =	sdelay $0x4  }
0x202: {  	s6 =	sadd.s32 $0x1, s6;
	[tilespmem:s2+$0xE528] =	vst v0  }
.LBB2_39:
0x203: {  	s12 =	sadd.s32 $0x1, s12  }
0x204: {  	p1 =	sne.s32 s12, $0x20  }
.Ltmp26:
0x205: {  	_ = 	snop;
	(pc) =	sbr.rel @!p1 .LBB2_40-.Ltmp26, $1  }
0x206: {  	_ =	sdelay $0x3  }
.LBB2_32:
0x207: {  	v0 =	vld.msk [tilespmem:s12+$0xE418], $0x1;
	_ =	sdelay $0x4  }
0x208: {  	(v2sf) =	vpush v0, $0x0;
	_ =	sdelay $0xe  }
0x209: {  	s0 =	spop (v2sf)  }
0x20a: {  	p1 =	seq.s32 s0, $0xFFFFFFFF  }
.Ltmp27:
0x20b: {  	_ = 	snop;
	(pc) =	sbr.rel @p1 .LBB2_39-.Ltmp27, $1  }
0x20c: {  	_ =	sdelay $0x3  }
0x20d: {  	p1 =	slt.s32 s6, $0x1  }
.Ltmp28:
0x20e: {  	_ = 	snop;
	(pc) =	sbr.rel @p1 .LBB2_38-.Ltmp28, $1  }
0x20f: {  	_ =	sdelay $0x3  }
0x210: {  	s4 =	simm.s32 $0xE418;
	p1 =	por $0x0, $0x0  }
0x211: {  	v1 =	vld.msk @!p1 [tilespmem:s4+$0x0], $0x1;
	_ =	sdelay $0x4  }
0x212: {  	(v2sf) =	vpush @!p1 v1, $0x0;
	_ =	sdelay $0xd  }
0x213: {  	p3 =	sne.s32 s6, $0x1  }
.Ltmp29:
0x214: {  	s2 =	spop @!p1 (v2sf);
	(pc) =	sbr.rel @!p3 .LBB2_36-.Ltmp29, $4  }
0x215: {  	p2 =	seq.s32 @!p1 s0, s2  }
0x216: {  	s5 =	simm.s32 $0x0;
	p2 =	por !p2, p1  }
0x217: {  	s2 =	simm.s32 $0xFFFFFFFF;
	s5 =	simm.s32 @p2 $0xFFFFFFFF  }
0x218: {  	s13 =	simm.s32 $0x1;
	s5 =	smov.u32 @p1 s2  }
.LBB2_35:
0x219: {  	s2 =	smov.u32 s5;
	p1 =	sne.s32 s5, $0xFFFFFFFF  }
0x21a: {  	s4 =	sadd.s32 $0x1, s4;
	s5 =	smov.u32 s13;
	s13 =	sadd.s32 $0x1, s13  }
0x21b: {  	p2 =	sne.s32 s6, s13;
	v1 =	vld.msk @!p1 [tilespmem:s4+$0x0], $0x1;
	_ =	sdelay $0x4  }
0x21c: {  	(v2sf) =	vpush @!p1 v1, $0x0;
	_ =	sdelay $0xe  }
.Ltmp30:
0x21d: {  	s3 =	spop @!p1 (v2sf);
	(pc) =	sbr.rel @p2 .LBB2_35-.Ltmp30, $4  }
0x21e: {  	p3 =	seq.s32 @!p1 s0, s3  }
0x21f: {  	p3 =	por !p3, p1  }
0x220: {  	s5 =	simm.s32 @p3 $0xFFFFFFFF  }
0x221: {  	s5 =	smov.u32 @p1 s2  }
.LBB2_36:
0x222: {  	p1 =	seq.s32 s5, $0xFFFFFFFF  }
.Ltmp31:
0x223: {  	_ = 	snop;
	(pc) =	sbr.rel @p1 .LBB2_38-.Ltmp31, $1  }
0x224: {  	_ =	sdelay $0x3  }
0x225: {  	s0 =	sshll.u32 s12, $0x8  }
0x226: {  	s0 =	sand.u32 $0x3FFFFF00, s0  }
0x227: {  	v0 =	vld [tilespmem:s0+$0xE438];
	_ =	sdelay $0x2  }
0x228: {  	s2 =	sshll.u32 s5, $0xA  }
0x229: {  	s2 =	sshra.s32 s2, $0x2  }
0x22a: {  	[tilespmem:s2+$0xE438] =	vst.add.f32.msk $0xffff, v0  }
0x22b: {  	v0 =	vld [tilespmem:s0+$0xE448];
	_ =	sdelay $0x4  }
0x22c: {  	[tilespmem:s2+$0xE448] =	vst.add.f32.msk $0xffff, v0  }
0x22d: {  	v0 =	vld [tilespmem:s0+$0xE458];
	_ =	sdelay $0x4  }
0x22e: {  	[tilespmem:s2+$0xE458] =	vst.add.f32.msk $0xffff, v0  }
0x22f: {  	v0 =	vld [tilespmem:s0+$0xE468];
	_ =	sdelay $0x4  }
0x230: {  	[tilespmem:s2+$0xE468] =	vst.add.f32.msk $0xffff, v0  }
0x231: {  	v0 =	vld [tilespmem:s0+$0xE478];
	_ =	sdelay $0x4  }
0x232: {  	[tilespmem:s2+$0xE478] =	vst.add.f32.msk $0xffff, v0  }
0x233: {  	v0 =	vld [tilespmem:s0+$0xE488];
	_ =	sdelay $0x4  }
0x234: {  	[tilespmem:s2+$0xE488] =	vst.add.f32.msk $0xffff, v0  }
0x235: {  	v0 =	vld [tilespmem:s0+$0xE498];
	_ =	sdelay $0x4  }
0x236: {  	[tilespmem:s2+$0xE498] =	vst.add.f32.msk $0xffff, v0  }
0x237: {  	v0 =	vld [tilespmem:s0+$0xE4A8];
	_ =	sdelay $0x4  }
0x238: {  	[tilespmem:s2+$0xE4A8] =	vst.add.f32.msk $0xffff, v0  }
0x239: {  	v0 =	vld [tilespmem:s0+$0xE4B8];
	_ =	sdelay $0x4  }
0x23a: {  	[tilespmem:s2+$0xE4B8] =	vst.add.f32.msk $0xffff, v0  }
0x23b: {  	v0 =	vld [tilespmem:s0+$0xE4C8];
	_ =	sdelay $0x4  }
0x23c: {  	[tilespmem:s2+$0xE4C8] =	vst.add.f32.msk $0xffff, v0  }
0x23d: {  	v0 =	vld [tilespmem:s0+$0xE4D8];
	_ =	sdelay $0x4  }
0x23e: {  	[tilespmem:s2+$0xE4D8] =	vst.add.f32.msk $0xffff, v0  }
0x23f: {  	v0 =	vld [tilespmem:s0+$0xE4E8];
	_ =	sdelay $0x4  }
0x240: {  	[tilespmem:s2+$0xE4E8] =	vst.add.f32.msk $0xffff, v0  }
0x241: {  	v0 =	vld [tilespmem:s0+$0xE4F8];
	_ =	sdelay $0x4  }
0x242: {  	[tilespmem:s2+$0xE4F8] =	vst.add.f32.msk $0xffff, v0  }
0x243: {  	v0 =	vld [tilespmem:s0+$0xE508];
	_ =	sdelay $0x4  }
0x244: {  	[tilespmem:s2+$0xE508] =	vst.add.f32.msk $0xffff, v0  }
0x245: {  	v0 =	vld [tilespmem:s0+$0xE518];
	_ =	sdelay $0x4  }
0x246: {  	[tilespmem:s2+$0xE518] =	vst.add.f32.msk $0xffff, v0  }
0x247: {  	v0 =	vld [tilespmem:s0+$0xE528]  }
.Ltmp32:
0x248: {  	_ = 	snop;
	(pc) =	sbr.rel .LBB2_39-.Ltmp32, $2  }
0x249: {  	_ =	sdelay $0x2  }
0x24a: {  	[tilespmem:s2+$0xE528] =	vst.add.f32.msk $0xffff, v0  }
.LBB2_40:
0x24b: {  	s0 =	simm.s32 $0x6;
	p1 =	seq.s32 s6, $0x0  }
0x24c: {  	[sflag:s0] =	ssyncpa.u1 $0x1;
	v0 =	vimm.s32 @p1 $0xFFFFFFFF  }
0x24d: {  	s0 =	sadd.s32 $0xFFFFFFFF, s6;
	[tilespmem:$0x10438] =	vst @p1 v0  }
0x24e: {  	v0 =	vld.msk @!p1 [tilespmem:s0+$0xE418], $0x1;
	_ =	sdelay $0x1  }
0x24f: {  	v1 =	vld.msk @!p1 [tilespmem:$0xE418], $0x1;
	_ =	sdelay $0x2  }
0x250: {  	p2 =	seq.s32 @!p1 s0, $0x0;
	v0 =	vbroadcast @!p1 v0, $0x0  }
0x251: {  	vm0 =	vmmov @!p1 $0x1;
	p2 =	por !p2, p1  }
0x252: {  	v1 =	vnsel @!p1 vm0, $0xFFFFFFFF, v1;
	vm0 =	vcmask @!p1 $0x308;
	v0 =	vpsel !p2, $0xFFFFFFFF, v0  }
0x253: {  	p2 =	sne.s32 @!p1 s8, s7;
	v0 =	vsel @!p1 vm0, v1, v0  }
0x254: {  	s2 =	simm.s32 @!p1 $0xE438;
	s3 =	simm.s32 @!p1 $0x0;
	p3 =	por !p2, p1;
	[tilespmem:$0x10438] =	vst @!p1 v0  }
0x255: {  	[spmem:s3] =	stream.linear.scatter @!p1 [tilespmem:s2], [sflag:$0x1], $0x100, $0x38;
	[tilespmem:$0x1E678] =	vst v63  }
0x256: {  	s2 =	sshll.u32 @!p3 s0, $0xA  }
0x257: {  	s2 =	sshra.s32 @!p3 s2, $0x2  }
0x258: {  	s3 =	simm.s32 @!p3 $0x100;
	s2 =	sadd.s32 @!p3 $0xE438, s2  }
0x259: {  	[spmem:s3] =	stream.linear.scatter @!p3 [tilespmem:s2], [sflag:$0x1], $0x100, $0x38;
	[tilespmem:$0x1E678] =	vst v63  }
0x25a: {  	s2 =	simm.s32 @!p3 $0x1  }
0x25b: {  	_ =	swait.ge @!p3 [sflag:s2], $0x200  }
0x25c: {  	p1 =	por p2, p1;
	[sflag:s2] =	ssyncset.done @!p3 $0x0  }
0x25d: {  	[sflag:s2] =	ssyncadd.s32 @!p3 $0xFFFFFE00;
	s2 =	simm.s32 @!p1 $0x1  }
0x25e: {  	_ =	swait.ge @!p1 [sflag:s2], $0x100  }
0x25f: {  	s29 =	simm.s32 $0x10438;
	[sflag:s2] =	ssyncset.done @!p1 $0x0  }
0x260: {  	s30 =	simm.s32 $0x2000;
	s31 =	simm.s32 $0x1;
	[sflag:s2] =	ssyncadd.s32 @!p1 $0xFFFFFF00  }
0x261: {  	[spmem:s30] =	stream.linear.scatter [tilespmem:s29], [sflag:$0x1], $0x10, $0x38;
	[tilespmem:$0x1E678] =	vst v63  }
0x262: {  	_ =	swait.ge [sflag:s31], $0x10  }
0x263: {  	[sflag:s31] =	ssyncset.done $0x0  }
0x264: {  	p1 =	seq.s32 s14, $0x0;
	s9 =	rddreg [dreg:$0x4];
	[sflag:s31] =	ssyncadd.s32 $0xFFFFFFF0  }
0x265: {  	s3 =	sshll.u32 @p1 s9, $0xE;
	s8 =	rddreg [dreg:$0x5]  }
0x266: {  	s2 =	sadd.s32 @p1 $0x15C3C, s3;
	s3 =	sshll.u32 @p1 s8, $0x11  }
0x267: {  	_ =	sfence.stream.spmem;
	s2 =	sor.u32 @p1 s3, s2  }
0x268: {  	[sflag:s2] =	ssyncadd.remote.s32 @p1 $0x1;
	s2 =	simm.s32 @p1 $0x4  }
0x269: {  	s4 =	simm.s32 @!p1 $0x3C;
	s3 =	sand.u32 $0xFFFFFFFE, s9;
	_ =	swait.ge @p1 [sflag:s2], $0x42  }
0x26a: {  	s5 =	simm.s32 @!p1 $0x0;
	s3 =	sadd.s32 @!p1 $0x4, s3;
	[sflag:s2] =	ssyncset.done @p1 $0x0  }
0x26b: {  	s7 =	simm.s32 @!p1 $0x200;
	[sflag:s2] =	ssyncadd.s32 @p1 $0xFFFFFFBE;
	s2 =	sshll.u32 @!p1 s3, $0x1A  }
0x26c: {  	s3 =	sshll.u32 @!p1 s3, $0xD;
	s2 =	sor.u32 @!p1 s2, s8;
	_ =	swait.eq @!p1 [sflag:s4], $0x1  }
0x26d: {  	s3 =	sor.u32 @!p1 $0x1C04, s3;
	s4 =	simm.s32 @!p1 $0x1C03;
	s2 =	sor.u32 @!p1 $0x80004000, s2  }
0x26e: {  	[spmem:s7], [sflag:s3] =	dma.general @!p1 [spmem:s5], [sflag:s4], length:$0x40, [dreg:$0x0], stride_count:$0x0, ici_dest:s2, dma_misc:DstOpCode:WRITE  }
0x26f: {  	p2 =	slt.s32 s0, $0x2;
	s5 =	simm.s32 @!p1 $0x400;
	s7 =	simm.s32 @!p1 $0x402  }
0x270: {  	[spmem:s7], [sflag:s3] =	dma.general @!p1 [spmem:s5], [sflag:s4], length:$0x2, [dreg:$0x0], stride_count:$0x0, ici_dest:s2, dma_misc:DstOpCode:WRITE  }
.Ltmp33:
0x271: {  	s2 =	simm.s32 @!p1 $0x3;
	(pc) =	sbr.rel @p2 .LBB2_44-.Ltmp33, $4  }
0x272: {  	s3 =	sshll.u32 @!p1 s9, $0xE;
	_ =	swait.ge @!p1 [sflag:s2], $0x42  }
0x273: {  	s4 =	sshll.u32 @!p1 s8, $0x11;
	s3 =	sadd.s32 @!p1 $0x11C3C, s3;
	[sflag:s2] =	ssyncset.done @!p1 $0x0  }
0x274: {  	[sflag:s2] =	ssyncadd.s32 @!p1 $0xFFFFFFBE;
	s2 =	sor.u32 @!p1 s4, s3  }
0x275: {  	s0 =	simm.s32 $0x0;
	[sflag:s2] =	ssyncadd.remote.s32 @!p1 $0xFFFFFFFF  }
0x276: {  	s0 =	simm.s32 $0xE419  }
0x277: {  	v0 =	vld.msk [tilespmem:s0+$0x0], $0x1;
	_ =	sdelay $0x4  }
0x278: {  	(v2sf) =	vpush v0, $0x0;
	_ =	sdelay $0xd  }
0x279: {  	s31 =	sadd.s32 $0xFFFFFFFE, s6  }
0x27a: {  	s6 =	simm.s32 $0x0;
	s0 =	sadd.s32 $0xFFFFFFFF, s31;
	s2 =	spop (v2sf)  }
0x27b: {  	s3 =	simm.s32 $0xE538;
	p1 =	sne.s32 s0, $0x0;
	p2 =	sgt.u32 s2, $0x4E170  }
.Ltmp34:
0x27c: {  	s4 =	simm.s32 $0xE638;
	s5 =	sand.u32 @!p2 $0x7FFF8, s2;
	(pc) =	sbr.rel @!p1 .LBB2_43-.Ltmp34, $4  }
0x27d: {  	s7 =	sadd.s32 @!p2 $0x80, s2;
	s2 =	sand.u32 @!p2 $0x7, s2;
	s6 =	simm.s32 @!p2 $0x400  }
0x27e: {  	s5 =	sadd.s32 @!p2 s1, s5;
	s7 =	sand.u32 @!p2 $0xFFFF8, s7;
	s6 =	sadd.s32 $0x0, s6  }
0x27f: {  	[hbm4b:s5+s2] =	stream.linear.scatter @!p2 [tilespmem:s3], [sflag:$0x5], $0x80, $0x38;
	[tilespmem:$0x1E678] =	vst v63  }
0x280: {  	s5 =	simm.s32 $0xE41A;
	s3 =	simm.s32 @!p2 $0xE5B8;
	s7 =	sadd.s32 @!p2 s1, s7  }
.LBB2_42:
0x281: {  	[hbm4b:s7+s2] =	stream.linear.scatter @!p2 [tilespmem:s3], [sflag:$0x5], $0x80, $0x38;
	[tilespmem:$0x1E678] =	vst v63  }
0x282: {  	s0 =	sadd.s32 $0xFFFFFFFF, s0;
	s3 =	smov.u32 s4;
	v0 =	vld.msk [tilespmem:s5+$0x0], $0x1  }
0x283: {  	p1 =	sne.s32 s0, $0x0;
	_ =	sdelay $0x3  }
0x284: {  	(v2sf) =	vpush v0, $0x0;
	_ =	sdelay $0xe  }
0x285: {  	s4 =	sadd.s32 $0x100, s4;
	s8 =	simm.s32 $0x0;
	s2 =	spop (v2sf)  }
.Ltmp35:
0x286: {  	s5 =	sadd.s32 $0x1, s5;
	p2 =	sgt.u32 s2, $0x4E170;
	(pc) =	sbr.rel @p1 .LBB2_42-.Ltmp35, $4  }
0x287: {  	s8 =	simm.s32 @!p2 $0x400;
	s7 =	sand.u32 @!p2 $0x7FFF8, s2;
	s9 =	sadd.s32 @!p2 $0x80, s2  }
0x288: {  	s2 =	sand.u32 @!p2 $0x7, s2;
	s7 =	sadd.s32 @!p2 s1, s7;
	s9 =	sand.u32 @!p2 $0xFFFF8, s9  }
0x289: {  	[hbm4b:s7+s2] =	stream.linear.scatter @!p2 [tilespmem:s3], [sflag:$0x5], $0x80, $0x38;
	[tilespmem:$0x1E678] =	vst v63  }
0x28a: {  	s6 =	sadd.s32 s6, s8;
	s3 =	sadd.s32 @!p2 $0x80, s3;
	s7 =	sadd.s32 @!p2 s1, s9  }
.LBB2_43:
0x28b: {  	[hbm4b:s7+s2] =	stream.linear.scatter @!p2 [tilespmem:s3], [sflag:$0x5], $0x80, $0x38;
	[tilespmem:$0x1E678] =	vst v63  }
0x28c: {  	s0 =	sshrl.u32 s6, $0x2  }
.LBB2_44:
0x28d: {  	s2 =	simm.s32 $0x5  }
0x28e: {  	_ =	swait.ge [sflag:s2], s0  }
0x28f: {  	s31 =	ssub.s32 $0x0, s0;
	[sflag:s2] =	ssyncset.done $0x0  }
0x290: {  	[sflag:s2] =	ssyncadd.s32 s31  }
0x291: {  	[sflag:s2] =	ssyncpa.u1 $0x1  }
.LBB2_45:
0x292: {  	s0 =	sor.u32 s14, s15  }
0x293: {  	p1 =	sne.s32 s0, $0x0  }
.Ltmp36:
0x294: {  	_ = 	snop;
	(pc) =	sbr.rel @p1 .LBB2_60-.Ltmp36, $3  }
0x295: {  	_ =	sdelay $0x1  }
0x296: {  	[bflag:$0x0] =	sbarrier.arrive $0xFFFF  }
0x297: {  	_ =	sfence  }
0x298: {  	s0 =	simm.s32 $0x7  }
0x299: {  	s2 =	simm.s32 $0x2000;
	s3 =	simm.s32 $0xE418;
	[sflag:s0] =	ssyncpa.u1 $0x0  }
0x29a: {  	[tilespmem:s3], [sflag:$0x7] =	stream.linear.gather [spmem:s2], $0x20, $0x38;
	[tilespmem:$0x1E678] =	vst v63  }
0x29b: {  	s30 =	simm.s32 $0xE438;
	s2 =	simm.s32 $0x0  }
0x29c: {  	[tilespmem:s30], [sflag:$0x7] =	stream.linear.gather [spmem:s2], $0x2000, $0x38;
	[tilespmem:$0x1E678] =	vst v63  }
.Ltmp37:
0x29d: {  	_ = 	snop;
	(pc) =	sbr.rel .LBB2_47-.Ltmp37, $4  }
0x29e: {  	_ =	swait.ge [sflag:s0], $0x2020  }
0x29f: {  	[sflag:s0] =	ssyncset.done $0x0  }
0x2a0: {  	s31 =	simm.s32 $0x8;
	[sflag:s0] =	ssyncadd.s32 $0xFFFFDFE0  }
0x2a1: {  	s3 =	simm.s32 $0x0;
	[sflag:s31] =	ssyncpa.u1 $0x0  }
.LBB2_53:
0x2a2: {  	p1 =	slt.u32 s0, $0x4E171  }
0x2a3: {  	s4 =	sand.u32 @p1 $0x7FFF8, s0;
	s5 =	sand.u32 @p1 $0x7, s0;
	s0 =	sadd.s32 @p1 $0x80, s0  }
0x2a4: {  	s6 =	simm.s32 @p1 $0xE308;
	s4 =	sadd.s32 @p1 s1, s4;
	s0 =	sand.u32 @p1 $0xFFFF8, s0  }
0x2a5: {  	[tilespmem:s6], [sflag:$0x8] =	stream.linear.gather @p1 [hbm4b:s4+s5], $0x80, $0x38;
	[tilespmem:$0x1E678] =	vst v63  }
0x2a6: {  	s0 =	sadd.s32 @p1 s1, s0;
	s4 =	simm.s32 @p1 $0xE388  }
0x2a7: {  	[tilespmem:s4], [sflag:$0x8] =	stream.linear.gather @p1 [hbm4b:s0+s5], $0x80, $0x38;
	[tilespmem:$0x1E678] =	vst v63  }
0x2a8: {  	s0 =	simm.s32 @p1 $0x8  }
0x2a9: {  	_ =	swait.ge @p1 [sflag:s0], $0x100  }
0x2aa: {  	[sflag:s0] =	ssyncset.done @p1 $0x0  }
0x2ab: {  	[sflag:s0] =	ssyncadd.s32 @p1 $0xFFFFFF00  }
0x2ac: {  	v1 =	vld @p1 [tilespmem:$0xE308];
	_ =	sdelay $0x2  }
0x2ad: {  	s0 =	sshll.u32 @p1 s3, $0xA  }
0x2ae: {  	s4 =	sshrl.u32 @p1 s0, $0x2  }
0x2af: {  	[tilespmem:s4+$0xE438] =	vst.add.f32.msk @p1 $0xffff, v1  }
0x2b0: {  	v1 =	vld @p1 [tilespmem:$0xE318];
	_ =	sdelay $0x4  }
0x2b1: {  	[tilespmem:s4+$0xE448] =	vst.add.f32.msk @p1 $0xffff, v1  }
0x2b2: {  	v1 =	vld @p1 [tilespmem:$0xE328];
	_ =	sdelay $0x4  }
0x2b3: {  	[tilespmem:s4+$0xE458] =	vst.add.f32.msk @p1 $0xffff, v1  }
0x2b4: {  	v1 =	vld @p1 [tilespmem:$0xE338];
	_ =	sdelay $0x4  }
0x2b5: {  	[tilespmem:s4+$0xE468] =	vst.add.f32.msk @p1 $0xffff, v1  }
0x2b6: {  	v1 =	vld @p1 [tilespmem:$0xE348];
	_ =	sdelay $0x4  }
0x2b7: {  	[tilespmem:s4+$0xE478] =	vst.add.f32.msk @p1 $0xffff, v1  }
0x2b8: {  	v1 =	vld @p1 [tilespmem:$0xE358];
	_ =	sdelay $0x4  }
0x2b9: {  	[tilespmem:s4+$0xE488] =	vst.add.f32.msk @p1 $0xffff, v1  }
0x2ba: {  	v1 =	vld @p1 [tilespmem:$0xE368];
	_ =	sdelay $0x4  }
0x2bb: {  	[tilespmem:s4+$0xE498] =	vst.add.f32.msk @p1 $0xffff, v1  }
0x2bc: {  	v1 =	vld @p1 [tilespmem:$0xE378];
	_ =	sdelay $0x4  }
0x2bd: {  	[tilespmem:s4+$0xE4A8] =	vst.add.f32.msk @p1 $0xffff, v1  }
0x2be: {  	v1 =	vld @p1 [tilespmem:$0xE388];
	_ =	sdelay $0x4  }
0x2bf: {  	[tilespmem:s4+$0xE4B8] =	vst.add.f32.msk @p1 $0xffff, v1  }
0x2c0: {  	v1 =	vld @p1 [tilespmem:$0xE398];
	_ =	sdelay $0x4  }
0x2c1: {  	[tilespmem:s4+$0xE4C8] =	vst.add.f32.msk @p1 $0xffff, v1  }
0x2c2: {  	v1 =	vld @p1 [tilespmem:$0xE3A8];
	_ =	sdelay $0x4  }
0x2c3: {  	[tilespmem:s4+$0xE4D8] =	vst.add.f32.msk @p1 $0xffff, v1  }
0x2c4: {  	v1 =	vld @p1 [tilespmem:$0xE3B8];
	_ =	sdelay $0x4  }
0x2c5: {  	[tilespmem:s4+$0xE4E8] =	vst.add.f32.msk @p1 $0xffff, v1  }
0x2c6: {  	v1 =	vld @p1 [tilespmem:$0xE3C8];
	_ =	sdelay $0x4  }
0x2c7: {  	[tilespmem:s4+$0xE4F8] =	vst.add.f32.msk @p1 $0xffff, v1  }
0x2c8: {  	v1 =	vld @p1 [tilespmem:$0xE3D8];
	_ =	sdelay $0x4  }
0x2c9: {  	[tilespmem:s4+$0xE508] =	vst.add.f32.msk @p1 $0xffff, v1  }
0x2ca: {  	v1 =	vld @p1 [tilespmem:$0xE3E8];
	_ =	sdelay $0x4  }
0x2cb: {  	[tilespmem:s4+$0xE518] =	vst.add.f32.msk @p1 $0xffff, v1  }
0x2cc: {  	v1 =	vld @p1 [tilespmem:$0xE3F8];
	_ =	sdelay $0x3  }
0x2cd: {  	s5 =	sshll.u32 @!p1 s3, $0xA  }
0x2ce: {  	s5 =	smov.u32 @p1 s0;
	[tilespmem:s4+$0xE528] =	vst.add.f32.msk @p1 $0xffff, v1  }
0x2cf: {  	s0 =	sshrl.u32 s5, $0x2;
	[tilespmem:s2+$0xE418] =	vst.msk $0x1, v0  }
0x2d0: {  	v0 =	vld [tilespmem:s0+$0xE438];
	_ =	sdelay $0x2  }
0x2d1: {  	s31 =	sshll.u32 s2, $0xA  }
0x2d2: {  	s4 =	sshra.s32 s31, $0x2  }
0x2d3: {  	[tilespmem:s4+$0xE438] =	vst v0  }
0x2d4: {  	v0 =	vld [tilespmem:s0+$0xE448];
	_ =	sdelay $0x4  }
0x2d5: {  	[tilespmem:s4+$0xE448] =	vst v0  }
0x2d6: {  	v0 =	vld [tilespmem:s0+$0xE458];
	_ =	sdelay $0x4  }
0x2d7: {  	[tilespmem:s4+$0xE458] =	vst v0  }
0x2d8: {  	v0 =	vld [tilespmem:s0+$0xE468];
	_ =	sdelay $0x4  }
0x2d9: {  	[tilespmem:s4+$0xE468] =	vst v0  }
0x2da: {  	v0 =	vld [tilespmem:s0+$0xE478];
	_ =	sdelay $0x4  }
0x2db: {  	[tilespmem:s4+$0xE478] =	vst v0  }
0x2dc: {  	v0 =	vld [tilespmem:s0+$0xE488];
	_ =	sdelay $0x4  }
0x2dd: {  	[tilespmem:s4+$0xE488] =	vst v0  }
0x2de: {  	v0 =	vld [tilespmem:s0+$0xE498];
	_ =	sdelay $0x4  }
0x2df: {  	[tilespmem:s4+$0xE498] =	vst v0  }
0x2e0: {  	v0 =	vld [tilespmem:s0+$0xE4A8];
	_ =	sdelay $0x4  }
0x2e1: {  	[tilespmem:s4+$0xE4A8] =	vst v0  }
0x2e2: {  	v0 =	vld [tilespmem:s0+$0xE4B8];
	_ =	sdelay $0x4  }
0x2e3: {  	[tilespmem:s4+$0xE4B8] =	vst v0  }
0x2e4: {  	v0 =	vld [tilespmem:s0+$0xE4C8];
	_ =	sdelay $0x4  }
0x2e5: {  	[tilespmem:s4+$0xE4C8] =	vst v0  }
0x2e6: {  	v0 =	vld [tilespmem:s0+$0xE4D8];
	_ =	sdelay $0x4  }
0x2e7: {  	[tilespmem:s4+$0xE4D8] =	vst v0  }
0x2e8: {  	v0 =	vld [tilespmem:s0+$0xE4E8];
	_ =	sdelay $0x4  }
0x2e9: {  	[tilespmem:s4+$0xE4E8] =	vst v0  }
0x2ea: {  	v0 =	vld [tilespmem:s0+$0xE4F8];
	_ =	sdelay $0x4  }
0x2eb: {  	[tilespmem:s4+$0xE4F8] =	vst v0  }
0x2ec: {  	v0 =	vld [tilespmem:s0+$0xE508];
	_ =	sdelay $0x4  }
0x2ed: {  	[tilespmem:s4+$0xE508] =	vst v0  }
0x2ee: {  	v0 =	vld [tilespmem:s0+$0xE518];
	_ =	sdelay $0x4  }
0x2ef: {  	[tilespmem:s4+$0xE518] =	vst v0  }
0x2f0: {  	v0 =	vld [tilespmem:s0+$0xE528];
	_ =	sdelay $0x4  }
0x2f1: {  	s2 =	sadd.s32 $0x1, s2;
	[tilespmem:s4+$0xE528] =	vst v0  }
.LBB2_54:
0x2f2: {  	s3 =	sadd.s32 $0x1, s3  }
0x2f3: {  	p1 =	sne.s32 s3, $0x20  }
.Ltmp38:
0x2f4: {  	_ = 	snop;
	(pc) =	sbr.rel @!p1 .LBB2_55-.Ltmp38, $1  }
0x2f5: {  	_ =	sdelay $0x3  }
.LBB2_47:
0x2f6: {  	v0 =	vld.msk [tilespmem:s3+$0xE418], $0x1;
	_ =	sdelay $0x4  }
0x2f7: {  	(v2sf) =	vpush v0, $0x0;
	_ =	sdelay $0xe  }
0x2f8: {  	s0 =	spop (v2sf)  }
0x2f9: {  	p1 =	seq.s32 s0, $0xFFFFFFFF  }
.Ltmp39:
0x2fa: {  	_ = 	snop;
	(pc) =	sbr.rel @p1 .LBB2_54-.Ltmp39, $1  }
0x2fb: {  	_ =	sdelay $0x3  }
0x2fc: {  	p1 =	slt.s32 s2, $0x1  }
.Ltmp40:
0x2fd: {  	_ = 	snop;
	(pc) =	sbr.rel @p1 .LBB2_53-.Ltmp40, $1  }
0x2fe: {  	_ =	sdelay $0x3  }
0x2ff: {  	s4 =	simm.s32 $0xE418;
	p1 =	por $0x0, $0x0  }
0x300: {  	v1 =	vld.msk @!p1 [tilespmem:s4+$0x0], $0x1;
	_ =	sdelay $0x4  }
0x301: {  	(v2sf) =	vpush @!p1 v1, $0x0;
	_ =	sdelay $0xd  }
0x302: {  	p3 =	sne.s32 s2, $0x1  }
.Ltmp41:
0x303: {  	s5 =	spop @!p1 (v2sf);
	(pc) =	sbr.rel @!p3 .LBB2_51-.Ltmp41, $4  }
0x304: {  	p2 =	seq.s32 @!p1 s0, s5  }
0x305: {  	s5 =	simm.s32 $0x0;
	p2 =	por !p2, p1  }
0x306: {  	s7 =	simm.s32 $0xFFFFFFFF;
	s5 =	simm.s32 @p2 $0xFFFFFFFF  }
0x307: {  	s6 =	simm.s32 $0x1;
	s5 =	smov.u32 @p1 s7  }
.LBB2_50:
0x308: {  	s7 =	smov.u32 s5;
	p1 =	sne.s32 s5, $0xFFFFFFFF  }
0x309: {  	s4 =	sadd.s32 $0x1, s4;
	s5 =	smov.u32 s6;
	s6 =	sadd.s32 $0x1, s6  }
0x30a: {  	p2 =	sne.s32 s2, s6;
	v1 =	vld.msk @!p1 [tilespmem:s4+$0x0], $0x1;
	_ =	sdelay $0x4  }
0x30b: {  	(v2sf) =	vpush @!p1 v1, $0x0;
	_ =	sdelay $0xe  }
.Ltmp42:
0x30c: {  	s8 =	spop @!p1 (v2sf);
	(pc) =	sbr.rel @p2 .LBB2_50-.Ltmp42, $4  }
0x30d: {  	p3 =	seq.s32 @!p1 s0, s8  }
0x30e: {  	p3 =	por !p3, p1  }
0x30f: {  	s5 =	simm.s32 @p3 $0xFFFFFFFF  }
0x310: {  	s5 =	smov.u32 @p1 s7  }
.LBB2_51:
0x311: {  	p1 =	seq.s32 s5, $0xFFFFFFFF  }
.Ltmp43:
0x312: {  	_ = 	snop;
	(pc) =	sbr.rel @p1 .LBB2_53-.Ltmp43, $1  }
0x313: {  	_ =	sdelay $0x3  }
0x314: {  	s0 =	sshll.u32 s3, $0x8  }
0x315: {  	s0 =	sand.u32 $0x3FFFFF00, s0  }
0x316: {  	v0 =	vld [tilespmem:s0+$0xE438];
	_ =	sdelay $0x2  }
0x317: {  	s4 =	sshll.u32 s5, $0xA  }
0x318: {  	s4 =	sshra.s32 s4, $0x2  }
0x319: {  	[tilespmem:s4+$0xE438] =	vst.add.f32.msk $0xffff, v0  }
0x31a: {  	v0 =	vld [tilespmem:s0+$0xE448];
	_ =	sdelay $0x4  }
0x31b: {  	[tilespmem:s4+$0xE448] =	vst.add.f32.msk $0xffff, v0  }
0x31c: {  	v0 =	vld [tilespmem:s0+$0xE458];
	_ =	sdelay $0x4  }
0x31d: {  	[tilespmem:s4+$0xE458] =	vst.add.f32.msk $0xffff, v0  }
0x31e: {  	v0 =	vld [tilespmem:s0+$0xE468];
	_ =	sdelay $0x4  }
0x31f: {  	[tilespmem:s4+$0xE468] =	vst.add.f32.msk $0xffff, v0  }
0x320: {  	v0 =	vld [tilespmem:s0+$0xE478];
	_ =	sdelay $0x4  }
0x321: {  	[tilespmem:s4+$0xE478] =	vst.add.f32.msk $0xffff, v0  }
0x322: {  	v0 =	vld [tilespmem:s0+$0xE488];
	_ =	sdelay $0x4  }
0x323: {  	[tilespmem:s4+$0xE488] =	vst.add.f32.msk $0xffff, v0  }
0x324: {  	v0 =	vld [tilespmem:s0+$0xE498];
	_ =	sdelay $0x4  }
0x325: {  	[tilespmem:s4+$0xE498] =	vst.add.f32.msk $0xffff, v0  }
0x326: {  	v0 =	vld [tilespmem:s0+$0xE4A8];
	_ =	sdelay $0x4  }
0x327: {  	[tilespmem:s4+$0xE4A8] =	vst.add.f32.msk $0xffff, v0  }
0x328: {  	v0 =	vld [tilespmem:s0+$0xE4B8];
	_ =	sdelay $0x4  }
0x329: {  	[tilespmem:s4+$0xE4B8] =	vst.add.f32.msk $0xffff, v0  }
0x32a: {  	v0 =	vld [tilespmem:s0+$0xE4C8];
	_ =	sdelay $0x4  }
0x32b: {  	[tilespmem:s4+$0xE4C8] =	vst.add.f32.msk $0xffff, v0  }
0x32c: {  	v0 =	vld [tilespmem:s0+$0xE4D8];
	_ =	sdelay $0x4  }
0x32d: {  	[tilespmem:s4+$0xE4D8] =	vst.add.f32.msk $0xffff, v0  }
0x32e: {  	v0 =	vld [tilespmem:s0+$0xE4E8];
	_ =	sdelay $0x4  }
0x32f: {  	[tilespmem:s4+$0xE4E8] =	vst.add.f32.msk $0xffff, v0  }
0x330: {  	v0 =	vld [tilespmem:s0+$0xE4F8];
	_ =	sdelay $0x4  }
0x331: {  	[tilespmem:s4+$0xE4F8] =	vst.add.f32.msk $0xffff, v0  }
0x332: {  	v0 =	vld [tilespmem:s0+$0xE508];
	_ =	sdelay $0x4  }
0x333: {  	[tilespmem:s4+$0xE508] =	vst.add.f32.msk $0xffff, v0  }
0x334: {  	v0 =	vld [tilespmem:s0+$0xE518];
	_ =	sdelay $0x4  }
0x335: {  	[tilespmem:s4+$0xE518] =	vst.add.f32.msk $0xffff, v0  }
0x336: {  	v0 =	vld [tilespmem:s0+$0xE528]  }
.Ltmp44:
0x337: {  	_ = 	snop;
	(pc) =	sbr.rel .LBB2_54-.Ltmp44, $2  }
0x338: {  	_ =	sdelay $0x2  }
0x339: {  	[tilespmem:s4+$0xE528] =	vst.add.f32.msk $0xffff, v0  }
.LBB2_55:
0x33a: {  	p1 =	slt.s32 s2, $0x1  }
.Ltmp45:
0x33b: {  	_ = 	snop;
	(pc) =	sbr.rel @p1 .LBB2_59-.Ltmp45, $3  }
0x33c: {  	_ =	sdelay $0x1  }
0x33d: {  	s0 =	simm.s32 $0x8  }
0x33e: {  	s4 =	simm.s32 $0x0;
	[sflag:s0] =	ssyncpa.u1 $0x1  }
0x33f: {  	s0 =	simm.s32 $0xE418  }
0x340: {  	v0 =	vld.msk [tilespmem:s0+$0x0], $0x1;
	_ =	sdelay $0x4  }
0x341: {  	(v2sf) =	vpush v0, $0x0;
	_ =	sdelay $0xe  }
0x342: {  	s0 =	sadd.s32 $0xFFFFFFFF, s2;
	s3 =	spop (v2sf)  }
0x343: {  	s6 =	simm.s32 $0xE438;
	p1 =	sne.s32 s0, $0x0;
	p2 =	sgt.u32 s3, $0x4E170  }
.Ltmp46:
0x344: {  	s2 =	simm.s32 $0xE538;
	s5 =	sand.u32 @!p2 $0x7FFF8, s3;
	(pc) =	sbr.rel @!p1 .LBB2_58-.Ltmp46, $4  }
0x345: {  	s7 =	sadd.s32 @!p2 $0x80, s3;
	s4 =	simm.s32 @!p2 $0x400;
	s8 =	sadd.s32 @!p2 s1, s5  }
0x346: {  	s5 =	sand.u32 @!p2 $0x7, s3;
	s3 =	simm.s32 $0xE419;
	s7 =	sand.u32 @!p2 $0xFFFF8, s7  }
0x347: {  	[hbm4b:s8+s5] =	stream.linear.scatter @!p2 [tilespmem:s6], [sflag:$0x7], $0x80, $0x38;
	[tilespmem:$0x1E678] =	vst v63  }
0x348: {  	s4 =	sadd.s32 $0x0, s4;
	s6 =	simm.s32 @!p2 $0xE4B8;
	s7 =	sadd.s32 @!p2 s1, s7  }
.LBB2_57:
0x349: {  	[hbm4b:s7+s5] =	stream.linear.scatter @!p2 [tilespmem:s6], [sflag:$0x7], $0x80, $0x38;
	[tilespmem:$0x1E678] =	vst v63  }
0x34a: {  	s0 =	sadd.s32 $0xFFFFFFFF, s0;
	s6 =	smov.u32 s2;
	v0 =	vld.msk [tilespmem:s3+$0x0], $0x1  }
0x34b: {  	p1 =	sne.s32 s0, $0x0;
	_ =	sdelay $0x3  }
0x34c: {  	(v2sf) =	vpush v0, $0x0;
	_ =	sdelay $0xe  }
0x34d: {  	s2 =	sadd.s32 $0x100, s2;
	s8 =	simm.s32 $0x0;
	s5 =	spop (v2sf)  }
.Ltmp47:
0x34e: {  	s3 =	sadd.s32 $0x1, s3;
	p2 =	sgt.u32 s5, $0x4E170;
	(pc) =	sbr.rel @p1 .LBB2_57-.Ltmp47, $4  }
0x34f: {  	s8 =	simm.s32 @!p2 $0x400;
	s7 =	sand.u32 @!p2 $0x7FFF8, s5;
	s9 =	sadd.s32 @!p2 $0x80, s5  }
0x350: {  	s5 =	sand.u32 @!p2 $0x7, s5;
	s7 =	sadd.s32 @!p2 s1, s7;
	s9 =	sand.u32 @!p2 $0xFFFF8, s9  }
0x351: {  	[hbm4b:s7+s5] =	stream.linear.scatter @!p2 [tilespmem:s6], [sflag:$0x7], $0x80, $0x38;
	[tilespmem:$0x1E678] =	vst v63  }
0x352: {  	s4 =	sadd.s32 s4, s8;
	s6 =	sadd.s32 @!p2 $0x80, s6;
	s7 =	sadd.s32 @!p2 s1, s9  }
.LBB2_58:
0x353: {  	[hbm4b:s7+s5] =	stream.linear.scatter @!p2 [tilespmem:s6], [sflag:$0x7], $0x80, $0x38;
	[tilespmem:$0x1E678] =	vst v63  }
0x354: {  	s4 =	sshrl.u32 s4, $0x2  }
.LBB2_59:
0x355: {  	s0 =	simm.s32 $0x7  }
0x356: {  	_ =	swait.ge [sflag:s0], s4  }
0x357: {  	s1 =	ssub.s32 $0x0, s4;
	[sflag:s0] =	ssyncset.done $0x0  }
0x358: {  	[sflag:s0] =	ssyncadd.s32 s1  }
0x359: {  	[sflag:s0] =	ssyncpa.u1 $0x1  }
.LBB2_60:
0x35a: {  	_ =	sfence;
	s0 =	simm.s32 $0x1  }
0x35b: {  	[sflag:s0] =	ssyncpa.u1 $0x1  }
0x35c: {  	_ =	strace $0x9000004A  }
0x35d: {  	[bflag:$0x2] =	sbarrier.arrive $0xFFFF  }
0x35e: {  	s0 =	rddreg [dreg:$0x6]  }
0x35f: {  	s0 =	sadd.s32 @!p0 $0x100000, s0  }
0x360: {  	[sflag:s0] =	ssyncadd.tile.s32 @!p0 $0x1;
	_ =	shalt  }
.Lfunc_end2:
_tile_overlayer_lowered:
.L_overlay_start_2:
0x361: {  	(tag) =	ssettag $0x2  }
0x362: {  	s0 =	rddreg [dreg:$0x0];
	s2 =	stileid.u32  }
0x363: {  	s1 =	rddreg [dreg:$0x1];
	p0 =	sne.s32 s2, $0x0  }
0x364: {  	s3 =	rddreg [dreg:$0x2];
	[bflag:$0x3] =	sbarrier.arrive $0xFFFF;
	s2 =	simm.s32 @!p0 $0x1C01  }
0x365: {  	[timem:s3], [sflag:s2] =	dma.local @!p0 [hbm:s0], s1  }
0x366: {  	s0 =	simm.s32 @!p0 $0x1  }
0x367: {  	_ =	swait.ge @!p0 [sflag:s0], s1  }
0x368: {  	s1 =	ssub.s32 @!p0 $0x0, s1;
	[sflag:s0] =	ssyncset.done @!p0 $0x0  }
0x369: {  	[sflag:s0] =	ssyncadd.s32 @!p0 s1  }
0x36a: {  	[bflag:$0x3] =	sbarrier.arrive $0xFFFF  }
0x36b: {  	_ =	shalt  }

// kernel: scatter_offload_async_start.2
scs
__scs_entry_jumppad:
0x0: {  	(pc) =	sbr.rel $0x88, $3  }
0x1: {  	(tag) =	ssettag $0x0;
	lr =	simm.s32 $0x1  }
0x2: {  	[smem:$0x3F93] =	sst lr;
	_ =	strace $0xD0000000  }
0x3: {  	_ = 	snop  }
0x4: {  	_ = 	snop  }
0x5: {  	_ = 	snop  }
0x6: {  	_ = 	snop  }
0x7: {  	_ = 	snop  }
__scs_overlays_trampoline_lowered:
0x8: {  	[smem:$0x3FA2] =	sst s0  }
0x9: {  	[smem:$0x3FA3] =	sst s1  }
0xa: {  	[smem:$0x3FA4] =	sst s2  }
0xb: {  	[smem:$0x3FA5] =	sst s3  }
0xc: {  	[smem:$0x3FA6] =	sst s4  }
0xd: {  	[smem:$0x3FA7] =	sst s5  }
0xe: {  	[smem:$0x3FA8] =	sst s6  }
0xf: {  	[smem:$0x3FA9] =	sst s7  }
0x10: {  	[smem:$0x3FAA] =	sst s8  }
0x11: {  	[smem:$0x3FAB] =	sst s9;
	s0 =	simm.s32 @!p0 $0x0  }
0x12: {  	s1 =	sld [smem:$0x3F91];
	s0 =	simm.s32 @p0 $0x1  }
0x13: {  	[smem:$0x3FAC] =	sst s0;
	s0 =	simm.s32 @!p1 $0x0  }
0x14: {  	s2 =	sld [smem:$0x3F90];
	s0 =	simm.s32 @p1 $0x1  }
0x15: {  	[smem:$0x3FAD] =	sst s0;
	s0 =	simm.s32 @!p2 $0x0  }
0x16: {  	s3 =	sld [smem:$0x3FDB];
	s0 =	simm.s32 @p2 $0x1  }
0x17: {  	s4 =	simm.s32 $0x1BF5;
	[smem:$0x3FAF] =	sst s0  }
0x18: {  	s0 =	sld [smem:$0x3F92];
	_ =	swait.ge [sflag:s4], $0x0  }
0x19: {  	s7 =	sld [smem:$0x3F93]  }
0x1a: {  	s8 =	sadd.s32 $0xFFFFE003, lr  }
0x1b: {  	s9 =	sadd.s32 $0xFFFFFEF7, lr;
	s5 =	simm.s32 $0xFFFFFFFF;
	p2 =	slt.u32 s8, $0xFFFFF086  }
0x1c: {  	p1 =	slt.u32 s9, $0xF7A;
	s5 =	simm.s32 @!p2 $0x0  }
0x1d: {  	s5 =	simm.s32 @p1 $0x1;
	p0 =	seq.s32 s7, s2  }
0x1e: {  	s7 =	smul.u32 @!p0 $0xF7A, s2;
	p2 =	seq.s32 @!p0 s5, $0x0  }
0x1f: {  	s9 =	smul.u32 $0xF7A, s1;
	s8 =	simm.s32 @!p0 $0x1BF5;
	p2 =	por !p2, p0  }
0x20: {  	[sflag:s8] =	ssyncset.s32 @!p0 $0xFFFFF086;
	s6 =	sadd.s32 @!p0 s3, s7;
	s7 =	simm.s32 @!p0 $0x108  }
0x21: {  	s3 =	sadd.s32 s3, s9;
	s6 =	sadd.s32 @!p0 $0x88, s6;
	s7 =	simm.s32 @p2 $0x1082  }
0x22: {  	[simem:s7], [sflag:s8] =	dma.local @!p0 [hbm:s6], $0xF7A  }
0x23: {  	s9 =	sor.u32 $0xD0000000, s2;
	s6 =	simm.s32 $0x108;
	_ =	swait.ge @!p0 [sflag:s8], $0x0  }
0x24: {  	s3 =	sadd.s32 $0x88, s3;
	s6 =	simm.s32 @!p1 $0x1082;
	[sflag:s4] =	ssyncset.s32 $0xFFFFF086  }
0x25: {  	[simem:s6], [sflag:s4] =	dma.local [hbm:s3], $0xF7A  }
0x26: {  	[smem:$0x3F93] =	sst s1;
	(tag) =	ssettag s2;
	_ =	strace s9  }
0x27: {  	s1 =	sld [smem:$0x3FA3]  }
0x28: {  	s2 =	sld [smem:$0x3FA4]  }
0x29: {  	s4 =	sld [smem:$0x3FA6]  }
0x2a: {  	p0 =	seq.s32 s5, $0x0;
	s5 =	sld [smem:$0x3FA7]  }
0x2b: {  	s6 =	sld [smem:$0x3FA8]  }
0x2c: {  	s7 =	sld [smem:$0x3FA9]  }
0x2d: {  	s3 =	simm.s32 $0x108;
	s8 =	sld [smem:$0x3FAA]  }
0x2e: {  	s3 =	simm.s32 @!p0 $0x1082;
	s9 =	sld [smem:$0x3FAB]  }
0x2f: {  	lr =	sadd.s32 s0, s3;
	s0 =	sld [smem:$0x3FA2]  }
0x30: {  	s3 =	sld [smem:$0x3FA5]  }
0x31: {  	[smem:$0x3FAE] =	sst s10  }
0x32: {  	s10 =	sld [smem:$0x3FAC];
	_ =	sdelay $0x3  }
0x33: {  	p0 =	seq.s32 s10, $0x1;
	s10 =	sld [smem:$0x3FAE];
	_ =	sdelay $0x3  }
0x34: {  	[smem:$0x3FAE] =	sst s10  }
0x35: {  	s10 =	sld [smem:$0x3FAD];
	_ =	sdelay $0x3  }
0x36: {  	p1 =	seq.s32 s10, $0x1;
	s10 =	sld [smem:$0x3FAE];
	_ =	sdelay $0x3  }
0x37: {  	[smem:$0x3FAE] =	sst s10  }
0x38: {  	s10 =	sld [smem:$0x3FAF]  }
0x39: {  	_ = 	snop;
	(pc) =	sbr.ind lr, $3  }
0x3a: {  	_ = 	snop  }
0x3b: {  	_ = 	snop  }
0x3c: {  	p2 =	seq.s32 s10, $0x1;
	s10 =	sld [smem:$0x3FAE]  }
0x3d: {  	_ =	shalt  }
0x3e: {  	_ =	shalt  }
0x3f: {  	_ =	shalt  }
0x40: {  	_ =	shalt  }
0x41: {  	_ =	shalt  }
0x42: {  	_ =	shalt  }
0x43: {  	_ =	shalt  }
0x44: {  	_ =	shalt  }
0x45: {  	_ =	shalt  }
0x46: {  	_ =	shalt  }
0x47: {  	_ =	shalt  }
0x48: {  	_ =	shalt  }
0x49: {  	_ =	shalt  }
0x4a: {  	_ =	shalt  }
0x4b: {  	_ =	shalt  }
0x4c: {  	_ =	shalt  }
0x4d: {  	_ =	shalt  }
0x4e: {  	_ =	shalt  }
0x4f: {  	_ =	shalt  }
0x50: {  	_ =	shalt  }
0x51: {  	_ =	shalt  }
0x52: {  	_ =	shalt  }
0x53: {  	_ =	shalt  }
0x54: {  	_ =	shalt  }
0x55: {  	_ =	shalt  }
0x56: {  	_ =	shalt  }
0x57: {  	_ =	shalt  }
0x58: {  	_ =	shalt  }
0x59: {  	_ =	shalt  }
0x5a: {  	_ =	shalt  }
0x5b: {  	_ =	shalt  }
0x5c: {  	_ =	shalt  }
0x5d: {  	_ =	shalt  }
0x5e: {  	_ =	shalt  }
0x5f: {  	_ =	shalt  }
0x60: {  	_ =	shalt  }
0x61: {  	_ =	shalt  }
0x62: {  	_ =	shalt  }
0x63: {  	_ =	shalt  }
0x64: {  	_ =	shalt  }
0x65: {  	_ =	shalt  }
0x66: {  	_ =	shalt  }
0x67: {  	_ =	shalt  }
0x68: {  	_ =	shalt  }
0x69: {  	_ =	shalt  }
0x6a: {  	_ =	shalt  }
0x6b: {  	_ =	shalt  }
0x6c: {  	_ =	shalt  }
0x6d: {  	_ =	shalt  }
0x6e: {  	_ =	shalt  }
0x6f: {  	_ =	shalt  }
0x70: {  	_ =	shalt  }
0x71: {  	_ =	shalt  }
0x72: {  	_ =	shalt  }
0x73: {  	_ =	shalt  }
0x74: {  	_ =	shalt  }
0x75: {  	_ =	shalt  }
0x76: {  	_ =	shalt  }
0x77: {  	_ =	shalt  }
0x78: {  	_ =	shalt  }
0x79: {  	_ =	shalt  }
0x7a: {  	_ =	shalt  }
0x7b: {  	_ =	shalt  }
0x7c: {  	_ =	shalt  }
0x7d: {  	_ =	shalt  }
0x7e: {  	_ =	shalt  }
0x7f: {  	_ =	shalt  }
0x80: {  	_ =	shalt  }
0x81: {  	_ =	shalt  }
0x82: {  	_ =	shalt  }
0x83: {  	_ =	shalt  }
0x84: {  	_ =	shalt  }
0x85: {  	_ =	shalt  }
0x86: {  	_ =	shalt  }
0x87: {  	_ =	shalt  }
.Lfunc_end0:
.L_simem_size_0:
called_computation.2_lowered:
.L_overlay_start_0:
0x88: {  	s2 =	sld [smem:$0x3FD9]  }
0x89: {  	s3 =	sld [smem:$0x3FFE];
	_ =	sdelay $0x1  }
0x8a: {  	s1 =	srdreg.scid  }
0x8b: {  	s0 =	sand.u32 $0x1, s1  }
0x8c: {  	s13 =	sshll.u32 s0, $0xA;
	s2 =	sadd.s32 s3, s2  }
0x8d: {  	s2 =	sadd.s32 s2, s13  }
0x8e: {  	[smem:$0x3FBA] =	sst s2  }
0x8f: {  	_ = 	snop  }
0x90: {  	s2 =	sld [smem:$0x3FD0];
	_ =	sdelay $0x2  }
0x91: {  	s14 =	simm.s32 $0xA;
	s4 =	simm.s32 $0x10  }
0x92: {  	[smem:s4], [sflag:s14] =	dma.local [hbm:s2], $0x1  }
0x93: {  	_ =	swait.eq [sflag:s14], $0x1  }
0x94: {  	s15 =	sld [smem:$0x13];
	[sflag:s14] =	ssyncset.done $0x0  }
0x95: {  	s16 =	sld [smem:$0x14];
	[sflag:s14] =	ssyncadd.s32 $0xFFFFFFFF  }
0x96: {  	s17 =	sld [smem:$0x15];
	(tm) =	ssettm $0x1  }
0x97: {  	s5 =	sld [smem:$0x3FFB];
	_ =	sdelay $0x3  }
0x98: {  	_ =	strace s5  }
0x99: {  	s5 =	sld [smem:$0x3FFC];
	_ =	sdelay $0x3  }
0x9a: {  	_ =	strace s5  }
0x9b: {  	s5 =	sld [smem:$0x3FFD];
	_ =	sdelay $0x3  }
0x9c: {  	_ =	strace s5  }
0x9d: {  	_ =	strace $0x8FFFFFFF  }
0x9e: {  	s18 =	sld [smem:$0x3FDB];
	_ =	sdelay $0x1  }
0x9f: {  	s6 =	simm.s32 $_scs_section_size  }
0xa0: {  	s7 =	simm.s32 $_size__tile_overlayer_lowered;
	s8 =	simm.s32 $_tile_overlayer_lowered  }
0xa1: {  	s21 =	simm.s32 $0x1BFF;
	s20 =	sshll.u32 s8, $0x1;
	s5 =	sadd.s32 s6, s18  }
0xa2: {  	s9 =	simm.s32 $0x0;
	s19 =	sshll.u32 s7, $0x1;
	s7 =	sadd.s32 s20, s5  }
0xa3: {  	[timem:s9], [sflag:s21] =	dma.local [hbm:s7], s19  }
0xa4: {  	_ =	swait.ge [sflag:s21], s19  }
0xa5: {  	s6 =	ssub.s32 $0x0, s19;
	[sflag:s21] =	ssyncset.done $0x0  }
0xa6: {  	[sflag:s21] =	ssyncadd.s32 s6;
	_ =	sdelay $0x1  }
0xa7: {  	s22 =	simm.s32 $0x1B8B  }
0xa8: {  	_ =	swait.ge [sflag:s22], $0x1  }
0xa9: {  	[sflag:s22] =	ssyncset.done $0x0  }
0xaa: {  	s23 =	sld [smem:$0x3FFE];
	[sflag:s22] =	ssyncadd.s32 $0xFFFFFFFF  }
0xab: {  	s25 =	simm.s32 $0x1B8E;
	s24 =	sld [smem:$0x0]  }
0xac: {  	s26 =	simm.s32 $execute0_lowered;
	[smem:$0x3FD2] =	sst s25  }
0xad: {  	s8 =	sshll.u32 s26, $0x1;
	_ =	strace $0x8000004C;
	[dreg:$0x1] =	wrdreg $0xFFFFFFFF  }
0xae: {  	s28 =	simm.s32 $_size_execute0_lowered;
	s5 =	sadd.s32 s5, s8;
	[dreg:$0x0] =	wrdreg $0x0  }
0xaf: {  	s8 =	sshll.u32 s28, $0x1;
	[dreg:$0x2] =	wrdreg s5  }
0xb0: {  	[dreg:$0x3] =	wrdreg s8  }
0xb1: {  	[dreg:$0x4] =	wrdreg $0xC0  }
0xb2: {  	_ =	task [dreg:s9], $0x5FFFF  }
0xb3: {  	[dreg:$0x1] =	wrdreg $0xFFFFFFFF  }
0xb4: {  	[dreg:$0x0] =	wrdreg $0x60  }
0xb5: {  	[dreg:$0x2] =	wrdreg s17  }
0xb6: {  	[dreg:$0x3] =	wrdreg s16  }
0xb7: {  	[dreg:$0x4] =	wrdreg s23  }
0xb8: {  	[dreg:$0x5] =	wrdreg s15  }
0xb9: {  	[dreg:$0x6] =	wrdreg s1  }
0xba: {  	[dreg:$0x7] =	wrdreg s24  }
0xbb: {  	[dreg:$0x8] =	wrdreg $0x9  }
0xbc: {  	_ =	task.clear_ibuf [dreg:s9], $0x9FFFF;
	_ =	strace $0x9000004C  }
0xbd: {  	s29 =	simm.s32 $0x9;
	_ =	strace $0x8000004E  }
0xbe: {  	_ =	swait.ge [sflag:s29], $0x1  }
0xbf: {  	[sflag:s29] =	ssyncadd.s32 $0xFFFFFFFF  }
0xc0: {  	_ =	strace $0x9000004E  }
0xc1: {  	_ =	sfence  }
0xc2: {  	s30 =	sld [smem:$0x0];
	_ =	sdelay $0x2  }
0xc3: {  	s31 =	sshll.u32 s1, $0xD;
	s1 =	sshrl.u32 s1, $0x2  }
0xc4: {  	s3 =	sand.u32 $0x4000, s31;
	s1 =	sadd.s32 s1, s30  }
0xc5: {  	s0 =	sor.u32 s3, s0;
	s1 =	sshll.u32 s1, $0x11  }
0xc6: {  	s0 =	sor.u32 s1, s0  }
0xc7: {  	s0 =	sadd.s32 $0x8F2B, s0  }
0xc8: {  	[sflag:s0] =	ssyncadd.remote.s32 $0x1  }
0xc9: {  	_ =	sfence.sel $0xFFFF  }
0xca: {  	[dreg:$0x0] =	wrdreg $0xFFFFFFFF;
	(pc) =	sbr.abs _section_cstart, $3  }
0xcb: {  	[dreg:$0x1] =	wrdreg $0xFFFFFFFF  }
0xcc: {  	_ =	task.clear_ibuf [dreg:s9], $0x2FFFF;
	_ =	strace $0x9FFFFFFF  }
0xcd: {  	(tm) =	ssettm $0x7FFFFFFF  }
tec
execute0_lowered:
.L_overlay_start_1:
0x0: {  	(tag) =	ssettag $0x1  }
0x1: {  	s1 =	rddreg [dreg:$0x0]  }
0x2: {  	s0 =	rddreg [dreg:$0x1]  }
0x3: {  	s2 =	rddreg [dreg:$0x2]  }
0x4: {  	s4 =	rddreg [dreg:$0x3]  }
0x5: {  	s7 =	rddreg [dreg:$0x4];
	_ =	strace $0x8000004D;
	s3 =	simm.s32 $0x1  }
0x6: {  	s5 =	simm.s32 $0x208;
	v0 =	vimm.s32 $0x0;
	[sflag:s3] =	ssyncpa.u1 $0x0  }
0x7: {  	[tilespmem:s5+$0x70] =	vst v0  }
0x8: {  	[tilespmem:s5+$0x60] =	vst v0  }
0x9: {  	[tilespmem:s5+$0x50] =	vst v0  }
0xa: {  	[tilespmem:s5+$0x40] =	vst v0  }
0xb: {  	[tilespmem:s5+$0x30] =	vst v0  }
0xc: {  	[tilespmem:s5+$0x20] =	vst v0  }
0xd: {  	s6 =	sadd.s32 $0x1000, s2;
	s10 =	sand.u32 $0x1, s7;
	s2 =	simm.s32 $0x40;
	[tilespmem:s5+$0x10] =	vst v0  }
.LBB2_1:
0xe: {  	s2 =	sadd.s32 $0x40, s2;
	[tilespmem:s5+$0x0] =	vst v0;
	s5 =	sadd.s32 $0x80, s5  }
0xf: {  	p0 =	slt.u32 s2, $0x3880;
	[tilespmem:s5+$0x70] =	vst v0  }
0x10: {  	[tilespmem:s5+$0x60] =	vst v0  }
.Ltmp0:
0x11: {  	[tilespmem:s5+$0x50] =	vst v0;
	(pc) =	sbr.rel @p0 .LBB2_1-.Ltmp0, $4  }
0x12: {  	[tilespmem:s5+$0x40] =	vst v0  }
0x13: {  	[tilespmem:s5+$0x30] =	vst v0  }
0x14: {  	[tilespmem:s5+$0x20] =	vst v0  }
0x15: {  	[tilespmem:s5+$0x10] =	vst v0  }
0x16: {  	s11 =	stileid.u32  }
0x17: {  	s2 =	smul.u32 $0x2C, s11  }
0x18: {  	s3 =	smin.u32 s11, $0xB  }
0x19: {  	s2 =	sadd.s32 s3, s2  }
0x1a: {  	p0 =	slt.u32 s11, $0xB;
	s20 =	smul.u32 $0x70, s2;
	s2 =	simm.s32 $0x13B0  }
0x1b: {  	s2 =	simm.s32 @!p0 $0x1340  }
0x1c: {  	s2 =	sadd.s32 s2, s20  }
0x1d: {  	s8 =	smin.u32 s2, $0x13880  }
0x1e: {  	s26 =	simm.s32 $0x2;
	s2 =	ssub.s32 s8, s20  }
0x1f: {  	s9 =	simm.s32 $0x9;
	s29 =	simm.s32 $0xA;
	p0 =	sgt.s32 s2, $0x0  }
0x20: {  	s30 =	simm.s32 $0xB;
	s31 =	smul.u32 $0x2710, s10;
	s2 =	simm.s32 @!p0 $0x0  }
0x21: {  	[dreg:$0x7] =	wrdreg s10;
	s12 =	simm.s32 $0x1;
	s25 =	smulhi.u32 $0x92492493, s2  }
0x22: {  	s24 =	simm.s32 $0x0;
	p1 =	por $0x0, $0x0;
	s18 =	simm.s32 $0x80  }
0x23: {  	s19 =	simm.s32 $0x400;
	s17 =	simm.s32 $0xC;
	s3 =	sshrl.u32 s25, $0x6  }
0x24: {  	s21 =	simm.s32 $0x0;
	s23 =	simm.s32 $0x0;
	s28 =	smul.u32 $0x70, s3  }
.Ltmp1:
0x25: {  	[tilespmem:s5+$0x0] =	vst v0;
	v0 =	vimm.s32 $0xFFFFFFFF;
	[sflag:s26] =	ssyncpa.u1 $0x0;
	s16 =	sshll.u32 s11, $0x9;
	(pc) =	sbr.rel .LBB2_3-.Ltmp1, $4  }
0x26: {  	[tilespmem:$0xE408] =	vst v0;
	[sflag:s9] =	ssyncpa.u1 $0x0;
	p0 =	sne.s32 s2, s28;
	s2 =	simm.s32 $0x1  }
0x27: {  	s14 =	sadd.s32 s31, s4;
	[sflag:s29] =	ssyncpa.u1 $0x0;
	s2 =	simm.s32 @!p0 $0x0  }
0x28: {  	s15 =	sadd.s32 s31, s0;
	[sflag:s30] =	ssyncpa.u1 $0x0;
	s13 =	sadd.s32 s2, s3  }
0x29: {  	v0 =	vlaneseq.u32;
	s22 =	smov.u32 s20;
	p0 =	por $0x1, $0x1;
	s11 =	sadd.s32 $0x1, s13  }
.LBB2_24:
0x2a: {  	s2 =	sshrl.u32 s4, $0x2  }
.LBB2_26:
0x2b: {  	_ =	swait.ge [sflag:s17], s2  }
0x2c: {  	s31 =	ssub.s32 $0x0, s2;
	v1 =	vmov s26;
	vm0 =	veq.s32 v0, $0x0;
	[sflag:s17] =	ssyncset.done $0x0  }
0x2d: {  	vm15 =	veq.s32 v0, $0x2;
	v1 =	vsel vm0, s0, v1;
	[sflag:s17] =	ssyncadd.s32 s31  }
0x2e: {  	v1 =	vsel vm15, s24, v1;
	[sflag:s17] =	ssyncpa.u1 $0x1  }
0x2f: {  	[tilespmem:$0xE408] =	vst v1  }
.LBB2_27:
0x30: {  	s0 =	sadd.s32 $0x70, s22  }
0x31: {  	s2 =	smov.u32 s20;
	p2 =	slt.s32 s0, s8  }
0x32: {  	s2 =	smov.u32 @p2 s0;
	p2 =	sne.s32 s23, s11  }
.Ltmp2:
0x33: {  	_ = 	snop;
	(pc) =	sbr.rel @!p2 .LBB2_28-.Ltmp2, $4  }
0x34: {  	_ = 	snop  }
0x35: {  	s24 =	smov.u32 s21  }
0x36: {  	s31 =	sadd.s32 $0x1, s23;
	s21 =	smov.u32 s22;
	p0 =	por !p0, !p0  }
0x37: {  	p1 =	por !p1, !p1;
	s23 =	smov.u32 s31;
	s22 =	smov.u32 s2  }
.LBB2_3:
0x38: {  	p2 =	sge.u32 s23, s13  }
0x39: {  	s0 =	smulhi.u32 @!p2 $0xAAAAAAAB, s23  }
0x3a: {  	s2 =	smov.u32 s22;
	p3 =	sgt.s32 @!p2 s22, $0x13810  }
0x3b: {  	s3 =	sshra.s32 @!p2 s22, $0x1F;
	p3 =	por !p3, p2;
	s0 =	sshrl.u32 @!p2 s0, $0x1  }
0x3c: {  	s3 =	sand.u32 @!p2 s3, s22;
	s2 =	simm.s32 @p3 $0x13810;
	s0 =	smul.u32 @!p2 $0x3, s0  }
0x3d: {  	s2 =	ssub.s32 @!p2 s2, s3  }
0x3e: {  	s2 =	sadd.s32 @!p2 $0xFFFEC7F0, s2;
	s0 =	ssub.s32 @!p2 s23, s0  }
0x3f: {  	s3 =	sshll.u32 @!p2 s2, $0x2;
	p3 =	sgt.s32 @!p2 s2, $0x6F;
	s0 =	smul.u32 @!p2 $0x1C0, s0  }
0x40: {  	s4 =	sand.u32 @!p2 $0x7, s22;
	s2 =	ssub.s32 @!p2 $0x1C0, s3;
	p3 =	por !p3, p2  }
0x41: {  	s3 =	sshrl.u32 @!p2 s22, $0x3;
	s2 =	sshrl.u32 @!p2 s2, $0x2;
	s0 =	sshrl.u32 @!p2 s0, $0x2  }
0x42: {  	s3 =	sadd.s32 @!p2 s3, s14;
	s2 =	simm.s32 @!p3 $0x0;
	s0 =	sadd.s32 @!p2 $0x10448, s0  }
0x43: {  	[tilespmem:s0], [sflag:$0xA] =	stream.linear.gather @!p2 [hbm4b:s3+s4], s2, $0x38;
	[tilespmem:$0x1E678] =	vst v63  }
0x44: {  	s2 =	sadd.s32 $0xFFFFFFFF, s23  }
0x45: {  	p2 =	sge.u32 s2, s13  }
0x46: {  	p3 =	sgt.s32 @!p2 s21, $0x13810  }
0x47: {  	s0 =	smov.u32 s21;
	s3 =	sshra.s32 @!p2 s21, $0x1F;
	p3 =	por !p3, p2  }
0x48: {  	s3 =	sand.u32 @!p2 s3, s21;
	s0 =	simm.s32 @p3 $0x13810  }
0x49: {  	s0 =	ssub.s32 @!p2 s0, s3  }
0x4a: {  	s0 =	sadd.s32 @!p2 $0xFFFEC7F0, s0  }
0x4b: {  	s3 =	sshll.u32 @!p2 s0, $0x2  }
0x4c: {  	p3 =	sgt.s32 @!p2 s0, $0x6F;
	s0 =	ssub.s32 @!p2 $0x1C0, s3  }
0x4d: {  	p3 =	por !p3, p2;
	s0 =	sshrl.u32 @!p2 s0, $0x2  }
0x4e: {  	s4 =	simm.s32 @!p2 $0xA;
	s3 =	sand.u32 @!p2 $0x1, s2;
	s0 =	simm.s32 @!p3 $0x0  }
0x4f: {  	s3 =	smul.u32 @!p2 $0x1C0, s3;
	_ =	swait.ge @!p2 [sflag:s4], s0  }
0x50: {  	s5 =	ssub.s32 @!p2 $0x0, s0;
	[sflag:s4] =	ssyncset.done @!p2 $0x0  }
0x51: {  	s3 =	sshrl.u32 @!p2 s3, $0x2;
	[sflag:s4] =	ssyncadd.s32 @!p2 s5;
	s4 =	sshrl.u32 @!p2 s21, $0x3  }
0x52: {  	s3 =	sadd.s32 @!p2 $0x10598, s3;
	s5 =	sand.u32 @!p2 $0x7, s21;
	s4 =	sadd.s32 @!p2 s4, s15  }
0x53: {  	[tilespmem:s3], [sflag:$0xB] =	stream.linear.gather @!p2 [hbm4b:s4+s5], s0, $0x38;
	[tilespmem:$0x1E678] =	vst v63  }
0x54: {  	s0 =	ssub.s32 @!p2 $0x13880, s21  }
0x55: {  	p3 =	slt.s32 @!p2 s0, $0x1  }
0x56: {  	p3 =	por p2, p3  }
.Ltmp3:
0x57: {  	_ = 	snop;
	(pc) =	sbr.rel @p3 .LBB2_9-.Ltmp3, $1  }
0x58: {  	_ =	sdelay $0x3  }
0x59: {  	s3 =	smulhi.u32 $0xAAAAAAAB, s2;
	_ =	sdelay $0x1  }
0x5a: {  	s3 =	sshrl.u32 s3, $0x1  }
0x5b: {  	s3 =	smul.u32 $0x3, s3;
	_ =	sdelay $0x1  }
0x5c: {  	s30 =	ssub.s32 s2, s3  }
0x5d: {  	s4 =	simm.s32 $0x1;
	s2 =	smul.u32 $0x1C0, s30  }
.Ltmp4:
0x5e: {  	s4 =	simm.s32 @!p0 $0x0;
	(pc) =	sbr.rel .LBB2_6-.Ltmp4, $4  }
0x5f: {  	s31 =	smul.u32 $0x1C000, s4  }
0x60: {  	p3 =	slt.s32 @!p2 s0, $0x70;
	s2 =	sshrl.u32 s2, $0x2  }
0x61: {  	p2 =	por !p3, p2;
	s3 =	sshrl.u32 s31, $0x2;
	s5 =	sadd.s32 $0x10448, s2  }
0x62: {  	s0 =	simm.s32 @p2 $0x70;
	s4 =	sor.u32 $0x10678, s3;
	s2 =	simm.s32 $0x0;
	v1 =	vmov s5  }
.LBB2_5:
0x63: {  	p2 =	sge.s32 s2, s0  }
.Ltmp5:
0x64: {  	_ = 	snop;
	(pc) =	sbr.rel @p2 .LBB2_9-.Ltmp5, $2  }
0x65: {  	_ =	sdelay $0x2  }
0x66: {  	s4 =	sadd.s32 $0x1000, s4  }
.LBB2_6:
0x67: {  	p2 =	sle.s32 s0, s2  }
.Ltmp6:
0x68: {  	_ = 	snop;
	(pc) =	sbr.rel @p2 .LBB2_5-.Ltmp6, $2  }
0x69: {  	_ =	sdelay $0x2  }
0x6a: {  	s5 =	smov.u32 s2;
	s2 =	sadd.s32 $0x10, s2  }
0x6b: {  	s3 =	ssub.s32 s0, s5  }
0x6c: {  	p2 =	slt.s32 s3, $0x10  }
0x6d: {  	s3 =	simm.s32 @!p2 $0x10  }
0x6e: {  	v2 =	vmov s3  }
0x6f: {  	vm0 =	vgt.s32 v2, v0;
	_ =	sdelay $0x5  }
0x70: {  	v2 =	vld.idx.msk [tilespmem:v1+s5+$0x0 ss:$0x1], vm0;
	_ =	sdelay $0x2  }
0x71: {  	p2 =	slt.s32 s2, s0;
	s3 =	smov.u32 s0  }
0x72: {  	s9 =	smov.u32 s4;
	s25 =	simm.s32 $0x0;
	s3 =	smov.u32 @p2 s2  }
.LBB2_8:
0x73: {  	(v2sf) =	vpush v2, s25;
	_ =	sdelay $0xe  }
0x74: {  	s25 =	sadd.s32 $0x1, s25;
	s10 =	spop (v2sf)  }
0x75: {  	s31 =	sadd.s32 s25, s5;
	s26 =	sshll.u32 s10, $0x8;
	s10 =	sshll.u32 s10, $0x7  }
0x76: {  	p2 =	slt.s32 s31, s3;
	s26 =	sand.u32 $0xFFFFF800, s26;
	s10 =	sand.u32 $0x380, s10  }
.Ltmp7:
0x77: {  	s10 =	sor.u32 s10, s26;
	(pc) =	sbr.rel @p2 .LBB2_8-.Ltmp7, $4  }
0x78: {  	s10 =	sshrl.u32 s10, $0x3  }
0x79: {  	s10 =	sadd.s32 s6, s10  }
0x7a: {  	[tilespmem:s9], [sflag:$0x9] =	stream.strided.gather [hbm4b:s10+s18], $0x100, s19, s18, $0x38;
	[tilespmem:$0x1E678] =	vst v63  }
0x7b: {  	s9 =	sadd.s32 $0x100, s9  }
.Ltmp8:
0x7c: {  	_ = 	snop;
	(pc) =	sbr.rel .LBB2_5-.Ltmp8, $1  }
0x7d: {  	_ =	sdelay $0x3  }
.LBB2_9:
0x7e: {  	p2 =	slt.u32 s23, $0x2  }
.Ltmp9:
0x7f: {  	_ = 	snop;
	(pc) =	sbr.rel @p2 .LBB2_27-.Ltmp9, $1  }
0x80: {  	_ =	sdelay $0x3  }
0x81: {  	p2 =	sgt.s32 s24, $0x13810  }
0x82: {  	s0 =	smov.u32 s24;
	s2 =	sshra.s32 s24, $0x1F;
	s3 =	ssub.s32 $0x13880, s24  }
0x83: {  	s0 =	simm.s32 @!p2 $0x13810;
	s2 =	sand.u32 s2, s24;
	p2 =	slt.s32 s3, $0x70  }
0x84: {  	s0 =	ssub.s32 s0, s2;
	s3 =	simm.s32 @!p2 $0x70  }
0x85: {  	s0 =	sadd.s32 $0xFFFEC7F0, s0;
	s9 =	sshll.u32 s3, $0x8  }
0x86: {  	s26 =	simm.s32 $0x9;
	s10 =	sshll.u32 s0, $0x2;
	s2 =	sand.u32 $0x3FFFFF00, s9  }
0x87: {  	p2 =	sgt.s32 s0, $0x6F;
	s25 =	ssub.s32 $0x1C0, s10;
	_ =	swait.ge [sflag:s26], s2  }
0x88: {  	s2 =	ssub.s32 $0x0, s2;
	[sflag:s26] =	ssyncset.done $0x0;
	s0 =	sshrl.u32 s25, $0x2  }
0x89: {  	s29 =	simm.s32 $0xB;
	[sflag:s26] =	ssyncadd.s32 s2;
	s0 =	simm.s32 @p2 $0x0  }
0x8a: {  	_ =	swait.ge [sflag:s29], s0  }
0x8b: {  	s0 =	ssub.s32 $0x0, s0;
	[sflag:s29] =	ssyncset.done $0x0  }
0x8c: {  	[sflag:s29] =	ssyncadd.s32 s0  }
0x8d: {  	v1 =	vld [tilespmem:$0xE408];
	_ =	sdelay $0x4  }
0x8e: {  	(v2sf) =	vpush v1, $0x0  }
0x8f: {  	(v2sf) =	vpush v1, $0x1  }
0x90: {  	(v2sf) =	vpush v1, $0x2;
	_ =	sdelay $0x3  }
0x91: {  	s0 =	sadd.s32 $0x70, s24  }
0x92: {  	s2 =	ssub.s32 $0x27100, s24;
	p2 =	slt.s32 s8, s0  }
0x93: {  	s0 =	smov.u32 @p2 s8;
	p2 =	sgt.s32 s2, $0x0  }
0x94: {  	s0 =	ssub.s32 s0, s24;
	s2 =	simm.s32 @!p2 $0x0  }
0x95: {  	p2 =	slt.s32 s2, s0  }
0x96: {  	s0 =	smov.u32 @p2 s2  }
0x97: {  	s4 =	simm.s32 $0x1;
	p2 =	slt.s32 s0, $0x1  }
.Ltmp10:
0x98: {  	s4 =	simm.s32 @!p1 $0x0;
	(pc) =	sbr.rel @p2 .LBB2_14-.Ltmp10, $4  }
0x99: {  	s30 =	smul.u32 $0x1C0, s4  }
0x9a: {  	s5 =	spop (v2sf)  }
0x9b: {  	s31 =	sshrl.u32 s30, $0x2;
	s28 =	spop (v2sf)  }
0x9c: {  	s25 =	sadd.s32 $0x10598, s31;
	s24 =	spop (v2sf)  }
0x9d: {  	s2 =	smin.u32 s0, $0x10  }
0x9e: {  	v1 =	vmov s2  }
0x9f: {  	vm1 =	vgt.u32 v1, v0  }
0xa0: {  	p3 =	sgt.s32 s0, $0x10  }
.Ltmp11:
0xa1: {  	_ = 	snop;
	(pc) =	sbr.rel @!p3 .LBB2_13-.Ltmp11, $2  }
0xa2: {  	_ =	sdelay $0x2  }
0xa3: {  	s26 =	simm.s32 $0x10;
	s29 =	sadd.s32 $0xFFFFFFF0, s0;
	s2 =	smov.u32 s25;
	vm0 =	vmmov vm1;
	v1 =	vld.msk [tilespmem:s25+$0x0 ss:$0x1], vm1  }
.LBB2_12:
0xa4: {  	s3 =	smin.u32 s29, $0x10;
	s26 =	sadd.s32 $0x10, s26  }
0xa5: {  	v2 =	vmov s3;
	p3 =	slt.s32 s26, s0  }
0xa6: {  	vm1 =	vgt.u32 v2, v0;
	_ =	sdelay $0x1  }
0xa7: {  	v2 =	vshll.u32 v1, $0x5;
	v1 =	vshll.u32 v1, $0x4  }
.Ltmp12:
0xa8: {  	v2 =	vand.u32 $0xFFFFFF00, v2;
	v1 =	vand.u32 $0x70, v1;
	(pc) =	sbr.rel @p3 .LBB2_12-.Ltmp12, $4  }
0xa9: {  	v1 =	vor.u32 v1, v2  }
0xaa: {  	[tilespmem:s2+$0x0] =	vst.msk vm0, v1;
	s2 =	sadd.s32 $0x10, s2;
	vm0 =	vmmov vm1  }
0xab: {  	v1 =	vld.msk [tilespmem:s2+$0x0 ss:$0x1], vm1  }
0xac: {  	s29 =	sadd.s32 $0xFFFFFFF0, s29  }
.LBB2_13:
0xad: {  	_ =	sdelay $0x3  }
0xae: {  	v2 =	vshll.u32 v1, $0x5;
	v1 =	vshll.u32 v1, $0x4  }
0xaf: {  	v2 =	vand.u32 $0xFFFFFF00, v2;
	v1 =	vand.u32 $0x70, v1  }
0xb0: {  	v1 =	vor.u32 v1, v2  }
0xb1: {  	[tilespmem:s2+$0x0] =	vst.msk vm0, v1  }
.LBB2_14:
0xb2: {  	s2 =	sand.u32 $0x1, s23  }
0xb3: {  	s2 =	smul.u32 $0x70, s2  }
0xb4: {  	p3 =	sne.s32 s28, $0xFFFFFFFF  }
0xb5: {  	v1 =	vld.msk @!p3 [tilespmem:s2+$0x10598], $0x1;
	_ =	sdelay $0x4  }
0xb6: {  	(v2sf) =	vpush @!p3 v1, $0x0;
	_ =	sdelay $0xc  }
.Ltmp13:
0xb7: {  	_ = 	snop;
	(pc) =	sbr.rel @p2 .LBB2_25-.Ltmp13, $4  }
0xb8: {  	_ = 	snop  }
0xb9: {  	s31 =	spop @!p3 (v2sf)  }
0xba: {  	s24 =	simm.s32 @!p3 $0x0;
	s26 =	smov.u32 s31  }
0xbb: {  	[sflag:s17] =	ssyncpa.u1 $0x0;
	s31 =	smov.u32 @p3 s5;
	s26 =	smov.u32 @p3 s28  }
0xbc: {  	v1 =	vld.msk [tilespmem:s25+$0x0], $0x1;
	_ =	sdelay $0x4  }
0xbd: {  	(v2sf) =	vpush v1, $0x0;
	_ =	sdelay $0xe  }
0xbe: {  	s7 =	smov.u32 s11;
	s5 =	spop (v2sf)  }
0xbf: {  	s17 =	smov.u32 s15;
	s2 =	smul.u32 $0x1C000, s4;
	p2 =	seq.s32 s31, s5  }
0xc0: {  	s3 =	smov.u32 s31;
	s29 =	ssub.s32 $0x0, s0;
	p3 =	sgt.s32 @!p2 s31, $0x0  }
0xc1: {  	s30 =	simm.s32 $0x0;
	s2 =	sshrl.u32 s2, $0x2;
	p3 =	por !p3, p2  }
0xc2: {  	s0 =	sadd.s32 $0x1, s29;
	s28 =	sor.u32 $0x106F8, s2;
	s3 =	simm.s32 @p3 $0x0  }
0xc3: {  	s2 =	simm.s32 @!p2 $0x1;
	p3 =	seq.s32 s0, $0x0;
	s3 =	smin.u32 @!p2 s3, $0x4E170  }
.Ltmp14:
0xc4: {  	s4 =	simm.s32 @!p2 $0x7308;
	s9 =	sand.u32 @!p2 $0x7FFF8, s3;
	(pc) =	sbr.rel @p3 .LBB2_17-.Ltmp14, $4  }
0xc5: {  	s10 =	sadd.s32 @!p2 $0x80, s3;
	s11 =	sadd.s32 @!p2 s1, s9;
	s9 =	sand.u32 @!p2 $0x7, s3  }
0xc6: {  	[tilespmem:s4], [sflag:$0x2] =	stream.linear.gather @!p2 [hbm4b:s11+s9], $0x80, $0x38;
	[tilespmem:$0x1E678] =	vst v63  }
0xc7: {  	s15 =	smov.u32 s14;
	s2 =	smov.u32 @p2 s30;
	s4 =	sand.u32 @!p2 $0xFFFF8, s10  }
0xc8: {  	s3 =	simm.s32 @!p2 $0x7388;
	s10 =	sadd.s32 @!p2 s1, s4;
	s4 =	sadd.s32 $0x1, s25  }
.LBB2_16:
0xc9: {  	s11 =	smov.u32 s2  }
0xca: {  	[tilespmem:s3], [sflag:$0x2] =	stream.linear.gather @!p2 [hbm4b:s10+s9], $0x80, $0x38;
	[tilespmem:$0x1E678] =	vst v63  }
0xcb: {  	s0 =	sadd.s32 $0x1, s0;
	s9 =	smov.u32 s5;
	v1 =	vld.msk [tilespmem:s4+$0x0], $0x1  }
0xcc: {  	p3 =	seq.s32 s0, $0x0;
	_ =	sdelay $0x3  }
0xcd: {  	(v2sf) =	vpush v1, $0x0;
	_ =	sdelay $0xe  }
0xce: {  	s5 =	spop (v2sf)  }
0xcf: {  	p2 =	seq.s32 s9, s5  }
0xd0: {  	p4 =	sgt.s32 @!p2 s9, $0x0;
	s3 =	sshll.u32 @!p2 s2, $0xA;
	s2 =	sadd.s32 @!p2 $0x1, s2  }
0xd1: {  	p4 =	por !p4, p2;
	s3 =	sshra.s32 @!p2 s3, $0x2;
	s2 =	smov.u32 @p2 s11  }
0xd2: {  	s9 =	simm.s32 @p4 $0x0;
	s10 =	sadd.s32 @!p2 $0x7308, s3;
	s3 =	sadd.s32 @!p2 $0x7388, s3  }
.Ltmp15:
0xd3: {  	s9 =	smin.u32 @!p2 s9, $0x4E170;
	(pc) =	sbr.rel @!p3 .LBB2_16-.Ltmp15, $4  }
0xd4: {  	s11 =	sand.u32 @!p2 $0x7FFF8, s9;
	s14 =	sadd.s32 @!p2 $0x80, s9  }
0xd5: {  	s9 =	sand.u32 @!p2 $0x7, s9;
	s11 =	sadd.s32 @!p2 s1, s11;
	s14 =	sand.u32 @!p2 $0xFFFF8, s14  }
0xd6: {  	[tilespmem:s10], [sflag:$0x2] =	stream.linear.gather @!p2 [hbm4b:s11+s9], $0x80, $0x38;
	[tilespmem:$0x1E678] =	vst v63  }
0xd7: {  	s4 =	sadd.s32 $0x1, s4;
	s10 =	sadd.s32 @!p2 s1, s14  }
.LBB2_17:
0xd8: {  	[tilespmem:s3], [sflag:$0x2] =	stream.linear.gather @!p2 [hbm4b:s10+s9], $0x80, $0x38;
	[tilespmem:$0x1E678] =	vst v63  }
0xd9: {  	s0 =	sshll.u32 s2, $0x8  }
.Ltmp16:
0xda: {  	s14 =	simm.s32 $0x2;
	s0 =	sand.u32 $0x3FFFFF00, s0;
	(pc) =	sbr.rel .LBB2_18-.Ltmp16, $4  }
0xdb: {  	_ =	swait.ge [sflag:s14], s0  }
0xdc: {  	s0 =	ssub.s32 $0x0, s0;
	[sflag:s14] =	ssyncset.done $0x0  }
0xdd: {  	s4 =	simm.s32 $0x0;
	s11 =	smov.u32 s7;
	[sflag:s14] =	ssyncadd.s32 s0  }
0xde: {  	s14 =	smov.u32 s15;
	s15 =	smov.u32 s17;
	s17 =	simm.s32 $0xC  }
.LBB2_19:
0xdf: {  	v1 =	vld [tilespmem:s28+$0xFFFFFF80];
	_ =	sdelay $0x4  }
0xe0: {  	[tilespmem:s5+$0x208] =	vst.add.f32.msk $0xffff, v1  }
0xe1: {  	v1 =	vld [tilespmem:s28+$0xFFFFFF90];
	_ =	sdelay $0x4  }
0xe2: {  	[tilespmem:s5+$0x218] =	vst.add.f32.msk $0xffff, v1  }
0xe3: {  	v1 =	vld [tilespmem:s28+$0xFFFFFFA0];
	_ =	sdelay $0x4  }
0xe4: {  	[tilespmem:s5+$0x228] =	vst.add.f32.msk $0xffff, v1  }
0xe5: {  	v1 =	vld [tilespmem:s28+$0xFFFFFFB0];
	_ =	sdelay $0x4  }
0xe6: {  	[tilespmem:s5+$0x238] =	vst.add.f32.msk $0xffff, v1  }
0xe7: {  	v1 =	vld [tilespmem:s28+$0xFFFFFFC0];
	_ =	sdelay $0x4  }
0xe8: {  	[tilespmem:s5+$0x248] =	vst.add.f32.msk $0xffff, v1  }
0xe9: {  	v1 =	vld [tilespmem:s28+$0xFFFFFFD0];
	_ =	sdelay $0x4  }
0xea: {  	[tilespmem:s5+$0x258] =	vst.add.f32.msk $0xffff, v1  }
0xeb: {  	v1 =	vld [tilespmem:s28+$0xFFFFFFE0];
	_ =	sdelay $0x4  }
0xec: {  	[tilespmem:s5+$0x268] =	vst.add.f32.msk $0xffff, v1  }
0xed: {  	v1 =	vld [tilespmem:s28+$0xFFFFFFF0];
	_ =	sdelay $0x4  }
0xee: {  	[tilespmem:s5+$0x278] =	vst.add.f32.msk $0xffff, v1  }
0xef: {  	v1 =	vld [tilespmem:s28+$0x0];
	_ =	sdelay $0x4  }
0xf0: {  	[tilespmem:s5+$0x288] =	vst.add.f32.msk $0xffff, v1  }
0xf1: {  	v1 =	vld [tilespmem:s28+$0x10];
	_ =	sdelay $0x4  }
0xf2: {  	[tilespmem:s5+$0x298] =	vst.add.f32.msk $0xffff, v1  }
0xf3: {  	v1 =	vld [tilespmem:s28+$0x20];
	_ =	sdelay $0x4  }
0xf4: {  	[tilespmem:s5+$0x2A8] =	vst.add.f32.msk $0xffff, v1  }
0xf5: {  	v1 =	vld [tilespmem:s28+$0x30];
	_ =	sdelay $0x4  }
0xf6: {  	[tilespmem:s5+$0x2B8] =	vst.add.f32.msk $0xffff, v1  }
0xf7: {  	v1 =	vld [tilespmem:s28+$0x40];
	_ =	sdelay $0x4  }
0xf8: {  	[tilespmem:s5+$0x2C8] =	vst.add.f32.msk $0xffff, v1  }
0xf9: {  	v1 =	vld [tilespmem:s28+$0x50];
	_ =	sdelay $0x4  }
0xfa: {  	[tilespmem:s5+$0x2D8] =	vst.add.f32.msk $0xffff, v1  }
0xfb: {  	v1 =	vld [tilespmem:s28+$0x60];
	_ =	sdelay $0x4  }
0xfc: {  	[tilespmem:s5+$0x2E8] =	vst.add.f32.msk $0xffff, v1  }
0xfd: {  	v1 =	vld [tilespmem:s28+$0x70];
	_ =	sdelay $0x4  }
0xfe: {  	[tilespmem:s5+$0x2F8] =	vst.add.f32.msk $0xffff, v1  }
.LBB2_23:
0xff: {  	s29 =	sadd.s32 $0x1, s29  }
0x100: {  	p2 =	seq.s32 s29, $0x0  }
.Ltmp17:
0x101: {  	_ = 	snop;
	(pc) =	sbr.rel @p2 .LBB2_24-.Ltmp17, $2  }
0x102: {  	_ =	sdelay $0x2  }
0x103: {  	s25 =	sadd.s32 $0x1, s25;
	s28 =	sadd.s32 $0x100, s28;
	s31 =	smov.u32 s0  }
.LBB2_18:
0x104: {  	v1 =	vld.msk [tilespmem:s25+$0x0], $0x1;
	_ =	sdelay $0x4  }
0x105: {  	(v2sf) =	vpush v1, $0x0;
	_ =	sdelay $0xe  }
0x106: {  	s0 =	spop (v2sf)  }
0x107: {  	p2 =	sne.s32 s31, s0  }
.Ltmp18:
0x108: {  	_ = 	snop;
	(pc) =	sbr.rel @!p2 .LBB2_19-.Ltmp18, $3  }
0x109: {  	_ =	sdelay $0x1  }
0x10a: {  	s2 =	sshll.u32 s24, $0xA  }
0x10b: {  	s5 =	sshra.s32 s2, $0x2  }
0x10c: {  	p2 =	seq.s32 s31, s26  }
.Ltmp19:
0x10d: {  	_ = 	snop;
	(pc) =	sbr.rel @!p2 .LBB2_21-.Ltmp19, $1  }
0x10e: {  	_ =	sdelay $0x3  }
.Ltmp20:
0x10f: {  	s2 =	sadd.s32 $0x208, s5;
	(pc) =	sbr.rel .LBB2_22-.Ltmp20, $4  }
0x110: {  	[spmem:s16] =	stream.linear.scatter [tilespmem:s2], [sflag:$0x1], $0x100, $0x38;
	[tilespmem:$0x1E678] =	vst v63  }
0x111: {  	_ =	swait.ge [sflag:s12], $0x100  }
0x112: {  	[sflag:s12] =	ssyncset.done $0x0  }
0x113: {  	[sflag:s12] =	ssyncadd.s32 $0xFFFFFF00  }
.LBB2_21:
0x114: {  	s2 =	sshll.u32 s30, $0xA  }
0x115: {  	s2 =	sshra.s32 s2, $0x2  }
0x116: {  	v1 =	vld [tilespmem:s2+$0x7308];
	_ =	sdelay $0x4  }
0x117: {  	[tilespmem:s5+$0x208] =	vst.add.f32.msk $0xffff, v1  }
0x118: {  	v1 =	vld [tilespmem:s2+$0x7318];
	_ =	sdelay $0x4  }
0x119: {  	[tilespmem:s5+$0x218] =	vst.add.f32.msk $0xffff, v1  }
0x11a: {  	v1 =	vld [tilespmem:s2+$0x7328];
	_ =	sdelay $0x4  }
0x11b: {  	[tilespmem:s5+$0x228] =	vst.add.f32.msk $0xffff, v1  }
0x11c: {  	v1 =	vld [tilespmem:s2+$0x7338];
	_ =	sdelay $0x4  }
0x11d: {  	[tilespmem:s5+$0x238] =	vst.add.f32.msk $0xffff, v1  }
0x11e: {  	v1 =	vld [tilespmem:s2+$0x7348];
	_ =	sdelay $0x4  }
0x11f: {  	[tilespmem:s5+$0x248] =	vst.add.f32.msk $0xffff, v1  }
0x120: {  	v1 =	vld [tilespmem:s2+$0x7358];
	_ =	sdelay $0x4  }
0x121: {  	[tilespmem:s5+$0x258] =	vst.add.f32.msk $0xffff, v1  }
0x122: {  	v1 =	vld [tilespmem:s2+$0x7368];
	_ =	sdelay $0x4  }
0x123: {  	[tilespmem:s5+$0x268] =	vst.add.f32.msk $0xffff, v1  }
0x124: {  	v1 =	vld [tilespmem:s2+$0x7378];
	_ =	sdelay $0x4  }
0x125: {  	[tilespmem:s5+$0x278] =	vst.add.f32.msk $0xffff, v1  }
0x126: {  	v1 =	vld [tilespmem:s2+$0x7388];
	_ =	sdelay $0x4  }
0x127: {  	[tilespmem:s5+$0x288] =	vst.add.f32.msk $0xffff, v1  }
0x128: {  	v1 =	vld [tilespmem:s2+$0x7398];
	_ =	sdelay $0x4  }
0x129: {  	[tilespmem:s5+$0x298] =	vst.add.f32.msk $0xffff, v1  }
0x12a: {  	v1 =	vld [tilespmem:s2+$0x73A8];
	_ =	sdelay $0x4  }
0x12b: {  	[tilespmem:s5+$0x2A8] =	vst.add.f32.msk $0xffff, v1  }
0x12c: {  	v1 =	vld [tilespmem:s2+$0x73B8];
	_ =	sdelay $0x4  }
0x12d: {  	[tilespmem:s5+$0x2B8] =	vst.add.f32.msk $0xffff, v1  }
0x12e: {  	v1 =	vld [tilespmem:s2+$0x73C8];
	_ =	sdelay $0x4  }
0x12f: {  	[tilespmem:s5+$0x2C8] =	vst.add.f32.msk $0xffff, v1  }
0x130: {  	v1 =	vld [tilespmem:s2+$0x73D8];
	_ =	sdelay $0x4  }
0x131: {  	[tilespmem:s5+$0x2D8] =	vst.add.f32.msk $0xffff, v1  }
0x132: {  	v1 =	vld [tilespmem:s2+$0x73E8];
	_ =	sdelay $0x4  }
0x133: {  	[tilespmem:s5+$0x2E8] =	vst.add.f32.msk $0xffff, v1  }
0x134: {  	v1 =	vld [tilespmem:s2+$0x73F8];
	_ =	sdelay $0x2  }
0x135: {  	p2 =	sgt.u32 s31, $0x4E170  }
0x136: {  	s2 =	sand.u32 @!p2 $0x7FFF8, s31  }
0x137: {  	s3 =	sadd.s32 $0x208, s5;
	s9 =	sand.u32 @!p2 $0x7, s31;
	s2 =	sadd.s32 @!p2 s1, s2;
	[tilespmem:s5+$0x2F8] =	vst.add.f32.msk $0xffff, v1  }
0x138: {  	[hbm4b:s2+s9] =	stream.linear.scatter @!p2 [tilespmem:s3], [sflag:$0xC], $0x80, $0x38;
	[tilespmem:$0x1E678] =	vst v63  }
0x139: {  	s2 =	sadd.s32 @!p2 $0x80, s31  }
0x13a: {  	s2 =	sand.u32 @!p2 $0xFFFF8, s2  }
0x13b: {  	s3 =	sadd.s32 $0x288, s5;
	s2 =	sadd.s32 @!p2 s1, s2  }
0x13c: {  	[hbm4b:s2+s9] =	stream.linear.scatter @!p2 [tilespmem:s3], [sflag:$0xC], $0x80, $0x38;
	[tilespmem:$0x1E678] =	vst v63  }
0x13d: {  	s2 =	simm.s32 $0x0  }
0x13e: {  	s2 =	simm.s32 @!p2 $0x400  }
0x13f: {  	s4 =	sadd.s32 s2, s4  }
.LBB2_22:
0x140: {  	s2 =	sadd.s32 $0x1, s24  }
0x141: {  	s3 =	sshrl.u32 s2, $0x4  }
0x142: {  	s3 =	smulhi.u32 $0x24924925, s3  }
0x143: {  	v1 =	vld [tilespmem:s28+$0xFFFFFF80]  }
0x144: {  	s3 =	smul.u32 $0x70, s3;
	_ =	sdelay $0x1  }
0x145: {  	s24 =	ssub.s32 s2, s3  }
0x146: {  	s2 =	sshll.u32 s24, $0x8  }
0x147: {  	[tilespmem:s2+$0x208] =	vst v1  }
0x148: {  	v1 =	vld [tilespmem:s28+$0xFFFFFF90];
	_ =	sdelay $0x4  }
0x149: {  	[tilespmem:s2+$0x218] =	vst v1  }
0x14a: {  	v1 =	vld [tilespmem:s28+$0xFFFFFFA0];
	_ =	sdelay $0x4  }
0x14b: {  	[tilespmem:s2+$0x228] =	vst v1  }
0x14c: {  	v1 =	vld [tilespmem:s28+$0xFFFFFFB0];
	_ =	sdelay $0x4  }
0x14d: {  	[tilespmem:s2+$0x238] =	vst v1  }
0x14e: {  	v1 =	vld [tilespmem:s28+$0xFFFFFFC0];
	_ =	sdelay $0x4  }
0x14f: {  	[tilespmem:s2+$0x248] =	vst v1  }
0x150: {  	v1 =	vld [tilespmem:s28+$0xFFFFFFD0];
	_ =	sdelay $0x4  }
0x151: {  	[tilespmem:s2+$0x258] =	vst v1  }
0x152: {  	v1 =	vld [tilespmem:s28+$0xFFFFFFE0];
	_ =	sdelay $0x4  }
0x153: {  	[tilespmem:s2+$0x268] =	vst v1  }
0x154: {  	v1 =	vld [tilespmem:s28+$0xFFFFFFF0];
	_ =	sdelay $0x4  }
0x155: {  	[tilespmem:s2+$0x278] =	vst v1  }
0x156: {  	v1 =	vld [tilespmem:s28+$0x0];
	_ =	sdelay $0x4  }
0x157: {  	[tilespmem:s2+$0x288] =	vst v1  }
0x158: {  	v1 =	vld [tilespmem:s28+$0x10];
	_ =	sdelay $0x4  }
0x159: {  	[tilespmem:s2+$0x298] =	vst v1  }
0x15a: {  	v1 =	vld [tilespmem:s28+$0x20];
	_ =	sdelay $0x4  }
0x15b: {  	[tilespmem:s2+$0x2A8] =	vst v1  }
0x15c: {  	v1 =	vld [tilespmem:s28+$0x30];
	_ =	sdelay $0x4  }
0x15d: {  	[tilespmem:s2+$0x2B8] =	vst v1  }
0x15e: {  	v1 =	vld [tilespmem:s28+$0x40];
	_ =	sdelay $0x4  }
0x15f: {  	[tilespmem:s2+$0x2C8] =	vst v1  }
0x160: {  	v1 =	vld [tilespmem:s28+$0x50];
	_ =	sdelay $0x4  }
0x161: {  	[tilespmem:s2+$0x2D8] =	vst v1  }
0x162: {  	v1 =	vld [tilespmem:s28+$0x60];
	_ =	sdelay $0x4  }
0x163: {  	[tilespmem:s2+$0x2E8] =	vst v1  }
0x164: {  	v1 =	vld [tilespmem:s28+$0x70]  }
.Ltmp21:
0x165: {  	_ = 	snop;
	(pc) =	sbr.rel .LBB2_23-.Ltmp21, $2  }
0x166: {  	_ =	sdelay $0x2  }
0x167: {  	s30 =	sadd.s32 $0x1, s30;
	[tilespmem:s2+$0x2F8] =	vst v1  }
.LBB2_25:
.Ltmp22:
0x168: {  	(pc) =	sbr.rel .LBB2_26-.Ltmp22, $4  }
0x169: {  	_ = 	snop  }
0x16a: {  	s0 =	simm.s32 $0x2  }
0x16b: {  	_ =	swait.ge [sflag:s0], $0x0  }
0x16c: {  	s2 =	simm.s32 $0x0;
	[sflag:s0] =	ssyncset.done $0x0;
	s0 =	smov.u32 s31  }
.LBB2_28:
0x16d: {  	_ =	sfence.sel $0x180000  }
0x16e: {  	s0 =	simm.s32 $0x9;
	[bflag:$0x0] =	sbarrier.arrive $0xFFFF  }
0x16f: {  	s24 =	simm.s32 $0xA;
	[sflag:s0] =	ssyncpa.u1 $0x1  }
0x170: {  	s25 =	simm.s32 $0xB;
	[sflag:s24] =	ssyncpa.u1 $0x1  }
0x171: {  	s26 =	simm.s32 $0x2;
	[sflag:s25] =	ssyncpa.u1 $0x1  }
0x172: {  	[sflag:s26] =	ssyncpa.u1 $0x1  }
0x173: {  	v0 =	vld [tilespmem:$0xE408];
	_ =	sdelay $0x4  }
0x174: {  	(v2sf) =	vpush v0, $0x0  }
0x175: {  	(v2sf) =	vpush v0, $0x1;
	_ =	sdelay $0x1  }
0x176: {  	(v2sf) =	vpush v0, $0x2;
	_ =	sdelay $0xb  }
0x177: {  	s0 =	spop (v2sf)  }
0x178: {  	s2 =	spop (v2sf)  }
0x179: {  	s3 =	smov.u32 s0;
	p0 =	sne.s32 s0, s2  }
0x17a: {  	s4 =	spop (v2sf);
	s3 =	simm.s32 @!p0 $0xFFFFFFFF  }
0x17b: {  	v2 =	vimm.s32 $0x1;
	v3 =	vlaneseq.u32;
	p0 =	seq.s32 s4, $0xFFFFFFFF;
	v1 =	vmov s3  }
0x17c: {  	s15 =	stileid.u32;
	v0 =	vperm.xlane v0, v2;
	p1 =	sne.s32 @!p0 s0, s2;
	v1 =	vperm.xlane v1, v3  }
0x17d: {  	vm0 =	vcmask $0x3F04;
	s6 =	simm.s32 $0xE408;
	s0 =	simm.s32 @!p0 $0x1;
	p1 =	por !p1, p0  }
0x17e: {  	s3 =	sshll.u32 s15, $0x1;
	s2 =	sshll.u32 @!p0 s4, $0xA;
	s0 =	simm.s32 @p1 $0x0;
	v0 =	vsel vm0, v1, v0  }
0x17f: {  	s5 =	sor.u32 $0x2000, s3;
	s2 =	sshra.s32 @!p0 s2, $0x2;
	s0 =	sor.u32 @!p0 s0, s3;
	[tilespmem:$0xE408] =	vst v0  }
0x180: {  	[spmem:s5] =	stream.linear.scatter [tilespmem:s6], [sflag:$0x1], $0x2, $0x38;
	[tilespmem:$0x1E678] =	vst v63  }
0x181: {  	s2 =	sadd.s32 @!p0 $0x208, s2;
	s0 =	sshll.u32 @!p0 s0, $0x8  }
0x182: {  	[spmem:s0] =	stream.linear.scatter @!p0 [tilespmem:s2], [sflag:$0x1], $0x100, $0x38;
	[tilespmem:$0x1E678] =	vst v63  }
0x183: {  	s0 =	simm.s32 @!p0 $0x102  }
0x184: {  	s28 =	simm.s32 $0x1;
	s0 =	simm.s32 @p0 $0x2  }
0x185: {  	_ =	swait.ge [sflag:s28], s0  }
0x186: {  	s0 =	ssub.s32 $0x0, s0;
	[sflag:s28] =	ssyncset.done $0x0  }
0x187: {  	p0 =	sne.s32 s15, $0x0;
	[sflag:s28] =	ssyncadd.s32 s0  }
.Ltmp23:
0x188: {  	_ =	sfence.stream.spmem;
	(pc) =	sbr.rel @p0 .LBB2_45-.Ltmp23, $4  }
0x189: {  	s29 =	simm.s32 $0x3;
	[bflag:$0x0] =	sbarrier.arrive $0xFFFF  }
0x18a: {  	s30 =	simm.s32 $0x4;
	[sflag:s29] =	ssyncpa.u1 $0x1  }
0x18b: {  	s31 =	simm.s32 $0x3C;
	[sflag:s30] =	ssyncpa.u1 $0x1  }
0x18c: {  	s14 =	rddreg [dreg:$0x7];
	[sflag:s31] =	ssyncpa.u1 $0x1  }
0x18d: {  	_ =	sfence.stream.spmem;
	s0 =	simm.s32 $0x5  }
0x18e: {  	s2 =	simm.s32 $0x2000;
	s3 =	simm.s32 $0xE418;
	[sflag:s0] =	ssyncpa.u1 $0x0  }
0x18f: {  	[tilespmem:s3], [sflag:$0x5] =	stream.linear.gather [spmem:s2], $0x20, $0x38;
	[tilespmem:$0x1E678] =	vst v63  }
0x190: {  	s26 =	simm.s32 $0x0;
	s28 =	simm.s32 $0xE438  }
0x191: {  	[tilespmem:s28], [sflag:$0x5] =	stream.linear.gather [spmem:s26], $0x2000, $0x38;
	[tilespmem:$0x1E678] =	vst v63  }
0x192: {  	_ =	swait.ge [sflag:s0], $0x2020  }
0x193: {  	[sflag:s0] =	ssyncset.done $0x0  }
0x194: {  	s29 =	simm.s32 $0x0;
	[sflag:s0] =	ssyncadd.s32 $0xFFFFDFE0  }
0x195: {  	v0 =	vld.msk [tilespmem:s29+$0xE418], $0x1;
	_ =	sdelay $0x1  }
0x196: {  	s30 =	simm.s32 $0x1  }
0x197: {  	v1 =	vld.msk [tilespmem:s30+$0xE418], $0x1;
	_ =	sdelay $0x1  }
0x198: {  	(v2sf) =	vpush v0, $0x0;
	_ =	sdelay $0x2  }
0x199: {  	(v2sf) =	vpush v1, $0x0;
	_ =	sdelay $0x2  }
0x19a: {  	s31 =	simm.s32 $0x2  }
0x19b: {  	v0 =	vld.msk [tilespmem:s31+$0xE418], $0x1;
	_ =	sdelay $0x2  }
0x19c: {  	s2 =	simm.s32 $0xFFFFFFFF;
	s3 =	simm.s32 $0xFFFFFFFF;
	s0 =	simm.s32 $0xC  }
.LBB2_30:
0x19d: {  	s4 =	smov.u32 s3;
	s5 =	smov.u32 s2  }
0x19e: {  	s2 =	sshra.s32 s0, $0x2;
	p1 =	sne.s32 s0, $0x7C;
	s0 =	sadd.s32 $0x4, s0;
	(v2sf) =	vpush v0, $0x0  }
0x19f: {  	v0 =	vld.msk [tilespmem:s2+$0xE418], $0x1  }
.Ltmp24:
0x1a0: {  	(pc) =	sbr.rel @p1 .LBB2_30-.Ltmp24, $4  }
0x1a1: {  	s3 =	spop (v2sf)  }
0x1a2: {  	p2 =	sne.s32 s5, $0xFFFFFFFF;
	s2 =	smov.u32 s3  }
0x1a3: {  	p3 =	seq.s32 s3, $0xFFFFFFFF;
	s2 =	smov.u32 @p2 s5  }
0x1a4: {  	s3 =	smov.u32 @p3 s4;
	s2 =	smov.u32 @p3 s5  }
0x1a5: {  	(v2sf) =	vpush v0, $0x0;
	_ =	sdelay $0x8  }
0x1a6: {  	s0 =	spop (v2sf)  }
0x1a7: {  	p1 =	sne.s32 s2, $0xFFFFFFFF;
	s9 =	simm.s32 $0x6;
	s4 =	smov.u32 s0  }
0x1a8: {  	s6 =	simm.s32 $0x0;
	p2 =	seq.s32 s0, $0xFFFFFFFF;
	s4 =	smov.u32 @p1 s2  }
0x1a9: {  	s10 =	simm.s32 $0xE308;
	s4 =	smov.u32 @p2 s2;
	s2 =	spop (v2sf)  }
0x1aa: {  	s0 =	smov.u32 @p2 s3;
	p1 =	sne.s32 s4, $0xFFFFFFFF;
	s5 =	smov.u32 s2  }
.Ltmp25:
0x1ab: {  	p2 =	seq.s32 s2, $0xFFFFFFFF;
	s5 =	smov.u32 @p1 s4;
	(pc) =	sbr.rel .LBB2_32-.Ltmp25, $4  }
0x1ac: {  	s11 =	simm.s32 $0xE388;
	s5 =	smov.u32 @p2 s4;
	s7 =	spop (v2sf)  }
0x1ad: {  	s12 =	simm.s32 $0x0;
	p1 =	sne.s32 s5, $0xFFFFFFFF;
	s8 =	smov.u32 s7  }
0x1ae: {  	s2 =	smov.u32 @p2 s0;
	p2 =	seq.s32 s7, $0xFFFFFFFF;
	s8 =	smov.u32 @p1 s5  }
0x1af: {  	[sflag:s9] =	ssyncpa.u1 $0x0;
	s7 =	smov.u32 @p2 s2;
	s8 =	smov.u32 @p2 s5  }
.LBB2_38:
0x1b0: {  	p1 =	sgt.u32 s0, $0x4E170  }
0x1b1: {  	p2 =	seq.s32 @!p1 s0, s8  }
0x1b2: {  	p1 =	por p1, p2  }
0x1b3: {  	p2 =	sne.s32 @!p1 s0, s7  }
0x1b4: {  	p1 =	por p1, !p2  }
0x1b5: {  	s0 =	sshll.u32 @p1 s12, $0xA  }
0x1b6: {  	s2 =	sand.u32 @!p1 $0x7FFF8, s0;
	s3 =	sand.u32 @!p1 $0x7, s0;
	s0 =	sadd.s32 @!p1 $0x80, s0  }
0x1b7: {  	s2 =	sadd.s32 @!p1 s1, s2;
	s0 =	sand.u32 @!p1 $0xFFFF8, s0  }
0x1b8: {  	[tilespmem:s10], [sflag:$0x6] =	stream.linear.gather @!p1 [hbm4b:s2+s3], $0x80, $0x38;
	[tilespmem:$0x1E678] =	vst v63  }
0x1b9: {  	s0 =	sadd.s32 @!p1 s1, s0  }
0x1ba: {  	[tilespmem:s11], [sflag:$0x6] =	stream.linear.gather @!p1 [hbm4b:s0+s3], $0x80, $0x38;
	[tilespmem:$0x1E678] =	vst v63  }
0x1bb: {  	_ =	swait.ge @!p1 [sflag:s9], $0x100  }
0x1bc: {  	[sflag:s9] =	ssyncset.done @!p1 $0x0  }
0x1bd: {  	[sflag:s9] =	ssyncadd.s32 @!p1 $0xFFFFFF00  }
0x1be: {  	v1 =	vld @!p1 [tilespmem:$0xE308];
	_ =	sdelay $0x2  }
0x1bf: {  	s0 =	sshll.u32 @!p1 s12, $0xA  }
0x1c0: {  	s2 =	sshrl.u32 @!p1 s0, $0x2  }
0x1c1: {  	[tilespmem:s2+$0xE438] =	vst.add.f32.msk @!p1 $0xffff, v1  }
0x1c2: {  	v1 =	vld @!p1 [tilespmem:$0xE318];
	_ =	sdelay $0x4  }
0x1c3: {  	[tilespmem:s2+$0xE448] =	vst.add.f32.msk @!p1 $0xffff, v1  }
0x1c4: {  	v1 =	vld @!p1 [tilespmem:$0xE328];
	_ =	sdelay $0x4  }
0x1c5: {  	[tilespmem:s2+$0xE458] =	vst.add.f32.msk @!p1 $0xffff, v1  }
0x1c6: {  	v1 =	vld @!p1 [tilespmem:$0xE338];
	_ =	sdelay $0x4  }
0x1c7: {  	[tilespmem:s2+$0xE468] =	vst.add.f32.msk @!p1 $0xffff, v1  }
0x1c8: {  	v1 =	vld @!p1 [tilespmem:$0xE348];
	_ =	sdelay $0x4  }
0x1c9: {  	[tilespmem:s2+$0xE478] =	vst.add.f32.msk @!p1 $0xffff, v1  }
0x1ca: {  	v1 =	vld @!p1 [tilespmem:$0xE358];
	_ =	sdelay $0x4  }
0x1cb: {  	[tilespmem:s2+$0xE488] =	vst.add.f32.msk @!p1 $0xffff, v1  }
0x1cc: {  	v1 =	vld @!p1 [tilespmem:$0xE368];
	_ =	sdelay $0x4  }
0x1cd: {  	[tilespmem:s2+$0xE498] =	vst.add.f32.msk @!p1 $0xffff, v1  }
0x1ce: {  	v1 =	vld @!p1 [tilespmem:$0xE378];
	_ =	sdelay $0x4  }
0x1cf: {  	[tilespmem:s2+$0xE4A8] =	vst.add.f32.msk @!p1 $0xffff, v1  }
0x1d0: {  	v1 =	vld @!p1 [tilespmem:$0xE388];
	_ =	sdelay $0x4  }
0x1d1: {  	[tilespmem:s2+$0xE4B8] =	vst.add.f32.msk @!p1 $0xffff, v1  }
0x1d2: {  	v1 =	vld @!p1 [tilespmem:$0xE398];
	_ =	sdelay $0x4  }
0x1d3: {  	[tilespmem:s2+$0xE4C8] =	vst.add.f32.msk @!p1 $0xffff, v1  }
0x1d4: {  	v1 =	vld @!p1 [tilespmem:$0xE3A8];
	_ =	sdelay $0x4  }
0x1d5: {  	[tilespmem:s2+$0xE4D8] =	vst.add.f32.msk @!p1 $0xffff, v1  }
0x1d6: {  	v1 =	vld @!p1 [tilespmem:$0xE3B8];
	_ =	sdelay $0x4  }
0x1d7: {  	[tilespmem:s2+$0xE4E8] =	vst.add.f32.msk @!p1 $0xffff, v1  }
0x1d8: {  	v1 =	vld @!p1 [tilespmem:$0xE3C8];
	_ =	sdelay $0x4  }
0x1d9: {  	[tilespmem:s2+$0xE4F8] =	vst.add.f32.msk @!p1 $0xffff, v1  }
0x1da: {  	v1 =	vld @!p1 [tilespmem:$0xE3D8];
	_ =	sdelay $0x4  }
0x1db: {  	[tilespmem:s2+$0xE508] =	vst.add.f32.msk @!p1 $0xffff, v1  }
0x1dc: {  	v1 =	vld @!p1 [tilespmem:$0xE3E8];
	_ =	sdelay $0x4  }
0x1dd: {  	[tilespmem:s2+$0xE518] =	vst.add.f32.msk @!p1 $0xffff, v1  }
0x1de: {  	v1 =	vld @!p1 [tilespmem:$0xE3F8];
	_ =	sdelay $0x4  }
0x1df: {  	[tilespmem:s2+$0xE528] =	vst.add.f32.msk @!p1 $0xffff, v1  }
0x1e0: {  	s0 =	sshrl.u32 s0, $0x2;
	[tilespmem:s6+$0xE418] =	vst.msk $0x1, v0  }
0x1e1: {  	v0 =	vld [tilespmem:s0+$0xE438];
	_ =	sdelay $0x2  }
0x1e2: {  	s31 =	sshll.u32 s6, $0xA  }
0x1e3: {  	s2 =	sshra.s32 s31, $0x2  }
0x1e4: {  	[tilespmem:s2+$0xE438] =	vst v0  }
0x1e5: {  	v0 =	vld [tilespmem:s0+$0xE448];
	_ =	sdelay $0x4  }
0x1e6: {  	[tilespmem:s2+$0xE448] =	vst v0  }
0x1e7: {  	v0 =	vld [tilespmem:s0+$0xE458];
	_ =	sdelay $0x4  }
0x1e8: {  	[tilespmem:s2+$0xE458] =	vst v0  }
0x1e9: {  	v0 =	vld [tilespmem:s0+$0xE468];
	_ =	sdelay $0x4  }
0x1ea: {  	[tilespmem:s2+$0xE468] =	vst v0  }
0x1eb: {  	v0 =	vld [tilespmem:s0+$0xE478];
	_ =	sdelay $0x4  }
0x1ec: {  	[tilespmem:s2+$0xE478] =	vst v0  }
0x1ed: {  	v0 =	vld [tilespmem:s0+$0xE488];
	_ =	sdelay $0x4  }
0x1ee: {  	[tilespmem:s2+$0xE488] =	vst v0  }
0x1ef: {  	v0 =	vld [tilespmem:s0+$0xE498];
	_ =	sdelay $0x4  }
0x1f0: {  	[tilespmem:s2+$0xE498] =	vst v0  }
0x1f1: {  	v0 =	vld [tilespmem:s0+$0xE4A8];
	_ =	sdelay $0x4  }
0x1f2: {  	[tilespmem:s2+$0xE4A8] =	vst v0  }
0x1f3: {  	v0 =	vld [tilespmem:s0+$0xE4B8];
	_ =	sdelay $0x4  }
0x1f4: {  	[tilespmem:s2+$0xE4B8] =	vst v0  }
0x1f5: {  	v0 =	vld [tilespmem:s0+$0xE4C8];
	_ =	sdelay $0x4  }
0x1f6: {  	[tilespmem:s2+$0xE4C8] =	vst v0  }
0x1f7: {  	v0 =	vld [tilespmem:s0+$0xE4D8];
	_ =	sdelay $0x4  }
0x1f8: {  	[tilespmem:s2+$0xE4D8] =	vst v0  }
0x1f9: {  	v0 =	vld [tilespmem:s0+$0xE4E8];
	_ =	sdelay $0x4  }
0x1fa: {  	[tilespmem:s2+$0xE4E8] =	vst v0  }
0x1fb: {  	v0 =	vld [tilespmem:s0+$0xE4F8];
	_ =	sdelay $0x4  }
0x1fc: {  	[tilespmem:s2+$0xE4F8] =	vst v0  }
0x1fd: {  	v0 =	vld [tilespmem:s0+$0xE508];
	_ =	sdelay $0x4  }
0x1fe: {  	[tilespmem:s2+$0xE508] =	vst v0  }
0x1ff: {  	v0 =	vld [tilespmem:s0+$0xE518];
	_ =	sdelay $0x4  }
0x200: {  	[tilespmem:s2+$0xE518] =	vst v0  }
0x201: {  	v0 =	vld [tilespmem:s0+$0xE528];
	_ =	sdelay $0x4  }
0x202: {  	s6 =	sadd.s32 $0x1, s6;
	[tilespmem:s2+$0xE528] =	vst v0  }
.LBB2_39:
0x203: {  	s12 =	sadd.s32 $0x1, s12  }
0x204: {  	p1 =	sne.s32 s12, $0x20  }
.Ltmp26:
0x205: {  	_ = 	snop;
	(pc) =	sbr.rel @!p1 .LBB2_40-.Ltmp26, $1  }
0x206: {  	_ =	sdelay $0x3  }
.LBB2_32:
0x207: {  	v0 =	vld.msk [tilespmem:s12+$0xE418], $0x1;
	_ =	sdelay $0x4  }
0x208: {  	(v2sf) =	vpush v0, $0x0;
	_ =	sdelay $0xe  }
0x209: {  	s0 =	spop (v2sf)  }
0x20a: {  	p1 =	seq.s32 s0, $0xFFFFFFFF  }
.Ltmp27:
0x20b: {  	_ = 	snop;
	(pc) =	sbr.rel @p1 .LBB2_39-.Ltmp27, $1  }
0x20c: {  	_ =	sdelay $0x3  }
0x20d: {  	p1 =	slt.s32 s6, $0x1  }
.Ltmp28:
0x20e: {  	_ = 	snop;
	(pc) =	sbr.rel @p1 .LBB2_38-.Ltmp28, $1  }
0x20f: {  	_ =	sdelay $0x3  }
0x210: {  	s4 =	simm.s32 $0xE418;
	p1 =	por $0x0, $0x0  }
0x211: {  	v1 =	vld.msk @!p1 [tilespmem:s4+$0x0], $0x1;
	_ =	sdelay $0x4  }
0x212: {  	(v2sf) =	vpush @!p1 v1, $0x0;
	_ =	sdelay $0xd  }
0x213: {  	p3 =	sne.s32 s6, $0x1  }
.Ltmp29:
0x214: {  	s2 =	spop @!p1 (v2sf);
	(pc) =	sbr.rel @!p3 .LBB2_36-.Ltmp29, $4  }
0x215: {  	p2 =	seq.s32 @!p1 s0, s2  }
0x216: {  	s5 =	simm.s32 $0x0;
	p2 =	por !p2, p1  }
0x217: {  	s2 =	simm.s32 $0xFFFFFFFF;
	s5 =	simm.s32 @p2 $0xFFFFFFFF  }
0x218: {  	s13 =	simm.s32 $0x1;
	s5 =	smov.u32 @p1 s2  }
.LBB2_35:
0x219: {  	s2 =	smov.u32 s5;
	p1 =	sne.s32 s5, $0xFFFFFFFF  }
0x21a: {  	s4 =	sadd.s32 $0x1, s4;
	s5 =	smov.u32 s13;
	s13 =	sadd.s32 $0x1, s13  }
0x21b: {  	p2 =	sne.s32 s6, s13;
	v1 =	vld.msk @!p1 [tilespmem:s4+$0x0], $0x1;
	_ =	sdelay $0x4  }
0x21c: {  	(v2sf) =	vpush @!p1 v1, $0x0;
	_ =	sdelay $0xe  }
.Ltmp30:
0x21d: {  	s3 =	spop @!p1 (v2sf);
	(pc) =	sbr.rel @p2 .LBB2_35-.Ltmp30, $4  }
0x21e: {  	p3 =	seq.s32 @!p1 s0, s3  }
0x21f: {  	p3 =	por !p3, p1  }
0x220: {  	s5 =	simm.s32 @p3 $0xFFFFFFFF  }
0x221: {  	s5 =	smov.u32 @p1 s2  }
.LBB2_36:
0x222: {  	p1 =	seq.s32 s5, $0xFFFFFFFF  }
.Ltmp31:
0x223: {  	_ = 	snop;
	(pc) =	sbr.rel @p1 .LBB2_38-.Ltmp31, $1  }
0x224: {  	_ =	sdelay $0x3  }
0x225: {  	s0 =	sshll.u32 s12, $0x8  }
0x226: {  	s0 =	sand.u32 $0x3FFFFF00, s0  }
0x227: {  	v0 =	vld [tilespmem:s0+$0xE438];
	_ =	sdelay $0x2  }
0x228: {  	s2 =	sshll.u32 s5, $0xA  }
0x229: {  	s2 =	sshra.s32 s2, $0x2  }
0x22a: {  	[tilespmem:s2+$0xE438] =	vst.add.f32.msk $0xffff, v0  }
0x22b: {  	v0 =	vld [tilespmem:s0+$0xE448];
	_ =	sdelay $0x4  }
0x22c: {  	[tilespmem:s2+$0xE448] =	vst.add.f32.msk $0xffff, v0  }
0x22d: {  	v0 =	vld [tilespmem:s0+$0xE458];
	_ =	sdelay $0x4  }
0x22e: {  	[tilespmem:s2+$0xE458] =	vst.add.f32.msk $0xffff, v0  }
0x22f: {  	v0 =	vld [tilespmem:s0+$0xE468];
	_ =	sdelay $0x4  }
0x230: {  	[tilespmem:s2+$0xE468] =	vst.add.f32.msk $0xffff, v0  }
0x231: {  	v0 =	vld [tilespmem:s0+$0xE478];
	_ =	sdelay $0x4  }
0x232: {  	[tilespmem:s2+$0xE478] =	vst.add.f32.msk $0xffff, v0  }
0x233: {  	v0 =	vld [tilespmem:s0+$0xE488];
	_ =	sdelay $0x4  }
0x234: {  	[tilespmem:s2+$0xE488] =	vst.add.f32.msk $0xffff, v0  }
0x235: {  	v0 =	vld [tilespmem:s0+$0xE498];
	_ =	sdelay $0x4  }
0x236: {  	[tilespmem:s2+$0xE498] =	vst.add.f32.msk $0xffff, v0  }
0x237: {  	v0 =	vld [tilespmem:s0+$0xE4A8];
	_ =	sdelay $0x4  }
0x238: {  	[tilespmem:s2+$0xE4A8] =	vst.add.f32.msk $0xffff, v0  }
0x239: {  	v0 =	vld [tilespmem:s0+$0xE4B8];
	_ =	sdelay $0x4  }
0x23a: {  	[tilespmem:s2+$0xE4B8] =	vst.add.f32.msk $0xffff, v0  }
0x23b: {  	v0 =	vld [tilespmem:s0+$0xE4C8];
	_ =	sdelay $0x4  }
0x23c: {  	[tilespmem:s2+$0xE4C8] =	vst.add.f32.msk $0xffff, v0  }
0x23d: {  	v0 =	vld [tilespmem:s0+$0xE4D8];
	_ =	sdelay $0x4  }
0x23e: {  	[tilespmem:s2+$0xE4D8] =	vst.add.f32.msk $0xffff, v0  }
0x23f: {  	v0 =	vld [tilespmem:s0+$0xE4E8];
	_ =	sdelay $0x4  }
0x240: {  	[tilespmem:s2+$0xE4E8] =	vst.add.f32.msk $0xffff, v0  }
0x241: {  	v0 =	vld [tilespmem:s0+$0xE4F8];
	_ =	sdelay $0x4  }
0x242: {  	[tilespmem:s2+$0xE4F8] =	vst.add.f32.msk $0xffff, v0  }
0x243: {  	v0 =	vld [tilespmem:s0+$0xE508];
	_ =	sdelay $0x4  }
0x244: {  	[tilespmem:s2+$0xE508] =	vst.add.f32.msk $0xffff, v0  }
0x245: {  	v0 =	vld [tilespmem:s0+$0xE518];
	_ =	sdelay $0x4  }
0x246: {  	[tilespmem:s2+$0xE518] =	vst.add.f32.msk $0xffff, v0  }
0x247: {  	v0 =	vld [tilespmem:s0+$0xE528]  }
.Ltmp32:
0x248: {  	_ = 	snop;
	(pc) =	sbr.rel .LBB2_39-.Ltmp32, $2  }
0x249: {  	_ =	sdelay $0x2  }
0x24a: {  	[tilespmem:s2+$0xE528] =	vst.add.f32.msk $0xffff, v0  }
.LBB2_40:
0x24b: {  	s0 =	simm.s32 $0x6;
	p1 =	seq.s32 s6, $0x0  }
0x24c: {  	[sflag:s0] =	ssyncpa.u1 $0x1;
	v0 =	vimm.s32 @p1 $0xFFFFFFFF  }
0x24d: {  	s0 =	sadd.s32 $0xFFFFFFFF, s6;
	[tilespmem:$0x10438] =	vst @p1 v0  }
0x24e: {  	v0 =	vld.msk @!p1 [tilespmem:s0+$0xE418], $0x1;
	_ =	sdelay $0x1  }
0x24f: {  	v1 =	vld.msk @!p1 [tilespmem:$0xE418], $0x1;
	_ =	sdelay $0x2  }
0x250: {  	p2 =	seq.s32 @!p1 s0, $0x0;
	v0 =	vbroadcast @!p1 v0, $0x0  }
0x251: {  	vm0 =	vmmov @!p1 $0x1;
	p2 =	por !p2, p1  }
0x252: {  	v1 =	vnsel @!p1 vm0, $0xFFFFFFFF, v1;
	vm0 =	vcmask @!p1 $0x308;
	v0 =	vpsel !p2, $0xFFFFFFFF, v0  }
0x253: {  	p2 =	sne.s32 @!p1 s8, s7;
	v0 =	vsel @!p1 vm0, v1, v0  }
0x254: {  	s2 =	simm.s32 @!p1 $0xE438;
	s3 =	simm.s32 @!p1 $0x0;
	p3 =	por !p2, p1;
	[tilespmem:$0x10438] =	vst @!p1 v0  }
0x255: {  	[spmem:s3] =	stream.linear.scatter @!p1 [tilespmem:s2], [sflag:$0x1], $0x100, $0x38;
	[tilespmem:$0x1E678] =	vst v63  }
0x256: {  	s2 =	sshll.u32 @!p3 s0, $0xA  }
0x257: {  	s2 =	sshra.s32 @!p3 s2, $0x2  }
0x258: {  	s3 =	simm.s32 @!p3 $0x100;
	s2 =	sadd.s32 @!p3 $0xE438, s2  }
0x259: {  	[spmem:s3] =	stream.linear.scatter @!p3 [tilespmem:s2], [sflag:$0x1], $0x100, $0x38;
	[tilespmem:$0x1E678] =	vst v63  }
0x25a: {  	s2 =	simm.s32 @!p3 $0x1  }
0x25b: {  	_ =	swait.ge @!p3 [sflag:s2], $0x200  }
0x25c: {  	p1 =	por p2, p1;
	[sflag:s2] =	ssyncset.done @!p3 $0x0  }
0x25d: {  	[sflag:s2] =	ssyncadd.s32 @!p3 $0xFFFFFE00;
	s2 =	simm.s32 @!p1 $0x1  }
0x25e: {  	_ =	swait.ge @!p1 [sflag:s2], $0x100  }
0x25f: {  	s29 =	simm.s32 $0x10438;
	[sflag:s2] =	ssyncset.done @!p1 $0x0  }
0x260: {  	s30 =	simm.s32 $0x2000;
	s31 =	simm.s32 $0x1;
	[sflag:s2] =	ssyncadd.s32 @!p1 $0xFFFFFF00  }
0x261: {  	[spmem:s30] =	stream.linear.scatter [tilespmem:s29], [sflag:$0x1], $0x10, $0x38;
	[tilespmem:$0x1E678] =	vst v63  }
0x262: {  	_ =	swait.ge [sflag:s31], $0x10  }
0x263: {  	[sflag:s31] =	ssyncset.done $0x0  }
0x264: {  	p1 =	seq.s32 s14, $0x0;
	s9 =	rddreg [dreg:$0x4];
	[sflag:s31] =	ssyncadd.s32 $0xFFFFFFF0  }
0x265: {  	s3 =	sshll.u32 @p1 s9, $0xE;
	s8 =	rddreg [dreg:$0x5]  }
0x266: {  	s2 =	sadd.s32 @p1 $0x15C3C, s3;
	s3 =	sshll.u32 @p1 s8, $0x11  }
0x267: {  	_ =	sfence.stream.spmem;
	s2 =	sor.u32 @p1 s3, s2  }
0x268: {  	[sflag:s2] =	ssyncadd.remote.s32 @p1 $0x1;
	s2 =	simm.s32 @p1 $0x4  }
0x269: {  	s4 =	simm.s32 @!p1 $0x3C;
	s3 =	sand.u32 $0xFFFFFFFE, s9;
	_ =	swait.ge @p1 [sflag:s2], $0x42  }
0x26a: {  	s5 =	simm.s32 @!p1 $0x0;
	s3 =	sadd.s32 @!p1 $0x4, s3;
	[sflag:s2] =	ssyncset.done @p1 $0x0  }
0x26b: {  	s7 =	simm.s32 @!p1 $0x200;
	[sflag:s2] =	ssyncadd.s32 @p1 $0xFFFFFFBE;
	s2 =	sshll.u32 @!p1 s3, $0x1A  }
0x26c: {  	s3 =	sshll.u32 @!p1 s3, $0xD;
	s2 =	sor.u32 @!p1 s2, s8;
	_ =	swait.eq @!p1 [sflag:s4], $0x1  }
0x26d: {  	s3 =	sor.u32 @!p1 $0x1C04, s3;
	s4 =	simm.s32 @!p1 $0x1C03;
	s2 =	sor.u32 @!p1 $0x80004000, s2  }
0x26e: {  	[spmem:s7], [sflag:s3] =	dma.general @!p1 [spmem:s5], [sflag:s4], length:$0x40, [dreg:$0x0], stride_count:$0x0, ici_dest:s2, dma_misc:DstOpCode:WRITE  }
0x26f: {  	p2 =	slt.s32 s0, $0x2;
	s5 =	simm.s32 @!p1 $0x400;
	s7 =	simm.s32 @!p1 $0x402  }
0x270: {  	[spmem:s7], [sflag:s3] =	dma.general @!p1 [spmem:s5], [sflag:s4], length:$0x2, [dreg:$0x0], stride_count:$0x0, ici_dest:s2, dma_misc:DstOpCode:WRITE  }
.Ltmp33:
0x271: {  	s2 =	simm.s32 @!p1 $0x3;
	(pc) =	sbr.rel @p2 .LBB2_44-.Ltmp33, $4  }
0x272: {  	s3 =	sshll.u32 @!p1 s9, $0xE;
	_ =	swait.ge @!p1 [sflag:s2], $0x42  }
0x273: {  	s4 =	sshll.u32 @!p1 s8, $0x11;
	s3 =	sadd.s32 @!p1 $0x11C3C, s3;
	[sflag:s2] =	ssyncset.done @!p1 $0x0  }
0x274: {  	[sflag:s2] =	ssyncadd.s32 @!p1 $0xFFFFFFBE;
	s2 =	sor.u32 @!p1 s4, s3  }
0x275: {  	s0 =	simm.s32 $0x0;
	[sflag:s2] =	ssyncadd.remote.s32 @!p1 $0xFFFFFFFF  }
0x276: {  	s0 =	simm.s32 $0xE419  }
0x277: {  	v0 =	vld.msk [tilespmem:s0+$0x0], $0x1;
	_ =	sdelay $0x4  }
0x278: {  	(v2sf) =	vpush v0, $0x0;
	_ =	sdelay $0xd  }
0x279: {  	s31 =	sadd.s32 $0xFFFFFFFE, s6  }
0x27a: {  	s6 =	simm.s32 $0x0;
	s0 =	sadd.s32 $0xFFFFFFFF, s31;
	s2 =	spop (v2sf)  }
0x27b: {  	s3 =	simm.s32 $0xE538;
	p1 =	sne.s32 s0, $0x0;
	p2 =	sgt.u32 s2, $0x4E170  }
.Ltmp34:
0x27c: {  	s4 =	simm.s32 $0xE638;
	s5 =	sand.u32 @!p2 $0x7FFF8, s2;
	(pc) =	sbr.rel @!p1 .LBB2_43-.Ltmp34, $4  }
0x27d: {  	s7 =	sadd.s32 @!p2 $0x80, s2;
	s2 =	sand.u32 @!p2 $0x7, s2;
	s6 =	simm.s32 @!p2 $0x400  }
0x27e: {  	s5 =	sadd.s32 @!p2 s1, s5;
	s7 =	sand.u32 @!p2 $0xFFFF8, s7;
	s6 =	sadd.s32 $0x0, s6  }
0x27f: {  	[hbm4b:s5+s2] =	stream.linear.scatter @!p2 [tilespmem:s3], [sflag:$0x5], $0x80, $0x38;
	[tilespmem:$0x1E678] =	vst v63  }
0x280: {  	s5 =	simm.s32 $0xE41A;
	s3 =	simm.s32 @!p2 $0xE5B8;
	s7 =	sadd.s32 @!p2 s1, s7  }
.LBB2_42:
0x281: {  	[hbm4b:s7+s2] =	stream.linear.scatter @!p2 [tilespmem:s3], [sflag:$0x5], $0x80, $0x38;
	[tilespmem:$0x1E678] =	vst v63  }
0x282: {  	s0 =	sadd.s32 $0xFFFFFFFF, s0;
	s3 =	smov.u32 s4;
	v0 =	vld.msk [tilespmem:s5+$0x0], $0x1  }
0x283: {  	p1 =	sne.s32 s0, $0x0;
	_ =	sdelay $0x3  }
0x284: {  	(v2sf) =	vpush v0, $0x0;
	_ =	sdelay $0xe  }
0x285: {  	s4 =	sadd.s32 $0x100, s4;
	s8 =	simm.s32 $0x0;
	s2 =	spop (v2sf)  }
.Ltmp35:
0x286: {  	s5 =	sadd.s32 $0x1, s5;
	p2 =	sgt.u32 s2, $0x4E170;
	(pc) =	sbr.rel @p1 .LBB2_42-.Ltmp35, $4  }
0x287: {  	s8 =	simm.s32 @!p2 $0x400;
	s7 =	sand.u32 @!p2 $0x7FFF8, s2;
	s9 =	sadd.s32 @!p2 $0x80, s2  }
0x288: {  	s2 =	sand.u32 @!p2 $0x7, s2;
	s7 =	sadd.s32 @!p2 s1, s7;
	s9 =	sand.u32 @!p2 $0xFFFF8, s9  }
0x289: {  	[hbm4b:s7+s2] =	stream.linear.scatter @!p2 [tilespmem:s3], [sflag:$0x5], $0x80, $0x38;
	[tilespmem:$0x1E678] =	vst v63  }
0x28a: {  	s6 =	sadd.s32 s6, s8;
	s3 =	sadd.s32 @!p2 $0x80, s3;
	s7 =	sadd.s32 @!p2 s1, s9  }
.LBB2_43:
0x28b: {  	[hbm4b:s7+s2] =	stream.linear.scatter @!p2 [tilespmem:s3], [sflag:$0x5], $0x80, $0x38;
	[tilespmem:$0x1E678] =	vst v63  }
0x28c: {  	s0 =	sshrl.u32 s6, $0x2  }
.LBB2_44:
0x28d: {  	s2 =	simm.s32 $0x5  }
0x28e: {  	_ =	swait.ge [sflag:s2], s0  }
0x28f: {  	s31 =	ssub.s32 $0x0, s0;
	[sflag:s2] =	ssyncset.done $0x0  }
0x290: {  	[sflag:s2] =	ssyncadd.s32 s31  }
0x291: {  	[sflag:s2] =	ssyncpa.u1 $0x1  }
.LBB2_45:
0x292: {  	s0 =	sor.u32 s14, s15  }
0x293: {  	p1 =	sne.s32 s0, $0x0  }
.Ltmp36:
0x294: {  	_ = 	snop;
	(pc) =	sbr.rel @p1 .LBB2_60-.Ltmp36, $3  }
0x295: {  	_ =	sdelay $0x1  }
0x296: {  	[bflag:$0x0] =	sbarrier.arrive $0xFFFF  }
0x297: {  	_ =	sfence  }
0x298: {  	s0 =	simm.s32 $0x7  }
0x299: {  	s2 =	simm.s32 $0x2000;
	s3 =	simm.s32 $0xE418;
	[sflag:s0] =	ssyncpa.u1 $0x0  }
0x29a: {  	[tilespmem:s3], [sflag:$0x7] =	stream.linear.gather [spmem:s2], $0x20, $0x38;
	[tilespmem:$0x1E678] =	vst v63  }
0x29b: {  	s30 =	simm.s32 $0xE438;
	s2 =	simm.s32 $0x0  }
0x29c: {  	[tilespmem:s30], [sflag:$0x7] =	stream.linear.gather [spmem:s2], $0x2000, $0x38;
	[tilespmem:$0x1E678] =	vst v63  }
.Ltmp37:
0x29d: {  	_ = 	snop;
	(pc) =	sbr.rel .LBB2_47-.Ltmp37, $4  }
0x29e: {  	_ =	swait.ge [sflag:s0], $0x2020  }
0x29f: {  	[sflag:s0] =	ssyncset.done $0x0  }
0x2a0: {  	s31 =	simm.s32 $0x8;
	[sflag:s0] =	ssyncadd.s32 $0xFFFFDFE0  }
0x2a1: {  	s3 =	simm.s32 $0x0;
	[sflag:s31] =	ssyncpa.u1 $0x0  }
.LBB2_53:
0x2a2: {  	p1 =	slt.u32 s0, $0x4E171  }
0x2a3: {  	s4 =	sand.u32 @p1 $0x7FFF8, s0;
	s5 =	sand.u32 @p1 $0x7, s0;
	s0 =	sadd.s32 @p1 $0x80, s0  }
0x2a4: {  	s6 =	simm.s32 @p1 $0xE308;
	s4 =	sadd.s32 @p1 s1, s4;
	s0 =	sand.u32 @p1 $0xFFFF8, s0  }
0x2a5: {  	[tilespmem:s6], [sflag:$0x8] =	stream.linear.gather @p1 [hbm4b:s4+s5], $0x80, $0x38;
	[tilespmem:$0x1E678] =	vst v63  }
0x2a6: {  	s0 =	sadd.s32 @p1 s1, s0;
	s4 =	simm.s32 @p1 $0xE388  }
0x2a7: {  	[tilespmem:s4], [sflag:$0x8] =	stream.linear.gather @p1 [hbm4b:s0+s5], $0x80, $0x38;
	[tilespmem:$0x1E678] =	vst v63  }
0x2a8: {  	s0 =	simm.s32 @p1 $0x8  }
0x2a9: {  	_ =	swait.ge @p1 [sflag:s0], $0x100  }
0x2aa: {  	[sflag:s0] =	ssyncset.done @p1 $0x0  }
0x2ab: {  	[sflag:s0] =	ssyncadd.s32 @p1 $0xFFFFFF00  }
0x2ac: {  	v1 =	vld @p1 [tilespmem:$0xE308];
	_ =	sdelay $0x2  }
0x2ad: {  	s0 =	sshll.u32 @p1 s3, $0xA  }
0x2ae: {  	s4 =	sshrl.u32 @p1 s0, $0x2  }
0x2af: {  	[tilespmem:s4+$0xE438] =	vst.add.f32.msk @p1 $0xffff, v1  }
0x2b0: {  	v1 =	vld @p1 [tilespmem:$0xE318];
	_ =	sdelay $0x4  }
0x2b1: {  	[tilespmem:s4+$0xE448] =	vst.add.f32.msk @p1 $0xffff, v1  }
0x2b2: {  	v1 =	vld @p1 [tilespmem:$0xE328];
	_ =	sdelay $0x4  }
0x2b3: {  	[tilespmem:s4+$0xE458] =	vst.add.f32.msk @p1 $0xffff, v1  }
0x2b4: {  	v1 =	vld @p1 [tilespmem:$0xE338];
	_ =	sdelay $0x4  }
0x2b5: {  	[tilespmem:s4+$0xE468] =	vst.add.f32.msk @p1 $0xffff, v1  }
0x2b6: {  	v1 =	vld @p1 [tilespmem:$0xE348];
	_ =	sdelay $0x4  }
0x2b7: {  	[tilespmem:s4+$0xE478] =	vst.add.f32.msk @p1 $0xffff, v1  }
0x2b8: {  	v1 =	vld @p1 [tilespmem:$0xE358];
	_ =	sdelay $0x4  }
0x2b9: {  	[tilespmem:s4+$0xE488] =	vst.add.f32.msk @p1 $0xffff, v1  }
0x2ba: {  	v1 =	vld @p1 [tilespmem:$0xE368];
	_ =	sdelay $0x4  }
0x2bb: {  	[tilespmem:s4+$0xE498] =	vst.add.f32.msk @p1 $0xffff, v1  }
0x2bc: {  	v1 =	vld @p1 [tilespmem:$0xE378];
	_ =	sdelay $0x4  }
0x2bd: {  	[tilespmem:s4+$0xE4A8] =	vst.add.f32.msk @p1 $0xffff, v1  }
0x2be: {  	v1 =	vld @p1 [tilespmem:$0xE388];
	_ =	sdelay $0x4  }
0x2bf: {  	[tilespmem:s4+$0xE4B8] =	vst.add.f32.msk @p1 $0xffff, v1  }
0x2c0: {  	v1 =	vld @p1 [tilespmem:$0xE398];
	_ =	sdelay $0x4  }
0x2c1: {  	[tilespmem:s4+$0xE4C8] =	vst.add.f32.msk @p1 $0xffff, v1  }
0x2c2: {  	v1 =	vld @p1 [tilespmem:$0xE3A8];
	_ =	sdelay $0x4  }
0x2c3: {  	[tilespmem:s4+$0xE4D8] =	vst.add.f32.msk @p1 $0xffff, v1  }
0x2c4: {  	v1 =	vld @p1 [tilespmem:$0xE3B8];
	_ =	sdelay $0x4  }
0x2c5: {  	[tilespmem:s4+$0xE4E8] =	vst.add.f32.msk @p1 $0xffff, v1  }
0x2c6: {  	v1 =	vld @p1 [tilespmem:$0xE3C8];
	_ =	sdelay $0x4  }
0x2c7: {  	[tilespmem:s4+$0xE4F8] =	vst.add.f32.msk @p1 $0xffff, v1  }
0x2c8: {  	v1 =	vld @p1 [tilespmem:$0xE3D8];
	_ =	sdelay $0x4  }
0x2c9: {  	[tilespmem:s4+$0xE508] =	vst.add.f32.msk @p1 $0xffff, v1  }
0x2ca: {  	v1 =	vld @p1 [tilespmem:$0xE3E8];
	_ =	sdelay $0x4  }
0x2cb: {  	[tilespmem:s4+$0xE518] =	vst.add.f32.msk @p1 $0xffff, v1  }
0x2cc: {  	v1 =	vld @p1 [tilespmem:$0xE3F8];
	_ =	sdelay $0x3  }
0x2cd: {  	s5 =	sshll.u32 @!p1 s3, $0xA  }
0x2ce: {  	s5 =	smov.u32 @p1 s0;
	[tilespmem:s4+$0xE528] =	vst.add.f32.msk @p1 $0xffff, v1  }
0x2cf: {  	s0 =	sshrl.u32 s5, $0x2;
	[tilespmem:s2+$0xE418] =	vst.msk $0x1, v0  }
0x2d0: {  	v0 =	vld [tilespmem:s0+$0xE438];
	_ =	sdelay $0x2  }
0x2d1: {  	s31 =	sshll.u32 s2, $0xA  }
0x2d2: {  	s4 =	sshra.s32 s31, $0x2  }
0x2d3: {  	[tilespmem:s4+$0xE438] =	vst v0  }
0x2d4: {  	v0 =	vld [tilespmem:s0+$0xE448];
	_ =	sdelay $0x4  }
0x2d5: {  	[tilespmem:s4+$0xE448] =	vst v0  }
0x2d6: {  	v0 =	vld [tilespmem:s0+$0xE458];
	_ =	sdelay $0x4  }
0x2d7: {  	[tilespmem:s4+$0xE458] =	vst v0  }
0x2d8: {  	v0 =	vld [tilespmem:s0+$0xE468];
	_ =	sdelay $0x4  }
0x2d9: {  	[tilespmem:s4+$0xE468] =	vst v0  }
0x2da: {  	v0 =	vld [tilespmem:s0+$0xE478];
	_ =	sdelay $0x4  }
0x2db: {  	[tilespmem:s4+$0xE478] =	vst v0  }
0x2dc: {  	v0 =	vld [tilespmem:s0+$0xE488];
	_ =	sdelay $0x4  }
0x2dd: {  	[tilespmem:s4+$0xE488] =	vst v0  }
0x2de: {  	v0 =	vld [tilespmem:s0+$0xE498];
	_ =	sdelay $0x4  }
0x2df: {  	[tilespmem:s4+$0xE498] =	vst v0  }
0x2e0: {  	v0 =	vld [tilespmem:s0+$0xE4A8];
	_ =	sdelay $0x4  }
0x2e1: {  	[tilespmem:s4+$0xE4A8] =	vst v0  }
0x2e2: {  	v0 =	vld [tilespmem:s0+$0xE4B8];
	_ =	sdelay $0x4  }
0x2e3: {  	[tilespmem:s4+$0xE4B8] =	vst v0  }
0x2e4: {  	v0 =	vld [tilespmem:s0+$0xE4C8];
	_ =	sdelay $0x4  }
0x2e5: {  	[tilespmem:s4+$0xE4C8] =	vst v0  }
0x2e6: {  	v0 =	vld [tilespmem:s0+$0xE4D8];
	_ =	sdelay $0x4  }
0x2e7: {  	[tilespmem:s4+$0xE4D8] =	vst v0  }
0x2e8: {  	v0 =	vld [tilespmem:s0+$0xE4E8];
	_ =	sdelay $0x4  }
0x2e9: {  	[tilespmem:s4+$0xE4E8] =	vst v0  }
0x2ea: {  	v0 =	vld [tilespmem:s0+$0xE4F8];
	_ =	sdelay $0x4  }
0x2eb: {  	[tilespmem:s4+$0xE4F8] =	vst v0  }
0x2ec: {  	v0 =	vld [tilespmem:s0+$0xE508];
	_ =	sdelay $0x4  }
0x2ed: {  	[tilespmem:s4+$0xE508] =	vst v0  }
0x2ee: {  	v0 =	vld [tilespmem:s0+$0xE518];
	_ =	sdelay $0x4  }
0x2ef: {  	[tilespmem:s4+$0xE518] =	vst v0  }
0x2f0: {  	v0 =	vld [tilespmem:s0+$0xE528];
	_ =	sdelay $0x4  }
0x2f1: {  	s2 =	sadd.s32 $0x1, s2;
	[tilespmem:s4+$0xE528] =	vst v0  }
.LBB2_54:
0x2f2: {  	s3 =	sadd.s32 $0x1, s3  }
0x2f3: {  	p1 =	sne.s32 s3, $0x20  }
.Ltmp38:
0x2f4: {  	_ = 	snop;
	(pc) =	sbr.rel @!p1 .LBB2_55-.Ltmp38, $1  }
0x2f5: {  	_ =	sdelay $0x3  }
.LBB2_47:
0x2f6: {  	v0 =	vld.msk [tilespmem:s3+$0xE418], $0x1;
	_ =	sdelay $0x4  }
0x2f7: {  	(v2sf) =	vpush v0, $0x0;
	_ =	sdelay $0xe  }
0x2f8: {  	s0 =	spop (v2sf)  }
0x2f9: {  	p1 =	seq.s32 s0, $0xFFFFFFFF  }
.Ltmp39:
0x2fa: {  	_ = 	snop;
	(pc) =	sbr.rel @p1 .LBB2_54-.Ltmp39, $1  }
0x2fb: {  	_ =	sdelay $0x3  }
0x2fc: {  	p1 =	slt.s32 s2, $0x1  }
.Ltmp40:
0x2fd: {  	_ = 	snop;
	(pc) =	sbr.rel @p1 .LBB2_53-.Ltmp40, $1  }
0x2fe: {  	_ =	sdelay $0x3  }
0x2ff: {  	s4 =	simm.s32 $0xE418;
	p1 =	por $0x0, $0x0  }
0x300: {  	v1 =	vld.msk @!p1 [tilespmem:s4+$0x0], $0x1;
	_ =	sdelay $0x4  }
0x301: {  	(v2sf) =	vpush @!p1 v1, $0x0;
	_ =	sdelay $0xd  }
0x302: {  	p3 =	sne.s32 s2, $0x1  }
.Ltmp41:
0x303: {  	s5 =	spop @!p1 (v2sf);
	(pc) =	sbr.rel @!p3 .LBB2_51-.Ltmp41, $4  }
0x304: {  	p2 =	seq.s32 @!p1 s0, s5  }
0x305: {  	s5 =	simm.s32 $0x0;
	p2 =	por !p2, p1  }
0x306: {  	s7 =	simm.s32 $0xFFFFFFFF;
	s5 =	simm.s32 @p2 $0xFFFFFFFF  }
0x307: {  	s6 =	simm.s32 $0x1;
	s5 =	smov.u32 @p1 s7  }
.LBB2_50:
0x308: {  	s7 =	smov.u32 s5;
	p1 =	sne.s32 s5, $0xFFFFFFFF  }
0x309: {  	s4 =	sadd.s32 $0x1, s4;
	s5 =	smov.u32 s6;
	s6 =	sadd.s32 $0x1, s6  }
0x30a: {  	p2 =	sne.s32 s2, s6;
	v1 =	vld.msk @!p1 [tilespmem:s4+$0x0], $0x1;
	_ =	sdelay $0x4  }
0x30b: {  	(v2sf) =	vpush @!p1 v1, $0x0;
	_ =	sdelay $0xe  }
.Ltmp42:
0x30c: {  	s8 =	spop @!p1 (v2sf);
	(pc) =	sbr.rel @p2 .LBB2_50-.Ltmp42, $4  }
0x30d: {  	p3 =	seq.s32 @!p1 s0, s8  }
0x30e: {  	p3 =	por !p3, p1  }
0x30f: {  	s5 =	simm.s32 @p3 $0xFFFFFFFF  }
0x310: {  	s5 =	smov.u32 @p1 s7  }
.LBB2_51:
0x311: {  	p1 =	seq.s32 s5, $0xFFFFFFFF  }
.Ltmp43:
0x312: {  	_ = 	snop;
	(pc) =	sbr.rel @p1 .LBB2_53-.Ltmp43, $1  }
0x313: {  	_ =	sdelay $0x3  }
0x314: {  	s0 =	sshll.u32 s3, $0x8  }
0x315: {  	s0 =	sand.u32 $0x3FFFFF00, s0  }
0x316: {  	v0 =	vld [tilespmem:s0+$0xE438];
	_ =	sdelay $0x2  }
0x317: {  	s4 =	sshll.u32 s5, $0xA  }
0x318: {  	s4 =	sshra.s32 s4, $0x2  }
0x319: {  	[tilespmem:s4+$0xE438] =	vst.add.f32.msk $0xffff, v0  }
0x31a: {  	v0 =	vld [tilespmem:s0+$0xE448];
	_ =	sdelay $0x4  }
0x31b: {  	[tilespmem:s4+$0xE448] =	vst.add.f32.msk $0xffff, v0  }
0x31c: {  	v0 =	vld [tilespmem:s0+$0xE458];
	_ =	sdelay $0x4  }
0x31d: {  	[tilespmem:s4+$0xE458] =	vst.add.f32.msk $0xffff, v0  }
0x31e: {  	v0 =	vld [tilespmem:s0+$0xE468];
	_ =	sdelay $0x4  }
0x31f: {  	[tilespmem:s4+$0xE468] =	vst.add.f32.msk $0xffff, v0  }
0x320: {  	v0 =	vld [tilespmem:s0+$0xE478];
	_ =	sdelay $0x4  }
0x321: {  	[tilespmem:s4+$0xE478] =	vst.add.f32.msk $0xffff, v0  }
0x322: {  	v0 =	vld [tilespmem:s0+$0xE488];
	_ =	sdelay $0x4  }
0x323: {  	[tilespmem:s4+$0xE488] =	vst.add.f32.msk $0xffff, v0  }
0x324: {  	v0 =	vld [tilespmem:s0+$0xE498];
	_ =	sdelay $0x4  }
0x325: {  	[tilespmem:s4+$0xE498] =	vst.add.f32.msk $0xffff, v0  }
0x326: {  	v0 =	vld [tilespmem:s0+$0xE4A8];
	_ =	sdelay $0x4  }
0x327: {  	[tilespmem:s4+$0xE4A8] =	vst.add.f32.msk $0xffff, v0  }
0x328: {  	v0 =	vld [tilespmem:s0+$0xE4B8];
	_ =	sdelay $0x4  }
0x329: {  	[tilespmem:s4+$0xE4B8] =	vst.add.f32.msk $0xffff, v0  }
0x32a: {  	v0 =	vld [tilespmem:s0+$0xE4C8];
	_ =	sdelay $0x4  }
0x32b: {  	[tilespmem:s4+$0xE4C8] =	vst.add.f32.msk $0xffff, v0  }
0x32c: {  	v0 =	vld [tilespmem:s0+$0xE4D8];
	_ =	sdelay $0x4  }
0x32d: {  	[tilespmem:s4+$0xE4D8] =	vst.add.f32.msk $0xffff, v0  }
0x32e: {  	v0 =	vld [tilespmem:s0+$0xE4E8];
	_ =	sdelay $0x4  }
0x32f: {  	[tilespmem:s4+$0xE4E8] =	vst.add.f32.msk $0xffff, v0  }
0x330: {  	v0 =	vld [tilespmem:s0+$0xE4F8];
	_ =	sdelay $0x4  }
0x331: {  	[tilespmem:s4+$0xE4F8] =	vst.add.f32.msk $0xffff, v0  }
0x332: {  	v0 =	vld [tilespmem:s0+$0xE508];
	_ =	sdelay $0x4  }
0x333: {  	[tilespmem:s4+$0xE508] =	vst.add.f32.msk $0xffff, v0  }
0x334: {  	v0 =	vld [tilespmem:s0+$0xE518];
	_ =	sdelay $0x4  }
0x335: {  	[tilespmem:s4+$0xE518] =	vst.add.f32.msk $0xffff, v0  }
0x336: {  	v0 =	vld [tilespmem:s0+$0xE528]  }
.Ltmp44:
0x337: {  	_ = 	snop;
	(pc) =	sbr.rel .LBB2_54-.Ltmp44, $2  }
0x338: {  	_ =	sdelay $0x2  }
0x339: {  	[tilespmem:s4+$0xE528] =	vst.add.f32.msk $0xffff, v0  }
.LBB2_55:
0x33a: {  	p1 =	slt.s32 s2, $0x1  }
.Ltmp45:
0x33b: {  	_ = 	snop;
	(pc) =	sbr.rel @p1 .LBB2_59-.Ltmp45, $3  }
0x33c: {  	_ =	sdelay $0x1  }
0x33d: {  	s0 =	simm.s32 $0x8  }
0x33e: {  	s4 =	simm.s32 $0x0;
	[sflag:s0] =	ssyncpa.u1 $0x1  }
0x33f: {  	s0 =	simm.s32 $0xE418  }
0x340: {  	v0 =	vld.msk [tilespmem:s0+$0x0], $0x1;
	_ =	sdelay $0x4  }
0x341: {  	(v2sf) =	vpush v0, $0x0;
	_ =	sdelay $0xe  }
0x342: {  	s0 =	sadd.s32 $0xFFFFFFFF, s2;
	s3 =	spop (v2sf)  }
0x343: {  	s6 =	simm.s32 $0xE438;
	p1 =	sne.s32 s0, $0x0;
	p2 =	sgt.u32 s3, $0x4E170  }
.Ltmp46:
0x344: {  	s2 =	simm.s32 $0xE538;
	s5 =	sand.u32 @!p2 $0x7FFF8, s3;
	(pc) =	sbr.rel @!p1 .LBB2_58-.Ltmp46, $4  }
0x345: {  	s7 =	sadd.s32 @!p2 $0x80, s3;
	s4 =	simm.s32 @!p2 $0x400;
	s8 =	sadd.s32 @!p2 s1, s5  }
0x346: {  	s5 =	sand.u32 @!p2 $0x7, s3;
	s3 =	simm.s32 $0xE419;
	s7 =	sand.u32 @!p2 $0xFFFF8, s7  }
0x347: {  	[hbm4b:s8+s5] =	stream.linear.scatter @!p2 [tilespmem:s6], [sflag:$0x7], $0x80, $0x38;
	[tilespmem:$0x1E678] =	vst v63  }
0x348: {  	s4 =	sadd.s32 $0x0, s4;
	s6 =	simm.s32 @!p2 $0xE4B8;
	s7 =	sadd.s32 @!p2 s1, s7  }
.LBB2_57:
0x349: {  	[hbm4b:s7+s5] =	stream.linear.scatter @!p2 [tilespmem:s6], [sflag:$0x7], $0x80, $0x38;
	[tilespmem:$0x1E678] =	vst v63  }
0x34a: {  	s0 =	sadd.s32 $0xFFFFFFFF, s0;
	s6 =	smov.u32 s2;
	v0 =	vld.msk [tilespmem:s3+$0x0], $0x1  }
0x34b: {  	p1 =	sne.s32 s0, $0x0;
	_ =	sdelay $0x3  }
0x34c: {  	(v2sf) =	vpush v0, $0x0;
	_ =	sdelay $0xe  }
0x34d: {  	s2 =	sadd.s32 $0x100, s2;
	s8 =	simm.s32 $0x0;
	s5 =	spop (v2sf)  }
.Ltmp47:
0x34e: {  	s3 =	sadd.s32 $0x1, s3;
	p2 =	sgt.u32 s5, $0x4E170;
	(pc) =	sbr.rel @p1 .LBB2_57-.Ltmp47, $4  }
0x34f: {  	s8 =	simm.s32 @!p2 $0x400;
	s7 =	sand.u32 @!p2 $0x7FFF8, s5;
	s9 =	sadd.s32 @!p2 $0x80, s5  }
0x350: {  	s5 =	sand.u32 @!p2 $0x7, s5;
	s7 =	sadd.s32 @!p2 s1, s7;
	s9 =	sand.u32 @!p2 $0xFFFF8, s9  }
0x351: {  	[hbm4b:s7+s5] =	stream.linear.scatter @!p2 [tilespmem:s6], [sflag:$0x7], $0x80, $0x38;
	[tilespmem:$0x1E678] =	vst v63  }
0x352: {  	s4 =	sadd.s32 s4, s8;
	s6 =	sadd.s32 @!p2 $0x80, s6;
	s7 =	sadd.s32 @!p2 s1, s9  }
.LBB2_58:
0x353: {  	[hbm4b:s7+s5] =	stream.linear.scatter @!p2 [tilespmem:s6], [sflag:$0x7], $0x80, $0x38;
	[tilespmem:$0x1E678] =	vst v63  }
0x354: {  	s4 =	sshrl.u32 s4, $0x2  }
.LBB2_59:
0x355: {  	s0 =	simm.s32 $0x7  }
0x356: {  	_ =	swait.ge [sflag:s0], s4  }
0x357: {  	s1 =	ssub.s32 $0x0, s4;
	[sflag:s0] =	ssyncset.done $0x0  }
0x358: {  	[sflag:s0] =	ssyncadd.s32 s1  }
0x359: {  	[sflag:s0] =	ssyncpa.u1 $0x1  }
.LBB2_60:
0x35a: {  	_ =	sfence;
	s0 =	simm.s32 $0x1  }
0x35b: {  	[sflag:s0] =	ssyncpa.u1 $0x1  }
0x35c: {  	_ =	strace $0x9000004D  }
0x35d: {  	[bflag:$0x2] =	sbarrier.arrive $0xFFFF  }
0x35e: {  	s0 =	rddreg [dreg:$0x6]  }
0x35f: {  	s0 =	sadd.s32 @!p0 $0x100000, s0  }
0x360: {  	[sflag:s0] =	ssyncadd.tile.s32 @!p0 $0x1;
	_ =	shalt  }
.Lfunc_end2:
_tile_overlayer_lowered:
.L_overlay_start_2:
0x361: {  	(tag) =	ssettag $0x2  }
0x362: {  	s0 =	rddreg [dreg:$0x0];
	s2 =	stileid.u32  }
0x363: {  	s1 =	rddreg [dreg:$0x1];
	p0 =	sne.s32 s2, $0x0  }
0x364: {  	s3 =	rddreg [dreg:$0x2];
	[bflag:$0x3] =	sbarrier.arrive $0xFFFF;
	s2 =	simm.s32 @!p0 $0x1C01  }
0x365: {  	[timem:s3], [sflag:s2] =	dma.local @!p0 [hbm:s0], s1  }
0x366: {  	s0 =	simm.s32 @!p0 $0x1  }
0x367: {  	_ =	swait.ge @!p0 [sflag:s0], s1  }
0x368: {  	s1 =	ssub.s32 @!p0 $0x0, s1;
	[sflag:s0] =	ssyncset.done @!p0 $0x0  }
0x369: {  	[sflag:s0] =	ssyncadd.s32 @!p0 s1  }
0x36a: {  	[bflag:$0x3] =	sbarrier.arrive $0xFFFF  }
0x36b: {  	_ =	shalt  }

// kernel: scatter_offload_async_start
scs
__scs_entry_jumppad:
0x0: {  	(pc) =	sbr.rel $0x88, $3  }
0x1: {  	(tag) =	ssettag $0x0;
	lr =	simm.s32 $0x1  }
0x2: {  	[smem:$0x3F93] =	sst lr;
	_ =	strace $0xD0000000  }
0x3: {  	_ = 	snop  }
0x4: {  	_ = 	snop  }
0x5: {  	_ = 	snop  }
0x6: {  	_ = 	snop  }
0x7: {  	_ = 	snop  }
__scs_overlays_trampoline_lowered:
0x8: {  	[smem:$0x3FA2] =	sst s0  }
0x9: {  	[smem:$0x3FA3] =	sst s1  }
0xa: {  	[smem:$0x3FA4] =	sst s2  }
0xb: {  	[smem:$0x3FA5] =	sst s3  }
0xc: {  	[smem:$0x3FA6] =	sst s4  }
0xd: {  	[smem:$0x3FA7] =	sst s5  }
0xe: {  	[smem:$0x3FA8] =	sst s6  }
0xf: {  	[smem:$0x3FA9] =	sst s7  }
0x10: {  	[smem:$0x3FAA] =	sst s8  }
0x11: {  	[smem:$0x3FAB] =	sst s9;
	s0 =	simm.s32 @!p0 $0x0  }
0x12: {  	s1 =	sld [smem:$0x3F91];
	s0 =	simm.s32 @p0 $0x1  }
0x13: {  	[smem:$0x3FAC] =	sst s0;
	s0 =	simm.s32 @!p1 $0x0  }
0x14: {  	s2 =	sld [smem:$0x3F90];
	s0 =	simm.s32 @p1 $0x1  }
0x15: {  	[smem:$0x3FAD] =	sst s0;
	s0 =	simm.s32 @!p2 $0x0  }
0x16: {  	s3 =	sld [smem:$0x3FDB];
	s0 =	simm.s32 @p2 $0x1  }
0x17: {  	s4 =	simm.s32 $0x1BF5;
	[smem:$0x3FAF] =	sst s0  }
0x18: {  	s0 =	sld [smem:$0x3F92];
	_ =	swait.ge [sflag:s4], $0x0  }
0x19: {  	s7 =	sld [smem:$0x3F93]  }
0x1a: {  	s8 =	sadd.s32 $0xFFFFE003, lr  }
0x1b: {  	s9 =	sadd.s32 $0xFFFFFEF7, lr;
	s5 =	simm.s32 $0xFFFFFFFF;
	p2 =	slt.u32 s8, $0xFFFFF086  }
0x1c: {  	p1 =	slt.u32 s9, $0xF7A;
	s5 =	simm.s32 @!p2 $0x0  }
0x1d: {  	s5 =	simm.s32 @p1 $0x1;
	p0 =	seq.s32 s7, s2  }
0x1e: {  	s7 =	smul.u32 @!p0 $0xF7A, s2;
	p2 =	seq.s32 @!p0 s5, $0x0  }
0x1f: {  	s9 =	smul.u32 $0xF7A, s1;
	s8 =	simm.s32 @!p0 $0x1BF5;
	p2 =	por !p2, p0  }
0x20: {  	[sflag:s8] =	ssyncset.s32 @!p0 $0xFFFFF086;
	s6 =	sadd.s32 @!p0 s3, s7;
	s7 =	simm.s32 @!p0 $0x108  }
0x21: {  	s3 =	sadd.s32 s3, s9;
	s6 =	sadd.s32 @!p0 $0x88, s6;
	s7 =	simm.s32 @p2 $0x1082  }
0x22: {  	[simem:s7], [sflag:s8] =	dma.local @!p0 [hbm:s6], $0xF7A  }
0x23: {  	s9 =	sor.u32 $0xD0000000, s2;
	s6 =	simm.s32 $0x108;
	_ =	swait.ge @!p0 [sflag:s8], $0x0  }
0x24: {  	s3 =	sadd.s32 $0x88, s3;
	s6 =	simm.s32 @!p1 $0x1082;
	[sflag:s4] =	ssyncset.s32 $0xFFFFF086  }
0x25: {  	[simem:s6], [sflag:s4] =	dma.local [hbm:s3], $0xF7A  }
0x26: {  	[smem:$0x3F93] =	sst s1;
	(tag) =	ssettag s2;
	_ =	strace s9  }
0x27: {  	s1 =	sld [smem:$0x3FA3]  }
0x28: {  	s2 =	sld [smem:$0x3FA4]  }
0x29: {  	s4 =	sld [smem:$0x3FA6]  }
0x2a: {  	p0 =	seq.s32 s5, $0x0;
	s5 =	sld [smem:$0x3FA7]  }
0x2b: {  	s6 =	sld [smem:$0x3FA8]  }
0x2c: {  	s7 =	sld [smem:$0x3FA9]  }
0x2d: {  	s3 =	simm.s32 $0x108;
	s8 =	sld [smem:$0x3FAA]  }
0x2e: {  	s3 =	simm.s32 @!p0 $0x1082;
	s9 =	sld [smem:$0x3FAB]  }
0x2f: {  	lr =	sadd.s32 s0, s3;
	s0 =	sld [smem:$0x3FA2]  }
0x30: {  	s3 =	sld [smem:$0x3FA5]  }
0x31: {  	[smem:$0x3FAE] =	sst s10  }
0x32: {  	s10 =	sld [smem:$0x3FAC];
	_ =	sdelay $0x3  }
0x33: {  	p0 =	seq.s32 s10, $0x1;
	s10 =	sld [smem:$0x3FAE];
	_ =	sdelay $0x3  }
0x34: {  	[smem:$0x3FAE] =	sst s10  }
0x35: {  	s10 =	sld [smem:$0x3FAD];
	_ =	sdelay $0x3  }
0x36: {  	p1 =	seq.s32 s10, $0x1;
	s10 =	sld [smem:$0x3FAE];
	_ =	sdelay $0x3  }
0x37: {  	[smem:$0x3FAE] =	sst s10  }
0x38: {  	s10 =	sld [smem:$0x3FAF]  }
0x39: {  	_ = 	snop;
	(pc) =	sbr.ind lr, $3  }
0x3a: {  	_ = 	snop  }
0x3b: {  	_ = 	snop  }
0x3c: {  	p2 =	seq.s32 s10, $0x1;
	s10 =	sld [smem:$0x3FAE]  }
0x3d: {  	_ =	shalt  }
0x3e: {  	_ =	shalt  }
0x3f: {  	_ =	shalt  }
0x40: {  	_ =	shalt  }
0x41: {  	_ =	shalt  }
0x42: {  	_ =	shalt  }
0x43: {  	_ =	shalt  }
0x44: {  	_ =	shalt  }
0x45: {  	_ =	shalt  }
0x46: {  	_ =	shalt  }
0x47: {  	_ =	shalt  }
0x48: {  	_ =	shalt  }
0x49: {  	_ =	shalt  }
0x4a: {  	_ =	shalt  }
0x4b: {  	_ =	shalt  }
0x4c: {  	_ =	shalt  }
0x4d: {  	_ =	shalt  }
0x4e: {  	_ =	shalt  }
0x4f: {  	_ =	shalt  }
0x50: {  	_ =	shalt  }
0x51: {  	_ =	shalt  }
0x52: {  	_ =	shalt  }
0x53: {  	_ =	shalt  }
0x54: {  	_ =	shalt  }
0x55: {  	_ =	shalt  }
0x56: {  	_ =	shalt  }
0x57: {  	_ =	shalt  }
0x58: {  	_ =	shalt  }
0x59: {  	_ =	shalt  }
0x5a: {  	_ =	shalt  }
0x5b: {  	_ =	shalt  }
0x5c: {  	_ =	shalt  }
0x5d: {  	_ =	shalt  }
0x5e: {  	_ =	shalt  }
0x5f: {  	_ =	shalt  }
0x60: {  	_ =	shalt  }
0x61: {  	_ =	shalt  }
0x62: {  	_ =	shalt  }
0x63: {  	_ =	shalt  }
0x64: {  	_ =	shalt  }
0x65: {  	_ =	shalt  }
0x66: {  	_ =	shalt  }
0x67: {  	_ =	shalt  }
0x68: {  	_ =	shalt  }
0x69: {  	_ =	shalt  }
0x6a: {  	_ =	shalt  }
0x6b: {  	_ =	shalt  }
0x6c: {  	_ =	shalt  }
0x6d: {  	_ =	shalt  }
0x6e: {  	_ =	shalt  }
0x6f: {  	_ =	shalt  }
0x70: {  	_ =	shalt  }
0x71: {  	_ =	shalt  }
0x72: {  	_ =	shalt  }
0x73: {  	_ =	shalt  }
0x74: {  	_ =	shalt  }
0x75: {  	_ =	shalt  }
0x76: {  	_ =	shalt  }
0x77: {  	_ =	shalt  }
0x78: {  	_ =	shalt  }
0x79: {  	_ =	shalt  }
0x7a: {  	_ =	shalt  }
0x7b: {  	_ =	shalt  }
0x7c: {  	_ =	shalt  }
0x7d: {  	_ =	shalt  }
0x7e: {  	_ =	shalt  }
0x7f: {  	_ =	shalt  }
0x80: {  	_ =	shalt  }
0x81: {  	_ =	shalt  }
0x82: {  	_ =	shalt  }
0x83: {  	_ =	shalt  }
0x84: {  	_ =	shalt  }
0x85: {  	_ =	shalt  }
0x86: {  	_ =	shalt  }
0x87: {  	_ =	shalt  }
.Lfunc_end0:
.L_simem_size_0:
called_computation_lowered:
.L_overlay_start_0:
0x88: {  	s0 =	sld [smem:$0x3FD9]  }
0x89: {  	s1 =	sld [smem:$0x3FFE];
	_ =	sdelay $0x3  }
0x8a: {  	s0 =	sadd.s32 s1, s0  }
0x8b: {  	[smem:$0x3FBA] =	sst s0  }
0x8c: {  	_ = 	snop  }
0x8d: {  	s0 =	sld [smem:$0x3FD0];
	_ =	sdelay $0x2  }
0x8e: {  	s13 =	simm.s32 $0xA;
	s2 =	simm.s32 $0x10  }
0x8f: {  	[smem:s2], [sflag:s13] =	dma.local [hbm:s0], $0x1  }
0x90: {  	_ =	swait.eq [sflag:s13], $0x1  }
0x91: {  	[sflag:s13] =	ssyncset.done $0x0  }
0x92: {  	s14 =	sld [smem:$0x10];
	[sflag:s13] =	ssyncadd.s32 $0xFFFFFFFF  }
0x93: {  	s15 =	sld [smem:$0x11];
	(tm) =	ssettm $0x1  }
0x94: {  	s16 =	sld [smem:$0x3FFB];
	_ =	sdelay $0x3  }
0x95: {  	_ =	strace s16  }
0x96: {  	s2 =	sld [smem:$0x3FFC];
	_ =	sdelay $0x3  }
0x97: {  	_ =	strace s2  }
0x98: {  	s2 =	sld [smem:$0x3FFD];
	_ =	sdelay $0x3  }
0x99: {  	_ =	strace s2  }
0x9a: {  	_ =	strace $0x8FFFFFFF  }
0x9b: {  	s17 =	sld [smem:$0x3FDB];
	_ =	sdelay $0x1  }
0x9c: {  	s3 =	simm.s32 $_scs_section_size  }
0x9d: {  	s4 =	simm.s32 $_size__tile_overlayer_lowered;
	s5 =	simm.s32 $_tile_overlayer_lowered  }
0x9e: {  	s20 =	simm.s32 $0x1BFF;
	s19 =	sshll.u32 s5, $0x1;
	s2 =	sadd.s32 s3, s17  }
0x9f: {  	s6 =	simm.s32 $0x0;
	s18 =	sshll.u32 s4, $0x1;
	s4 =	sadd.s32 s19, s2  }
0xa0: {  	[timem:s6], [sflag:s20] =	dma.local [hbm:s4], s18  }
0xa1: {  	_ =	swait.ge [sflag:s20], s18  }
0xa2: {  	s3 =	ssub.s32 $0x0, s18;
	[sflag:s20] =	ssyncset.done $0x0  }
0xa3: {  	[sflag:s20] =	ssyncadd.s32 s3;
	_ =	sdelay $0x1  }
0xa4: {  	s21 =	simm.s32 $0x1B8B  }
0xa5: {  	_ =	swait.ge [sflag:s21], $0x1  }
0xa6: {  	[sflag:s21] =	ssyncset.done $0x0  }
0xa7: {  	s23 =	simm.s32 $0x1B8E;
	s22 =	sld [smem:$0x3FFE];
	[sflag:s21] =	ssyncadd.s32 $0xFFFFFFFF  }
0xa8: {  	s24 =	simm.s32 $execute0_lowered;
	[smem:$0x3FD2] =	sst s23  }
0xa9: {  	s4 =	sshll.u32 s24, $0x1;
	_ =	strace $0x80000046;
	[dreg:$0x1] =	wrdreg $0xFFFFFFFF  }
0xaa: {  	s25 =	simm.s32 $_size_execute0_lowered;
	s2 =	sadd.s32 s2, s4;
	[dreg:$0x0] =	wrdreg $0x0  }
0xab: {  	s4 =	sshll.u32 s25, $0x1;
	[dreg:$0x2] =	wrdreg s2  }
0xac: {  	[dreg:$0x3] =	wrdreg s4  }
0xad: {  	[dreg:$0x4] =	wrdreg $0xC0  }
0xae: {  	_ =	task [dreg:s6], $0x5FFFF  }
0xaf: {  	[dreg:$0x1] =	wrdreg $0xFFFFFFFF  }
0xb0: {  	[dreg:$0x0] =	wrdreg $0x60  }
0xb1: {  	[dreg:$0x2] =	wrdreg s22  }
0xb2: {  	[dreg:$0x3] =	wrdreg s15  }
0xb3: {  	[dreg:$0x4] =	wrdreg s14  }
0xb4: {  	[dreg:$0x5] =	wrdreg $0x9  }
0xb5: {  	_ =	task.clear_ibuf [dreg:s6], $0x6FFFF;
	_ =	strace $0x90000046  }
0xb6: {  	s26 =	simm.s32 $0x9;
	_ =	strace $0x80000048  }
0xb7: {  	_ =	swait.ge [sflag:s26], $0x1  }
0xb8: {  	[sflag:s26] =	ssyncadd.s32 $0xFFFFFFFF  }
0xb9: {  	_ =	strace $0x90000048  }
0xba: {  	_ =	sfence  }
0xbb: {  	s28 =	sld [smem:$0x0];
	_ =	sdelay $0x1  }
0xbc: {  	s29 =	srdreg.scid  }
0xbd: {  	s30 =	sshll.u32 s29, $0xD;
	s31 =	sshrl.u32 s29, $0x2  }
0xbe: {  	s1 =	sand.u32 $0x1, s29;
	s2 =	sand.u32 $0x4000, s30;
	s0 =	sadd.s32 s31, s28  }
0xbf: {  	s1 =	sor.u32 s2, s1;
	s0 =	sshll.u32 s0, $0x11  }
0xc0: {  	s0 =	sor.u32 s0, s1  }
0xc1: {  	s0 =	sadd.s32 $0x8F2B, s0  }
0xc2: {  	[sflag:s0] =	ssyncadd.remote.s32 $0x1  }
0xc3: {  	_ =	sfence.sel $0xFFFF  }
0xc4: {  	[dreg:$0x0] =	wrdreg $0xFFFFFFFF;
	(pc) =	sbr.abs _section_cstart, $3  }
0xc5: {  	[dreg:$0x1] =	wrdreg $0xFFFFFFFF  }
0xc6: {  	_ =	task.clear_ibuf [dreg:s6], $0x2FFFF;
	_ =	strace $0x9FFFFFFF  }
0xc7: {  	(tm) =	ssettm $0x7FFFFFFF  }
tec
execute0_lowered:
.L_overlay_start_1:
0x0: {  	(tag) =	ssettag $0x1  }
0x1: {  	s0 =	rddreg [dreg:$0x0]  }
0x2: {  	s3 =	rddreg [dreg:$0x1]  }
0x3: {  	s14 =	stileid.u32;
	_ =	strace $0x80000047;
	s2 =	simm.s32 $0x1  }
0x4: {  	v1 =	vimm.s32 $0xFFFFFFFF;
	s1 =	smin.u32 s14, $0x4;
	[sflag:s2] =	ssyncpa.u1 $0x0  }
0x5: {  	s1 =	sadd.s32 s14, s1;
	[tilespmem:$0x10] =	vst v1  }
0x6: {  	v0 =	vimm.f32 $0.0e+00;
	p0 =	slt.u32 s14, $0x4;
	[tilespmem:$0x20] =	vst v1;
	s5 =	smul.u32 $0x1F40, s1;
	s1 =	simm.s32 $0x3E80  }
0x7: {  	[tilespmem:$0x30] =	vst v0;
	s1 =	simm.s32 @!p0 $0x1F40  }
0x8: {  	[tilespmem:$0x40] =	vst v0;
	s1 =	sadd.s32 s1, s5  }
0x9: {  	[tilespmem:$0x50] =	vst v0;
	s6 =	smin.u32 s1, $0x27100  }
0xa: {  	s7 =	simm.s32 $0x2;
	s8 =	simm.s32 $0x8;
	[tilespmem:$0x60] =	vst v1;
	s4 =	ssub.s32 s6, s5  }
0xb: {  	s31 =	simm.s32 $0x9;
	s16 =	simm.s32 $0x0;
	[tilespmem:$0x70] =	vst v1;
	p0 =	sgt.s32 s4, $0x0  }
0xc: {  	s17 =	simm.s32 $0xF0;
	s18 =	simm.s32 $0xFFFFFFFF;
	[tilespmem:$0x80] =	vst v1;
	s4 =	simm.s32 @!p0 $0x0  }
0xd: {  	s19 =	simm.s32 $0xFFFFC280;
	s20 =	simm.s32 $0xFFFFFFFE;
	v1 =	vimm.s32 $0x0;
	[tilespmem:$0xB0] =	vst v0;
	s30 =	smulhi.u32 $0x10624DD3, s4  }
0xe: {  	s21 =	simm.s32 $0xF;
	s22 =	simm.s32 $0x30;
	s25 =	simm.s32 $0x0;
	[tilespmem:$0x90] =	vst v1  }
0xf: {  	[tilespmem:$0xA0] =	vst v1;
	[sflag:s7] =	ssyncpa.u1 $0x0;
	s7 =	simm.s32 $0x7;
	s9 =	sshrl.u32 s30, $0x9  }
0x10: {  	s24 =	simm.s32 $0x0;
	[sflag:s7] =	ssyncpa.u1 $0x0;
	s10 =	smul.u32 $0x1F40, s9  }
.Ltmp0:
0x11: {  	[sflag:s8] =	ssyncpa.u1 $0x0;
	s23 =	smov.u32 s5;
	(pc) =	sbr.rel .LBB2_1-.Ltmp0, $4  }
0x12: {  	s1 =	sadd.s32 $0x6000, s0;
	[sflag:s31] =	ssyncpa.u1 $0x0;
	p0 =	sne.s32 s4, s10  }
0x13: {  	s10 =	sshll.u32 s14, $0x1;
	s14 =	sshllo.u32 s14, $0x1;
	s2 =	simm.s32 @!p0 $0x0  }
0x14: {  	vm0 =	vmmov $0xffff;
	v2 =	vlaneseq.u32;
	s13 =	sor.u32 $0x81, s10;
	s15 =	sor.u32 $0x80, s10;
	s9 =	sadd.s32 s2, s9  }
0x15: {  	vm1 =	vmxor vm1, vm1;
	vm2 =	vmmov $0x1;
	vm3 =	vcmask $0x3F3C;
	p0 =	por $0x0, $0x0;
	s11 =	sadd.s32 $0x1, s9;
	s12 =	sadd.s32 $0x2, s9  }
.LBB2_9:
0x16: {  	p1 =	slt.u32 s24, $0x3  }
0x17: {  	s0 =	simm.s32 @!p1 $0x2  }
0x18: {  	_ =	swait.ge @!p1 [sflag:s0], $0x1F40  }
0x19: {  	[sflag:s0] =	ssyncset.done @!p1 $0x0  }
0x1a: {  	[sflag:s0] =	ssyncadd.s32 @!p1 $0xFFFFE0C0;
	s0 =	simm.s32 @!p1 $0x9  }
0x1b: {  	_ =	swait.ge @!p1 [sflag:s0], $0x10  }
0x1c: {  	[sflag:s0] =	ssyncset.done @!p1 $0x0  }
0x1d: {  	[sflag:s0] =	ssyncadd.s32 @!p1 $0xFFFFFFF0;
	p1 =	sne.s32 s24, s12  }
.Ltmp1:
0x1e: {  	s2 =	sadd.s32 $0x1F40, s23;
	(pc) =	sbr.rel @!p1 .LBB2_10-.Ltmp1, $4  }
0x1f: {  	s4 =	smov.u32 s5;
	s31 =	sadd.s32 $0x1, s24;
	s17 =	sadd.s32 $0x1F40, s17  }
0x20: {  	s18 =	sadd.s32 $0x1, s18;
	s25 =	smov.u32 s23;
	p2 =	slt.s32 s2, s6  }
0x21: {  	p0 =	por !p0, !p0;
	s19 =	sadd.s32 $0x1F40, s19;
	s4 =	smov.u32 @p2 s2  }
0x22: {  	s20 =	sadd.s32 $0x1, s20;
	s23 =	smov.u32 s4;
	s24 =	smov.u32 s31  }
.LBB2_1:
0x23: {  	p1 =	sge.u32 s24, s9  }
0x24: {  	s0 =	smulhi.u32 @!p1 $0xAAAAAAAB, s24;
	_ =	sdelay $0x1  }
0x25: {  	s0 =	sshrl.u32 @!p1 s0, $0x1  }
0x26: {  	s0 =	smul.u32 @!p1 $0x3, s0;
	_ =	sdelay $0x1  }
0x27: {  	s0 =	ssub.s32 @!p1 s24, s0  }
0x28: {  	s0 =	smul.u32 @!p1 $0x7D00, s0;
	_ =	sdelay $0x1  }
0x29: {  	s2 =	sshrl.u32 @!p1 s23, $0x3;
	s0 =	sshrl.u32 @!p1 s0, $0x2  }
0x2a: {  	s4 =	sand.u32 @!p1 $0x7, s23;
	s2 =	sadd.s32 @!p1 s3, s2;
	s0 =	sadd.s32 @!p1 $0x100, s0  }
0x2b: {  	[tilespmem:s0], [sflag:$0x7] =	stream.linear.gather @!p1 [hbm4b:s2+s4], $0x1F40, $0x38;
	[tilespmem:$0x11A60] =	vst v63  }
0x2c: {  	s0 =	sadd.s32 $0xFFFFFFFF, s24  }
0x2d: {  	p1 =	sge.u32 s0, s9  }
.Ltmp2:
0x2e: {  	_ = 	snop;
	(pc) =	sbr.rel @p1 .LBB2_5-.Ltmp2, $1  }
0x2f: {  	_ =	sdelay $0x3  }
0x30: {  	s2 =	smulhi.u32 $0xAAAAAAAB, s0;
	_ =	sdelay $0x1  }
0x31: {  	s2 =	sshrl.u32 s2, $0x1  }
0x32: {  	s2 =	smul.u32 $0x3, s2;
	_ =	sdelay $0x1  }
0x33: {  	s2 =	ssub.s32 s0, s2  }
0x34: {  	s2 =	smul.u32 $0x7D00, s2  }
0x35: {  	_ =	swait.ge [sflag:s7], $0x1F40  }
0x36: {  	[sflag:s7] =	ssyncset.done $0x0;
	s2 =	sshrl.u32 s2, $0x2  }
0x37: {  	[sflag:s7] =	ssyncadd.s32 $0xFFFFE0C0;
	(ifvalue) =	ssetifvalue $0xFFFFFFFF;
	v3 =	vld.msk [tilespmem:s2+$0x100 ss:$0x1], $0xffff;
	_ =	sdelay $0x2  }
0x38: {  	s30 =	smulhi.u32 $0xAAAAAAAB, s18;
	p1 =	sne.s32 s24, $0x1  }
0x39: {  	v4 =	vimm.s32 @!p1 $0x0  }
0x3a: {  	s2 =	sshrl.u32 s30, $0x1;
	v4 =	vperm.xlane @!p1 v3, v4  }
0x3b: {  	s4 =	sshll.u32 s24, $0x4;
	s2 =	smul.u32 $0xFFFE8900, s2;
	vm4 =	vlt.u32 v3, $0x2800  }
0x3c: {  	s4 =	sand.u32 $0x10, s4;
	v3 =	vnsel vm4, $0xFFFFFFFE, v3;
	vm4 =	vlt.u32 @!p1 v4, $0x2800  }
0x3d: {  	s2 =	sshra.s32 s2, $0x2;
	[tilespmem:s4+$0x60] =	vst v3;
	v3 =	vnsel @!p1 vm4, $0xFFFFFFFE, v4  }
0x3e: {  	s28 =	sadd.s32 s2, s17;
	[tilespmem:$0x80] =	vst @!p1 v3  }
0x3f: {  	v3 =	vld.msk [tilespmem:s28+$0x0 ss:$0x1], $0xffff;
	_ =	sdelay $0x4  }
0x40: {  	(xrf1) =	vunique.msk.u32 $0xffff, v3;
	_ =	sdelay $0xd  }
0x41: {  	v4 =	vimm.s32 $0xFFFFFFFF;
	v5, _, _ =	vpop (xrf1)  }
0x42: {  	vm5 =	vne.s32 v3, v4;
	vm4 =	veq.s32 v5, v2  }
0x43: {  	vm6 =	vlt.u32 v3, $0x2800;
	vm4 =	vmand vm5, vm4  }
0x44: {  	vm4 =	vmand vm6, vm4  }
0x45: {  	v4 =	vnsel vm4, $0xFFFFFFFF, v3  }
0x46: {  	s31 =	sand.u32 $0x1, s0  }
0x47: {  	s0 =	simm.s32 $0x1F40;
	p1 =	seq.s32 s31, $0x1  }
0x48: {  	s0 =	simm.s32 @!p1 $0x0  }
0x49: {  	s26 =	sadd.s32 $0x7DF0, s0;
	(ifvalue) =	ssetifvalue $0xFFFFFFFF  }
0x4a: {  	v3 =	vperm.xlane v3, v1;
	[tilespmem:s26], [sflag:$0x8] =	stream.indirect_vreg.gather [hbm4b:s1+s16], $0x1, v4, vm0, $0x4038;
	v4 =	vnsel vm6, $0xFFFFFFFE, v4;
	[tilespmem:$0x11A60] =	vst v63  }
0x4b: {  	s2 =	simm.s32 $0x0;
	s4 =	sadd.s32 $0xFFFFFFF0, s28;
	[tilespmem:s28+$0x0] =	vst v4  }
.LBB2_3:
0x4c: {  	v4 =	vld.msk [tilespmem:s4+$0x0 ss:$0x1], $0xffff;
	s2 =	sadd.s32 $0x10, s2;
	v5 =	vmov v3;
	s28 =	smov.u32 s4  }
0x4d: {  	p1 =	slt.u32 s2, $0x1F30;
	_ =	sdelay $0x4  }
0x4e: {  	v3 =	vperm.xlane v4, v1;
	(xrf1) =	vunique.msk.u32 $0xffff, v4;
	_ =	sdelay $0xd  }
0x4f: {  	v6, _, _ =	vpop (xrf1)  }
0x50: {  	vm5 =	vne.s32 v4, v5;
	vm4 =	veq.s32 v6, v2  }
0x51: {  	vm6 =	vlt.u32 v4, $0x2800;
	vm4 =	vmand vm5, vm4  }
0x52: {  	vm4 =	vmand vm6, vm4  }
0x53: {  	v4 =	vnsel vm4, $0xFFFFFFFF, v4  }
.Ltmp3:
0x54: {  	v5 =	vnsel vm6, $0xFFFFFFFE, v4;
	(pc) =	sbr.rel @p1 .LBB2_3-.Ltmp3, $3  }
0x55: {  	_ =	sdelay $0x1  }
0x56: {  	s4 =	sadd.s32 $0xFFFFFFF0, s4;
	s26 =	sadd.s32 $0xFFFFFFF0, s26;
	(ifvalue) =	ssetifvalue $0xFFFFFFFF  }
0x57: {  	[tilespmem:s26], [sflag:$0x8] =	stream.indirect_vreg.gather [hbm4b:s1+s16], $0x1, v4, vm0, $0x4038;
	[tilespmem:s28+$0x0] =	vst v5  }
0x58: {  	s2 =	sshrl.u32 s25, $0x3;
	s4 =	rddreg [dreg:$0x2]  }
0x59: {  	s0 =	sadd.s32 $0x9D40, s0;
	s2 =	sadd.s32 s4, s2  }
0x5a: {  	[tilespmem:s0], [sflag:$0x8] =	stream.linear.gather [hbm:s2], $0x1F40, $0x38;
	[tilespmem:$0x11A60] =	vst v63  }
.LBB2_5:
0x5b: {  	p1 =	slt.u32 s24, $0x2  }
0x5c: {  	p2 =	sge.u32 @!p1 s24, s12  }
0x5d: {  	p1 =	por p1, p2  }
.Ltmp4:
0x5e: {  	_ = 	snop;
	(pc) =	sbr.rel @p1 .LBB2_9-.Ltmp4, $1  }
0x5f: {  	_ =	sdelay $0x3  }
0x60: {  	s0 =	sadd.s32 $0xFFFFFFFE, s24  }
0x61: {  	s2 =	smulhi.u32 $0xAAAAAAAB, s0;
	_ =	sdelay $0x1  }
0x62: {  	s2 =	sshrl.u32 s2, $0x1  }
0x63: {  	s2 =	smul.u32 $0x3, s2;
	_ =	sdelay $0x1  }
0x64: {  	s0 =	ssub.s32 s0, s2  }
0x65: {  	_ =	swait.ge [sflag:s8], $0x3E80;
	s0 =	smul.u32 $0x1F40, s0  }
0x66: {  	p1 =	sne.s32 s24, s11;
	[sflag:s8] =	ssyncset.done $0x0  }
0x67: {  	[sflag:s8] =	ssyncadd.s32 $0xFFFFC180;
	s2 =	sadd.s32 @!p1 $0x203F, s0  }
0x68: {  	[spmem:s13] =	stream.linear.scatter @!p1 [tilespmem:s2], [sflag:$0x1], $0x1, $0x38;
	[tilespmem:$0x11A60] =	vst v63  }
0x69: {  	s2 =	simm.s32 @!p1 $0x1  }
0x6a: {  	_ =	swait.ge @!p1 [sflag:s2], $0x1  }
0x6b: {  	s4 =	sshll.u32 s24, $0x4;
	[sflag:s2] =	ssyncset.done @!p1 $0x0  }
0x6c: {  	s25 =	sand.u32 $0x10, s4;
	[sflag:s2] =	ssyncadd.s32 @!p1 $0xFFFFFFFF  }
0x6d: {  	s2 =	sxor.u32 $0x10, s25;
	v4 =	vld [tilespmem:s25+$0x10]  }
0x6e: {  	v5 =	vld [tilespmem:s2+$0x60]  }
0x6f: {  	v3 =	vld [tilespmem:$0x80];
	_ =	sdelay $0x2  }
0x70: {  	(v2sf) =	vpush v4, $0x0  }
0x71: {  	(v2sf) =	vpush v5, $0x0  }
0x72: {  	(v2sf) =	vpush v3, $0x0;
	_ =	sdelay $0xc  }
0x73: {  	s4 =	spop (v2sf)  }
0x74: {  	s26 =	spop (v2sf)  }
0x75: {  	s28 =	spop (v2sf)  }
0x76: {  	p2 =	seq.s32 s4, s26;
	p3 =	seq.s32 s28, s4  }
0x77: {  	p3 =	por p2, p3  }
0x78: {  	s26 =	sand.u32 $0x1, s24;
	v4 =	vpsel p3, $0xFFFFFFFF, v4  }
0x79: {  	s29 =	smul.u32 $0x1F40, s26;
	[tilespmem:s25+$0x10] =	vst.msk $0x1, v4  }
0x7a: {  	v4 =	vld [tilespmem:$0x30]  }
0x7b: {  	v5 =	vld [tilespmem:s29+$0x9D40]  }
0x7c: {  	v6 =	vld [tilespmem:s25+$0x40];
	_ =	sdelay $0x3  }
0x7d: {  	vm4 =	vmmov vm1;
	v5 =	vadd.f32 v5, v4  }
0x7e: {  	vm5 =	vmmov vm2;
	vm4 =	vmmov @p2 vm2;
	s4 =	sshll.u32 s26, $0x4;
	v4 =	vadd.f32 v6, v4  }
0x7f: {  	s26 =	sor.u32 $0x11A40, s4;
	vm5 =	vmmov @p3 vm1;
	[tilespmem:s29+$0x9D40] =	vst.msk vm4, v5  }
0x80: {  	[tilespmem:s26+$0x0] =	vst.msk vm5, v4  }
0x81: {  	v4 =	vld [tilespmem:s29+$0x7DF0];
	_ =	sdelay $0x3  }
0x82: {  	v5 =	vimm.f32 $0.0e+00  }
0x83: {  	v4 =	vshift.insert v4, v5, s21  }
0x84: {  	s4 =	sor.u32 $0x40, s2  }
0x85: {  	[tilespmem:s4+$0x0] =	vst.msk $0x1, v4  }
0x86: {  	[tilespmem:s29+$0x7DFF] =	vst.msk $0x1, v5  }
0x87: {  	v4 =	vld [tilespmem:s0+$0x2030];
	_ =	sdelay $0x1  }
0x88: {  	s4 =	smulhi.u32 $0xAAAAAAAB, s20;
	s0 =	simm.s32 $0x1  }
0x89: {  	s0 =	simm.s32 @!p0 $0x0  }
0x8a: {  	s4 =	sshrl.u32 s4, $0x1;
	s0 =	smul.u32 $0x7D00, s0  }
0x8b: {  	s4 =	smul.u32 $0xFFFE8900, s4;
	v4 =	vshift.insert v4, v1, s21  }
0x8c: {  	s0 =	sshrl.u32 s0, $0x2  }
0x8d: {  	s4 =	sshra.s32 s4, $0x2;
	s30 =	sadd.s32 $0x9D40, s0;
	[tilespmem:s2+$0x10] =	vst.msk $0x1, v4  }
0x8e: {  	s4 =	sadd.s32 s4, s19;
	v6 =	vld [tilespmem:s30+$0x0]  }
0x8f: {  	v7 =	vld [tilespmem:s4+$0x0];
	_ =	sdelay $0x3  }
0x90: {  	v5 =	vadd.f32 v6, v5  }
0x91: {  	vm4 =	vne.s32 v7, $0xFFFFFFFF  }
0x92: {  	(xrf2) =	vadd.seg.scan.f32 vm4, v5;
	_ =	sdelay $0x3  }
0x93: {  	s31 =	sadd.s32 $0x5EC0, s0;
	v5 =	vperm.xlane v4, v1  }
0x94: {  	v6 =	vld [tilespmem:s31+$0x0]  }
0x95: {  	vm5 =	veq.s32 v7, v3;
	vm6 =	veq.s32 v7, v5  }
0x96: {  	vm7 =	vgt.u32 v7, $0xFFFFFFFD;
	vm6 =	vmor vm6, vm5  }
0x97: {  	vm6 =	vmor vm6, vm7  }
0x98: {  	v9 =	vld [tilespmem:$0xA0];
	v7 =	vsel vm6, $0xFFFFFFFF, v7  }
0x99: {  	v10 =	vld [tilespmem:$0x90];
	v6 =	vsel vm5, $0x0, v6;
	v8, _, _ =	vpop (xrf2)  }
0x9a: {  	v6 =	vadd.f32 v8, v6  }
0x9b: {  	s0 =	sadd.s32 $0xDBC0, s0  }
0x9c: {  	vm4 =	vmand vm4, vm3;
	[tilespmem:s0+$0x0] =	vst v6;
	(ifvalue) =	ssetifvalue $0xFFFFFFFF  }
0x9d: {  	vm6 =	veq.s32 v9, $0x1;
	[hbm4b:s1+s16] =	stream.indirect_vreg.scatter [tilespmem:s0], [sflag:$0x2], $0x1, v7, vm0, $0x4038;
	v7 =	vsel vm4, $0x0, v8;
	[tilespmem:$0x11A60] =	vst v63  }
0x9e: {  	s2 =	simm.s32 $0x0;
	s4 =	sadd.s32 $0x10, s4;
	vm4 =	vmor vm6, vm5;
	v6 =	vsel vm5, v8, v10;
	v7 =	vshift.insert v7, v0, s21  }
.LBB2_7:
0x9f: {  	v8 =	vld [tilespmem:s4+$0x0];
	s30 =	sadd.s32 $0x10, s30  }
0xa0: {  	s31 =	sadd.s32 $0x10, s31;
	v9 =	vld [tilespmem:s30+$0x0]  }
0xa1: {  	s2 =	sadd.s32 $0x10, s2;
	v10 =	vld [tilespmem:s31+$0x0]  }
0xa2: {  	p2 =	slt.u32 s2, $0x1F30;
	_ =	sdelay $0x2  }
0xa3: {  	v7 =	vadd.f32 v9, v7  }
0xa4: {  	vm5 =	vne.s32 v8, $0xFFFFFFFF  }
0xa5: {  	vm6 =	vmand vm5, vm3;
	(xrf2) =	vadd.seg.scan.f32 vm5, v7;
	_ =	sdelay $0x5  }
0xa6: {  	vm7 =	veq.s32 v8, v5;
	vm5 =	veq.s32 v8, v3  }
0xa7: {  	vm8 =	vgt.u32 v8, $0xFFFFFFFD;
	vm4 =	vmor vm4, vm5;
	vm7 =	vmor vm7, vm5  }
0xa8: {  	vm7 =	vmor vm7, vm8  }
0xa9: {  	v8 =	vsel vm7, $0xFFFFFFFF, v8  }
.Ltmp5:
0xaa: {  	v7 =	vsel vm5, $0x0, v10;
	v9, _, _ =	vpop (xrf2);
	(pc) =	sbr.rel @p2 .LBB2_7-.Ltmp5, $4  }
0xab: {  	v6 =	vsel vm5, v9, v6;
	v10 =	vadd.f32 v9, v7;
	v7 =	vsel vm6, $0x0, v9  }
0xac: {  	s0 =	sadd.s32 $0x10, s0;
	v7 =	vshift.insert v7, v0, s21  }
0xad: {  	s4 =	sadd.s32 $0x10, s4;
	[tilespmem:s0+$0x0] =	vst v10;
	(ifvalue) =	ssetifvalue $0xFFFFFFFF  }
0xae: {  	[hbm4b:s1+s16] =	stream.indirect_vreg.scatter [tilespmem:s0], [sflag:$0x2], $0x1, v8, vm0, $0x4038;
	[tilespmem:$0x11A60] =	vst v63  }
0xaf: {  	v3 =	vld [tilespmem:s29+$0xFAF0];
	_ =	sdelay $0x4  }
0xb0: {  	v3 =	vshift.insert v3, v0, s21;
	_ =	sdelay $0x1  }
0xb1: {  	[tilespmem:s22+$0x0] =	vst.msk $0x1, v3  }
0xb2: {  	v3 =	vsel vm4, $0x1, v1;
	[tilespmem:$0x90] =	vst v6  }
0xb3: {  	s0 =	sadd.s32 @!p1 $0xFAFF, s29;
	[tilespmem:$0xA0] =	vst v3  }
0xb4: {  	[spmem:s14] =	stream.linear.scatter @!p1 [tilespmem:s0], [sflag:$0x1], $0x1, $0x38;
	[tilespmem:$0x11A60] =	vst v63  }
0xb5: {  	s0 =	simm.s32 @!p1 $0x1  }
0xb6: {  	v3 =	vmctz.xlane @!p1 vm4;
	_ =	swait.ge @!p1 [sflag:s0], $0x1  }
0xb7: {  	(v2sf) =	vpush @!p1 v4, $0x0  }
0xb8: {  	(v2sf) =	vpush @!p1 v3, $0x0;
	_ =	sdelay $0xd  }
0xb9: {  	s2 =	spop @!p1 (v2sf)  }
0xba: {  	s4 =	spop @!p1 (v2sf)  }
0xbb: {  	p2 =	sne.s32 @!p1 s28, s2;
	p3 =	slt.s32 @!p1 s4, $0xF  }
0xbc: {  	[sflag:s0] =	ssyncset.done @!p1 $0x0;
	p2 =	por p2, p1;
	p3 =	por !p3, p1  }
0xbd: {  	[sflag:s0] =	ssyncadd.s32 @!p1 $0xFFFFFFFF;
	v3 =	vimm.s32 @!p2 $0xFFFFFFFF;
	s4 =	simm.s32 @p3 $0xF  }
0xbe: {  	[tilespmem:$0x80] =	vst @!p2 v3;
	s2 =	sadd.s32 @!p1 $0x90, s4  }
0xbf: {  	[spmem:s10] =	stream.linear.scatter @!p1 [tilespmem:s2], [sflag:$0x1], $0x1, $0x38;
	[tilespmem:$0x11A60] =	vst v63  }
0xc0: {  	_ =	swait.ge @!p1 [sflag:s0], $0x1  }
0xc1: {  	[sflag:s0] =	ssyncset.done @!p1 $0x0  }
0xc2: {  	s2 =	simm.s32 @!p1 $0x80;
	[sflag:s0] =	ssyncadd.s32 @!p1 $0xFFFFFFFF  }
0xc3: {  	[spmem:s15] =	stream.linear.scatter @!p1 [tilespmem:s2], [sflag:$0x1], $0x1, $0x38;
	[tilespmem:$0x11A60] =	vst v63  }
0xc4: {  	_ =	swait.ge @!p1 [sflag:s0], $0x1  }
0xc5: {  	[sflag:s0] =	ssyncset.done @!p1 $0x0  }
0xc6: {  	[sflag:s0] =	ssyncadd.s32 @!p1 $0xFFFFFFFF;
	(ifvalue) =	ssetifvalue $0xFFFFFFFF;
	v3 =	vld [tilespmem:s25+$0x10];
	_ =	sdelay $0x3  }
.Ltmp6:
0xc7: {  	_ = 	snop;
	(pc) =	sbr.rel .LBB2_9-.Ltmp6, $3  }
0xc8: {  	_ =	sdelay $0x1  }
0xc9: {  	(ifvalue) =	ssetifvalue $0xFFFFFFFF  }
0xca: {  	[hbm4b:s1+s16] =	stream.indirect_vreg.scatter [tilespmem:s26], [sflag:$0x9], $0x1, v3, vm0, $0x4038;
	[tilespmem:$0x11A60] =	vst v63  }
.LBB2_10:
0xcb: {  	_ =	sfence.sel $0x180000  }
0xcc: {  	s0 =	simm.s32 $0x7;
	[bflag:$0x0] =	sbarrier.arrive $0xFFFF  }
0xcd: {  	s26 =	simm.s32 $0x8;
	[sflag:s0] =	ssyncpa.u1 $0x1  }
0xce: {  	s28 =	simm.s32 $0x9;
	[sflag:s26] =	ssyncpa.u1 $0x1  }
0xcf: {  	[sflag:s28] =	ssyncpa.u1 $0x1  }
0xd0: {  	_ =	sfence.stream.spmem  }
0xd1: {  	s29 =	simm.s32 $0x3;
	[bflag:$0x0] =	sbarrier.arrive $0xFFFF  }
0xd2: {  	s30 =	simm.s32 $0x4;
	[sflag:s29] =	ssyncpa.u1 $0x1  }
0xd3: {  	s31 =	simm.s32 $0x3C;
	s2 =	stileid.u32;
	[sflag:s30] =	ssyncpa.u1 $0x1  }
0xd4: {  	p0 =	sne.s32 s2, $0x0;
	[sflag:s31] =	ssyncpa.u1 $0x1  }
0xd5: {  	s0 =	simm.s32 @p0 $0x1;
	_ =	sfence @p0  }
0xd6: {  	[sflag:s0] =	ssyncpa.u1 @p0 $0x1;
	s0 =	simm.s32 @p0 $0x2  }
0xd7: {  	[sflag:s0] =	ssyncpa.u1 @p0 $0x1  }
0xd8: {  	_ =	strace @p0 $0x90000047  }
0xd9: {  	[bflag:$0x2] =	sbarrier.arrive @p0 $0xFFFF  }
0xda: {  	_ =	shalt @p0  }
.LBB2_11:
0xdb: {  	_ =	sfence.stream.spmem;
	s0 =	simm.s32 $0x5  }
0xdc: {  	s2 =	simm.s32 $0x80;
	s3 =	simm.s32 $0xC0;
	[sflag:s0] =	ssyncpa.u1 $0x0  }
0xdd: {  	[tilespmem:s3], [sflag:$0x5] =	stream.linear.gather [spmem:s2], $0x20, $0x38;
	[tilespmem:$0x11A60] =	vst v63  }
0xde: {  	s2 =	simm.s32 $0x0;
	s3 =	simm.s32 $0xE0  }
0xdf: {  	[tilespmem:s3], [sflag:$0x5] =	stream.linear.gather [spmem:s2], $0x20, $0x38;
	[tilespmem:$0x11A60] =	vst v63  }
.Ltmp7:
0xe0: {  	_ = 	snop;
	(pc) =	sbr.rel .LBB2_12-.Ltmp7, $4  }
0xe1: {  	_ =	swait.ge [sflag:s0], $0x40  }
0xe2: {  	[sflag:s0] =	ssyncset.done $0x0  }
0xe3: {  	s31 =	simm.s32 $0x6;
	[sflag:s0] =	ssyncadd.s32 $0xFFFFFFC0  }
0xe4: {  	s4 =	simm.s32 $0x0;
	[sflag:s31] =	ssyncpa.u1 $0x0  }
.LBB2_17:
0xe5: {  	p0 =	sgt.u32 s5, $0x27FF  }
0xe6: {  	s0 =	sshrl.u32 @!p0 s5, $0x3  }
0xe7: {  	s5 =	sand.u32 @!p0 $0x7, s5;
	s6 =	simm.s32 @!p0 $0xB0;
	s0 =	sadd.s32 @!p0 s1, s0  }
0xe8: {  	[tilespmem:s6], [sflag:$0x6] =	stream.linear.gather @!p0 [hbm4b:s0+s5], $0x1, $0x38;
	[tilespmem:$0x11A60] =	vst v63  }
0xe9: {  	s0 =	simm.s32 @!p0 $0x6  }
0xea: {  	_ =	swait.ge @!p0 [sflag:s0], $0x1  }
0xeb: {  	[sflag:s0] =	ssyncset.done @!p0 $0x0  }
0xec: {  	[sflag:s0] =	ssyncadd.s32 @!p0 $0xFFFFFFFF  }
0xed: {  	v2 =	vmov @!p0 s4;
	v1 =	vld.msk @!p0 [tilespmem:$0xB0], $0x1;
	_ =	sdelay $0x3  }
0xee: {  	s0 =	simm.s32 @!p0 $0xE0  }
0xef: {  	[tilespmem:v2+s0+$0x0], v1 =	vst.idx.ret.add.f32.msk @!p0 $0x1, v1  }
0xf0: {  	[tilespmem:s2+$0xC0] =	vst.msk $0x1, v0  }
0xf1: {  	v0 =	vld.msk [tilespmem:s4+$0xE0], $0x1;
	_ =	sdelay $0x4  }
0xf2: {  	[tilespmem:s2+$0xE0] =	vst.msk $0x1, v0;
	s2 =	sadd.s32 $0x1, s2  }
.LBB2_19:
0xf3: {  	s4 =	sadd.s32 $0x1, s4  }
0xf4: {  	p0 =	sne.s32 s4, $0x20  }
.Ltmp8:
0xf5: {  	_ = 	snop;
	(pc) =	sbr.rel @!p0 .LBB2_20-.Ltmp8, $1  }
0xf6: {  	_ =	sdelay $0x3  }
.LBB2_12:
0xf7: {  	v0 =	vld.msk [tilespmem:s4+$0xC0], $0x1;
	_ =	sdelay $0x4  }
0xf8: {  	(v2sf) =	vpush v0, $0x0;
	_ =	sdelay $0xe  }
0xf9: {  	s5 =	spop (v2sf)  }
0xfa: {  	p0 =	seq.s32 s5, $0xFFFFFFFF  }
.Ltmp9:
0xfb: {  	_ = 	snop;
	(pc) =	sbr.rel @p0 .LBB2_19-.Ltmp9, $1  }
0xfc: {  	_ =	sdelay $0x3  }
0xfd: {  	p0 =	slt.s32 s2, $0x1  }
.Ltmp10:
0xfe: {  	_ = 	snop;
	(pc) =	sbr.rel @p0 .LBB2_17-.Ltmp10, $1  }
0xff: {  	_ =	sdelay $0x3  }
0x100: {  	s0 =	simm.s32 $0xC0;
	p0 =	por $0x0, $0x0  }
0x101: {  	v1 =	vld.msk @!p0 [tilespmem:s0+$0x0], $0x1;
	_ =	sdelay $0x4  }
0x102: {  	(v2sf) =	vpush @!p0 v1, $0x0;
	_ =	sdelay $0xd  }
0x103: {  	p2 =	sne.s32 s2, $0x1  }
.Ltmp11:
0x104: {  	s6 =	spop @!p0 (v2sf);
	(pc) =	sbr.rel @!p2 .LBB2_16-.Ltmp11, $4  }
0x105: {  	p1 =	seq.s32 @!p0 s5, s6  }
0x106: {  	s6 =	simm.s32 $0x0;
	p1 =	por !p1, p0  }
0x107: {  	s8 =	simm.s32 $0xFFFFFFFF;
	s6 =	simm.s32 @p1 $0xFFFFFFFF  }
0x108: {  	s7 =	simm.s32 $0x1;
	s6 =	smov.u32 @p0 s8  }
.LBB2_15:
0x109: {  	s8 =	smov.u32 s6;
	p0 =	sne.s32 s6, $0xFFFFFFFF  }
0x10a: {  	s0 =	sadd.s32 $0x1, s0;
	s6 =	smov.u32 s7;
	s7 =	sadd.s32 $0x1, s7  }
0x10b: {  	p1 =	sne.s32 s2, s7;
	v1 =	vld.msk @!p0 [tilespmem:s0+$0x0], $0x1;
	_ =	sdelay $0x4  }
0x10c: {  	(v2sf) =	vpush @!p0 v1, $0x0;
	_ =	sdelay $0xe  }
.Ltmp12:
0x10d: {  	s9 =	spop @!p0 (v2sf);
	(pc) =	sbr.rel @p1 .LBB2_15-.Ltmp12, $4  }
0x10e: {  	p2 =	seq.s32 @!p0 s5, s9  }
0x10f: {  	p2 =	por !p2, p0  }
0x110: {  	s6 =	simm.s32 @p2 $0xFFFFFFFF  }
0x111: {  	s6 =	smov.u32 @p0 s8  }
.LBB2_16:
0x112: {  	p0 =	sne.s32 s6, $0xFFFFFFFF  }
.Ltmp13:
0x113: {  	_ = 	snop;
	(pc) =	sbr.rel @!p0 .LBB2_17-.Ltmp13, $1  }
0x114: {  	_ =	sdelay $0x3  }
0x115: {  	v0 =	vld.msk [tilespmem:s4+$0xE0], $0x1;
	v1 =	vmov s6  }
.Ltmp14:
0x116: {  	_ = 	snop;
	(pc) =	sbr.rel .LBB2_19-.Ltmp14, $2  }
0x117: {  	_ =	sdelay $0x2  }
0x118: {  	[tilespmem:v1+s3+$0x0], v0 =	vst.idx.ret.add.f32.msk $0x1, v0  }
.LBB2_20:
0x119: {  	p0 =	slt.s32 s2, $0x1  }
.Ltmp15:
0x11a: {  	_ = 	snop;
	(pc) =	sbr.rel @p0 .LBB2_24-.Ltmp15, $3  }
0x11b: {  	_ =	sdelay $0x1  }
0x11c: {  	s0 =	simm.s32 $0x6  }
0x11d: {  	s3 =	simm.s32 $0x0;
	[sflag:s0] =	ssyncpa.u1 $0x1  }
0x11e: {  	s0 =	simm.s32 $0xC0  }
0x11f: {  	v0 =	vld.msk [tilespmem:s0+$0x0], $0x1;
	_ =	sdelay $0x4  }
0x120: {  	(v2sf) =	vpush v0, $0x0;
	_ =	sdelay $0xe  }
0x121: {  	s2 =	sadd.s32 $0xFFFFFFFF, s2;
	s4 =	spop (v2sf)  }
0x122: {  	p1 =	sne.s32 s2, $0x0;
	p0 =	sgt.u32 s4, $0x27FF  }
.Ltmp16:
0x123: {  	s5 =	sshrl.u32 @!p0 s4, $0x3;
	(pc) =	sbr.rel @!p1 .LBB2_23-.Ltmp16, $4  }
0x124: {  	s0 =	simm.s32 $0xE0;
	s4 =	sand.u32 @!p0 $0x7, s4;
	s5 =	sadd.s32 @!p0 s1, s5  }
0x125: {  	[hbm4b:s5+s4] =	stream.linear.scatter @!p0 [tilespmem:s0], [sflag:$0x5], $0x1, $0x38;
	[tilespmem:$0x11A60] =	vst v63  }
0x126: {  	s5 =	simm.s32 $0x0  }
0x127: {  	s4 =	simm.s32 $0xC1;
	s5 =	simm.s32 @!p0 $0x4  }
.LBB2_22:
0x128: {  	v0 =	vld.msk [tilespmem:s4+$0x0], $0x1;
	s2 =	sadd.s32 $0xFFFFFFFF, s2;
	s3 =	sadd.s32 s3, s5  }
0x129: {  	p0 =	sne.s32 s2, $0x0;
	_ =	sdelay $0x3  }
0x12a: {  	(v2sf) =	vpush v0, $0x0;
	_ =	sdelay $0xe  }
.Ltmp17:
0x12b: {  	s6 =	spop (v2sf);
	(pc) =	sbr.rel @p0 .LBB2_22-.Ltmp17, $4  }
0x12c: {  	s5 =	simm.s32 $0x0;
	p1 =	sgt.u32 s6, $0x27FF  }
0x12d: {  	s0 =	sadd.s32 $0x1, s0;
	s5 =	simm.s32 @!p1 $0x4;
	s7 =	sshrl.u32 @!p1 s6, $0x3  }
0x12e: {  	s4 =	sadd.s32 $0x1, s4;
	s6 =	sand.u32 @!p1 $0x7, s6;
	s7 =	sadd.s32 @!p1 s1, s7  }
0x12f: {  	[hbm4b:s7+s6] =	stream.linear.scatter @!p1 [tilespmem:s0], [sflag:$0x5], $0x1, $0x38;
	[tilespmem:$0x11A60] =	vst v63  }
.LBB2_23:
0x130: {  	s0 =	sadd.s32 s3, s5  }
0x131: {  	s3 =	sshrl.u32 s0, $0x2  }
.LBB2_24:
0x132: {  	s0 =	simm.s32 $0x5  }
0x133: {  	_ =	swait.ge [sflag:s0], s3  }
0x134: {  	s1 =	ssub.s32 $0x0, s3;
	[sflag:s0] =	ssyncset.done $0x0  }
0x135: {  	[sflag:s0] =	ssyncadd.s32 s1  }
0x136: {  	[sflag:s0] =	ssyncpa.u1 $0x1  }
0x137: {  	s29 =	simm.s32 $0x1;
	_ =	sfence  }
0x138: {  	s30 =	simm.s32 $0x2;
	[sflag:s29] =	ssyncpa.u1 $0x1  }
0x139: {  	[sflag:s30] =	ssyncpa.u1 $0x1  }
0x13a: {  	_ =	strace $0x90000047  }
0x13b: {  	[bflag:$0x2] =	sbarrier.arrive $0xFFFF  }
0x13c: {  	s31 =	rddreg [dreg:$0x3]  }
0x13d: {  	s0 =	sadd.s32 $0x100000, s31  }
0x13e: {  	[sflag:s0] =	ssyncadd.tile.s32 $0x1;
	_ =	shalt  }
.Lfunc_end2:
_tile_overlayer_lowered:
.L_overlay_start_2:
0x13f: {  	(tag) =	ssettag $0x2  }
0x140: {  	s0 =	rddreg [dreg:$0x0];
	s2 =	stileid.u32  }
0x141: {  	s1 =	rddreg [dreg:$0x1];
	p0 =	sne.s32 s2, $0x0  }
0x142: {  	s3 =	rddreg [dreg:$0x2];
	[bflag:$0x3] =	sbarrier.arrive $0xFFFF;
	s2 =	simm.s32 @!p0 $0x1C01  }
0x143: {  	[timem:s3], [sflag:s2] =	dma.local @!p0 [hbm:s0], s1  }
0x144: {  	s0 =	simm.s32 @!p0 $0x1  }
0x145: {  	_ =	swait.ge @!p0 [sflag:s0], s1  }
0x146: {  	s1 =	ssub.s32 @!p0 $0x0, s1;
	[sflag:s0] =	ssyncset.done @!p0 $0x0  }
0x147: {  	[sflag:s0] =	ssyncadd.s32 @!p0 s1  }
0x148: {  	[bflag:$0x3] =	sbarrier.arrive $0xFFFF  }
0x149: {  	_ =	shalt  }

</sc_bundles>
